<compile_context>
chip_gen: v7x
topology: tpu7x:2x2x1
jax: 0.10.2.dev20260603
libtpu: 0.0.44.dev20260713+nightly
codegen_flags: <defaults>
</compile_context>

<pallas_src>
import functools

import jax
import jax.numpy as jnp
from jax import lax
from jax.experimental import pallas as pl
from jax.experimental.pallas import tpu as pltpu
from jax.experimental.pallas import tpu_sc as plsc

N = 10000
E = 320000
D_IN = 128
D_HID = 128
N_CLS = 40

NP = 10240
HW = 64
CP = 48
NC = 2
NS = 16
CHUNK = 128
NCHUNKS = E // CHUNK
BASE = NCHUNKS // 32
XTRA = NCHUNKS % 32
ROWS_PER_TILE = NP // NS
NBUF = 6

_SC_PARAMS = pltpu.CompilerParams(use_tc_tiling_on_sc=False)


def _sc_mesh():
    return plsc.VectorSubcoreMesh(
        core_axis_name="c", subcore_axis_name="s", num_cores=NC, num_subcores=NS
    )


def _tile_chunks(gid):
    start = gid * BASE + lax.min(gid, XTRA)
    return start, gid < XTRA


def _stage_indices(e3, which, idx_v, gid):
    start, extra = _tile_chunks(gid)
    pltpu.sync_copy(e3.at[which, pl.ds(start, BASE)], idx_v.at[pl.ds(0, BASE)])

    @pl.when(extra)
    def _():
        pltpu.sync_copy(e3.at[which, pl.ds(start + BASE, 1)],
                        idx_v.at[pl.ds(BASE, 1)])


def _make_degree_kernel():
    @functools.partial(
        pl.kernel,
        out_type=(
            jax.ShapeDtypeStruct((NC, NP), jnp.float32),
            jax.ShapeDtypeStruct((NC, NP), jnp.float32),
        ),
        mesh=_sc_mesh(),
        compiler_params=_SC_PARAMS,
        scratch_types=[
            pltpu.VMEM((BASE + 1, CHUNK), jnp.int32),
            pltpu.VMEM((BASE + 1, CHUNK), jnp.int32),
            pltpu.VMEM((CHUNK,), jnp.float32),
            pltpu.VMEM_SHARED((NP,), jnp.float32),
            pltpu.VMEM_SHARED((NP,), jnp.float32),
            pltpu.SemaphoreType.DMA,
            pltpu.SemaphoreType.DMA,
        ],
    )
    def deg_kernel(e3_hbm, ones_hbm, zeros_hbm, dog_hbm, dig_hbm,
                   src_v, dst_v, ones_v, acc_o, acc_i, sem_o, sem_i):
        c = lax.axis_index("c")
        s = lax.axis_index("s")
        gid = c * NS + s
        _stage_indices(e3_hbm, 0, src_v, gid)
        _stage_indices(e3_hbm, 1, dst_v, gid)
        pltpu.sync_copy(ones_hbm, ones_v)
        sl = pl.ds(s * ROWS_PER_TILE, ROWS_PER_TILE)
        pltpu.sync_copy(zeros_hbm, acc_o.at[sl])
        pltpu.sync_copy(zeros_hbm, acc_i.at[sl])
        plsc.subcore_barrier()
        _, extra = _tile_chunks(gid)

        def body(j, carry):
            pltpu.async_copy(ones_v, acc_o.at[src_v.at[j]], sem_o, add=True)
            pltpu.async_copy(ones_v, acc_i.at[dst_v.at[j]], sem_i, add=True)
            return carry

        lax.fori_loop(0, BASE, body, 0)

        @pl.when(extra)
        def _():
            pltpu.async_copy(ones_v, acc_o.at[src_v.at[BASE]], sem_o, add=True)
            pltpu.async_copy(ones_v, acc_i.at[dst_v.at[BASE]], sem_i, add=True)

        def drain(j, carry):
            pltpu.make_async_copy(ones_v, acc_o.at[src_v.at[j]], sem_o).wait()
            pltpu.make_async_copy(ones_v, acc_i.at[dst_v.at[j]], sem_i).wait()
            return carry

        lax.fori_loop(0, BASE, drain, 0)

        @pl.when(extra)
        def _():
            pltpu.make_async_copy(ones_v, acc_o.at[src_v.at[BASE]],
                                  sem_o).wait()
            pltpu.make_async_copy(ones_v, acc_i.at[dst_v.at[BASE]],
                                  sem_i).wait()

        plsc.subcore_barrier()
        pltpu.sync_copy(acc_o.at[sl], dog_hbm.at[c, sl])
        pltpu.sync_copy(acc_i.at[sl], dig_hbm.at[c, sl])

    return deg_kernel


def _make_agg_kernel(nh, d):
    @functools.partial(
        pl.kernel,
        out_type=jax.ShapeDtypeStruct((NC, NP, 128), jnp.float32),
        mesh=_sc_mesh(),
        compiler_params=_SC_PARAMS,
        scratch_types=[
            pltpu.VMEM((BASE + 1, CHUNK), jnp.int32),
            pltpu.VMEM((BASE + 1, CHUNK), jnp.int32),
            [pltpu.VMEM((CHUNK, d), jnp.float32) for _ in range(NBUF)],
            pltpu.VMEM_SHARED((NP, d), jnp.float32),
            [pltpu.SemaphoreType.DMA for _ in range(NBUF)],
            [pltpu.SemaphoreType.DMA for _ in range(NBUF)],
        ],
    )
    def agg_kernel(*refs):
        feats = refs[:nh]
        e3_hbm, zeros_hbm, out_hbm = refs[nh:nh + 3]
        src_v, dst_v, rows, acc, gsem, ssem = refs[nh + 3:]
        c = lax.axis_index("c")
        s = lax.axis_index("s")
        gid = c * NS + s
        _stage_indices(e3_hbm, 0, src_v, gid)
        _stage_indices(e3_hbm, 1, dst_v, gid)
        _, extra = _tile_chunks(gid)
        sl = pl.ds(s * ROWS_PER_TILE, ROWS_PER_TILE)

        for h in range(nh):
            feat = feats[h]
            pltpu.sync_copy(zeros_hbm, acc.at[sl])
            plsc.subcore_barrier()

            @pl.when(extra)
            def _():
                pltpu.async_copy(feat.at[src_v.at[BASE]], rows[0], gsem[0])
                pltpu.make_async_copy(feat.at[src_v.at[BASE]], rows[0],
                                      gsem[0]).wait()
                pltpu.sync_copy(rows[0], acc.at[dst_v.at[BASE]], add=True)

            for b in range(NBUF):
                pltpu.async_copy(feat.at[src_v.at[b]], rows[b], gsem[b])

            def body(jj, carry):
                j = jj * NBUF
                for b in range(NBUF):
                    pltpu.make_async_copy(feat.at[src_v.at[j + b]], rows[b],
                                          gsem[b]).wait()
                    pltpu.async_copy(rows[b], acc.at[dst_v.at[j + b]],
                                     ssem[b], add=True)

                    @pl.when(j + b + NBUF < BASE)
                    def _():
                        pltpu.make_async_copy(rows[b],
                                              acc.at[dst_v.at[j + b]],
                                              ssem[b]).wait()
                        pltpu.async_copy(feat.at[src_v.at[j + b + NBUF]],
                                         rows[b], gsem[b])
                return carry

            lax.fori_loop(0, BASE // NBUF, body, 0)
            for b in range(NBUF):
                pltpu.make_async_copy(rows[b],
                                      acc.at[dst_v.at[BASE - NBUF + b]],
                                      ssem[b]).wait()
            plsc.subcore_barrier()
            pltpu.sync_copy(acc.at[sl],
                            out_hbm.at[c, sl, pl.ds(h * d, d)])

    return agg_kernel


def _tc_a_body(x_ref, w1_ref, dog_ref, dig_ref,
               xwa_ref, xwb_ref, normo_ref, normi_ref):
    do = dog_ref[0, :] + dog_ref[1, :]
    di = dig_ref[0, :] + dig_ref[1, :]
    no = jnp.where(do > 0, lax.rsqrt(do), 0.0)
    ni = jnp.where(di > 0, lax.rsqrt(di), 0.0)
    normo_ref[0, :] = no
    normi_ref[0, :] = ni
    xw = jnp.dot(x_ref[...], w1_ref[...], preferred_element_type=jnp.float32)
    xw = xw * no[:N, None]
    xwa_ref[...] = xw[:, :HW]
    xwb_ref[...] = xw[:, HW:]


def _tc_b_body(p_ref, normi_ref, normo_ref, b1_ref, w2_ref, hw_ref):
    ni = normi_ref[0, :N]
    no = normo_ref[0, :N]
    a = p_ref[0, :N, :] + p_ref[1, :N, :]
    h = jnp.maximum(a * ni[:, None] + b1_ref[0, :][None, :], 0.0)
    hw = jnp.dot(h, w2_ref[...], preferred_element_type=jnp.float32)
    hw_ref[...] = hw * no[:, None]


def _tc_c_body(p_ref, normi_ref, b2_ref, out_ref):
    ni = normi_ref[0, :N]
    z = (p_ref[0, :N, :CP] + p_ref[1, :N, :CP]) * ni[:, None] \
        + b2_ref[0, :][None, :]
    col = lax.broadcasted_iota(jnp.int32, z.shape, 1)
    valid = col < N_CLS
    zm = jnp.where(valid, z, -jnp.inf)
    m = jnp.max(zm, axis=1, keepdims=True)
    e = jnp.where(valid, jnp.exp(z - m), 0.0)
    ssum = jnp.sum(e, axis=1, keepdims=True)
    out_ref[...] = (z - m - jnp.log(ssum))[:, :N_CLS]


def kernel(inputs, edge_index, W1, b1, W2, b2):
    x = inputs.astype(jnp.float32)
    e3 = edge_index.astype(jnp.int32).reshape(2, NCHUNKS, CHUNK)

    w2_p = jnp.pad(W2.astype(jnp.float32), ((0, 0), (0, CP - N_CLS)))
    b1_r = b1.astype(jnp.float32).reshape(1, D_HID)
    b2_r = jnp.pad(b2.astype(jnp.float32), (0, CP - N_CLS)).reshape(1, CP)

    ones_c = jnp.ones((CHUNK,), jnp.float32)
    zeros_t = jnp.zeros((ROWS_PER_TILE,), jnp.float32)
    zeros_th = jnp.zeros((ROWS_PER_TILE, HW), jnp.float32)
    zeros_tc = jnp.zeros((ROWS_PER_TILE, CP), jnp.float32)

    dog, dig = _make_degree_kernel()(e3, ones_c, zeros_t)

    xwa, xwb, normo, normi = pl.pallas_call(
        _tc_a_body,
        out_shape=[
            jax.ShapeDtypeStruct((N, HW), jnp.float32),
            jax.ShapeDtypeStruct((N, HW), jnp.float32),
            jax.ShapeDtypeStruct((1, NP), jnp.float32),
            jax.ShapeDtypeStruct((1, NP), jnp.float32),
        ],
    )(x, W1.astype(jnp.float32), dog, dig)

    agg1 = _make_agg_kernel(2, HW)(xwa, xwb, e3, zeros_th)

    hw2 = pl.pallas_call(
        _tc_b_body,
        out_shape=jax.ShapeDtypeStruct((N, CP), jnp.float32),
    )(agg1, normi, normo, b1_r, w2_p)

    agg2 = _make_agg_kernel(1, CP)(hw2, e3, zeros_tc)

    out = pl.pallas_call(
        _tc_c_body,
        out_shape=jax.ShapeDtypeStruct((N, N_CLS), jnp.float32),
    )(agg2, normi, b2_r)

    return out

# --- scband reference (transcript-rebuilt; emitter-appended) ---
"""Pipeline reference for scband-gcn-54296976556535 (READ-ONLY COPY).

The authoritative reference and input builder live on the scoring server;
editing this copy changes nothing except your own understanding.
"""

import jax, jax.numpy as jnp
import numpy as np

N_NODES = 10000
N_EDGES = 320000
D_IN = 128
D_HID = 128
N_CLS = 40


def setup_inputs(seed: int = 0) -> dict:
    key = jax.random.key(seed)
    k1, k2, k3, k4, k5, k6 = jax.random.split(key, 6)
    x = jax.random.normal(k1, (N_NODES, D_IN), dtype=jnp.float32)
    edge_index = jax.random.randint(k2, (2, N_EDGES), 0, N_NODES, dtype=jnp.int64)
    W1 = jax.random.normal(k3, (D_IN, D_HID), dtype=jnp.float32) * (1.0 / np.sqrt(D_IN))
    b1 = jnp.zeros((D_HID,), dtype=jnp.float32)
    W2 = jax.random.normal(k4, (D_HID, N_CLS), dtype=jnp.float32) * (1.0 / np.sqrt(D_HID))
    b2 = jnp.zeros((N_CLS,), dtype=jnp.float32)
    return {"inputs": x, "edge_index": edge_index, "W1": W1, "b1": b1, "W2": W2, "b2": b2}


def _graph_conv(x, edge_index, W, b):
    # DGL GraphConv with norm='both': D_out^{-1/2} A^T D_in^{-1/2} semantics
    src = edge_index[0]
    dst = edge_index[1]
    n = x.shape[0]
    ones = jnp.ones((src.shape[0],), dtype=x.dtype)
    deg_out = jax.ops.segment_sum(ones, src, num_segments=n)
    deg_in = jax.ops.segment_sum(ones, dst, num_segments=n)
    norm_out = jnp.where(deg_out > 0, deg_out ** -0.5, 0.0)
    norm_in = jnp.where(deg_in > 0, deg_in ** -0.5, 0.0)
    xw = x @ W
    msg = (xw * norm_out[:, None])[src]  # gather over src nodes
    agg = jax.ops.segment_sum(msg, dst, num_segments=n)  # scatter-add by dst
    return agg * norm_in[:, None] + b


def reference(inputs, edge_index, W1, b1, W2, b2):
    # eval mode: dropout is identity
    h = _graph_conv(inputs, edge_index, W1, b1)
    h = jax.nn.relu(h)
    h = _graph_conv(h, edge_index, W2, b2)
    return jax.nn.log_softmax(h, axis=1)

if __name__ == "__main__":
    import jax
    _d = setup_inputs()
    print(jax.jit(kernel)(*tuple(_d.values())))

</pallas_src>

<mosaic_0001>
#map = affine_map<(d0, d1) -> (0, 0)>
#map1 = affine_map<(d0, d1) -> (0, 0, 0)>
module attributes {stable_mosaic.version = 14 : i64} {
  func.func @agg_kernel(%arg0: i32, %arg1: i32, %arg2: memref<10000x48xf32, #tpu.memory_space<hbm>>, %arg3: memref<2x2500x128xi32, #tpu.memory_space<hbm>>, %arg4: memref<640x48xf32, #tpu.memory_space<hbm>>, %arg5: memref<2x10240x128xf32, #tpu.memory_space<hbm>>, %arg6: memref<79x128xi32, #tpu.memory_space<vmem>>, %arg7: memref<79x128xi32, #tpu.memory_space<vmem>>, %arg8: memref<128x48xf32, #tpu.memory_space<vmem>>, %arg9: memref<128x48xf32, #tpu.memory_space<vmem>>, %arg10: memref<128x48xf32, #tpu.memory_space<vmem>>, %arg11: memref<128x48xf32, #tpu.memory_space<vmem>>, %arg12: memref<128x48xf32, #tpu.memory_space<vmem>>, %arg13: memref<128x48xf32, #tpu.memory_space<vmem>>, %arg14: memref<10240x48xf32, #tpu.memory_space<vmem_shared>>, %arg15: memref<!tpu.dma_semaphore, #tpu.memory_space<semaphore_mem>>, %arg16: memref<!tpu.dma_semaphore, #tpu.memory_space<semaphore_mem>>, %arg17: memref<!tpu.dma_semaphore, #tpu.memory_space<semaphore_mem>>, %arg18: memref<!tpu.dma_semaphore, #tpu.memory_space<semaphore_mem>>, %arg19: memref<!tpu.dma_semaphore, #tpu.memory_space<semaphore_mem>>, %arg20: memref<!tpu.dma_semaphore, #tpu.memory_space<semaphore_mem>>, %arg21: memref<!tpu.dma_semaphore, #tpu.memory_space<semaphore_mem>>, %arg22: memref<!tpu.dma_semaphore, #tpu.memory_space<semaphore_mem>>, %arg23: memref<!tpu.dma_semaphore, #tpu.memory_space<semaphore_mem>>, %arg24: memref<!tpu.dma_semaphore, #tpu.memory_space<semaphore_mem>>, %arg25: memref<!tpu.dma_semaphore, #tpu.memory_space<semaphore_mem>>, %arg26: memref<!tpu.dma_semaphore, #tpu.memory_space<semaphore_mem>>) attributes {dimension_semantics = [#tpu.dimension_semantics<core_parallel>, #tpu.dimension_semantics<subcore_parallel>], iteration_bounds = array<i64: 2, 16>, scalar_prefetch = 0 : i64, scratch_operands = 21 : i64, tpu.core_type = #tpu.core_type<sc_vector_subcore>, window_params = [{transform_indices = #map}, {transform_indices = #map1}, {transform_indices = #map}, {transform_indices = #map1}]} {
    %mul3A = arith.constant 16 : i32
    %mul3A_0 = arith.muli %arg0, %mul3A : i32
    %add3A = arith.addi %mul3A_0, %arg1 : i32
    %mul3A_1 = arith.constant 78 : i32
    %mul3A_2 = arith.muli %add3A, %mul3A_1 : i32
    %min3A = arith.constant 4 : i32
    %min3A_3 = arith.minsi %add3A, %min3A : i32
    %add3A_4 = arith.addi %mul3A_2, %min3A_3 : i32
    %lt3A = arith.constant 4 : i32
    %lt3A_5 = arith.cmpi slt, %add3A, %lt3A : i32
    %run_scoped3A = arith.constant 0 : i32
    "tpu.region"() ({
      %run_scoped3A_118 = tpu.sem_alloc : memref<!tpu.dma_semaphore, #tpu.memory_space<semaphore_mem>>
      %dma_start3A_119 = arith.constant 0 : i32
      %dma_start3A_120 = arith.constant 0 : i32
      %dma_start3A_121 = tpu.memref_slice %arg6[%dma_start3A_119, %dma_start3A_120] : memref<79x128xi32, #tpu.memory_space<vmem>> -> memref<78x128xi32, #tpu.memory_space<vmem>>
      %dma_start3A_122 = arith.constant 0 : i32
      %dma_start3A_123 = tpu.memref_slice %arg3[%run_scoped3A, %add3A_4, %dma_start3A_122] : memref<2x2500x128xi32, #tpu.memory_space<hbm>> -> memref<1x78x128xi32, #tpu.memory_space<hbm>>
      %dma_start3A_124 = tpu.memref_squeeze %dma_start3A_123 : memref<1x78x128xi32, #tpu.memory_space<hbm>> -> memref<78x128xi32, #tpu.memory_space<hbm>>
      %dma_start3A_125 = arith.constant 0 : i32
      %dma_start3A_126 = arith.constant 0 : i32
      %dma_start3A_127 = tpu.memref_slice %arg6[%dma_start3A_125, %dma_start3A_126] : memref<79x128xi32, #tpu.memory_space<vmem>> -> memref<78x128xi32, #tpu.memory_space<vmem>>
      %dma_start3A_128 = arith.constant 0 : i32
      %dma_start3A_129 = tpu.memref_slice %arg3[%run_scoped3A, %add3A_4, %dma_start3A_128] : memref<2x2500x128xi32, #tpu.memory_space<hbm>> -> memref<1x78x128xi32, #tpu.memory_space<hbm>>
      %dma_start3A_130 = tpu.memref_squeeze %dma_start3A_129 : memref<1x78x128xi32, #tpu.memory_space<hbm>> -> memref<78x128xi32, #tpu.memory_space<hbm>>
      tpu.enqueue_dma source(%dma_start3A_130 : memref<78x128xi32, #tpu.memory_space<hbm>>) target(%dma_start3A_127 : memref<78x128xi32, #tpu.memory_space<vmem>>) target_semaphore(%run_scoped3A_118 : memref<!tpu.dma_semaphore, #tpu.memory_space<semaphore_mem>>)
      %dma_wait3A_131 = arith.constant 0 : i32
      %dma_wait3A_132 = arith.constant 0 : i32
      %dma_wait3A_133 = tpu.memref_slice %arg6[%dma_wait3A_131, %dma_wait3A_132] : memref<79x128xi32, #tpu.memory_space<vmem>> -> memref<78x128xi32, #tpu.memory_space<vmem>>
      %dma_wait3A_134 = arith.constant 0 : i32
      %dma_wait3A_135 = tpu.memref_slice %arg3[%run_scoped3A, %add3A_4, %dma_wait3A_134] : memref<2x2500x128xi32, #tpu.memory_space<hbm>> -> memref<1x78x128xi32, #tpu.memory_space<hbm>>
      %dma_wait3A_136 = tpu.memref_squeeze %dma_wait3A_135 : memref<1x78x128xi32, #tpu.memory_space<hbm>> -> memref<78x128xi32, #tpu.memory_space<hbm>>
      %dma_wait3A_137 = arith.constant 0 : i32
      %dma_wait3A_138 = arith.constant 0 : i32
      %dma_wait3A_139 = tpu.memref_slice %arg6[%dma_wait3A_137, %dma_wait3A_138] : memref<79x128xi32, #tpu.memory_space<vmem>> -> memref<78x128xi32, #tpu.memory_space<vmem>>
      %dma_wait3A_140 = arith.constant 0 : i32
      %dma_wait3A_141 = tpu.memref_slice %arg3[%run_scoped3A, %add3A_4, %dma_wait3A_140] : memref<2x2500x128xi32, #tpu.memory_space<hbm>> -> memref<1x78x128xi32, #tpu.memory_space<hbm>>
      %dma_wait3A_142 = tpu.memref_squeeze %dma_wait3A_141 : memref<1x78x128xi32, #tpu.memory_space<hbm>> -> memref<78x128xi32, #tpu.memory_space<hbm>>
      tpu.wait_dma2 semaphore(%run_scoped3A_118 : memref<!tpu.dma_semaphore, #tpu.memory_space<semaphore_mem>>) src(%dma_wait3A_142 : memref<78x128xi32, #tpu.memory_space<hbm>>) dst(%dma_wait3A_139 : memref<78x128xi32, #tpu.memory_space<vmem>>)
      tpu.yield
    }) : () -> ()
    %convert_element_type3A = arith.extui %lt3A_5 : i1 to i32
    %cond3A = arith.constant 0 : i32
    %cond3A_6 = arith.cmpi ne, %convert_element_type3A, %cond3A : i32
    scf.if %cond3A_6 {
      %add3A_118 = arith.constant 78 : i32
      %add3A_119 = arith.addi %add3A_4, %add3A_118 : i32
      %run_scoped3A_120 = arith.constant 0 : i32
      "tpu.region"() ({
        %run_scoped3A_121 = tpu.sem_alloc : memref<!tpu.dma_semaphore, #tpu.memory_space<semaphore_mem>>
        %dma_start3A_122 = arith.constant 78 : i32
        %dma_start3A_123 = arith.constant 0 : i32
        %dma_start3A_124 = tpu.memref_slice %arg6[%dma_start3A_122, %dma_start3A_123] : memref<79x128xi32, #tpu.memory_space<vmem>> -> memref<1x128xi32, #tpu.memory_space<vmem>>
        %dma_start3A_125 = arith.constant 0 : i32
        %dma_start3A_126 = tpu.memref_slice %arg3[%run_scoped3A_120, %add3A_119, %dma_start3A_125] : memref<2x2500x128xi32, #tpu.memory_space<hbm>> -> memref<1x1x128xi32, #tpu.memory_space<hbm>>
        %dma_start3A_127 = tpu.memref_squeeze %dma_start3A_126 : memref<1x1x128xi32, #tpu.memory_space<hbm>> -> memref<1x128xi32, #tpu.memory_space<hbm>>
        %dma_start3A_128 = arith.constant 78 : i32
        %dma_start3A_129 = arith.constant 0 : i32
        %dma_start3A_130 = tpu.memref_slice %arg6[%dma_start3A_128, %dma_start3A_129] : memref<79x128xi32, #tpu.memory_space<vmem>> -> memref<1x128xi32, #tpu.memory_space<vmem>>
        %dma_start3A_131 = arith.constant 0 : i32
        %dma_start3A_132 = tpu.memref_slice %arg3[%run_scoped3A_120, %add3A_119, %dma_start3A_131] : memref<2x2500x128xi32, #tpu.memory_space<hbm>> -> memref<1x1x128xi32, #tpu.memory_space<hbm>>
        %dma_start3A_133 = tpu.memref_squeeze %dma_start3A_132 : memref<1x1x128xi32, #tpu.memory_space<hbm>> -> memref<1x128xi32, #tpu.memory_space<hbm>>
        tpu.enqueue_dma source(%dma_start3A_133 : memref<1x128xi32, #tpu.memory_space<hbm>>) target(%dma_start3A_130 : memref<1x128xi32, #tpu.memory_space<vmem>>) target_semaphore(%run_scoped3A_121 : memref<!tpu.dma_semaphore, #tpu.memory_space<semaphore_mem>>)
        %dma_wait3A_134 = arith.constant 78 : i32
        %dma_wait3A_135 = arith.constant 0 : i32
        %dma_wait3A_136 = tpu.memref_slice %arg6[%dma_wait3A_134, %dma_wait3A_135] : memref<79x128xi32, #tpu.memory_space<vmem>> -> memref<1x128xi32, #tpu.memory_space<vmem>>
        %dma_wait3A_137 = arith.constant 0 : i32
        %dma_wait3A_138 = tpu.memref_slice %arg3[%run_scoped3A_120, %add3A_119, %dma_wait3A_137] : memref<2x2500x128xi32, #tpu.memory_space<hbm>> -> memref<1x1x128xi32, #tpu.memory_space<hbm>>
        %dma_wait3A_139 = tpu.memref_squeeze %dma_wait3A_138 : memref<1x1x128xi32, #tpu.memory_space<hbm>> -> memref<1x128xi32, #tpu.memory_space<hbm>>
        %dma_wait3A_140 = arith.constant 78 : i32
        %dma_wait3A_141 = arith.constant 0 : i32
        %dma_wait3A_142 = tpu.memref_slice %arg6[%dma_wait3A_140, %dma_wait3A_141] : memref<79x128xi32, #tpu.memory_space<vmem>> -> memref<1x128xi32, #tpu.memory_space<vmem>>
        %dma_wait3A_143 = arith.constant 0 : i32
        %dma_wait3A_144 = tpu.memref_slice %arg3[%run_scoped3A_120, %add3A_119, %dma_wait3A_143] : memref<2x2500x128xi32, #tpu.memory_space<hbm>> -> memref<1x1x128xi32, #tpu.memory_space<hbm>>
        %dma_wait3A_145 = tpu.memref_squeeze %dma_wait3A_144 : memref<1x1x128xi32, #tpu.memory_space<hbm>> -> memref<1x128xi32, #tpu.memory_space<hbm>>
        tpu.wait_dma2 semaphore(%run_scoped3A_121 : memref<!tpu.dma_semaphore, #tpu.memory_space<semaphore_mem>>) src(%dma_wait3A_145 : memref<1x128xi32, #tpu.memory_space<hbm>>) dst(%dma_wait3A_142 : memref<1x128xi32, #tpu.memory_space<vmem>>)
        tpu.yield
      }) : () -> ()
    } else {
    }
    %mul3A_7 = arith.constant 78 : i32
    %mul3A_8 = arith.muli %add3A, %mul3A_7 : i32
    %min3A_9 = arith.constant 4 : i32
    %min3A_10 = arith.minsi %add3A, %min3A_9 : i32
    %add3A_11 = arith.addi %mul3A_8, %min3A_10 : i32
    %lt3A_12 = arith.constant 4 : i32
    %lt3A_13 = arith.cmpi slt, %add3A, %lt3A_12 : i32
    %run_scoped3A_14 = arith.constant 1 : i32
    "tpu.region"() ({
      %run_scoped3A_118 = tpu.sem_alloc : memref<!tpu.dma_semaphore, #tpu.memory_space<semaphore_mem>>
      %dma_start3A_119 = arith.constant 0 : i32
      %dma_start3A_120 = arith.constant 0 : i32
      %dma_start3A_121 = tpu.memref_slice %arg7[%dma_start3A_119, %dma_start3A_120] : memref<79x128xi32, #tpu.memory_space<vmem>> -> memref<78x128xi32, #tpu.memory_space<vmem>>
      %dma_start3A_122 = arith.constant 0 : i32
      %dma_start3A_123 = tpu.memref_slice %arg3[%run_scoped3A_14, %add3A_11, %dma_start3A_122] : memref<2x2500x128xi32, #tpu.memory_space<hbm>> -> memref<1x78x128xi32, #tpu.memory_space<hbm>>
      %dma_start3A_124 = tpu.memref_squeeze %dma_start3A_123 : memref<1x78x128xi32, #tpu.memory_space<hbm>> -> memref<78x128xi32, #tpu.memory_space<hbm>>
      %dma_start3A_125 = arith.constant 0 : i32
      %dma_start3A_126 = arith.constant 0 : i32
      %dma_start3A_127 = tpu.memref_slice %arg7[%dma_start3A_125, %dma_start3A_126] : memref<79x128xi32, #tpu.memory_space<vmem>> -> memref<78x128xi32, #tpu.memory_space<vmem>>
      %dma_start3A_128 = arith.constant 0 : i32
      %dma_start3A_129 = tpu.memref_slice %arg3[%run_scoped3A_14, %add3A_11, %dma_start3A_128] : memref<2x2500x128xi32, #tpu.memory_space<hbm>> -> memref<1x78x128xi32, #tpu.memory_space<hbm>>
      %dma_start3A_130 = tpu.memref_squeeze %dma_start3A_129 : memref<1x78x128xi32, #tpu.memory_space<hbm>> -> memref<78x128xi32, #tpu.memory_space<hbm>>
      tpu.enqueue_dma source(%dma_start3A_130 : memref<78x128xi32, #tpu.memory_space<hbm>>) target(%dma_start3A_127 : memref<78x128xi32, #tpu.memory_space<vmem>>) target_semaphore(%run_scoped3A_118 : memref<!tpu.dma_semaphore, #tpu.memory_space<semaphore_mem>>)
      %dma_wait3A_131 = arith.constant 0 : i32
      %dma_wait3A_132 = arith.constant 0 : i32
      %dma_wait3A_133 = tpu.memref_slice %arg7[%dma_wait3A_131, %dma_wait3A_132] : memref<79x128xi32, #tpu.memory_space<vmem>> -> memref<78x128xi32, #tpu.memory_space<vmem>>
      %dma_wait3A_134 = arith.constant 0 : i32
      %dma_wait3A_135 = tpu.memref_slice %arg3[%run_scoped3A_14, %add3A_11, %dma_wait3A_134] : memref<2x2500x128xi32, #tpu.memory_space<hbm>> -> memref<1x78x128xi32, #tpu.memory_space<hbm>>
      %dma_wait3A_136 = tpu.memref_squeeze %dma_wait3A_135 : memref<1x78x128xi32, #tpu.memory_space<hbm>> -> memref<78x128xi32, #tpu.memory_space<hbm>>
      %dma_wait3A_137 = arith.constant 0 : i32
      %dma_wait3A_138 = arith.constant 0 : i32
      %dma_wait3A_139 = tpu.memref_slice %arg7[%dma_wait3A_137, %dma_wait3A_138] : memref<79x128xi32, #tpu.memory_space<vmem>> -> memref<78x128xi32, #tpu.memory_space<vmem>>
      %dma_wait3A_140 = arith.constant 0 : i32
      %dma_wait3A_141 = tpu.memref_slice %arg3[%run_scoped3A_14, %add3A_11, %dma_wait3A_140] : memref<2x2500x128xi32, #tpu.memory_space<hbm>> -> memref<1x78x128xi32, #tpu.memory_space<hbm>>
      %dma_wait3A_142 = tpu.memref_squeeze %dma_wait3A_141 : memref<1x78x128xi32, #tpu.memory_space<hbm>> -> memref<78x128xi32, #tpu.memory_space<hbm>>
      tpu.wait_dma2 semaphore(%run_scoped3A_118 : memref<!tpu.dma_semaphore, #tpu.memory_space<semaphore_mem>>) src(%dma_wait3A_142 : memref<78x128xi32, #tpu.memory_space<hbm>>) dst(%dma_wait3A_139 : memref<78x128xi32, #tpu.memory_space<vmem>>)
      tpu.yield
    }) : () -> ()
    %convert_element_type3A_15 = arith.extui %lt3A_13 : i1 to i32
    %cond3A_16 = arith.constant 0 : i32
    %cond3A_17 = arith.cmpi ne, %convert_element_type3A_15, %cond3A_16 : i32
    scf.if %cond3A_17 {
      %add3A_118 = arith.constant 78 : i32
      %add3A_119 = arith.addi %add3A_11, %add3A_118 : i32
      %run_scoped3A_120 = arith.constant 1 : i32
      "tpu.region"() ({
        %run_scoped3A_121 = tpu.sem_alloc : memref<!tpu.dma_semaphore, #tpu.memory_space<semaphore_mem>>
        %dma_start3A_122 = arith.constant 78 : i32
        %dma_start3A_123 = arith.constant 0 : i32
        %dma_start3A_124 = tpu.memref_slice %arg7[%dma_start3A_122, %dma_start3A_123] : memref<79x128xi32, #tpu.memory_space<vmem>> -> memref<1x128xi32, #tpu.memory_space<vmem>>
        %dma_start3A_125 = arith.constant 0 : i32
        %dma_start3A_126 = tpu.memref_slice %arg3[%run_scoped3A_120, %add3A_119, %dma_start3A_125] : memref<2x2500x128xi32, #tpu.memory_space<hbm>> -> memref<1x1x128xi32, #tpu.memory_space<hbm>>
        %dma_start3A_127 = tpu.memref_squeeze %dma_start3A_126 : memref<1x1x128xi32, #tpu.memory_space<hbm>> -> memref<1x128xi32, #tpu.memory_space<hbm>>
        %dma_start3A_128 = arith.constant 78 : i32
        %dma_start3A_129 = arith.constant 0 : i32
        %dma_start3A_130 = tpu.memref_slice %arg7[%dma_start3A_128, %dma_start3A_129] : memref<79x128xi32, #tpu.memory_space<vmem>> -> memref<1x128xi32, #tpu.memory_space<vmem>>
        %dma_start3A_131 = arith.constant 0 : i32
        %dma_start3A_132 = tpu.memref_slice %arg3[%run_scoped3A_120, %add3A_119, %dma_start3A_131] : memref<2x2500x128xi32, #tpu.memory_space<hbm>> -> memref<1x1x128xi32, #tpu.memory_space<hbm>>
        %dma_start3A_133 = tpu.memref_squeeze %dma_start3A_132 : memref<1x1x128xi32, #tpu.memory_space<hbm>> -> memref<1x128xi32, #tpu.memory_space<hbm>>
        tpu.enqueue_dma source(%dma_start3A_133 : memref<1x128xi32, #tpu.memory_space<hbm>>) target(%dma_start3A_130 : memref<1x128xi32, #tpu.memory_space<vmem>>) target_semaphore(%run_scoped3A_121 : memref<!tpu.dma_semaphore, #tpu.memory_space<semaphore_mem>>)
        %dma_wait3A_134 = arith.constant 78 : i32
        %dma_wait3A_135 = arith.constant 0 : i32
        %dma_wait3A_136 = tpu.memref_slice %arg7[%dma_wait3A_134, %dma_wait3A_135] : memref<79x128xi32, #tpu.memory_space<vmem>> -> memref<1x128xi32, #tpu.memory_space<vmem>>
        %dma_wait3A_137 = arith.constant 0 : i32
        %dma_wait3A_138 = tpu.memref_slice %arg3[%run_scoped3A_120, %add3A_119, %dma_wait3A_137] : memref<2x2500x128xi32, #tpu.memory_space<hbm>> -> memref<1x1x128xi32, #tpu.memory_space<hbm>>
        %dma_wait3A_139 = tpu.memref_squeeze %dma_wait3A_138 : memref<1x1x128xi32, #tpu.memory_space<hbm>> -> memref<1x128xi32, #tpu.memory_space<hbm>>
        %dma_wait3A_140 = arith.constant 78 : i32
        %dma_wait3A_141 = arith.constant 0 : i32
        %dma_wait3A_142 = tpu.memref_slice %arg7[%dma_wait3A_140, %dma_wait3A_141] : memref<79x128xi32, #tpu.memory_space<vmem>> -> memref<1x128xi32, #tpu.memory_space<vmem>>
        %dma_wait3A_143 = arith.constant 0 : i32
        %dma_wait3A_144 = tpu.memref_slice %arg3[%run_scoped3A_120, %add3A_119, %dma_wait3A_143] : memref<2x2500x128xi32, #tpu.memory_space<hbm>> -> memref<1x1x128xi32, #tpu.memory_space<hbm>>
        %dma_wait3A_145 = tpu.memref_squeeze %dma_wait3A_144 : memref<1x1x128xi32, #tpu.memory_space<hbm>> -> memref<1x128xi32, #tpu.memory_space<hbm>>
        tpu.wait_dma2 semaphore(%run_scoped3A_121 : memref<!tpu.dma_semaphore, #tpu.memory_space<semaphore_mem>>) src(%dma_wait3A_145 : memref<1x128xi32, #tpu.memory_space<hbm>>) dst(%dma_wait3A_142 : memref<1x128xi32, #tpu.memory_space<vmem>>)
        tpu.yield
      }) : () -> ()
    } else {
    }
    %mul3A_18 = arith.constant 78 : i32
    %mul3A_19 = arith.muli %add3A, %mul3A_18 : i32
    %min3A_20 = arith.constant 4 : i32
    %min3A_21 = arith.minsi %add3A, %min3A_20 : i32
    %add3A_22 = arith.addi %mul3A_19, %min3A_21 : i32
    %lt3A_23 = arith.constant 4 : i32
    %lt3A_24 = arith.cmpi slt, %add3A, %lt3A_23 : i32
    %mul3A_25 = arith.constant 640 : i32
    %mul3A_26 = arith.muli %arg1, %mul3A_25 : i32
    "tpu.region"() ({
      %run_scoped3A_118 = tpu.sem_alloc : memref<!tpu.dma_semaphore, #tpu.memory_space<semaphore_mem>>
      %dma_start3A_119 = arith.constant 0 : i32
      %dma_start3A_120 = tpu.memref_slice %arg14[%mul3A_26, %dma_start3A_119] : memref<10240x48xf32, #tpu.memory_space<vmem_shared>> -> memref<640x48xf32, #tpu.memory_space<vmem_shared>>
      tpu.enqueue_dma source(%arg4 : memref<640x48xf32, #tpu.memory_space<hbm>>) target(%dma_start3A_120 : memref<640x48xf32, #tpu.memory_space<vmem_shared>>) target_semaphore(%run_scoped3A_118 : memref<!tpu.dma_semaphore, #tpu.memory_space<semaphore_mem>>)
      %dma_wait3A_121 = arith.constant 0 : i32
      %dma_wait3A_122 = tpu.memref_slice %arg14[%mul3A_26, %dma_wait3A_121] : memref<10240x48xf32, #tpu.memory_space<vmem_shared>> -> memref<640x48xf32, #tpu.memory_space<vmem_shared>>
      tpu.wait_dma2 semaphore(%run_scoped3A_118 : memref<!tpu.dma_semaphore, #tpu.memory_space<semaphore_mem>>) src(%arg4 : memref<640x48xf32, #tpu.memory_space<hbm>>) dst(%dma_wait3A_122 : memref<640x48xf32, #tpu.memory_space<vmem_shared>>)
      tpu.yield
    }) : () -> ()
    %barrier3A = arith.constant 0 : index
    tpu.barrier barrier_id(%barrier3A)
    %convert_element_type3A_27 = arith.extui %lt3A_24 : i1 to i32
    %cond3A_28 = arith.constant 0 : i32
    %cond3A_29 = arith.cmpi ne, %convert_element_type3A_27, %cond3A_28 : i32
    scf.if %cond3A_29 {
      %dma_start3A_118 = arith.constant 78 : i32
      %dma_start3A_119 = arith.constant 0 : i32
      %dma_start3A_120 = tpu.memref_slice %arg6[%dma_start3A_118, %dma_start3A_119] : memref<79x128xi32, #tpu.memory_space<vmem>> -> memref<1x128xi32, #tpu.memory_space<vmem>>
      %dma_start3A_121 = tpu.memref_squeeze %dma_start3A_120 : memref<1x128xi32, #tpu.memory_space<vmem>> -> memref<128xi32, #tpu.memory_space<vmem>>
      %dma_start3A_122 = arith.constant 0 : i32
      %dma_start3A_123 = arith.constant 0 : i32
      %dma_start3A_124 = tpu.memref_slice %arg2[%dma_start3A_122, %dma_start3A_123] : memref<10000x48xf32, #tpu.memory_space<hbm>> -> memref<10000x48xf32, #tpu.memory_space<hbm>>
      tpu.enqueue_indirect_dma source(%dma_start3A_124 : memref<10000x48xf32, #tpu.memory_space<hbm>>) target(%arg8 : memref<128x48xf32, #tpu.memory_space<vmem>>) offsets(%dma_start3A_121 : memref<128xi32, #tpu.memory_space<vmem>>) semaphore(%arg15 : memref<!tpu.dma_semaphore, #tpu.memory_space<semaphore_mem>>)
      %dma_wait3A_125 = arith.constant 78 : i32
      %dma_wait3A_126 = arith.constant 0 : i32
      %dma_wait3A_127 = tpu.memref_slice %arg6[%dma_wait3A_125, %dma_wait3A_126] : memref<79x128xi32, #tpu.memory_space<vmem>> -> memref<1x128xi32, #tpu.memory_space<vmem>>
      %dma_wait3A_128 = tpu.memref_squeeze %dma_wait3A_127 : memref<1x128xi32, #tpu.memory_space<vmem>> -> memref<128xi32, #tpu.memory_space<vmem>>
      %dma_wait3A_129 = arith.constant 0 : i32
      %dma_wait3A_130 = arith.constant 0 : i32
      %dma_wait3A_131 = tpu.memref_slice %arg2[%dma_wait3A_129, %dma_wait3A_130] : memref<10000x48xf32, #tpu.memory_space<hbm>> -> memref<10000x48xf32, #tpu.memory_space<hbm>>
      tpu.wait_indirect_dma semaphore(%arg15 : memref<!tpu.dma_semaphore, #tpu.memory_space<semaphore_mem>>) src(%dma_wait3A_131 : memref<10000x48xf32, #tpu.memory_space<hbm>>) dst(%arg8 : memref<128x48xf32, #tpu.memory_space<vmem>>)
      %run_scoped3A_132 = arith.constant 78 : i32
      "tpu.region"() ({
        %run_scoped3A_133 = tpu.sem_alloc : memref<!tpu.dma_semaphore, #tpu.memory_space<semaphore_mem>>
        %dma_start3A_134 = arith.constant 0 : i32
        %dma_start3A_135 = tpu.memref_slice %arg7[%run_scoped3A_132, %dma_start3A_134] : memref<79x128xi32, #tpu.memory_space<vmem>> -> memref<1x128xi32, #tpu.memory_space<vmem>>
        %dma_start3A_136 = tpu.memref_squeeze %dma_start3A_135 : memref<1x128xi32, #tpu.memory_space<vmem>> -> memref<128xi32, #tpu.memory_space<vmem>>
        %dma_start3A_137 = arith.constant 0 : i32
        %dma_start3A_138 = arith.constant 0 : i32
        %dma_start3A_139 = tpu.memref_slice %arg14[%dma_start3A_137, %dma_start3A_138] : memref<10240x48xf32, #tpu.memory_space<vmem_shared>> -> memref<10240x48xf32, #tpu.memory_space<vmem_shared>>
        tpu.enqueue_indirect_dma source(%arg8 : memref<128x48xf32, #tpu.memory_space<vmem>>) target(%dma_start3A_139 : memref<10240x48xf32, #tpu.memory_space<vmem_shared>>) offsets(%dma_start3A_136 : memref<128xi32, #tpu.memory_space<vmem>>) semaphore(%run_scoped3A_133 : memref<!tpu.dma_semaphore, #tpu.memory_space<semaphore_mem>>) {add = true}
        %dma_wait3A_140 = arith.constant 0 : i32
        %dma_wait3A_141 = tpu.memref_slice %arg7[%run_scoped3A_132, %dma_wait3A_140] : memref<79x128xi32, #tpu.memory_space<vmem>> -> memref<1x128xi32, #tpu.memory_space<vmem>>
        %dma_wait3A_142 = tpu.memref_squeeze %dma_wait3A_141 : memref<1x128xi32, #tpu.memory_space<vmem>> -> memref<128xi32, #tpu.memory_space<vmem>>
        %dma_wait3A_143 = arith.constant 0 : i32
        %dma_wait3A_144 = arith.constant 0 : i32
        %dma_wait3A_145 = tpu.memref_slice %arg14[%dma_wait3A_143, %dma_wait3A_144] : memref<10240x48xf32, #tpu.memory_space<vmem_shared>> -> memref<10240x48xf32, #tpu.memory_space<vmem_shared>>
        tpu.wait_indirect_dma semaphore(%run_scoped3A_133 : memref<!tpu.dma_semaphore, #tpu.memory_space<semaphore_mem>>) src(%arg8 : memref<128x48xf32, #tpu.memory_space<vmem>>) dst(%dma_wait3A_145 : memref<10240x48xf32, #tpu.memory_space<vmem_shared>>)
        tpu.yield
      }) : () -> ()
    } else {
    }
    %dma_start3A = arith.constant 0 : i32
    %dma_start3A_30 = arith.constant 0 : i32
    %dma_start3A_31 = tpu.memref_slice %arg6[%dma_start3A, %dma_start3A_30] : memref<79x128xi32, #tpu.memory_space<vmem>> -> memref<1x128xi32, #tpu.memory_space<vmem>>
    %dma_start3A_32 = tpu.memref_squeeze %dma_start3A_31 : memref<1x128xi32, #tpu.memory_space<vmem>> -> memref<128xi32, #tpu.memory_space<vmem>>
    %dma_start3A_33 = arith.constant 0 : i32
    %dma_start3A_34 = arith.constant 0 : i32
    %dma_start3A_35 = tpu.memref_slice %arg2[%dma_start3A_33, %dma_start3A_34] : memref<10000x48xf32, #tpu.memory_space<hbm>> -> memref<10000x48xf32, #tpu.memory_space<hbm>>
    tpu.enqueue_indirect_dma source(%dma_start3A_35 : memref<10000x48xf32, #tpu.memory_space<hbm>>) target(%arg8 : memref<128x48xf32, #tpu.memory_space<vmem>>) offsets(%dma_start3A_32 : memref<128xi32, #tpu.memory_space<vmem>>) semaphore(%arg15 : memref<!tpu.dma_semaphore, #tpu.memory_space<semaphore_mem>>)
    %dma_start3A_36 = arith.constant 1 : i32
    %dma_start3A_37 = arith.constant 0 : i32
    %dma_start3A_38 = tpu.memref_slice %arg6[%dma_start3A_36, %dma_start3A_37] : memref<79x128xi32, #tpu.memory_space<vmem>> -> memref<1x128xi32, #tpu.memory_space<vmem>>
    %dma_start3A_39 = tpu.memref_squeeze %dma_start3A_38 : memref<1x128xi32, #tpu.memory_space<vmem>> -> memref<128xi32, #tpu.memory_space<vmem>>
    %dma_start3A_40 = arith.constant 0 : i32
    %dma_start3A_41 = arith.constant 0 : i32
    %dma_start3A_42 = tpu.memref_slice %arg2[%dma_start3A_40, %dma_start3A_41] : memref<10000x48xf32, #tpu.memory_space<hbm>> -> memref<10000x48xf32, #tpu.memory_space<hbm>>
    tpu.enqueue_indirect_dma source(%dma_start3A_42 : memref<10000x48xf32, #tpu.memory_space<hbm>>) target(%arg9 : memref<128x48xf32, #tpu.memory_space<vmem>>) offsets(%dma_start3A_39 : memref<128xi32, #tpu.memory_space<vmem>>) semaphore(%arg16 : memref<!tpu.dma_semaphore, #tpu.memory_space<semaphore_mem>>)
    %dma_start3A_43 = arith.constant 2 : i32
    %dma_start3A_44 = arith.constant 0 : i32
    %dma_start3A_45 = tpu.memref_slice %arg6[%dma_start3A_43, %dma_start3A_44] : memref<79x128xi32, #tpu.memory_space<vmem>> -> memref<1x128xi32, #tpu.memory_space<vmem>>
    %dma_start3A_46 = tpu.memref_squeeze %dma_start3A_45 : memref<1x128xi32, #tpu.memory_space<vmem>> -> memref<128xi32, #tpu.memory_space<vmem>>
    %dma_start3A_47 = arith.constant 0 : i32
    %dma_start3A_48 = arith.constant 0 : i32
    %dma_start3A_49 = tpu.memref_slice %arg2[%dma_start3A_47, %dma_start3A_48] : memref<10000x48xf32, #tpu.memory_space<hbm>> -> memref<10000x48xf32, #tpu.memory_space<hbm>>
    tpu.enqueue_indirect_dma source(%dma_start3A_49 : memref<10000x48xf32, #tpu.memory_space<hbm>>) target(%arg10 : memref<128x48xf32, #tpu.memory_space<vmem>>) offsets(%dma_start3A_46 : memref<128xi32, #tpu.memory_space<vmem>>) semaphore(%arg17 : memref<!tpu.dma_semaphore, #tpu.memory_space<semaphore_mem>>)
    %dma_start3A_50 = arith.constant 3 : i32
    %dma_start3A_51 = arith.constant 0 : i32
    %dma_start3A_52 = tpu.memref_slice %arg6[%dma_start3A_50, %dma_start3A_51] : memref<79x128xi32, #tpu.memory_space<vmem>> -> memref<1x128xi32, #tpu.memory_space<vmem>>
    %dma_start3A_53 = tpu.memref_squeeze %dma_start3A_52 : memref<1x128xi32, #tpu.memory_space<vmem>> -> memref<128xi32, #tpu.memory_space<vmem>>
    %dma_start3A_54 = arith.constant 0 : i32
    %dma_start3A_55 = arith.constant 0 : i32
    %dma_start3A_56 = tpu.memref_slice %arg2[%dma_start3A_54, %dma_start3A_55] : memref<10000x48xf32, #tpu.memory_space<hbm>> -> memref<10000x48xf32, #tpu.memory_space<hbm>>
    tpu.enqueue_indirect_dma source(%dma_start3A_56 : memref<10000x48xf32, #tpu.memory_space<hbm>>) target(%arg11 : memref<128x48xf32, #tpu.memory_space<vmem>>) offsets(%dma_start3A_53 : memref<128xi32, #tpu.memory_space<vmem>>) semaphore(%arg18 : memref<!tpu.dma_semaphore, #tpu.memory_space<semaphore_mem>>)
    %dma_start3A_57 = arith.constant 4 : i32
    %dma_start3A_58 = arith.constant 0 : i32
    %dma_start3A_59 = tpu.memref_slice %arg6[%dma_start3A_57, %dma_start3A_58] : memref<79x128xi32, #tpu.memory_space<vmem>> -> memref<1x128xi32, #tpu.memory_space<vmem>>
    %dma_start3A_60 = tpu.memref_squeeze %dma_start3A_59 : memref<1x128xi32, #tpu.memory_space<vmem>> -> memref<128xi32, #tpu.memory_space<vmem>>
    %dma_start3A_61 = arith.constant 0 : i32
    %dma_start3A_62 = arith.constant 0 : i32
    %dma_start3A_63 = tpu.memref_slice %arg2[%dma_start3A_61, %dma_start3A_62] : memref<10000x48xf32, #tpu.memory_space<hbm>> -> memref<10000x48xf32, #tpu.memory_space<hbm>>
    tpu.enqueue_indirect_dma source(%dma_start3A_63 : memref<10000x48xf32, #tpu.memory_space<hbm>>) target(%arg12 : memref<128x48xf32, #tpu.memory_space<vmem>>) offsets(%dma_start3A_60 : memref<128xi32, #tpu.memory_space<vmem>>) semaphore(%arg19 : memref<!tpu.dma_semaphore, #tpu.memory_space<semaphore_mem>>)
    %dma_start3A_64 = arith.constant 5 : i32
    %dma_start3A_65 = arith.constant 0 : i32
    %dma_start3A_66 = tpu.memref_slice %arg6[%dma_start3A_64, %dma_start3A_65] : memref<79x128xi32, #tpu.memory_space<vmem>> -> memref<1x128xi32, #tpu.memory_space<vmem>>
    %dma_start3A_67 = tpu.memref_squeeze %dma_start3A_66 : memref<1x128xi32, #tpu.memory_space<vmem>> -> memref<128xi32, #tpu.memory_space<vmem>>
    %dma_start3A_68 = arith.constant 0 : i32
    %dma_start3A_69 = arith.constant 0 : i32
    %dma_start3A_70 = tpu.memref_slice %arg2[%dma_start3A_68, %dma_start3A_69] : memref<10000x48xf32, #tpu.memory_space<hbm>> -> memref<10000x48xf32, #tpu.memory_space<hbm>>
    tpu.enqueue_indirect_dma source(%dma_start3A_70 : memref<10000x48xf32, #tpu.memory_space<hbm>>) target(%arg13 : memref<128x48xf32, #tpu.memory_space<vmem>>) offsets(%dma_start3A_67 : memref<128xi32, #tpu.memory_space<vmem>>) semaphore(%arg20 : memref<!tpu.dma_semaphore, #tpu.memory_space<semaphore_mem>>)
    %scan3A = arith.constant 0 : i32
    %scan3A_71 = arith.constant 0 : i32
    %scan3A_72 = arith.constant 13 : i32
    %scan3A_73 = arith.addi %scan3A_71, %scan3A_72 : i32
    %scan3A_74 = arith.constant 1 : i32
    scf.for %scan3A_118 = %scan3A_71 to %scan3A_73 step %scan3A_74  : i32 {
      %mul3A_119 = arith.constant 6 : i32
      %mul3A_120 = arith.muli %scan3A_118, %mul3A_119 : i32
      %add3A_121 = arith.constant 0 : i32
      %add3A_122 = arith.addi %mul3A_120, %add3A_121 : i32
      %dma_wait3A_123 = arith.constant 0 : i32
      %dma_wait3A_124 = tpu.memref_slice %arg6[%add3A_122, %dma_wait3A_123] : memref<79x128xi32, #tpu.memory_space<vmem>> -> memref<1x128xi32, #tpu.memory_space<vmem>>
      %dma_wait3A_125 = tpu.memref_squeeze %dma_wait3A_124 : memref<1x128xi32, #tpu.memory_space<vmem>> -> memref<128xi32, #tpu.memory_space<vmem>>
      %dma_wait3A_126 = arith.constant 0 : i32
      %dma_wait3A_127 = arith.constant 0 : i32
      %dma_wait3A_128 = tpu.memref_slice %arg2[%dma_wait3A_126, %dma_wait3A_127] : memref<10000x48xf32, #tpu.memory_space<hbm>> -> memref<10000x48xf32, #tpu.memory_space<hbm>>
      tpu.wait_indirect_dma semaphore(%arg15 : memref<!tpu.dma_semaphore, #tpu.memory_space<semaphore_mem>>) src(%dma_wait3A_128 : memref<10000x48xf32, #tpu.memory_space<hbm>>) dst(%arg8 : memref<128x48xf32, #tpu.memory_space<vmem>>)
      %add3A_129 = arith.constant 0 : i32
      %add3A_130 = arith.addi %mul3A_120, %add3A_129 : i32
      %dma_start3A_131 = arith.constant 0 : i32
      %dma_start3A_132 = tpu.memref_slice %arg7[%add3A_130, %dma_start3A_131] : memref<79x128xi32, #tpu.memory_space<vmem>> -> memref<1x128xi32, #tpu.memory_space<vmem>>
      %dma_start3A_133 = tpu.memref_squeeze %dma_start3A_132 : memref<1x128xi32, #tpu.memory_space<vmem>> -> memref<128xi32, #tpu.memory_space<vmem>>
      %dma_start3A_134 = arith.constant 0 : i32
      %dma_start3A_135 = arith.constant 0 : i32
      %dma_start3A_136 = tpu.memref_slice %arg14[%dma_start3A_134, %dma_start3A_135] : memref<10240x48xf32, #tpu.memory_space<vmem_shared>> -> memref<10240x48xf32, #tpu.memory_space<vmem_shared>>
      tpu.enqueue_indirect_dma source(%arg8 : memref<128x48xf32, #tpu.memory_space<vmem>>) target(%dma_start3A_136 : memref<10240x48xf32, #tpu.memory_space<vmem_shared>>) offsets(%dma_start3A_133 : memref<128xi32, #tpu.memory_space<vmem>>) semaphore(%arg21 : memref<!tpu.dma_semaphore, #tpu.memory_space<semaphore_mem>>) {add = true}
      %add3A_137 = arith.constant 0 : i32
      %add3A_138 = arith.addi %mul3A_120, %add3A_137 : i32
      %add3A_139 = arith.constant 6 : i32
      %add3A_140 = arith.addi %add3A_138, %add3A_139 : i32
      %lt3A_141 = arith.constant 78 : i32
      %lt3A_142 = arith.cmpi slt, %add3A_140, %lt3A_141 : i32
      %convert_element_type3A_143 = arith.extui %lt3A_142 : i1 to i32
      %cond3A_144 = arith.constant 0 : i32
      %cond3A_145 = arith.cmpi ne, %convert_element_type3A_143, %cond3A_144 : i32
      scf.if %cond3A_145 {
        %add3A_271 = arith.constant 0 : i32
        %add3A_272 = arith.addi %mul3A_120, %add3A_271 : i32
        %dma_wait3A_273 = arith.constant 0 : i32
        %dma_wait3A_274 = tpu.memref_slice %arg7[%add3A_272, %dma_wait3A_273] : memref<79x128xi32, #tpu.memory_space<vmem>> -> memref<1x128xi32, #tpu.memory_space<vmem>>
        %dma_wait3A_275 = tpu.memref_squeeze %dma_wait3A_274 : memref<1x128xi32, #tpu.memory_space<vmem>> -> memref<128xi32, #tpu.memory_space<vmem>>
        %dma_wait3A_276 = arith.constant 0 : i32
        %dma_wait3A_277 = arith.constant 0 : i32
        %dma_wait3A_278 = tpu.memref_slice %arg14[%dma_wait3A_276, %dma_wait3A_277] : memref<10240x48xf32, #tpu.memory_space<vmem_shared>> -> memref<10240x48xf32, #tpu.memory_space<vmem_shared>>
        tpu.wait_indirect_dma semaphore(%arg21 : memref<!tpu.dma_semaphore, #tpu.memory_space<semaphore_mem>>) src(%arg8 : memref<128x48xf32, #tpu.memory_space<vmem>>) dst(%dma_wait3A_278 : memref<10240x48xf32, #tpu.memory_space<vmem_shared>>)
        %add3A_279 = arith.constant 0 : i32
        %add3A_280 = arith.addi %mul3A_120, %add3A_279 : i32
        %add3A_281 = arith.constant 6 : i32
        %add3A_282 = arith.addi %add3A_280, %add3A_281 : i32
        %dma_start3A_283 = arith.constant 0 : i32
        %dma_start3A_284 = tpu.memref_slice %arg6[%add3A_282, %dma_start3A_283] : memref<79x128xi32, #tpu.memory_space<vmem>> -> memref<1x128xi32, #tpu.memory_space<vmem>>
        %dma_start3A_285 = tpu.memref_squeeze %dma_start3A_284 : memref<1x128xi32, #tpu.memory_space<vmem>> -> memref<128xi32, #tpu.memory_space<vmem>>
        %dma_start3A_286 = arith.constant 0 : i32
        %dma_start3A_287 = arith.constant 0 : i32
        %dma_start3A_288 = tpu.memref_slice %arg2[%dma_start3A_286, %dma_start3A_287] : memref<10000x48xf32, #tpu.memory_space<hbm>> -> memref<10000x48xf32, #tpu.memory_space<hbm>>
        tpu.enqueue_indirect_dma source(%dma_start3A_288 : memref<10000x48xf32, #tpu.memory_space<hbm>>) target(%arg8 : memref<128x48xf32, #tpu.memory_space<vmem>>) offsets(%dma_start3A_285 : memref<128xi32, #tpu.memory_space<vmem>>) semaphore(%arg15 : memref<!tpu.dma_semaphore, #tpu.memory_space<semaphore_mem>>)
      } else {
      }
      %add3A_146 = arith.constant 1 : i32
      %add3A_147 = arith.addi %mul3A_120, %add3A_146 : i32
      %dma_wait3A_148 = arith.constant 0 : i32
      %dma_wait3A_149 = tpu.memref_slice %arg6[%add3A_147, %dma_wait3A_148] : memref<79x128xi32, #tpu.memory_space<vmem>> -> memref<1x128xi32, #tpu.memory_space<vmem>>
      %dma_wait3A_150 = tpu.memref_squeeze %dma_wait3A_149 : memref<1x128xi32, #tpu.memory_space<vmem>> -> memref<128xi32, #tpu.memory_space<vmem>>
      %dma_wait3A_151 = arith.constant 0 : i32
      %dma_wait3A_152 = arith.constant 0 : i32
      %dma_wait3A_153 = tpu.memref_slice %arg2[%dma_wait3A_151, %dma_wait3A_152] : memref<10000x48xf32, #tpu.memory_space<hbm>> -> memref<10000x48xf32, #tpu.memory_space<hbm>>
      tpu.wait_indirect_dma semaphore(%arg16 : memref<!tpu.dma_semaphore, #tpu.memory_space<semaphore_mem>>) src(%dma_wait3A_153 : memref<10000x48xf32, #tpu.memory_space<hbm>>) dst(%arg9 : memref<128x48xf32, #tpu.memory_space<vmem>>)
      %add3A_154 = arith.constant 1 : i32
      %add3A_155 = arith.addi %mul3A_120, %add3A_154 : i32
      %dma_start3A_156 = arith.constant 0 : i32
      %dma_start3A_157 = tpu.memref_slice %arg7[%add3A_155, %dma_start3A_156] : memref<79x128xi32, #tpu.memory_space<vmem>> -> memref<1x128xi32, #tpu.memory_space<vmem>>
      %dma_start3A_158 = tpu.memref_squeeze %dma_start3A_157 : memref<1x128xi32, #tpu.memory_space<vmem>> -> memref<128xi32, #tpu.memory_space<vmem>>
      %dma_start3A_159 = arith.constant 0 : i32
      %dma_start3A_160 = arith.constant 0 : i32
      %dma_start3A_161 = tpu.memref_slice %arg14[%dma_start3A_159, %dma_start3A_160] : memref<10240x48xf32, #tpu.memory_space<vmem_shared>> -> memref<10240x48xf32, #tpu.memory_space<vmem_shared>>
      tpu.enqueue_indirect_dma source(%arg9 : memref<128x48xf32, #tpu.memory_space<vmem>>) target(%dma_start3A_161 : memref<10240x48xf32, #tpu.memory_space<vmem_shared>>) offsets(%dma_start3A_158 : memref<128xi32, #tpu.memory_space<vmem>>) semaphore(%arg22 : memref<!tpu.dma_semaphore, #tpu.memory_space<semaphore_mem>>) {add = true}
      %add3A_162 = arith.constant 1 : i32
      %add3A_163 = arith.addi %mul3A_120, %add3A_162 : i32
      %add3A_164 = arith.constant 6 : i32
      %add3A_165 = arith.addi %add3A_163, %add3A_164 : i32
      %lt3A_166 = arith.constant 78 : i32
      %lt3A_167 = arith.cmpi slt, %add3A_165, %lt3A_166 : i32
      %convert_element_type3A_168 = arith.extui %lt3A_167 : i1 to i32
      %cond3A_169 = arith.constant 0 : i32
      %cond3A_170 = arith.cmpi ne, %convert_element_type3A_168, %cond3A_169 : i32
      scf.if %cond3A_170 {
        %add3A_271 = arith.constant 1 : i32
        %add3A_272 = arith.addi %mul3A_120, %add3A_271 : i32
        %dma_wait3A_273 = arith.constant 0 : i32
        %dma_wait3A_274 = tpu.memref_slice %arg7[%add3A_272, %dma_wait3A_273] : memref<79x128xi32, #tpu.memory_space<vmem>> -> memref<1x128xi32, #tpu.memory_space<vmem>>
        %dma_wait3A_275 = tpu.memref_squeeze %dma_wait3A_274 : memref<1x128xi32, #tpu.memory_space<vmem>> -> memref<128xi32, #tpu.memory_space<vmem>>
        %dma_wait3A_276 = arith.constant 0 : i32
        %dma_wait3A_277 = arith.constant 0 : i32
        %dma_wait3A_278 = tpu.memref_slice %arg14[%dma_wait3A_276, %dma_wait3A_277] : memref<10240x48xf32, #tpu.memory_space<vmem_shared>> -> memref<10240x48xf32, #tpu.memory_space<vmem_shared>>
        tpu.wait_indirect_dma semaphore(%arg22 : memref<!tpu.dma_semaphore, #tpu.memory_space<semaphore_mem>>) src(%arg9 : memref<128x48xf32, #tpu.memory_space<vmem>>) dst(%dma_wait3A_278 : memref<10240x48xf32, #tpu.memory_space<vmem_shared>>)
        %add3A_279 = arith.constant 1 : i32
        %add3A_280 = arith.addi %mul3A_120, %add3A_279 : i32
        %add3A_281 = arith.constant 6 : i32
        %add3A_282 = arith.addi %add3A_280, %add3A_281 : i32
        %dma_start3A_283 = arith.constant 0 : i32
        %dma_start3A_284 = tpu.memref_slice %arg6[%add3A_282, %dma_start3A_283] : memref<79x128xi32, #tpu.memory_space<vmem>> -> memref<1x128xi32, #tpu.memory_space<vmem>>
        %dma_start3A_285 = tpu.memref_squeeze %dma_start3A_284 : memref<1x128xi32, #tpu.memory_space<vmem>> -> memref<128xi32, #tpu.memory_space<vmem>>
        %dma_start3A_286 = arith.constant 0 : i32
        %dma_start3A_287 = arith.constant 0 : i32
        %dma_start3A_288 = tpu.memref_slice %arg2[%dma_start3A_286, %dma_start3A_287] : memref<10000x48xf32, #tpu.memory_space<hbm>> -> memref<10000x48xf32, #tpu.memory_space<hbm>>
        tpu.enqueue_indirect_dma source(%dma_start3A_288 : memref<10000x48xf32, #tpu.memory_space<hbm>>) target(%arg9 : memref<128x48xf32, #tpu.memory_space<vmem>>) offsets(%dma_start3A_285 : memref<128xi32, #tpu.memory_space<vmem>>) semaphore(%arg16 : memref<!tpu.dma_semaphore, #tpu.memory_space<semaphore_mem>>)
      } else {
      }
      %add3A_171 = arith.constant 2 : i32
      %add3A_172 = arith.addi %mul3A_120, %add3A_171 : i32
      %dma_wait3A_173 = arith.constant 0 : i32
      %dma_wait3A_174 = tpu.memref_slice %arg6[%add3A_172, %dma_wait3A_173] : memref<79x128xi32, #tpu.memory_space<vmem>> -> memref<1x128xi32, #tpu.memory_space<vmem>>
      %dma_wait3A_175 = tpu.memref_squeeze %dma_wait3A_174 : memref<1x128xi32, #tpu.memory_space<vmem>> -> memref<128xi32, #tpu.memory_space<vmem>>
      %dma_wait3A_176 = arith.constant 0 : i32
      %dma_wait3A_177 = arith.constant 0 : i32
      %dma_wait3A_178 = tpu.memref_slice %arg2[%dma_wait3A_176, %dma_wait3A_177] : memref<10000x48xf32, #tpu.memory_space<hbm>> -> memref<10000x48xf32, #tpu.memory_space<hbm>>
      tpu.wait_indirect_dma semaphore(%arg17 : memref<!tpu.dma_semaphore, #tpu.memory_space<semaphore_mem>>) src(%dma_wait3A_178 : memref<10000x48xf32, #tpu.memory_space<hbm>>) dst(%arg10 : memref<128x48xf32, #tpu.memory_space<vmem>>)
      %add3A_179 = arith.constant 2 : i32
      %add3A_180 = arith.addi %mul3A_120, %add3A_179 : i32
      %dma_start3A_181 = arith.constant 0 : i32
      %dma_start3A_182 = tpu.memref_slice %arg7[%add3A_180, %dma_start3A_181] : memref<79x128xi32, #tpu.memory_space<vmem>> -> memref<1x128xi32, #tpu.memory_space<vmem>>
      %dma_start3A_183 = tpu.memref_squeeze %dma_start3A_182 : memref<1x128xi32, #tpu.memory_space<vmem>> -> memref<128xi32, #tpu.memory_space<vmem>>
      %dma_start3A_184 = arith.constant 0 : i32
      %dma_start3A_185 = arith.constant 0 : i32
      %dma_start3A_186 = tpu.memref_slice %arg14[%dma_start3A_184, %dma_start3A_185] : memref<10240x48xf32, #tpu.memory_space<vmem_shared>> -> memref<10240x48xf32, #tpu.memory_space<vmem_shared>>
      tpu.enqueue_indirect_dma source(%arg10 : memref<128x48xf32, #tpu.memory_space<vmem>>) target(%dma_start3A_186 : memref<10240x48xf32, #tpu.memory_space<vmem_shared>>) offsets(%dma_start3A_183 : memref<128xi32, #tpu.memory_space<vmem>>) semaphore(%arg23 : memref<!tpu.dma_semaphore, #tpu.memory_space<semaphore_mem>>) {add = true}
      %add3A_187 = arith.constant 2 : i32
      %add3A_188 = arith.addi %mul3A_120, %add3A_187 : i32
      %add3A_189 = arith.constant 6 : i32
      %add3A_190 = arith.addi %add3A_188, %add3A_189 : i32
      %lt3A_191 = arith.constant 78 : i32
      %lt3A_192 = arith.cmpi slt, %add3A_190, %lt3A_191 : i32
      %convert_element_type3A_193 = arith.extui %lt3A_192 : i1 to i32
      %cond3A_194 = arith.constant 0 : i32
      %cond3A_195 = arith.cmpi ne, %convert_element_type3A_193, %cond3A_194 : i32
      scf.if %cond3A_195 {
        %add3A_271 = arith.constant 2 : i32
        %add3A_272 = arith.addi %mul3A_120, %add3A_271 : i32
        %dma_wait3A_273 = arith.constant 0 : i32
        %dma_wait3A_274 = tpu.memref_slice %arg7[%add3A_272, %dma_wait3A_273] : memref<79x128xi32, #tpu.memory_space<vmem>> -> memref<1x128xi32, #tpu.memory_space<vmem>>
        %dma_wait3A_275 = tpu.memref_squeeze %dma_wait3A_274 : memref<1x128xi32, #tpu.memory_space<vmem>> -> memref<128xi32, #tpu.memory_space<vmem>>
        %dma_wait3A_276 = arith.constant 0 : i32
        %dma_wait3A_277 = arith.constant 0 : i32
        %dma_wait3A_278 = tpu.memref_slice %arg14[%dma_wait3A_276, %dma_wait3A_277] : memref<10240x48xf32, #tpu.memory_space<vmem_shared>> -> memref<10240x48xf32, #tpu.memory_space<vmem_shared>>
        tpu.wait_indirect_dma semaphore(%arg23 : memref<!tpu.dma_semaphore, #tpu.memory_space<semaphore_mem>>) src(%arg10 : memref<128x48xf32, #tpu.memory_space<vmem>>) dst(%dma_wait3A_278 : memref<10240x48xf32, #tpu.memory_space<vmem_shared>>)
        %add3A_279 = arith.constant 2 : i32
        %add3A_280 = arith.addi %mul3A_120, %add3A_279 : i32
        %add3A_281 = arith.constant 6 : i32
        %add3A_282 = arith.addi %add3A_280, %add3A_281 : i32
        %dma_start3A_283 = arith.constant 0 : i32
        %dma_start3A_284 = tpu.memref_slice %arg6[%add3A_282, %dma_start3A_283] : memref<79x128xi32, #tpu.memory_space<vmem>> -> memref<1x128xi32, #tpu.memory_space<vmem>>
        %dma_start3A_285 = tpu.memref_squeeze %dma_start3A_284 : memref<1x128xi32, #tpu.memory_space<vmem>> -> memref<128xi32, #tpu.memory_space<vmem>>
        %dma_start3A_286 = arith.constant 0 : i32
        %dma_start3A_287 = arith.constant 0 : i32
        %dma_start3A_288 = tpu.memref_slice %arg2[%dma_start3A_286, %dma_start3A_287] : memref<10000x48xf32, #tpu.memory_space<hbm>> -> memref<10000x48xf32, #tpu.memory_space<hbm>>
        tpu.enqueue_indirect_dma source(%dma_start3A_288 : memref<10000x48xf32, #tpu.memory_space<hbm>>) target(%arg10 : memref<128x48xf32, #tpu.memory_space<vmem>>) offsets(%dma_start3A_285 : memref<128xi32, #tpu.memory_space<vmem>>) semaphore(%arg17 : memref<!tpu.dma_semaphore, #tpu.memory_space<semaphore_mem>>)
      } else {
      }
      %add3A_196 = arith.constant 3 : i32
      %add3A_197 = arith.addi %mul3A_120, %add3A_196 : i32
      %dma_wait3A_198 = arith.constant 0 : i32
      %dma_wait3A_199 = tpu.memref_slice %arg6[%add3A_197, %dma_wait3A_198] : memref<79x128xi32, #tpu.memory_space<vmem>> -> memref<1x128xi32, #tpu.memory_space<vmem>>
      %dma_wait3A_200 = tpu.memref_squeeze %dma_wait3A_199 : memref<1x128xi32, #tpu.memory_space<vmem>> -> memref<128xi32, #tpu.memory_space<vmem>>
      %dma_wait3A_201 = arith.constant 0 : i32
      %dma_wait3A_202 = arith.constant 0 : i32
      %dma_wait3A_203 = tpu.memref_slice %arg2[%dma_wait3A_201, %dma_wait3A_202] : memref<10000x48xf32, #tpu.memory_space<hbm>> -> memref<10000x48xf32, #tpu.memory_space<hbm>>
      tpu.wait_indirect_dma semaphore(%arg18 : memref<!tpu.dma_semaphore, #tpu.memory_space<semaphore_mem>>) src(%dma_wait3A_203 : memref<10000x48xf32, #tpu.memory_space<hbm>>) dst(%arg11 : memref<128x48xf32, #tpu.memory_space<vmem>>)
      %add3A_204 = arith.constant 3 : i32
      %add3A_205 = arith.addi %mul3A_120, %add3A_204 : i32
      %dma_start3A_206 = arith.constant 0 : i32
      %dma_start3A_207 = tpu.memref_slice %arg7[%add3A_205, %dma_start3A_206] : memref<79x128xi32, #tpu.memory_space<vmem>> -> memref<1x128xi32, #tpu.memory_space<vmem>>
      %dma_start3A_208 = tpu.memref_squeeze %dma_start3A_207 : memref<1x128xi32, #tpu.memory_space<vmem>> -> memref<128xi32, #tpu.memory_space<vmem>>
      %dma_start3A_209 = arith.constant 0 : i32
      %dma_start3A_210 = arith.constant 0 : i32
      %dma_start3A_211 = tpu.memref_slice %arg14[%dma_start3A_209, %dma_start3A_210] : memref<10240x48xf32, #tpu.memory_space<vmem_shared>> -> memref<10240x48xf32, #tpu.memory_space<vmem_shared>>
      tpu.enqueue_indirect_dma source(%arg11 : memref<128x48xf32, #tpu.memory_space<vmem>>) target(%dma_start3A_211 : memref<10240x48xf32, #tpu.memory_space<vmem_shared>>) offsets(%dma_start3A_208 : memref<128xi32, #tpu.memory_space<vmem>>) semaphore(%arg24 : memref<!tpu.dma_semaphore, #tpu.memory_space<semaphore_mem>>) {add = true}
      %add3A_212 = arith.constant 3 : i32
      %add3A_213 = arith.addi %mul3A_120, %add3A_212 : i32
      %add3A_214 = arith.constant 6 : i32
      %add3A_215 = arith.addi %add3A_213, %add3A_214 : i32
      %lt3A_216 = arith.constant 78 : i32
      %lt3A_217 = arith.cmpi slt, %add3A_215, %lt3A_216 : i32
      %convert_element_type3A_218 = arith.extui %lt3A_217 : i1 to i32
      %cond3A_219 = arith.constant 0 : i32
      %cond3A_220 = arith.cmpi ne, %convert_element_type3A_218, %cond3A_219 : i32
      scf.if %cond3A_220 {
        %add3A_271 = arith.constant 3 : i32
        %add3A_272 = arith.addi %mul3A_120, %add3A_271 : i32
        %dma_wait3A_273 = arith.constant 0 : i32
        %dma_wait3A_274 = tpu.memref_slice %arg7[%add3A_272, %dma_wait3A_273] : memref<79x128xi32, #tpu.memory_space<vmem>> -> memref<1x128xi32, #tpu.memory_space<vmem>>
        %dma_wait3A_275 = tpu.memref_squeeze %dma_wait3A_274 : memref<1x128xi32, #tpu.memory_space<vmem>> -> memref<128xi32, #tpu.memory_space<vmem>>
        %dma_wait3A_276 = arith.constant 0 : i32
        %dma_wait3A_277 = arith.constant 0 : i32
        %dma_wait3A_278 = tpu.memref_slice %arg14[%dma_wait3A_276, %dma_wait3A_277] : memref<10240x48xf32, #tpu.memory_space<vmem_shared>> -> memref<10240x48xf32, #tpu.memory_space<vmem_shared>>
        tpu.wait_indirect_dma semaphore(%arg24 : memref<!tpu.dma_semaphore, #tpu.memory_space<semaphore_mem>>) src(%arg11 : memref<128x48xf32, #tpu.memory_space<vmem>>) dst(%dma_wait3A_278 : memref<10240x48xf32, #tpu.memory_space<vmem_shared>>)
        %add3A_279 = arith.constant 3 : i32
        %add3A_280 = arith.addi %mul3A_120, %add3A_279 : i32
        %add3A_281 = arith.constant 6 : i32
        %add3A_282 = arith.addi %add3A_280, %add3A_281 : i32
        %dma_start3A_283 = arith.constant 0 : i32
        %dma_start3A_284 = tpu.memref_slice %arg6[%add3A_282, %dma_start3A_283] : memref<79x128xi32, #tpu.memory_space<vmem>> -> memref<1x128xi32, #tpu.memory_space<vmem>>
        %dma_start3A_285 = tpu.memref_squeeze %dma_start3A_284 : memref<1x128xi32, #tpu.memory_space<vmem>> -> memref<128xi32, #tpu.memory_space<vmem>>
        %dma_start3A_286 = arith.constant 0 : i32
        %dma_start3A_287 = arith.constant 0 : i32
        %dma_start3A_288 = tpu.memref_slice %arg2[%dma_start3A_286, %dma_start3A_287] : memref<10000x48xf32, #tpu.memory_space<hbm>> -> memref<10000x48xf32, #tpu.memory_space<hbm>>
        tpu.enqueue_indirect_dma source(%dma_start3A_288 : memref<10000x48xf32, #tpu.memory_space<hbm>>) target(%arg11 : memref<128x48xf32, #tpu.memory_space<vmem>>) offsets(%dma_start3A_285 : memref<128xi32, #tpu.memory_space<vmem>>) semaphore(%arg18 : memref<!tpu.dma_semaphore, #tpu.memory_space<semaphore_mem>>)
      } else {
      }
      %add3A_221 = arith.constant 4 : i32
      %add3A_222 = arith.addi %mul3A_120, %add3A_221 : i32
      %dma_wait3A_223 = arith.constant 0 : i32
      %dma_wait3A_224 = tpu.memref_slice %arg6[%add3A_222, %dma_wait3A_223] : memref<79x128xi32, #tpu.memory_space<vmem>> -> memref<1x128xi32, #tpu.memory_space<vmem>>
      %dma_wait3A_225 = tpu.memref_squeeze %dma_wait3A_224 : memref<1x128xi32, #tpu.memory_space<vmem>> -> memref<128xi32, #tpu.memory_space<vmem>>
      %dma_wait3A_226 = arith.constant 0 : i32
      %dma_wait3A_227 = arith.constant 0 : i32
      %dma_wait3A_228 = tpu.memref_slice %arg2[%dma_wait3A_226, %dma_wait3A_227] : memref<10000x48xf32, #tpu.memory_space<hbm>> -> memref<10000x48xf32, #tpu.memory_space<hbm>>
      tpu.wait_indirect_dma semaphore(%arg19 : memref<!tpu.dma_semaphore, #tpu.memory_space<semaphore_mem>>) src(%dma_wait3A_228 : memref<10000x48xf32, #tpu.memory_space<hbm>>) dst(%arg12 : memref<128x48xf32, #tpu.memory_space<vmem>>)
      %add3A_229 = arith.constant 4 : i32
      %add3A_230 = arith.addi %mul3A_120, %add3A_229 : i32
      %dma_start3A_231 = arith.constant 0 : i32
      %dma_start3A_232 = tpu.memref_slice %arg7[%add3A_230, %dma_start3A_231] : memref<79x128xi32, #tpu.memory_space<vmem>> -> memref<1x128xi32, #tpu.memory_space<vmem>>
      %dma_start3A_233 = tpu.memref_squeeze %dma_start3A_232 : memref<1x128xi32, #tpu.memory_space<vmem>> -> memref<128xi32, #tpu.memory_space<vmem>>
      %dma_start3A_234 = arith.constant 0 : i32
      %dma_start3A_235 = arith.constant 0 : i32
      %dma_start3A_236 = tpu.memref_slice %arg14[%dma_start3A_234, %dma_start3A_235] : memref<10240x48xf32, #tpu.memory_space<vmem_shared>> -> memref<10240x48xf32, #tpu.memory_space<vmem_shared>>
      tpu.enqueue_indirect_dma source(%arg12 : memref<128x48xf32, #tpu.memory_space<vmem>>) target(%dma_start3A_236 : memref<10240x48xf32, #tpu.memory_space<vmem_shared>>) offsets(%dma_start3A_233 : memref<128xi32, #tpu.memory_space<vmem>>) semaphore(%arg25 : memref<!tpu.dma_semaphore, #tpu.memory_space<semaphore_mem>>) {add = true}
      %add3A_237 = arith.constant 4 : i32
      %add3A_238 = arith.addi %mul3A_120, %add3A_237 : i32
      %add3A_239 = arith.constant 6 : i32
      %add3A_240 = arith.addi %add3A_238, %add3A_239 : i32
      %lt3A_241 = arith.constant 78 : i32
      %lt3A_242 = arith.cmpi slt, %add3A_240, %lt3A_241 : i32
      %convert_element_type3A_243 = arith.extui %lt3A_242 : i1 to i32
      %cond3A_244 = arith.constant 0 : i32
      %cond3A_245 = arith.cmpi ne, %convert_element_type3A_243, %cond3A_244 : i32
      scf.if %cond3A_245 {
        %add3A_271 = arith.constant 4 : i32
        %add3A_272 = arith.addi %mul3A_120, %add3A_271 : i32
        %dma_wait3A_273 = arith.constant 0 : i32
        %dma_wait3A_274 = tpu.memref_slice %arg7[%add3A_272, %dma_wait3A_273] : memref<79x128xi32, #tpu.memory_space<vmem>> -> memref<1x128xi32, #tpu.memory_space<vmem>>
        %dma_wait3A_275 = tpu.memref_squeeze %dma_wait3A_274 : memref<1x128xi32, #tpu.memory_space<vmem>> -> memref<128xi32, #tpu.memory_space<vmem>>
        %dma_wait3A_276 = arith.constant 0 : i32
        %dma_wait3A_277 = arith.constant 0 : i32
        %dma_wait3A_278 = tpu.memref_slice %arg14[%dma_wait3A_276, %dma_wait3A_277] : memref<10240x48xf32, #tpu.memory_space<vmem_shared>> -> memref<10240x48xf32, #tpu.memory_space<vmem_shared>>
        tpu.wait_indirect_dma semaphore(%arg25 : memref<!tpu.dma_semaphore, #tpu.memory_space<semaphore_mem>>) src(%arg12 : memref<128x48xf32, #tpu.memory_space<vmem>>) dst(%dma_wait3A_278 : memref<10240x48xf32, #tpu.memory_space<vmem_shared>>)
        %add3A_279 = arith.constant 4 : i32
        %add3A_280 = arith.addi %mul3A_120, %add3A_279 : i32
        %add3A_281 = arith.constant 6 : i32
        %add3A_282 = arith.addi %add3A_280, %add3A_281 : i32
        %dma_start3A_283 = arith.constant 0 : i32
        %dma_start3A_284 = tpu.memref_slice %arg6[%add3A_282, %dma_start3A_283] : memref<79x128xi32, #tpu.memory_space<vmem>> -> memref<1x128xi32, #tpu.memory_space<vmem>>
        %dma_start3A_285 = tpu.memref_squeeze %dma_start3A_284 : memref<1x128xi32, #tpu.memory_space<vmem>> -> memref<128xi32, #tpu.memory_space<vmem>>
        %dma_start3A_286 = arith.constant 0 : i32
        %dma_start3A_287 = arith.constant 0 : i32
        %dma_start3A_288 = tpu.memref_slice %arg2[%dma_start3A_286, %dma_start3A_287] : memref<10000x48xf32, #tpu.memory_space<hbm>> -> memref<10000x48xf32, #tpu.memory_space<hbm>>
        tpu.enqueue_indirect_dma source(%dma_start3A_288 : memref<10000x48xf32, #tpu.memory_space<hbm>>) target(%arg12 : memref<128x48xf32, #tpu.memory_space<vmem>>) offsets(%dma_start3A_285 : memref<128xi32, #tpu.memory_space<vmem>>) semaphore(%arg19 : memref<!tpu.dma_semaphore, #tpu.memory_space<semaphore_mem>>)
      } else {
      }
      %add3A_246 = arith.constant 5 : i32
      %add3A_247 = arith.addi %mul3A_120, %add3A_246 : i32
      %dma_wait3A_248 = arith.constant 0 : i32
      %dma_wait3A_249 = tpu.memref_slice %arg6[%add3A_247, %dma_wait3A_248] : memref<79x128xi32, #tpu.memory_space<vmem>> -> memref<1x128xi32, #tpu.memory_space<vmem>>
      %dma_wait3A_250 = tpu.memref_squeeze %dma_wait3A_249 : memref<1x128xi32, #tpu.memory_space<vmem>> -> memref<128xi32, #tpu.memory_space<vmem>>
      %dma_wait3A_251 = arith.constant 0 : i32
      %dma_wait3A_252 = arith.constant 0 : i32
      %dma_wait3A_253 = tpu.memref_slice %arg2[%dma_wait3A_251, %dma_wait3A_252] : memref<10000x48xf32, #tpu.memory_space<hbm>> -> memref<10000x48xf32, #tpu.memory_space<hbm>>
      tpu.wait_indirect_dma semaphore(%arg20 : memref<!tpu.dma_semaphore, #tpu.memory_space<semaphore_mem>>) src(%dma_wait3A_253 : memref<10000x48xf32, #tpu.memory_space<hbm>>) dst(%arg13 : memref<128x48xf32, #tpu.memory_space<vmem>>)
      %add3A_254 = arith.constant 5 : i32
      %add3A_255 = arith.addi %mul3A_120, %add3A_254 : i32
      %dma_start3A_256 = arith.constant 0 : i32
      %dma_start3A_257 = tpu.memref_slice %arg7[%add3A_255, %dma_start3A_256] : memref<79x128xi32, #tpu.memory_space<vmem>> -> memref<1x128xi32, #tpu.memory_space<vmem>>
      %dma_start3A_258 = tpu.memref_squeeze %dma_start3A_257 : memref<1x128xi32, #tpu.memory_space<vmem>> -> memref<128xi32, #tpu.memory_space<vmem>>
      %dma_start3A_259 = arith.constant 0 : i32
      %dma_start3A_260 = arith.constant 0 : i32
      %dma_start3A_261 = tpu.memref_slice %arg14[%dma_start3A_259, %dma_start3A_260] : memref<10240x48xf32, #tpu.memory_space<vmem_shared>> -> memref<10240x48xf32, #tpu.memory_space<vmem_shared>>
      tpu.enqueue_indirect_dma source(%arg13 : memref<128x48xf32, #tpu.memory_space<vmem>>) target(%dma_start3A_261 : memref<10240x48xf32, #tpu.memory_space<vmem_shared>>) offsets(%dma_start3A_258 : memref<128xi32, #tpu.memory_space<vmem>>) semaphore(%arg26 : memref<!tpu.dma_semaphore, #tpu.memory_space<semaphore_mem>>) {add = true}
      %add3A_262 = arith.constant 5 : i32
      %add3A_263 = arith.addi %mul3A_120, %add3A_262 : i32
      %add3A_264 = arith.constant 6 : i32
      %add3A_265 = arith.addi %add3A_263, %add3A_264 : i32
      %lt3A_266 = arith.constant 78 : i32
      %lt3A_267 = arith.cmpi slt, %add3A_265, %lt3A_266 : i32
      %convert_element_type3A_268 = arith.extui %lt3A_267 : i1 to i32
      %cond3A_269 = arith.constant 0 : i32
      %cond3A_270 = arith.cmpi ne, %convert_element_type3A_268, %cond3A_269 : i32
      scf.if %cond3A_270 {
        %add3A_271 = arith.constant 5 : i32
        %add3A_272 = arith.addi %mul3A_120, %add3A_271 : i32
        %dma_wait3A_273 = arith.constant 0 : i32
        %dma_wait3A_274 = tpu.memref_slice %arg7[%add3A_272, %dma_wait3A_273] : memref<79x128xi32, #tpu.memory_space<vmem>> -> memref<1x128xi32, #tpu.memory_space<vmem>>
        %dma_wait3A_275 = tpu.memref_squeeze %dma_wait3A_274 : memref<1x128xi32, #tpu.memory_space<vmem>> -> memref<128xi32, #tpu.memory_space<vmem>>
        %dma_wait3A_276 = arith.constant 0 : i32
        %dma_wait3A_277 = arith.constant 0 : i32
        %dma_wait3A_278 = tpu.memref_slice %arg14[%dma_wait3A_276, %dma_wait3A_277] : memref<10240x48xf32, #tpu.memory_space<vmem_shared>> -> memref<10240x48xf32, #tpu.memory_space<vmem_shared>>
        tpu.wait_indirect_dma semaphore(%arg26 : memref<!tpu.dma_semaphore, #tpu.memory_space<semaphore_mem>>) src(%arg13 : memref<128x48xf32, #tpu.memory_space<vmem>>) dst(%dma_wait3A_278 : memref<10240x48xf32, #tpu.memory_space<vmem_shared>>)
        %add3A_279 = arith.constant 5 : i32
        %add3A_280 = arith.addi %mul3A_120, %add3A_279 : i32
        %add3A_281 = arith.constant 6 : i32
        %add3A_282 = arith.addi %add3A_280, %add3A_281 : i32
        %dma_start3A_283 = arith.constant 0 : i32
        %dma_start3A_284 = tpu.memref_slice %arg6[%add3A_282, %dma_start3A_283] : memref<79x128xi32, #tpu.memory_space<vmem>> -> memref<1x128xi32, #tpu.memory_space<vmem>>
        %dma_start3A_285 = tpu.memref_squeeze %dma_start3A_284 : memref<1x128xi32, #tpu.memory_space<vmem>> -> memref<128xi32, #tpu.memory_space<vmem>>
        %dma_start3A_286 = arith.constant 0 : i32
        %dma_start3A_287 = arith.constant 0 : i32
        %dma_start3A_288 = tpu.memref_slice %arg2[%dma_start3A_286, %dma_start3A_287] : memref<10000x48xf32, #tpu.memory_space<hbm>> -> memref<10000x48xf32, #tpu.memory_space<hbm>>
        tpu.enqueue_indirect_dma source(%dma_start3A_288 : memref<10000x48xf32, #tpu.memory_space<hbm>>) target(%arg13 : memref<128x48xf32, #tpu.memory_space<vmem>>) offsets(%dma_start3A_285 : memref<128xi32, #tpu.memory_space<vmem>>) semaphore(%arg20 : memref<!tpu.dma_semaphore, #tpu.memory_space<semaphore_mem>>)
      } else {
      }
    }
    %scan3A_75 = arith.constant 13 : i32
    %dma_wait3A = arith.constant 72 : i32
    %dma_wait3A_76 = arith.constant 0 : i32
    %dma_wait3A_77 = tpu.memref_slice %arg7[%dma_wait3A, %dma_wait3A_76] : memref<79x128xi32, #tpu.memory_space<vmem>> -> memref<1x128xi32, #tpu.memory_space<vmem>>
    %dma_wait3A_78 = tpu.memref_squeeze %dma_wait3A_77 : memref<1x128xi32, #tpu.memory_space<vmem>> -> memref<128xi32, #tpu.memory_space<vmem>>
    %dma_wait3A_79 = arith.constant 0 : i32
    %dma_wait3A_80 = arith.constant 0 : i32
    %dma_wait3A_81 = tpu.memref_slice %arg14[%dma_wait3A_79, %dma_wait3A_80] : memref<10240x48xf32, #tpu.memory_space<vmem_shared>> -> memref<10240x48xf32, #tpu.memory_space<vmem_shared>>
    tpu.wait_indirect_dma semaphore(%arg21 : memref<!tpu.dma_semaphore, #tpu.memory_space<semaphore_mem>>) src(%arg8 : memref<128x48xf32, #tpu.memory_space<vmem>>) dst(%dma_wait3A_81 : memref<10240x48xf32, #tpu.memory_space<vmem_shared>>)
    %dma_wait3A_82 = arith.constant 73 : i32
    %dma_wait3A_83 = arith.constant 0 : i32
    %dma_wait3A_84 = tpu.memref_slice %arg7[%dma_wait3A_82, %dma_wait3A_83] : memref<79x128xi32, #tpu.memory_space<vmem>> -> memref<1x128xi32, #tpu.memory_space<vmem>>
    %dma_wait3A_85 = tpu.memref_squeeze %dma_wait3A_84 : memref<1x128xi32, #tpu.memory_space<vmem>> -> memref<128xi32, #tpu.memory_space<vmem>>
    %dma_wait3A_86 = arith.constant 0 : i32
    %dma_wait3A_87 = arith.constant 0 : i32
    %dma_wait3A_88 = tpu.memref_slice %arg14[%dma_wait3A_86, %dma_wait3A_87] : memref<10240x48xf32, #tpu.memory_space<vmem_shared>> -> memref<10240x48xf32, #tpu.memory_space<vmem_shared>>
    tpu.wait_indirect_dma semaphore(%arg22 : memref<!tpu.dma_semaphore, #tpu.memory_space<semaphore_mem>>) src(%arg9 : memref<128x48xf32, #tpu.memory_space<vmem>>) dst(%dma_wait3A_88 : memref<10240x48xf32, #tpu.memory_space<vmem_shared>>)
    %dma_wait3A_89 = arith.constant 74 : i32
    %dma_wait3A_90 = arith.constant 0 : i32
    %dma_wait3A_91 = tpu.memref_slice %arg7[%dma_wait3A_89, %dma_wait3A_90] : memref<79x128xi32, #tpu.memory_space<vmem>> -> memref<1x128xi32, #tpu.memory_space<vmem>>
    %dma_wait3A_92 = tpu.memref_squeeze %dma_wait3A_91 : memref<1x128xi32, #tpu.memory_space<vmem>> -> memref<128xi32, #tpu.memory_space<vmem>>
    %dma_wait3A_93 = arith.constant 0 : i32
    %dma_wait3A_94 = arith.constant 0 : i32
    %dma_wait3A_95 = tpu.memref_slice %arg14[%dma_wait3A_93, %dma_wait3A_94] : memref<10240x48xf32, #tpu.memory_space<vmem_shared>> -> memref<10240x48xf32, #tpu.memory_space<vmem_shared>>
    tpu.wait_indirect_dma semaphore(%arg23 : memref<!tpu.dma_semaphore, #tpu.memory_space<semaphore_mem>>) src(%arg10 : memref<128x48xf32, #tpu.memory_space<vmem>>) dst(%dma_wait3A_95 : memref<10240x48xf32, #tpu.memory_space<vmem_shared>>)
    %dma_wait3A_96 = arith.constant 75 : i32
    %dma_wait3A_97 = arith.constant 0 : i32
    %dma_wait3A_98 = tpu.memref_slice %arg7[%dma_wait3A_96, %dma_wait3A_97] : memref<79x128xi32, #tpu.memory_space<vmem>> -> memref<1x128xi32, #tpu.memory_space<vmem>>
    %dma_wait3A_99 = tpu.memref_squeeze %dma_wait3A_98 : memref<1x128xi32, #tpu.memory_space<vmem>> -> memref<128xi32, #tpu.memory_space<vmem>>
    %dma_wait3A_100 = arith.constant 0 : i32
    %dma_wait3A_101 = arith.constant 0 : i32
    %dma_wait3A_102 = tpu.memref_slice %arg14[%dma_wait3A_100, %dma_wait3A_101] : memref<10240x48xf32, #tpu.memory_space<vmem_shared>> -> memref<10240x48xf32, #tpu.memory_space<vmem_shared>>
    tpu.wait_indirect_dma semaphore(%arg24 : memref<!tpu.dma_semaphore, #tpu.memory_space<semaphore_mem>>) src(%arg11 : memref<128x48xf32, #tpu.memory_space<vmem>>) dst(%dma_wait3A_102 : memref<10240x48xf32, #tpu.memory_space<vmem_shared>>)
    %dma_wait3A_103 = arith.constant 76 : i32
    %dma_wait3A_104 = arith.constant 0 : i32
    %dma_wait3A_105 = tpu.memref_slice %arg7[%dma_wait3A_103, %dma_wait3A_104] : memref<79x128xi32, #tpu.memory_space<vmem>> -> memref<1x128xi32, #tpu.memory_space<vmem>>
    %dma_wait3A_106 = tpu.memref_squeeze %dma_wait3A_105 : memref<1x128xi32, #tpu.memory_space<vmem>> -> memref<128xi32, #tpu.memory_space<vmem>>
    %dma_wait3A_107 = arith.constant 0 : i32
    %dma_wait3A_108 = arith.constant 0 : i32
    %dma_wait3A_109 = tpu.memref_slice %arg14[%dma_wait3A_107, %dma_wait3A_108] : memref<10240x48xf32, #tpu.memory_space<vmem_shared>> -> memref<10240x48xf32, #tpu.memory_space<vmem_shared>>
    tpu.wait_indirect_dma semaphore(%arg25 : memref<!tpu.dma_semaphore, #tpu.memory_space<semaphore_mem>>) src(%arg12 : memref<128x48xf32, #tpu.memory_space<vmem>>) dst(%dma_wait3A_109 : memref<10240x48xf32, #tpu.memory_space<vmem_shared>>)
    %dma_wait3A_110 = arith.constant 77 : i32
    %dma_wait3A_111 = arith.constant 0 : i32
    %dma_wait3A_112 = tpu.memref_slice %arg7[%dma_wait3A_110, %dma_wait3A_111] : memref<79x128xi32, #tpu.memory_space<vmem>> -> memref<1x128xi32, #tpu.memory_space<vmem>>
    %dma_wait3A_113 = tpu.memref_squeeze %dma_wait3A_112 : memref<1x128xi32, #tpu.memory_space<vmem>> -> memref<128xi32, #tpu.memory_space<vmem>>
    %dma_wait3A_114 = arith.constant 0 : i32
    %dma_wait3A_115 = arith.constant 0 : i32
    %dma_wait3A_116 = tpu.memref_slice %arg14[%dma_wait3A_114, %dma_wait3A_115] : memref<10240x48xf32, #tpu.memory_space<vmem_shared>> -> memref<10240x48xf32, #tpu.memory_space<vmem_shared>>
    tpu.wait_indirect_dma semaphore(%arg26 : memref<!tpu.dma_semaphore, #tpu.memory_space<semaphore_mem>>) src(%arg13 : memref<128x48xf32, #tpu.memory_space<vmem>>) dst(%dma_wait3A_116 : memref<10240x48xf32, #tpu.memory_space<vmem_shared>>)
    %barrier3A_117 = arith.constant 0 : index
    tpu.barrier barrier_id(%barrier3A_117)
    "tpu.region"() ({
      %run_scoped3A_118 = tpu.sem_alloc : memref<!tpu.dma_semaphore, #tpu.memory_space<semaphore_mem>>
      %dma_start3A_119 = arith.constant 0 : i32
      %dma_start3A_120 = tpu.memref_slice %arg5[%arg0, %mul3A_26, %dma_start3A_119] : memref<2x10240x128xf32, #tpu.memory_space<hbm>> -> memref<1x640x48xf32, #tpu.memory_space<hbm>>
      %dma_start3A_121 = tpu.memref_squeeze %dma_start3A_120 : memref<1x640x48xf32, #tpu.memory_space<hbm>> -> memref<640x48xf32, #tpu.memory_space<hbm>>
      %dma_start3A_122 = arith.constant 0 : i32
      %dma_start3A_123 = tpu.memref_slice %arg14[%mul3A_26, %dma_start3A_122] : memref<10240x48xf32, #tpu.memory_space<vmem_shared>> -> memref<640x48xf32, #tpu.memory_space<vmem_shared>>
      tpu.enqueue_dma source(%dma_start3A_123 : memref<640x48xf32, #tpu.memory_space<vmem_shared>>) target(%dma_start3A_121 : memref<640x48xf32, #tpu.memory_space<hbm>>) target_semaphore(%run_scoped3A_118 : memref<!tpu.dma_semaphore, #tpu.memory_space<semaphore_mem>>)
      %dma_wait3A_124 = arith.constant 0 : i32
      %dma_wait3A_125 = tpu.memref_slice %arg5[%arg0, %mul3A_26, %dma_wait3A_124] : memref<2x10240x128xf32, #tpu.memory_space<hbm>> -> memref<1x640x48xf32, #tpu.memory_space<hbm>>
      %dma_wait3A_126 = tpu.memref_squeeze %dma_wait3A_125 : memref<1x640x48xf32, #tpu.memory_space<hbm>> -> memref<640x48xf32, #tpu.memory_space<hbm>>
      %dma_wait3A_127 = arith.constant 0 : i32
      %dma_wait3A_128 = tpu.memref_slice %arg14[%mul3A_26, %dma_wait3A_127] : memref<10240x48xf32, #tpu.memory_space<vmem_shared>> -> memref<640x48xf32, #tpu.memory_space<vmem_shared>>
      tpu.wait_dma2 semaphore(%run_scoped3A_118 : memref<!tpu.dma_semaphore, #tpu.memory_space<semaphore_mem>>) src(%dma_wait3A_128 : memref<640x48xf32, #tpu.memory_space<vmem_shared>>) dst(%dma_wait3A_126 : memref<640x48xf32, #tpu.memory_space<hbm>>)
      tpu.yield
    }) : () -> ()
    return
  }
}

#map = affine_map<(d0, d1) -> (0, 0, 0)>
#map1 = affine_map<(d0, d1) -> (0)>
#map2 = affine_map<(d0, d1) -> (0, 0)>
module attributes {stable_mosaic.version = 14 : i64} {
  func.func @deg_kernel(%arg0: i32, %arg1: i32, %arg2: memref<2x2500x128xi32, #tpu.memory_space<hbm>>, %arg3: memref<128xf32, #tpu.memory_space<hbm>>, %arg4: memref<640xf32, #tpu.memory_space<hbm>>, %arg5: memref<2x10240xf32, #tpu.memory_space<hbm>>, %arg6: memref<2x10240xf32, #tpu.memory_space<hbm>>, %arg7: memref<79x128xi32, #tpu.memory_space<vmem>>, %arg8: memref<79x128xi32, #tpu.memory_space<vmem>>, %arg9: memref<128xf32, #tpu.memory_space<vmem>>, %arg10: memref<10240xf32, #tpu.memory_space<vmem_shared>>, %arg11: memref<10240xf32, #tpu.memory_space<vmem_shared>>, %arg12: memref<!tpu.dma_semaphore, #tpu.memory_space<semaphore_mem>>, %arg13: memref<!tpu.dma_semaphore, #tpu.memory_space<semaphore_mem>>) attributes {dimension_semantics = [#tpu.dimension_semantics<core_parallel>, #tpu.dimension_semantics<subcore_parallel>], iteration_bounds = array<i64: 2, 16>, scalar_prefetch = 0 : i64, scratch_operands = 7 : i64, tpu.core_type = #tpu.core_type<sc_vector_subcore>, window_params = [{transform_indices = #map}, {transform_indices = #map1}, {transform_indices = #map1}, {transform_indices = #map2}, {transform_indices = #map2}]} {
    %mul3A = arith.constant 16 : i32
    %mul3A_0 = arith.muli %arg0, %mul3A : i32
    %add3A = arith.addi %mul3A_0, %arg1 : i32
    %mul3A_1 = arith.constant 78 : i32
    %mul3A_2 = arith.muli %add3A, %mul3A_1 : i32
    %min3A = arith.constant 4 : i32
    %min3A_3 = arith.minsi %add3A, %min3A : i32
    %add3A_4 = arith.addi %mul3A_2, %min3A_3 : i32
    %lt3A = arith.constant 4 : i32
    %lt3A_5 = arith.cmpi slt, %add3A, %lt3A : i32
    %run_scoped3A = arith.constant 0 : i32
    "tpu.region"() ({
      %run_scoped3A_45 = tpu.sem_alloc : memref<!tpu.dma_semaphore, #tpu.memory_space<semaphore_mem>>
      %dma_start3A = arith.constant 0 : i32
      %dma_start3A_46 = arith.constant 0 : i32
      %dma_start3A_47 = tpu.memref_slice %arg7[%dma_start3A, %dma_start3A_46] : memref<79x128xi32, #tpu.memory_space<vmem>> -> memref<78x128xi32, #tpu.memory_space<vmem>>
      %dma_start3A_48 = arith.constant 0 : i32
      %dma_start3A_49 = tpu.memref_slice %arg2[%run_scoped3A, %add3A_4, %dma_start3A_48] : memref<2x2500x128xi32, #tpu.memory_space<hbm>> -> memref<1x78x128xi32, #tpu.memory_space<hbm>>
      %dma_start3A_50 = tpu.memref_squeeze %dma_start3A_49 : memref<1x78x128xi32, #tpu.memory_space<hbm>> -> memref<78x128xi32, #tpu.memory_space<hbm>>
      %dma_start3A_51 = arith.constant 0 : i32
      %dma_start3A_52 = arith.constant 0 : i32
      %dma_start3A_53 = tpu.memref_slice %arg7[%dma_start3A_51, %dma_start3A_52] : memref<79x128xi32, #tpu.memory_space<vmem>> -> memref<78x128xi32, #tpu.memory_space<vmem>>
      %dma_start3A_54 = arith.constant 0 : i32
      %dma_start3A_55 = tpu.memref_slice %arg2[%run_scoped3A, %add3A_4, %dma_start3A_54] : memref<2x2500x128xi32, #tpu.memory_space<hbm>> -> memref<1x78x128xi32, #tpu.memory_space<hbm>>
      %dma_start3A_56 = tpu.memref_squeeze %dma_start3A_55 : memref<1x78x128xi32, #tpu.memory_space<hbm>> -> memref<78x128xi32, #tpu.memory_space<hbm>>
      tpu.enqueue_dma source(%dma_start3A_56 : memref<78x128xi32, #tpu.memory_space<hbm>>) target(%dma_start3A_53 : memref<78x128xi32, #tpu.memory_space<vmem>>) target_semaphore(%run_scoped3A_45 : memref<!tpu.dma_semaphore, #tpu.memory_space<semaphore_mem>>)
      %dma_wait3A = arith.constant 0 : i32
      %dma_wait3A_57 = arith.constant 0 : i32
      %dma_wait3A_58 = tpu.memref_slice %arg7[%dma_wait3A, %dma_wait3A_57] : memref<79x128xi32, #tpu.memory_space<vmem>> -> memref<78x128xi32, #tpu.memory_space<vmem>>
      %dma_wait3A_59 = arith.constant 0 : i32
      %dma_wait3A_60 = tpu.memref_slice %arg2[%run_scoped3A, %add3A_4, %dma_wait3A_59] : memref<2x2500x128xi32, #tpu.memory_space<hbm>> -> memref<1x78x128xi32, #tpu.memory_space<hbm>>
      %dma_wait3A_61 = tpu.memref_squeeze %dma_wait3A_60 : memref<1x78x128xi32, #tpu.memory_space<hbm>> -> memref<78x128xi32, #tpu.memory_space<hbm>>
      %dma_wait3A_62 = arith.constant 0 : i32
      %dma_wait3A_63 = arith.constant 0 : i32
      %dma_wait3A_64 = tpu.memref_slice %arg7[%dma_wait3A_62, %dma_wait3A_63] : memref<79x128xi32, #tpu.memory_space<vmem>> -> memref<78x128xi32, #tpu.memory_space<vmem>>
      %dma_wait3A_65 = arith.constant 0 : i32
      %dma_wait3A_66 = tpu.memref_slice %arg2[%run_scoped3A, %add3A_4, %dma_wait3A_65] : memref<2x2500x128xi32, #tpu.memory_space<hbm>> -> memref<1x78x128xi32, #tpu.memory_space<hbm>>
      %dma_wait3A_67 = tpu.memref_squeeze %dma_wait3A_66 : memref<1x78x128xi32, #tpu.memory_space<hbm>> -> memref<78x128xi32, #tpu.memory_space<hbm>>
      tpu.wait_dma2 semaphore(%run_scoped3A_45 : memref<!tpu.dma_semaphore, #tpu.memory_space<semaphore_mem>>) src(%dma_wait3A_67 : memref<78x128xi32, #tpu.memory_space<hbm>>) dst(%dma_wait3A_64 : memref<78x128xi32, #tpu.memory_space<vmem>>)
      tpu.yield
    }) : () -> ()
    %convert_element_type3A = arith.extui %lt3A_5 : i1 to i32
    %cond3A = arith.constant 0 : i32
    %cond3A_6 = arith.cmpi ne, %convert_element_type3A, %cond3A : i32
    scf.if %cond3A_6 {
      %add3A_45 = arith.constant 78 : i32
      %add3A_46 = arith.addi %add3A_4, %add3A_45 : i32
      %run_scoped3A_47 = arith.constant 0 : i32
      "tpu.region"() ({
        %run_scoped3A_48 = tpu.sem_alloc : memref<!tpu.dma_semaphore, #tpu.memory_space<semaphore_mem>>
        %dma_start3A = arith.constant 78 : i32
        %dma_start3A_49 = arith.constant 0 : i32
        %dma_start3A_50 = tpu.memref_slice %arg7[%dma_start3A, %dma_start3A_49] : memref<79x128xi32, #tpu.memory_space<vmem>> -> memref<1x128xi32, #tpu.memory_space<vmem>>
        %dma_start3A_51 = arith.constant 0 : i32
        %dma_start3A_52 = tpu.memref_slice %arg2[%run_scoped3A_47, %add3A_46, %dma_start3A_51] : memref<2x2500x128xi32, #tpu.memory_space<hbm>> -> memref<1x1x128xi32, #tpu.memory_space<hbm>>
        %dma_start3A_53 = tpu.memref_squeeze %dma_start3A_52 : memref<1x1x128xi32, #tpu.memory_space<hbm>> -> memref<1x128xi32, #tpu.memory_space<hbm>>
        %dma_start3A_54 = arith.constant 78 : i32
        %dma_start3A_55 = arith.constant 0 : i32
        %dma_start3A_56 = tpu.memref_slice %arg7[%dma_start3A_54, %dma_start3A_55] : memref<79x128xi32, #tpu.memory_space<vmem>> -> memref<1x128xi32, #tpu.memory_space<vmem>>
        %dma_start3A_57 = arith.constant 0 : i32
        %dma_start3A_58 = tpu.memref_slice %arg2[%run_scoped3A_47, %add3A_46, %dma_start3A_57] : memref<2x2500x128xi32, #tpu.memory_space<hbm>> -> memref<1x1x128xi32, #tpu.memory_space<hbm>>
        %dma_start3A_59 = tpu.memref_squeeze %dma_start3A_58 : memref<1x1x128xi32, #tpu.memory_space<hbm>> -> memref<1x128xi32, #tpu.memory_space<hbm>>
        tpu.enqueue_dma source(%dma_start3A_59 : memref<1x128xi32, #tpu.memory_space<hbm>>) target(%dma_start3A_56 : memref<1x128xi32, #tpu.memory_space<vmem>>) target_semaphore(%run_scoped3A_48 : memref<!tpu.dma_semaphore, #tpu.memory_space<semaphore_mem>>)
        %dma_wait3A = arith.constant 78 : i32
        %dma_wait3A_60 = arith.constant 0 : i32
        %dma_wait3A_61 = tpu.memref_slice %arg7[%dma_wait3A, %dma_wait3A_60] : memref<79x128xi32, #tpu.memory_space<vmem>> -> memref<1x128xi32, #tpu.memory_space<vmem>>
        %dma_wait3A_62 = arith.constant 0 : i32
        %dma_wait3A_63 = tpu.memref_slice %arg2[%run_scoped3A_47, %add3A_46, %dma_wait3A_62] : memref<2x2500x128xi32, #tpu.memory_space<hbm>> -> memref<1x1x128xi32, #tpu.memory_space<hbm>>
        %dma_wait3A_64 = tpu.memref_squeeze %dma_wait3A_63 : memref<1x1x128xi32, #tpu.memory_space<hbm>> -> memref<1x128xi32, #tpu.memory_space<hbm>>
        %dma_wait3A_65 = arith.constant 78 : i32
        %dma_wait3A_66 = arith.constant 0 : i32
        %dma_wait3A_67 = tpu.memref_slice %arg7[%dma_wait3A_65, %dma_wait3A_66] : memref<79x128xi32, #tpu.memory_space<vmem>> -> memref<1x128xi32, #tpu.memory_space<vmem>>
        %dma_wait3A_68 = arith.constant 0 : i32
        %dma_wait3A_69 = tpu.memref_slice %arg2[%run_scoped3A_47, %add3A_46, %dma_wait3A_68] : memref<2x2500x128xi32, #tpu.memory_space<hbm>> -> memref<1x1x128xi32, #tpu.memory_space<hbm>>
        %dma_wait3A_70 = tpu.memref_squeeze %dma_wait3A_69 : memref<1x1x128xi32, #tpu.memory_space<hbm>> -> memref<1x128xi32, #tpu.memory_space<hbm>>
        tpu.wait_dma2 semaphore(%run_scoped3A_48 : memref<!tpu.dma_semaphore, #tpu.memory_space<semaphore_mem>>) src(%dma_wait3A_70 : memref<1x128xi32, #tpu.memory_space<hbm>>) dst(%dma_wait3A_67 : memref<1x128xi32, #tpu.memory_space<vmem>>)
        tpu.yield
      }) : () -> ()
    } else {
    }
    %mul3A_7 = arith.constant 78 : i32
    %mul3A_8 = arith.muli %add3A, %mul3A_7 : i32
    %min3A_9 = arith.constant 4 : i32
    %min3A_10 = arith.minsi %add3A, %min3A_9 : i32
    %add3A_11 = arith.addi %mul3A_8, %min3A_10 : i32
    %lt3A_12 = arith.constant 4 : i32
    %lt3A_13 = arith.cmpi slt, %add3A, %lt3A_12 : i32
    %run_scoped3A_14 = arith.constant 1 : i32
    "tpu.region"() ({
      %run_scoped3A_45 = tpu.sem_alloc : memref<!tpu.dma_semaphore, #tpu.memory_space<semaphore_mem>>
      %dma_start3A = arith.constant 0 : i32
      %dma_start3A_46 = arith.constant 0 : i32
      %dma_start3A_47 = tpu.memref_slice %arg8[%dma_start3A, %dma_start3A_46] : memref<79x128xi32, #tpu.memory_space<vmem>> -> memref<78x128xi32, #tpu.memory_space<vmem>>
      %dma_start3A_48 = arith.constant 0 : i32
      %dma_start3A_49 = tpu.memref_slice %arg2[%run_scoped3A_14, %add3A_11, %dma_start3A_48] : memref<2x2500x128xi32, #tpu.memory_space<hbm>> -> memref<1x78x128xi32, #tpu.memory_space<hbm>>
      %dma_start3A_50 = tpu.memref_squeeze %dma_start3A_49 : memref<1x78x128xi32, #tpu.memory_space<hbm>> -> memref<78x128xi32, #tpu.memory_space<hbm>>
      %dma_start3A_51 = arith.constant 0 : i32
      %dma_start3A_52 = arith.constant 0 : i32
      %dma_start3A_53 = tpu.memref_slice %arg8[%dma_start3A_51, %dma_start3A_52] : memref<79x128xi32, #tpu.memory_space<vmem>> -> memref<78x128xi32, #tpu.memory_space<vmem>>
      %dma_start3A_54 = arith.constant 0 : i32
      %dma_start3A_55 = tpu.memref_slice %arg2[%run_scoped3A_14, %add3A_11, %dma_start3A_54] : memref<2x2500x128xi32, #tpu.memory_space<hbm>> -> memref<1x78x128xi32, #tpu.memory_space<hbm>>
      %dma_start3A_56 = tpu.memref_squeeze %dma_start3A_55 : memref<1x78x128xi32, #tpu.memory_space<hbm>> -> memref<78x128xi32, #tpu.memory_space<hbm>>
      tpu.enqueue_dma source(%dma_start3A_56 : memref<78x128xi32, #tpu.memory_space<hbm>>) target(%dma_start3A_53 : memref<78x128xi32, #tpu.memory_space<vmem>>) target_semaphore(%run_scoped3A_45 : memref<!tpu.dma_semaphore, #tpu.memory_space<semaphore_mem>>)
      %dma_wait3A = arith.constant 0 : i32
      %dma_wait3A_57 = arith.constant 0 : i32
      %dma_wait3A_58 = tpu.memref_slice %arg8[%dma_wait3A, %dma_wait3A_57] : memref<79x128xi32, #tpu.memory_space<vmem>> -> memref<78x128xi32, #tpu.memory_space<vmem>>
      %dma_wait3A_59 = arith.constant 0 : i32
      %dma_wait3A_60 = tpu.memref_slice %arg2[%run_scoped3A_14, %add3A_11, %dma_wait3A_59] : memref<2x2500x128xi32, #tpu.memory_space<hbm>> -> memref<1x78x128xi32, #tpu.memory_space<hbm>>
      %dma_wait3A_61 = tpu.memref_squeeze %dma_wait3A_60 : memref<1x78x128xi32, #tpu.memory_space<hbm>> -> memref<78x128xi32, #tpu.memory_space<hbm>>
      %dma_wait3A_62 = arith.constant 0 : i32
      %dma_wait3A_63 = arith.constant 0 : i32
      %dma_wait3A_64 = tpu.memref_slice %arg8[%dma_wait3A_62, %dma_wait3A_63] : memref<79x128xi32, #tpu.memory_space<vmem>> -> memref<78x128xi32, #tpu.memory_space<vmem>>
      %dma_wait3A_65 = arith.constant 0 : i32
      %dma_wait3A_66 = tpu.memref_slice %arg2[%run_scoped3A_14, %add3A_11, %dma_wait3A_65] : memref<2x2500x128xi32, #tpu.memory_space<hbm>> -> memref<1x78x128xi32, #tpu.memory_space<hbm>>
      %dma_wait3A_67 = tpu.memref_squeeze %dma_wait3A_66 : memref<1x78x128xi32, #tpu.memory_space<hbm>> -> memref<78x128xi32, #tpu.memory_space<hbm>>
      tpu.wait_dma2 semaphore(%run_scoped3A_45 : memref<!tpu.dma_semaphore, #tpu.memory_space<semaphore_mem>>) src(%dma_wait3A_67 : memref<78x128xi32, #tpu.memory_space<hbm>>) dst(%dma_wait3A_64 : memref<78x128xi32, #tpu.memory_space<vmem>>)
      tpu.yield
    }) : () -> ()
    %convert_element_type3A_15 = arith.extui %lt3A_13 : i1 to i32
    %cond3A_16 = arith.constant 0 : i32
    %cond3A_17 = arith.cmpi ne, %convert_element_type3A_15, %cond3A_16 : i32
    scf.if %cond3A_17 {
      %add3A_45 = arith.constant 78 : i32
      %add3A_46 = arith.addi %add3A_11, %add3A_45 : i32
      %run_scoped3A_47 = arith.constant 1 : i32
      "tpu.region"() ({
        %run_scoped3A_48 = tpu.sem_alloc : memref<!tpu.dma_semaphore, #tpu.memory_space<semaphore_mem>>
        %dma_start3A = arith.constant 78 : i32
        %dma_start3A_49 = arith.constant 0 : i32
        %dma_start3A_50 = tpu.memref_slice %arg8[%dma_start3A, %dma_start3A_49] : memref<79x128xi32, #tpu.memory_space<vmem>> -> memref<1x128xi32, #tpu.memory_space<vmem>>
        %dma_start3A_51 = arith.constant 0 : i32
        %dma_start3A_52 = tpu.memref_slice %arg2[%run_scoped3A_47, %add3A_46, %dma_start3A_51] : memref<2x2500x128xi32, #tpu.memory_space<hbm>> -> memref<1x1x128xi32, #tpu.memory_space<hbm>>
        %dma_start3A_53 = tpu.memref_squeeze %dma_start3A_52 : memref<1x1x128xi32, #tpu.memory_space<hbm>> -> memref<1x128xi32, #tpu.memory_space<hbm>>
        %dma_start3A_54 = arith.constant 78 : i32
        %dma_start3A_55 = arith.constant 0 : i32
        %dma_start3A_56 = tpu.memref_slice %arg8[%dma_start3A_54, %dma_start3A_55] : memref<79x128xi32, #tpu.memory_space<vmem>> -> memref<1x128xi32, #tpu.memory_space<vmem>>
        %dma_start3A_57 = arith.constant 0 : i32
        %dma_start3A_58 = tpu.memref_slice %arg2[%run_scoped3A_47, %add3A_46, %dma_start3A_57] : memref<2x2500x128xi32, #tpu.memory_space<hbm>> -> memref<1x1x128xi32, #tpu.memory_space<hbm>>
        %dma_start3A_59 = tpu.memref_squeeze %dma_start3A_58 : memref<1x1x128xi32, #tpu.memory_space<hbm>> -> memref<1x128xi32, #tpu.memory_space<hbm>>
        tpu.enqueue_dma source(%dma_start3A_59 : memref<1x128xi32, #tpu.memory_space<hbm>>) target(%dma_start3A_56 : memref<1x128xi32, #tpu.memory_space<vmem>>) target_semaphore(%run_scoped3A_48 : memref<!tpu.dma_semaphore, #tpu.memory_space<semaphore_mem>>)
        %dma_wait3A = arith.constant 78 : i32
        %dma_wait3A_60 = arith.constant 0 : i32
        %dma_wait3A_61 = tpu.memref_slice %arg8[%dma_wait3A, %dma_wait3A_60] : memref<79x128xi32, #tpu.memory_space<vmem>> -> memref<1x128xi32, #tpu.memory_space<vmem>>
        %dma_wait3A_62 = arith.constant 0 : i32
        %dma_wait3A_63 = tpu.memref_slice %arg2[%run_scoped3A_47, %add3A_46, %dma_wait3A_62] : memref<2x2500x128xi32, #tpu.memory_space<hbm>> -> memref<1x1x128xi32, #tpu.memory_space<hbm>>
        %dma_wait3A_64 = tpu.memref_squeeze %dma_wait3A_63 : memref<1x1x128xi32, #tpu.memory_space<hbm>> -> memref<1x128xi32, #tpu.memory_space<hbm>>
        %dma_wait3A_65 = arith.constant 78 : i32
        %dma_wait3A_66 = arith.constant 0 : i32
        %dma_wait3A_67 = tpu.memref_slice %arg8[%dma_wait3A_65, %dma_wait3A_66] : memref<79x128xi32, #tpu.memory_space<vmem>> -> memref<1x128xi32, #tpu.memory_space<vmem>>
        %dma_wait3A_68 = arith.constant 0 : i32
        %dma_wait3A_69 = tpu.memref_slice %arg2[%run_scoped3A_47, %add3A_46, %dma_wait3A_68] : memref<2x2500x128xi32, #tpu.memory_space<hbm>> -> memref<1x1x128xi32, #tpu.memory_space<hbm>>
        %dma_wait3A_70 = tpu.memref_squeeze %dma_wait3A_69 : memref<1x1x128xi32, #tpu.memory_space<hbm>> -> memref<1x128xi32, #tpu.memory_space<hbm>>
        tpu.wait_dma2 semaphore(%run_scoped3A_48 : memref<!tpu.dma_semaphore, #tpu.memory_space<semaphore_mem>>) src(%dma_wait3A_70 : memref<1x128xi32, #tpu.memory_space<hbm>>) dst(%dma_wait3A_67 : memref<1x128xi32, #tpu.memory_space<vmem>>)
        tpu.yield
      }) : () -> ()
    } else {
    }
    "tpu.region"() ({
      %run_scoped3A_45 = tpu.sem_alloc : memref<!tpu.dma_semaphore, #tpu.memory_space<semaphore_mem>>
      tpu.enqueue_dma source(%arg3 : memref<128xf32, #tpu.memory_space<hbm>>) target(%arg9 : memref<128xf32, #tpu.memory_space<vmem>>) target_semaphore(%run_scoped3A_45 : memref<!tpu.dma_semaphore, #tpu.memory_space<semaphore_mem>>)
      tpu.wait_dma2 semaphore(%run_scoped3A_45 : memref<!tpu.dma_semaphore, #tpu.memory_space<semaphore_mem>>) src(%arg3 : memref<128xf32, #tpu.memory_space<hbm>>) dst(%arg9 : memref<128xf32, #tpu.memory_space<vmem>>)
      tpu.yield
    }) : () -> ()
    %mul3A_18 = arith.constant 640 : i32
    %mul3A_19 = arith.muli %arg1, %mul3A_18 : i32
    "tpu.region"() ({
      %run_scoped3A_45 = tpu.sem_alloc : memref<!tpu.dma_semaphore, #tpu.memory_space<semaphore_mem>>
      %dma_start3A = tpu.memref_slice %arg10[%mul3A_19] : memref<10240xf32, #tpu.memory_space<vmem_shared>> -> memref<640xf32, #tpu.memory_space<vmem_shared>>
      tpu.enqueue_dma source(%arg4 : memref<640xf32, #tpu.memory_space<hbm>>) target(%dma_start3A : memref<640xf32, #tpu.memory_space<vmem_shared>>) target_semaphore(%run_scoped3A_45 : memref<!tpu.dma_semaphore, #tpu.memory_space<semaphore_mem>>)
      %dma_wait3A = tpu.memref_slice %arg10[%mul3A_19] : memref<10240xf32, #tpu.memory_space<vmem_shared>> -> memref<640xf32, #tpu.memory_space<vmem_shared>>
      tpu.wait_dma2 semaphore(%run_scoped3A_45 : memref<!tpu.dma_semaphore, #tpu.memory_space<semaphore_mem>>) src(%arg4 : memref<640xf32, #tpu.memory_space<hbm>>) dst(%dma_wait3A : memref<640xf32, #tpu.memory_space<vmem_shared>>)
      tpu.yield
    }) : () -> ()
    "tpu.region"() ({
      %run_scoped3A_45 = tpu.sem_alloc : memref<!tpu.dma_semaphore, #tpu.memory_space<semaphore_mem>>
      %dma_start3A = tpu.memref_slice %arg11[%mul3A_19] : memref<10240xf32, #tpu.memory_space<vmem_shared>> -> memref<640xf32, #tpu.memory_space<vmem_shared>>
      tpu.enqueue_dma source(%arg4 : memref<640xf32, #tpu.memory_space<hbm>>) target(%dma_start3A : memref<640xf32, #tpu.memory_space<vmem_shared>>) target_semaphore(%run_scoped3A_45 : memref<!tpu.dma_semaphore, #tpu.memory_space<semaphore_mem>>)
      %dma_wait3A = tpu.memref_slice %arg11[%mul3A_19] : memref<10240xf32, #tpu.memory_space<vmem_shared>> -> memref<640xf32, #tpu.memory_space<vmem_shared>>
      tpu.wait_dma2 semaphore(%run_scoped3A_45 : memref<!tpu.dma_semaphore, #tpu.memory_space<semaphore_mem>>) src(%arg4 : memref<640xf32, #tpu.memory_space<hbm>>) dst(%dma_wait3A : memref<640xf32, #tpu.memory_space<vmem_shared>>)
      tpu.yield
    }) : () -> ()
    %barrier3A = arith.constant 0 : index
    tpu.barrier barrier_id(%barrier3A)
    %mul3A_20 = arith.constant 78 : i32
    %mul3A_21 = arith.muli %add3A, %mul3A_20 : i32
    %min3A_22 = arith.constant 4 : i32
    %min3A_23 = arith.minsi %add3A, %min3A_22 : i32
    %add3A_24 = arith.addi %mul3A_21, %min3A_23 : i32
    %lt3A_25 = arith.constant 4 : i32
    %lt3A_26 = arith.cmpi slt, %add3A, %lt3A_25 : i32
    %scan3A = arith.constant 0 : i32
    %scan3A_27 = arith.constant 0 : i32
    %scan3A_28 = arith.constant 78 : i32
    %scan3A_29 = arith.addi %scan3A_27, %scan3A_28 : i32
    %scan3A_30 = arith.constant 1 : i32
    scf.for %scan3A_45 = %scan3A_27 to %scan3A_29 step %scan3A_30  : i32 {
      %dma_start3A = arith.constant 0 : i32
      %dma_start3A_46 = tpu.memref_slice %arg7[%scan3A_45, %dma_start3A] : memref<79x128xi32, #tpu.memory_space<vmem>> -> memref<1x128xi32, #tpu.memory_space<vmem>>
      %dma_start3A_47 = tpu.memref_squeeze %dma_start3A_46 : memref<1x128xi32, #tpu.memory_space<vmem>> -> memref<128xi32, #tpu.memory_space<vmem>>
      %dma_start3A_48 = arith.constant 0 : i32
      %dma_start3A_49 = tpu.memref_slice %arg10[%dma_start3A_48] : memref<10240xf32, #tpu.memory_space<vmem_shared>> -> memref<10240xf32, #tpu.memory_space<vmem_shared>>
      tpu.enqueue_indirect_dma source(%arg9 : memref<128xf32, #tpu.memory_space<vmem>>) target(%dma_start3A_49 : memref<10240xf32, #tpu.memory_space<vmem_shared>>) offsets(%dma_start3A_47 : memref<128xi32, #tpu.memory_space<vmem>>) semaphore(%arg12 : memref<!tpu.dma_semaphore, #tpu.memory_space<semaphore_mem>>) {add = true}
      %dma_start3A_50 = arith.constant 0 : i32
      %dma_start3A_51 = tpu.memref_slice %arg8[%scan3A_45, %dma_start3A_50] : memref<79x128xi32, #tpu.memory_space<vmem>> -> memref<1x128xi32, #tpu.memory_space<vmem>>
      %dma_start3A_52 = tpu.memref_squeeze %dma_start3A_51 : memref<1x128xi32, #tpu.memory_space<vmem>> -> memref<128xi32, #tpu.memory_space<vmem>>
      %dma_start3A_53 = arith.constant 0 : i32
      %dma_start3A_54 = tpu.memref_slice %arg11[%dma_start3A_53] : memref<10240xf32, #tpu.memory_space<vmem_shared>> -> memref<10240xf32, #tpu.memory_space<vmem_shared>>
      tpu.enqueue_indirect_dma source(%arg9 : memref<128xf32, #tpu.memory_space<vmem>>) target(%dma_start3A_54 : memref<10240xf32, #tpu.memory_space<vmem_shared>>) offsets(%dma_start3A_52 : memref<128xi32, #tpu.memory_space<vmem>>) semaphore(%arg13 : memref<!tpu.dma_semaphore, #tpu.memory_space<semaphore_mem>>) {add = true}
    }
    %scan3A_31 = arith.constant 78 : i32
    %convert_element_type3A_32 = arith.extui %lt3A_26 : i1 to i32
    %cond3A_33 = arith.constant 0 : i32
    %cond3A_34 = arith.cmpi ne, %convert_element_type3A_32, %cond3A_33 : i32
    scf.if %cond3A_34 {
      %dma_start3A = arith.constant 78 : i32
      %dma_start3A_45 = arith.constant 0 : i32
      %dma_start3A_46 = tpu.memref_slice %arg7[%dma_start3A, %dma_start3A_45] : memref<79x128xi32, #tpu.memory_space<vmem>> -> memref<1x128xi32, #tpu.memory_space<vmem>>
      %dma_start3A_47 = tpu.memref_squeeze %dma_start3A_46 : memref<1x128xi32, #tpu.memory_space<vmem>> -> memref<128xi32, #tpu.memory_space<vmem>>
      %dma_start3A_48 = arith.constant 0 : i32
      %dma_start3A_49 = tpu.memref_slice %arg10[%dma_start3A_48] : memref<10240xf32, #tpu.memory_space<vmem_shared>> -> memref<10240xf32, #tpu.memory_space<vmem_shared>>
      tpu.enqueue_indirect_dma source(%arg9 : memref<128xf32, #tpu.memory_space<vmem>>) target(%dma_start3A_49 : memref<10240xf32, #tpu.memory_space<vmem_shared>>) offsets(%dma_start3A_47 : memref<128xi32, #tpu.memory_space<vmem>>) semaphore(%arg12 : memref<!tpu.dma_semaphore, #tpu.memory_space<semaphore_mem>>) {add = true}
      %dma_start3A_50 = arith.constant 78 : i32
      %dma_start3A_51 = arith.constant 0 : i32
      %dma_start3A_52 = tpu.memref_slice %arg8[%dma_start3A_50, %dma_start3A_51] : memref<79x128xi32, #tpu.memory_space<vmem>> -> memref<1x128xi32, #tpu.memory_space<vmem>>
      %dma_start3A_53 = tpu.memref_squeeze %dma_start3A_52 : memref<1x128xi32, #tpu.memory_space<vmem>> -> memref<128xi32, #tpu.memory_space<vmem>>
      %dma_start3A_54 = arith.constant 0 : i32
      %dma_start3A_55 = tpu.memref_slice %arg11[%dma_start3A_54] : memref<10240xf32, #tpu.memory_space<vmem_shared>> -> memref<10240xf32, #tpu.memory_space<vmem_shared>>
      tpu.enqueue_indirect_dma source(%arg9 : memref<128xf32, #tpu.memory_space<vmem>>) target(%dma_start3A_55 : memref<10240xf32, #tpu.memory_space<vmem_shared>>) offsets(%dma_start3A_53 : memref<128xi32, #tpu.memory_space<vmem>>) semaphore(%arg13 : memref<!tpu.dma_semaphore, #tpu.memory_space<semaphore_mem>>) {add = true}
    } else {
    }
    %scan3A_35 = arith.constant 0 : i32
    %scan3A_36 = arith.constant 0 : i32
    %scan3A_37 = arith.constant 78 : i32
    %scan3A_38 = arith.addi %scan3A_36, %scan3A_37 : i32
    %scan3A_39 = arith.constant 1 : i32
    scf.for %scan3A_45 = %scan3A_36 to %scan3A_38 step %scan3A_39  : i32 {
      %dma_wait3A = arith.constant 0 : i32
      %dma_wait3A_46 = tpu.memref_slice %arg7[%scan3A_45, %dma_wait3A] : memref<79x128xi32, #tpu.memory_space<vmem>> -> memref<1x128xi32, #tpu.memory_space<vmem>>
      %dma_wait3A_47 = tpu.memref_squeeze %dma_wait3A_46 : memref<1x128xi32, #tpu.memory_space<vmem>> -> memref<128xi32, #tpu.memory_space<vmem>>
      %dma_wait3A_48 = arith.constant 0 : i32
      %dma_wait3A_49 = tpu.memref_slice %arg10[%dma_wait3A_48] : memref<10240xf32, #tpu.memory_space<vmem_shared>> -> memref<10240xf32, #tpu.memory_space<vmem_shared>>
      tpu.wait_indirect_dma semaphore(%arg12 : memref<!tpu.dma_semaphore, #tpu.memory_space<semaphore_mem>>) src(%arg9 : memref<128xf32, #tpu.memory_space<vmem>>) dst(%dma_wait3A_49 : memref<10240xf32, #tpu.memory_space<vmem_shared>>)
      %dma_wait3A_50 = arith.constant 0 : i32
      %dma_wait3A_51 = tpu.memref_slice %arg8[%scan3A_45, %dma_wait3A_50] : memref<79x128xi32, #tpu.memory_space<vmem>> -> memref<1x128xi32, #tpu.memory_space<vmem>>
      %dma_wait3A_52 = tpu.memref_squeeze %dma_wait3A_51 : memref<1x128xi32, #tpu.memory_space<vmem>> -> memref<128xi32, #tpu.memory_space<vmem>>
      %dma_wait3A_53 = arith.constant 0 : i32
      %dma_wait3A_54 = tpu.memref_slice %arg11[%dma_wait3A_53] : memref<10240xf32, #tpu.memory_space<vmem_shared>> -> memref<10240xf32, #tpu.memory_space<vmem_shared>>
      tpu.wait_indirect_dma semaphore(%arg13 : memref<!tpu.dma_semaphore, #tpu.memory_space<semaphore_mem>>) src(%arg9 : memref<128xf32, #tpu.memory_space<vmem>>) dst(%dma_wait3A_54 : memref<10240xf32, #tpu.memory_space<vmem_shared>>)
    }
    %scan3A_40 = arith.constant 78 : i32
    %convert_element_type3A_41 = arith.extui %lt3A_26 : i1 to i32
    %cond3A_42 = arith.constant 0 : i32
    %cond3A_43 = arith.cmpi ne, %convert_element_type3A_41, %cond3A_42 : i32
    scf.if %cond3A_43 {
      %dma_wait3A = arith.constant 78 : i32
      %dma_wait3A_45 = arith.constant 0 : i32
      %dma_wait3A_46 = tpu.memref_slice %arg7[%dma_wait3A, %dma_wait3A_45] : memref<79x128xi32, #tpu.memory_space<vmem>> -> memref<1x128xi32, #tpu.memory_space<vmem>>
      %dma_wait3A_47 = tpu.memref_squeeze %dma_wait3A_46 : memref<1x128xi32, #tpu.memory_space<vmem>> -> memref<128xi32, #tpu.memory_space<vmem>>
      %dma_wait3A_48 = arith.constant 0 : i32
      %dma_wait3A_49 = tpu.memref_slice %arg10[%dma_wait3A_48] : memref<10240xf32, #tpu.memory_space<vmem_shared>> -> memref<10240xf32, #tpu.memory_space<vmem_shared>>
      tpu.wait_indirect_dma semaphore(%arg12 : memref<!tpu.dma_semaphore, #tpu.memory_space<semaphore_mem>>) src(%arg9 : memref<128xf32, #tpu.memory_space<vmem>>) dst(%dma_wait3A_49 : memref<10240xf32, #tpu.memory_space<vmem_shared>>)
      %dma_wait3A_50 = arith.constant 78 : i32
      %dma_wait3A_51 = arith.constant 0 : i32
      %dma_wait3A_52 = tpu.memref_slice %arg8[%dma_wait3A_50, %dma_wait3A_51] : memref<79x128xi32, #tpu.memory_space<vmem>> -> memref<1x128xi32, #tpu.memory_space<vmem>>
      %dma_wait3A_53 = tpu.memref_squeeze %dma_wait3A_52 : memref<1x128xi32, #tpu.memory_space<vmem>> -> memref<128xi32, #tpu.memory_space<vmem>>
      %dma_wait3A_54 = arith.constant 0 : i32
      %dma_wait3A_55 = tpu.memref_slice %arg11[%dma_wait3A_54] : memref<10240xf32, #tpu.memory_space<vmem_shared>> -> memref<10240xf32, #tpu.memory_space<vmem_shared>>
      tpu.wait_indirect_dma semaphore(%arg13 : memref<!tpu.dma_semaphore, #tpu.memory_space<semaphore_mem>>) src(%arg9 : memref<128xf32, #tpu.memory_space<vmem>>) dst(%dma_wait3A_55 : memref<10240xf32, #tpu.memory_space<vmem_shared>>)
    } else {
    }
    %barrier3A_44 = arith.constant 0 : index
    tpu.barrier barrier_id(%barrier3A_44)
    "tpu.region"() ({
      %run_scoped3A_45 = tpu.sem_alloc : memref<!tpu.dma_semaphore, #tpu.memory_space<semaphore_mem>>
      %dma_start3A = tpu.memref_slice %arg5[%arg0, %mul3A_19] : memref<2x10240xf32, #tpu.memory_space<hbm>> -> memref<1x640xf32, #tpu.memory_space<hbm>>
      %dma_start3A_46 = tpu.memref_squeeze %dma_start3A : memref<1x640xf32, #tpu.memory_space<hbm>> -> memref<640xf32, #tpu.memory_space<hbm>>
      %dma_start3A_47 = tpu.memref_slice %arg10[%mul3A_19] : memref<10240xf32, #tpu.memory_space<vmem_shared>> -> memref<640xf32, #tpu.memory_space<vmem_shared>>
      tpu.enqueue_dma source(%dma_start3A_47 : memref<640xf32, #tpu.memory_space<vmem_shared>>) target(%dma_start3A_46 : memref<640xf32, #tpu.memory_space<hbm>>) target_semaphore(%run_scoped3A_45 : memref<!tpu.dma_semaphore, #tpu.memory_space<semaphore_mem>>)
      %dma_wait3A = tpu.memref_slice %arg5[%arg0, %mul3A_19] : memref<2x10240xf32, #tpu.memory_space<hbm>> -> memref<1x640xf32, #tpu.memory_space<hbm>>
      %dma_wait3A_48 = tpu.memref_squeeze %dma_wait3A : memref<1x640xf32, #tpu.memory_space<hbm>> -> memref<640xf32, #tpu.memory_space<hbm>>
      %dma_wait3A_49 = tpu.memref_slice %arg10[%mul3A_19] : memref<10240xf32, #tpu.memory_space<vmem_shared>> -> memref<640xf32, #tpu.memory_space<vmem_shared>>
      tpu.wait_dma2 semaphore(%run_scoped3A_45 : memref<!tpu.dma_semaphore, #tpu.memory_space<semaphore_mem>>) src(%dma_wait3A_49 : memref<640xf32, #tpu.memory_space<vmem_shared>>) dst(%dma_wait3A_48 : memref<640xf32, #tpu.memory_space<hbm>>)
      tpu.yield
    }) : () -> ()
    "tpu.region"() ({
      %run_scoped3A_45 = tpu.sem_alloc : memref<!tpu.dma_semaphore, #tpu.memory_space<semaphore_mem>>
      %dma_start3A = tpu.memref_slice %arg6[%arg0, %mul3A_19] : memref<2x10240xf32, #tpu.memory_space<hbm>> -> memref<1x640xf32, #tpu.memory_space<hbm>>
      %dma_start3A_46 = tpu.memref_squeeze %dma_start3A : memref<1x640xf32, #tpu.memory_space<hbm>> -> memref<640xf32, #tpu.memory_space<hbm>>
      %dma_start3A_47 = tpu.memref_slice %arg11[%mul3A_19] : memref<10240xf32, #tpu.memory_space<vmem_shared>> -> memref<640xf32, #tpu.memory_space<vmem_shared>>
      tpu.enqueue_dma source(%dma_start3A_47 : memref<640xf32, #tpu.memory_space<vmem_shared>>) target(%dma_start3A_46 : memref<640xf32, #tpu.memory_space<hbm>>) target_semaphore(%run_scoped3A_45 : memref<!tpu.dma_semaphore, #tpu.memory_space<semaphore_mem>>)
      %dma_wait3A = tpu.memref_slice %arg6[%arg0, %mul3A_19] : memref<2x10240xf32, #tpu.memory_space<hbm>> -> memref<1x640xf32, #tpu.memory_space<hbm>>
      %dma_wait3A_48 = tpu.memref_squeeze %dma_wait3A : memref<1x640xf32, #tpu.memory_space<hbm>> -> memref<640xf32, #tpu.memory_space<hbm>>
      %dma_wait3A_49 = tpu.memref_slice %arg11[%mul3A_19] : memref<10240xf32, #tpu.memory_space<vmem_shared>> -> memref<640xf32, #tpu.memory_space<vmem_shared>>
      tpu.wait_dma2 semaphore(%run_scoped3A_45 : memref<!tpu.dma_semaphore, #tpu.memory_space<semaphore_mem>>) src(%dma_wait3A_49 : memref<640xf32, #tpu.memory_space<vmem_shared>>) dst(%dma_wait3A_48 : memref<640xf32, #tpu.memory_space<hbm>>)
      tpu.yield
    }) : () -> ()
    return
  }
}

#map = affine_map<(d0, d1) -> (0, 0)>
#map1 = affine_map<(d0, d1) -> (0, 0, 0)>
module attributes {stable_mosaic.version = 14 : i64} {
  func.func @agg_kernel(%arg0: i32, %arg1: i32, %arg2: memref<10000x64xf32, #tpu.memory_space<hbm>>, %arg3: memref<10000x64xf32, #tpu.memory_space<hbm>>, %arg4: memref<2x2500x128xi32, #tpu.memory_space<hbm>>, %arg5: memref<640x64xf32, #tpu.memory_space<hbm>>, %arg6: memref<2x10240x128xf32, #tpu.memory_space<hbm>>, %arg7: memref<79x128xi32, #tpu.memory_space<vmem>>, %arg8: memref<79x128xi32, #tpu.memory_space<vmem>>, %arg9: memref<128x64xf32, #tpu.memory_space<vmem>>, %arg10: memref<128x64xf32, #tpu.memory_space<vmem>>, %arg11: memref<128x64xf32, #tpu.memory_space<vmem>>, %arg12: memref<128x64xf32, #tpu.memory_space<vmem>>, %arg13: memref<128x64xf32, #tpu.memory_space<vmem>>, %arg14: memref<128x64xf32, #tpu.memory_space<vmem>>, %arg15: memref<10240x64xf32, #tpu.memory_space<vmem_shared>>, %arg16: memref<!tpu.dma_semaphore, #tpu.memory_space<semaphore_mem>>, %arg17: memref<!tpu.dma_semaphore, #tpu.memory_space<semaphore_mem>>, %arg18: memref<!tpu.dma_semaphore, #tpu.memory_space<semaphore_mem>>, %arg19: memref<!tpu.dma_semaphore, #tpu.memory_space<semaphore_mem>>, %arg20: memref<!tpu.dma_semaphore, #tpu.memory_space<semaphore_mem>>, %arg21: memref<!tpu.dma_semaphore, #tpu.memory_space<semaphore_mem>>, %arg22: memref<!tpu.dma_semaphore, #tpu.memory_space<semaphore_mem>>, %arg23: memref<!tpu.dma_semaphore, #tpu.memory_space<semaphore_mem>>, %arg24: memref<!tpu.dma_semaphore, #tpu.memory_space<semaphore_mem>>, %arg25: memref<!tpu.dma_semaphore, #tpu.memory_space<semaphore_mem>>, %arg26: memref<!tpu.dma_semaphore, #tpu.memory_space<semaphore_mem>>, %arg27: memref<!tpu.dma_semaphore, #tpu.memory_space<semaphore_mem>>) attributes {dimension_semantics = [#tpu.dimension_semantics<core_parallel>, #tpu.dimension_semantics<subcore_parallel>], iteration_bounds = array<i64: 2, 16>, scalar_prefetch = 0 : i64, scratch_operands = 21 : i64, tpu.core_type = #tpu.core_type<sc_vector_subcore>, window_params = [{transform_indices = #map}, {transform_indices = #map}, {transform_indices = #map1}, {transform_indices = #map}, {transform_indices = #map1}]} {
    %mul3A = arith.constant 16 : i32
    %mul3A_0 = arith.muli %arg0, %mul3A : i32
    %add3A = arith.addi %mul3A_0, %arg1 : i32
    %mul3A_1 = arith.constant 78 : i32
    %mul3A_2 = arith.muli %add3A, %mul3A_1 : i32
    %min3A = arith.constant 4 : i32
    %min3A_3 = arith.minsi %add3A, %min3A : i32
    %add3A_4 = arith.addi %mul3A_2, %min3A_3 : i32
    %lt3A = arith.constant 4 : i32
    %lt3A_5 = arith.cmpi slt, %add3A, %lt3A : i32
    %run_scoped3A = arith.constant 0 : i32
    "tpu.region"() ({
      %run_scoped3A_213 = tpu.sem_alloc : memref<!tpu.dma_semaphore, #tpu.memory_space<semaphore_mem>>
      %dma_start3A_214 = arith.constant 0 : i32
      %dma_start3A_215 = arith.constant 0 : i32
      %dma_start3A_216 = tpu.memref_slice %arg7[%dma_start3A_214, %dma_start3A_215] : memref<79x128xi32, #tpu.memory_space<vmem>> -> memref<78x128xi32, #tpu.memory_space<vmem>>
      %dma_start3A_217 = arith.constant 0 : i32
      %dma_start3A_218 = tpu.memref_slice %arg4[%run_scoped3A, %add3A_4, %dma_start3A_217] : memref<2x2500x128xi32, #tpu.memory_space<hbm>> -> memref<1x78x128xi32, #tpu.memory_space<hbm>>
      %dma_start3A_219 = tpu.memref_squeeze %dma_start3A_218 : memref<1x78x128xi32, #tpu.memory_space<hbm>> -> memref<78x128xi32, #tpu.memory_space<hbm>>
      %dma_start3A_220 = arith.constant 0 : i32
      %dma_start3A_221 = arith.constant 0 : i32
      %dma_start3A_222 = tpu.memref_slice %arg7[%dma_start3A_220, %dma_start3A_221] : memref<79x128xi32, #tpu.memory_space<vmem>> -> memref<78x128xi32, #tpu.memory_space<vmem>>
      %dma_start3A_223 = arith.constant 0 : i32
      %dma_start3A_224 = tpu.memref_slice %arg4[%run_scoped3A, %add3A_4, %dma_start3A_223] : memref<2x2500x128xi32, #tpu.memory_space<hbm>> -> memref<1x78x128xi32, #tpu.memory_space<hbm>>
      %dma_start3A_225 = tpu.memref_squeeze %dma_start3A_224 : memref<1x78x128xi32, #tpu.memory_space<hbm>> -> memref<78x128xi32, #tpu.memory_space<hbm>>
      tpu.enqueue_dma source(%dma_start3A_225 : memref<78x128xi32, #tpu.memory_space<hbm>>) target(%dma_start3A_222 : memref<78x128xi32, #tpu.memory_space<vmem>>) target_semaphore(%run_scoped3A_213 : memref<!tpu.dma_semaphore, #tpu.memory_space<semaphore_mem>>)
      %dma_wait3A_226 = arith.constant 0 : i32
      %dma_wait3A_227 = arith.constant 0 : i32
      %dma_wait3A_228 = tpu.memref_slice %arg7[%dma_wait3A_226, %dma_wait3A_227] : memref<79x128xi32, #tpu.memory_space<vmem>> -> memref<78x128xi32, #tpu.memory_space<vmem>>
      %dma_wait3A_229 = arith.constant 0 : i32
      %dma_wait3A_230 = tpu.memref_slice %arg4[%run_scoped3A, %add3A_4, %dma_wait3A_229] : memref<2x2500x128xi32, #tpu.memory_space<hbm>> -> memref<1x78x128xi32, #tpu.memory_space<hbm>>
      %dma_wait3A_231 = tpu.memref_squeeze %dma_wait3A_230 : memref<1x78x128xi32, #tpu.memory_space<hbm>> -> memref<78x128xi32, #tpu.memory_space<hbm>>
      %dma_wait3A_232 = arith.constant 0 : i32
      %dma_wait3A_233 = arith.constant 0 : i32
      %dma_wait3A_234 = tpu.memref_slice %arg7[%dma_wait3A_232, %dma_wait3A_233] : memref<79x128xi32, #tpu.memory_space<vmem>> -> memref<78x128xi32, #tpu.memory_space<vmem>>
      %dma_wait3A_235 = arith.constant 0 : i32
      %dma_wait3A_236 = tpu.memref_slice %arg4[%run_scoped3A, %add3A_4, %dma_wait3A_235] : memref<2x2500x128xi32, #tpu.memory_space<hbm>> -> memref<1x78x128xi32, #tpu.memory_space<hbm>>
      %dma_wait3A_237 = tpu.memref_squeeze %dma_wait3A_236 : memref<1x78x128xi32, #tpu.memory_space<hbm>> -> memref<78x128xi32, #tpu.memory_space<hbm>>
      tpu.wait_dma2 semaphore(%run_scoped3A_213 : memref<!tpu.dma_semaphore, #tpu.memory_space<semaphore_mem>>) src(%dma_wait3A_237 : memref<78x128xi32, #tpu.memory_space<hbm>>) dst(%dma_wait3A_234 : memref<78x128xi32, #tpu.memory_space<vmem>>)
      tpu.yield
    }) : () -> ()
    %convert_element_type3A = arith.extui %lt3A_5 : i1 to i32
    %cond3A = arith.constant 0 : i32
    %cond3A_6 = arith.cmpi ne, %convert_element_type3A, %cond3A : i32
    scf.if %cond3A_6 {
      %add3A_213 = arith.constant 78 : i32
      %add3A_214 = arith.addi %add3A_4, %add3A_213 : i32
      %run_scoped3A_215 = arith.constant 0 : i32
      "tpu.region"() ({
        %run_scoped3A_216 = tpu.sem_alloc : memref<!tpu.dma_semaphore, #tpu.memory_space<semaphore_mem>>
        %dma_start3A_217 = arith.constant 78 : i32
        %dma_start3A_218 = arith.constant 0 : i32
        %dma_start3A_219 = tpu.memref_slice %arg7[%dma_start3A_217, %dma_start3A_218] : memref<79x128xi32, #tpu.memory_space<vmem>> -> memref<1x128xi32, #tpu.memory_space<vmem>>
        %dma_start3A_220 = arith.constant 0 : i32
        %dma_start3A_221 = tpu.memref_slice %arg4[%run_scoped3A_215, %add3A_214, %dma_start3A_220] : memref<2x2500x128xi32, #tpu.memory_space<hbm>> -> memref<1x1x128xi32, #tpu.memory_space<hbm>>
        %dma_start3A_222 = tpu.memref_squeeze %dma_start3A_221 : memref<1x1x128xi32, #tpu.memory_space<hbm>> -> memref<1x128xi32, #tpu.memory_space<hbm>>
        %dma_start3A_223 = arith.constant 78 : i32
        %dma_start3A_224 = arith.constant 0 : i32
        %dma_start3A_225 = tpu.memref_slice %arg7[%dma_start3A_223, %dma_start3A_224] : memref<79x128xi32, #tpu.memory_space<vmem>> -> memref<1x128xi32, #tpu.memory_space<vmem>>
        %dma_start3A_226 = arith.constant 0 : i32
        %dma_start3A_227 = tpu.memref_slice %arg4[%run_scoped3A_215, %add3A_214, %dma_start3A_226] : memref<2x2500x128xi32, #tpu.memory_space<hbm>> -> memref<1x1x128xi32, #tpu.memory_space<hbm>>
        %dma_start3A_228 = tpu.memref_squeeze %dma_start3A_227 : memref<1x1x128xi32, #tpu.memory_space<hbm>> -> memref<1x128xi32, #tpu.memory_space<hbm>>
        tpu.enqueue_dma source(%dma_start3A_228 : memref<1x128xi32, #tpu.memory_space<hbm>>) target(%dma_start3A_225 : memref<1x128xi32, #tpu.memory_space<vmem>>) target_semaphore(%run_scoped3A_216 : memref<!tpu.dma_semaphore, #tpu.memory_space<semaphore_mem>>)
        %dma_wait3A_229 = arith.constant 78 : i32
        %dma_wait3A_230 = arith.constant 0 : i32
        %dma_wait3A_231 = tpu.memref_slice %arg7[%dma_wait3A_229, %dma_wait3A_230] : memref<79x128xi32, #tpu.memory_space<vmem>> -> memref<1x128xi32, #tpu.memory_space<vmem>>
        %dma_wait3A_232 = arith.constant 0 : i32
        %dma_wait3A_233 = tpu.memref_slice %arg4[%run_scoped3A_215, %add3A_214, %dma_wait3A_232] : memref<2x2500x128xi32, #tpu.memory_space<hbm>> -> memref<1x1x128xi32, #tpu.memory_space<hbm>>
        %dma_wait3A_234 = tpu.memref_squeeze %dma_wait3A_233 : memref<1x1x128xi32, #tpu.memory_space<hbm>> -> memref<1x128xi32, #tpu.memory_space<hbm>>
        %dma_wait3A_235 = arith.constant 78 : i32
        %dma_wait3A_236 = arith.constant 0 : i32
        %dma_wait3A_237 = tpu.memref_slice %arg7[%dma_wait3A_235, %dma_wait3A_236] : memref<79x128xi32, #tpu.memory_space<vmem>> -> memref<1x128xi32, #tpu.memory_space<vmem>>
        %dma_wait3A_238 = arith.constant 0 : i32
        %dma_wait3A_239 = tpu.memref_slice %arg4[%run_scoped3A_215, %add3A_214, %dma_wait3A_238] : memref<2x2500x128xi32, #tpu.memory_space<hbm>> -> memref<1x1x128xi32, #tpu.memory_space<hbm>>
        %dma_wait3A_240 = tpu.memref_squeeze %dma_wait3A_239 : memref<1x1x128xi32, #tpu.memory_space<hbm>> -> memref<1x128xi32, #tpu.memory_space<hbm>>
        tpu.wait_dma2 semaphore(%run_scoped3A_216 : memref<!tpu.dma_semaphore, #tpu.memory_space<semaphore_mem>>) src(%dma_wait3A_240 : memref<1x128xi32, #tpu.memory_space<hbm>>) dst(%dma_wait3A_237 : memref<1x128xi32, #tpu.memory_space<vmem>>)
        tpu.yield
      }) : () -> ()
    } else {
    }
    %mul3A_7 = arith.constant 78 : i32
    %mul3A_8 = arith.muli %add3A, %mul3A_7 : i32
    %min3A_9 = arith.constant 4 : i32
    %min3A_10 = arith.minsi %add3A, %min3A_9 : i32
    %add3A_11 = arith.addi %mul3A_8, %min3A_10 : i32
    %lt3A_12 = arith.constant 4 : i32
    %lt3A_13 = arith.cmpi slt, %add3A, %lt3A_12 : i32
    %run_scoped3A_14 = arith.constant 1 : i32
    "tpu.region"() ({
      %run_scoped3A_213 = tpu.sem_alloc : memref<!tpu.dma_semaphore, #tpu.memory_space<semaphore_mem>>
      %dma_start3A_214 = arith.constant 0 : i32
      %dma_start3A_215 = arith.constant 0 : i32
      %dma_start3A_216 = tpu.memref_slice %arg8[%dma_start3A_214, %dma_start3A_215] : memref<79x128xi32, #tpu.memory_space<vmem>> -> memref<78x128xi32, #tpu.memory_space<vmem>>
      %dma_start3A_217 = arith.constant 0 : i32
      %dma_start3A_218 = tpu.memref_slice %arg4[%run_scoped3A_14, %add3A_11, %dma_start3A_217] : memref<2x2500x128xi32, #tpu.memory_space<hbm>> -> memref<1x78x128xi32, #tpu.memory_space<hbm>>
      %dma_start3A_219 = tpu.memref_squeeze %dma_start3A_218 : memref<1x78x128xi32, #tpu.memory_space<hbm>> -> memref<78x128xi32, #tpu.memory_space<hbm>>
      %dma_start3A_220 = arith.constant 0 : i32
      %dma_start3A_221 = arith.constant 0 : i32
      %dma_start3A_222 = tpu.memref_slice %arg8[%dma_start3A_220, %dma_start3A_221] : memref<79x128xi32, #tpu.memory_space<vmem>> -> memref<78x128xi32, #tpu.memory_space<vmem>>
      %dma_start3A_223 = arith.constant 0 : i32
      %dma_start3A_224 = tpu.memref_slice %arg4[%run_scoped3A_14, %add3A_11, %dma_start3A_223] : memref<2x2500x128xi32, #tpu.memory_space<hbm>> -> memref<1x78x128xi32, #tpu.memory_space<hbm>>
      %dma_start3A_225 = tpu.memref_squeeze %dma_start3A_224 : memref<1x78x128xi32, #tpu.memory_space<hbm>> -> memref<78x128xi32, #tpu.memory_space<hbm>>
      tpu.enqueue_dma source(%dma_start3A_225 : memref<78x128xi32, #tpu.memory_space<hbm>>) target(%dma_start3A_222 : memref<78x128xi32, #tpu.memory_space<vmem>>) target_semaphore(%run_scoped3A_213 : memref<!tpu.dma_semaphore, #tpu.memory_space<semaphore_mem>>)
      %dma_wait3A_226 = arith.constant 0 : i32
      %dma_wait3A_227 = arith.constant 0 : i32
      %dma_wait3A_228 = tpu.memref_slice %arg8[%dma_wait3A_226, %dma_wait3A_227] : memref<79x128xi32, #tpu.memory_space<vmem>> -> memref<78x128xi32, #tpu.memory_space<vmem>>
      %dma_wait3A_229 = arith.constant 0 : i32
      %dma_wait3A_230 = tpu.memref_slice %arg4[%run_scoped3A_14, %add3A_11, %dma_wait3A_229] : memref<2x2500x128xi32, #tpu.memory_space<hbm>> -> memref<1x78x128xi32, #tpu.memory_space<hbm>>
      %dma_wait3A_231 = tpu.memref_squeeze %dma_wait3A_230 : memref<1x78x128xi32, #tpu.memory_space<hbm>> -> memref<78x128xi32, #tpu.memory_space<hbm>>
      %dma_wait3A_232 = arith.constant 0 : i32
      %dma_wait3A_233 = arith.constant 0 : i32
      %dma_wait3A_234 = tpu.memref_slice %arg8[%dma_wait3A_232, %dma_wait3A_233] : memref<79x128xi32, #tpu.memory_space<vmem>> -> memref<78x128xi32, #tpu.memory_space<vmem>>
      %dma_wait3A_235 = arith.constant 0 : i32
      %dma_wait3A_236 = tpu.memref_slice %arg4[%run_scoped3A_14, %add3A_11, %dma_wait3A_235] : memref<2x2500x128xi32, #tpu.memory_space<hbm>> -> memref<1x78x128xi32, #tpu.memory_space<hbm>>
      %dma_wait3A_237 = tpu.memref_squeeze %dma_wait3A_236 : memref<1x78x128xi32, #tpu.memory_space<hbm>> -> memref<78x128xi32, #tpu.memory_space<hbm>>
      tpu.wait_dma2 semaphore(%run_scoped3A_213 : memref<!tpu.dma_semaphore, #tpu.memory_space<semaphore_mem>>) src(%dma_wait3A_237 : memref<78x128xi32, #tpu.memory_space<hbm>>) dst(%dma_wait3A_234 : memref<78x128xi32, #tpu.memory_space<vmem>>)
      tpu.yield
    }) : () -> ()
    %convert_element_type3A_15 = arith.extui %lt3A_13 : i1 to i32
    %cond3A_16 = arith.constant 0 : i32
    %cond3A_17 = arith.cmpi ne, %convert_element_type3A_15, %cond3A_16 : i32
    scf.if %cond3A_17 {
      %add3A_213 = arith.constant 78 : i32
      %add3A_214 = arith.addi %add3A_11, %add3A_213 : i32
      %run_scoped3A_215 = arith.constant 1 : i32
      "tpu.region"() ({
        %run_scoped3A_216 = tpu.sem_alloc : memref<!tpu.dma_semaphore, #tpu.memory_space<semaphore_mem>>
        %dma_start3A_217 = arith.constant 78 : i32
        %dma_start3A_218 = arith.constant 0 : i32
        %dma_start3A_219 = tpu.memref_slice %arg8[%dma_start3A_217, %dma_start3A_218] : memref<79x128xi32, #tpu.memory_space<vmem>> -> memref<1x128xi32, #tpu.memory_space<vmem>>
        %dma_start3A_220 = arith.constant 0 : i32
        %dma_start3A_221 = tpu.memref_slice %arg4[%run_scoped3A_215, %add3A_214, %dma_start3A_220] : memref<2x2500x128xi32, #tpu.memory_space<hbm>> -> memref<1x1x128xi32, #tpu.memory_space<hbm>>
        %dma_start3A_222 = tpu.memref_squeeze %dma_start3A_221 : memref<1x1x128xi32, #tpu.memory_space<hbm>> -> memref<1x128xi32, #tpu.memory_space<hbm>>
        %dma_start3A_223 = arith.constant 78 : i32
        %dma_start3A_224 = arith.constant 0 : i32
        %dma_start3A_225 = tpu.memref_slice %arg8[%dma_start3A_223, %dma_start3A_224] : memref<79x128xi32, #tpu.memory_space<vmem>> -> memref<1x128xi32, #tpu.memory_space<vmem>>
        %dma_start3A_226 = arith.constant 0 : i32
        %dma_start3A_227 = tpu.memref_slice %arg4[%run_scoped3A_215, %add3A_214, %dma_start3A_226] : memref<2x2500x128xi32, #tpu.memory_space<hbm>> -> memref<1x1x128xi32, #tpu.memory_space<hbm>>
        %dma_start3A_228 = tpu.memref_squeeze %dma_start3A_227 : memref<1x1x128xi32, #tpu.memory_space<hbm>> -> memref<1x128xi32, #tpu.memory_space<hbm>>
        tpu.enqueue_dma source(%dma_start3A_228 : memref<1x128xi32, #tpu.memory_space<hbm>>) target(%dma_start3A_225 : memref<1x128xi32, #tpu.memory_space<vmem>>) target_semaphore(%run_scoped3A_216 : memref<!tpu.dma_semaphore, #tpu.memory_space<semaphore_mem>>)
        %dma_wait3A_229 = arith.constant 78 : i32
        %dma_wait3A_230 = arith.constant 0 : i32
        %dma_wait3A_231 = tpu.memref_slice %arg8[%dma_wait3A_229, %dma_wait3A_230] : memref<79x128xi32, #tpu.memory_space<vmem>> -> memref<1x128xi32, #tpu.memory_space<vmem>>
        %dma_wait3A_232 = arith.constant 0 : i32
        %dma_wait3A_233 = tpu.memref_slice %arg4[%run_scoped3A_215, %add3A_214, %dma_wait3A_232] : memref<2x2500x128xi32, #tpu.memory_space<hbm>> -> memref<1x1x128xi32, #tpu.memory_space<hbm>>
        %dma_wait3A_234 = tpu.memref_squeeze %dma_wait3A_233 : memref<1x1x128xi32, #tpu.memory_space<hbm>> -> memref<1x128xi32, #tpu.memory_space<hbm>>
        %dma_wait3A_235 = arith.constant 78 : i32
        %dma_wait3A_236 = arith.constant 0 : i32
        %dma_wait3A_237 = tpu.memref_slice %arg8[%dma_wait3A_235, %dma_wait3A_236] : memref<79x128xi32, #tpu.memory_space<vmem>> -> memref<1x128xi32, #tpu.memory_space<vmem>>
        %dma_wait3A_238 = arith.constant 0 : i32
        %dma_wait3A_239 = tpu.memref_slice %arg4[%run_scoped3A_215, %add3A_214, %dma_wait3A_238] : memref<2x2500x128xi32, #tpu.memory_space<hbm>> -> memref<1x1x128xi32, #tpu.memory_space<hbm>>
        %dma_wait3A_240 = tpu.memref_squeeze %dma_wait3A_239 : memref<1x1x128xi32, #tpu.memory_space<hbm>> -> memref<1x128xi32, #tpu.memory_space<hbm>>
        tpu.wait_dma2 semaphore(%run_scoped3A_216 : memref<!tpu.dma_semaphore, #tpu.memory_space<semaphore_mem>>) src(%dma_wait3A_240 : memref<1x128xi32, #tpu.memory_space<hbm>>) dst(%dma_wait3A_237 : memref<1x128xi32, #tpu.memory_space<vmem>>)
        tpu.yield
      }) : () -> ()
    } else {
    }
    %mul3A_18 = arith.constant 78 : i32
    %mul3A_19 = arith.muli %add3A, %mul3A_18 : i32
    %min3A_20 = arith.constant 4 : i32
    %min3A_21 = arith.minsi %add3A, %min3A_20 : i32
    %add3A_22 = arith.addi %mul3A_19, %min3A_21 : i32
    %lt3A_23 = arith.constant 4 : i32
    %lt3A_24 = arith.cmpi slt, %add3A, %lt3A_23 : i32
    %mul3A_25 = arith.constant 640 : i32
    %mul3A_26 = arith.muli %arg1, %mul3A_25 : i32
    "tpu.region"() ({
      %run_scoped3A_213 = tpu.sem_alloc : memref<!tpu.dma_semaphore, #tpu.memory_space<semaphore_mem>>
      %dma_start3A_214 = arith.constant 0 : i32
      %dma_start3A_215 = tpu.memref_slice %arg15[%mul3A_26, %dma_start3A_214] : memref<10240x64xf32, #tpu.memory_space<vmem_shared>> -> memref<640x64xf32, #tpu.memory_space<vmem_shared>>
      tpu.enqueue_dma source(%arg5 : memref<640x64xf32, #tpu.memory_space<hbm>>) target(%dma_start3A_215 : memref<640x64xf32, #tpu.memory_space<vmem_shared>>) target_semaphore(%run_scoped3A_213 : memref<!tpu.dma_semaphore, #tpu.memory_space<semaphore_mem>>)
      %dma_wait3A_216 = arith.constant 0 : i32
      %dma_wait3A_217 = tpu.memref_slice %arg15[%mul3A_26, %dma_wait3A_216] : memref<10240x64xf32, #tpu.memory_space<vmem_shared>> -> memref<640x64xf32, #tpu.memory_space<vmem_shared>>
      tpu.wait_dma2 semaphore(%run_scoped3A_213 : memref<!tpu.dma_semaphore, #tpu.memory_space<semaphore_mem>>) src(%arg5 : memref<640x64xf32, #tpu.memory_space<hbm>>) dst(%dma_wait3A_217 : memref<640x64xf32, #tpu.memory_space<vmem_shared>>)
      tpu.yield
    }) : () -> ()
    %barrier3A = arith.constant 0 : index
    tpu.barrier barrier_id(%barrier3A)
    %convert_element_type3A_27 = arith.extui %lt3A_24 : i1 to i32
    %cond3A_28 = arith.constant 0 : i32
    %cond3A_29 = arith.cmpi ne, %convert_element_type3A_27, %cond3A_28 : i32
    scf.if %cond3A_29 {
      %dma_start3A_213 = arith.constant 78 : i32
      %dma_start3A_214 = arith.constant 0 : i32
      %dma_start3A_215 = tpu.memref_slice %arg7[%dma_start3A_213, %dma_start3A_214] : memref<79x128xi32, #tpu.memory_space<vmem>> -> memref<1x128xi32, #tpu.memory_space<vmem>>
      %dma_start3A_216 = tpu.memref_squeeze %dma_start3A_215 : memref<1x128xi32, #tpu.memory_space<vmem>> -> memref<128xi32, #tpu.memory_space<vmem>>
      %dma_start3A_217 = arith.constant 0 : i32
      %dma_start3A_218 = arith.constant 0 : i32
      %dma_start3A_219 = tpu.memref_slice %arg2[%dma_start3A_217, %dma_start3A_218] : memref<10000x64xf32, #tpu.memory_space<hbm>> -> memref<10000x64xf32, #tpu.memory_space<hbm>>
      tpu.enqueue_indirect_dma source(%dma_start3A_219 : memref<10000x64xf32, #tpu.memory_space<hbm>>) target(%arg9 : memref<128x64xf32, #tpu.memory_space<vmem>>) offsets(%dma_start3A_216 : memref<128xi32, #tpu.memory_space<vmem>>) semaphore(%arg16 : memref<!tpu.dma_semaphore, #tpu.memory_space<semaphore_mem>>)
      %dma_wait3A_220 = arith.constant 78 : i32
      %dma_wait3A_221 = arith.constant 0 : i32
      %dma_wait3A_222 = tpu.memref_slice %arg7[%dma_wait3A_220, %dma_wait3A_221] : memref<79x128xi32, #tpu.memory_space<vmem>> -> memref<1x128xi32, #tpu.memory_space<vmem>>
      %dma_wait3A_223 = tpu.memref_squeeze %dma_wait3A_222 : memref<1x128xi32, #tpu.memory_space<vmem>> -> memref<128xi32, #tpu.memory_space<vmem>>
      %dma_wait3A_224 = arith.constant 0 : i32
      %dma_wait3A_225 = arith.constant 0 : i32
      %dma_wait3A_226 = tpu.memref_slice %arg2[%dma_wait3A_224, %dma_wait3A_225] : memref<10000x64xf32, #tpu.memory_space<hbm>> -> memref<10000x64xf32, #tpu.memory_space<hbm>>
      tpu.wait_indirect_dma semaphore(%arg16 : memref<!tpu.dma_semaphore, #tpu.memory_space<semaphore_mem>>) src(%dma_wait3A_226 : memref<10000x64xf32, #tpu.memory_space<hbm>>) dst(%arg9 : memref<128x64xf32, #tpu.memory_space<vmem>>)
      %run_scoped3A_227 = arith.constant 78 : i32
      "tpu.region"() ({
        %run_scoped3A_228 = tpu.sem_alloc : memref<!tpu.dma_semaphore, #tpu.memory_space<semaphore_mem>>
        %dma_start3A_229 = arith.constant 0 : i32
        %dma_start3A_230 = tpu.memref_slice %arg8[%run_scoped3A_227, %dma_start3A_229] : memref<79x128xi32, #tpu.memory_space<vmem>> -> memref<1x128xi32, #tpu.memory_space<vmem>>
        %dma_start3A_231 = tpu.memref_squeeze %dma_start3A_230 : memref<1x128xi32, #tpu.memory_space<vmem>> -> memref<128xi32, #tpu.memory_space<vmem>>
        %dma_start3A_232 = arith.constant 0 : i32
        %dma_start3A_233 = arith.constant 0 : i32
        %dma_start3A_234 = tpu.memref_slice %arg15[%dma_start3A_232, %dma_start3A_233] : memref<10240x64xf32, #tpu.memory_space<vmem_shared>> -> memref<10240x64xf32, #tpu.memory_space<vmem_shared>>
        tpu.enqueue_indirect_dma source(%arg9 : memref<128x64xf32, #tpu.memory_space<vmem>>) target(%dma_start3A_234 : memref<10240x64xf32, #tpu.memory_space<vmem_shared>>) offsets(%dma_start3A_231 : memref<128xi32, #tpu.memory_space<vmem>>) semaphore(%run_scoped3A_228 : memref<!tpu.dma_semaphore, #tpu.memory_space<semaphore_mem>>) {add = true}
        %dma_wait3A_235 = arith.constant 0 : i32
        %dma_wait3A_236 = tpu.memref_slice %arg8[%run_scoped3A_227, %dma_wait3A_235] : memref<79x128xi32, #tpu.memory_space<vmem>> -> memref<1x128xi32, #tpu.memory_space<vmem>>
        %dma_wait3A_237 = tpu.memref_squeeze %dma_wait3A_236 : memref<1x128xi32, #tpu.memory_space<vmem>> -> memref<128xi32, #tpu.memory_space<vmem>>
        %dma_wait3A_238 = arith.constant 0 : i32
        %dma_wait3A_239 = arith.constant 0 : i32
        %dma_wait3A_240 = tpu.memref_slice %arg15[%dma_wait3A_238, %dma_wait3A_239] : memref<10240x64xf32, #tpu.memory_space<vmem_shared>> -> memref<10240x64xf32, #tpu.memory_space<vmem_shared>>
        tpu.wait_indirect_dma semaphore(%run_scoped3A_228 : memref<!tpu.dma_semaphore, #tpu.memory_space<semaphore_mem>>) src(%arg9 : memref<128x64xf32, #tpu.memory_space<vmem>>) dst(%dma_wait3A_240 : memref<10240x64xf32, #tpu.memory_space<vmem_shared>>)
        tpu.yield
      }) : () -> ()
    } else {
    }
    %dma_start3A = arith.constant 0 : i32
    %dma_start3A_30 = arith.constant 0 : i32
    %dma_start3A_31 = tpu.memref_slice %arg7[%dma_start3A, %dma_start3A_30] : memref<79x128xi32, #tpu.memory_space<vmem>> -> memref<1x128xi32, #tpu.memory_space<vmem>>
    %dma_start3A_32 = tpu.memref_squeeze %dma_start3A_31 : memref<1x128xi32, #tpu.memory_space<vmem>> -> memref<128xi32, #tpu.memory_space<vmem>>
    %dma_start3A_33 = arith.constant 0 : i32
    %dma_start3A_34 = arith.constant 0 : i32
    %dma_start3A_35 = tpu.memref_slice %arg2[%dma_start3A_33, %dma_start3A_34] : memref<10000x64xf32, #tpu.memory_space<hbm>> -> memref<10000x64xf32, #tpu.memory_space<hbm>>
    tpu.enqueue_indirect_dma source(%dma_start3A_35 : memref<10000x64xf32, #tpu.memory_space<hbm>>) target(%arg9 : memref<128x64xf32, #tpu.memory_space<vmem>>) offsets(%dma_start3A_32 : memref<128xi32, #tpu.memory_space<vmem>>) semaphore(%arg16 : memref<!tpu.dma_semaphore, #tpu.memory_space<semaphore_mem>>)
    %dma_start3A_36 = arith.constant 1 : i32
    %dma_start3A_37 = arith.constant 0 : i32
    %dma_start3A_38 = tpu.memref_slice %arg7[%dma_start3A_36, %dma_start3A_37] : memref<79x128xi32, #tpu.memory_space<vmem>> -> memref<1x128xi32, #tpu.memory_space<vmem>>
    %dma_start3A_39 = tpu.memref_squeeze %dma_start3A_38 : memref<1x128xi32, #tpu.memory_space<vmem>> -> memref<128xi32, #tpu.memory_space<vmem>>
    %dma_start3A_40 = arith.constant 0 : i32
    %dma_start3A_41 = arith.constant 0 : i32
    %dma_start3A_42 = tpu.memref_slice %arg2[%dma_start3A_40, %dma_start3A_41] : memref<10000x64xf32, #tpu.memory_space<hbm>> -> memref<10000x64xf32, #tpu.memory_space<hbm>>
    tpu.enqueue_indirect_dma source(%dma_start3A_42 : memref<10000x64xf32, #tpu.memory_space<hbm>>) target(%arg10 : memref<128x64xf32, #tpu.memory_space<vmem>>) offsets(%dma_start3A_39 : memref<128xi32, #tpu.memory_space<vmem>>) semaphore(%arg17 : memref<!tpu.dma_semaphore, #tpu.memory_space<semaphore_mem>>)
    %dma_start3A_43 = arith.constant 2 : i32
    %dma_start3A_44 = arith.constant 0 : i32
    %dma_start3A_45 = tpu.memref_slice %arg7[%dma_start3A_43, %dma_start3A_44] : memref<79x128xi32, #tpu.memory_space<vmem>> -> memref<1x128xi32, #tpu.memory_space<vmem>>
    %dma_start3A_46 = tpu.memref_squeeze %dma_start3A_45 : memref<1x128xi32, #tpu.memory_space<vmem>> -> memref<128xi32, #tpu.memory_space<vmem>>
    %dma_start3A_47 = arith.constant 0 : i32
    %dma_start3A_48 = arith.constant 0 : i32
    %dma_start3A_49 = tpu.memref_slice %arg2[%dma_start3A_47, %dma_start3A_48] : memref<10000x64xf32, #tpu.memory_space<hbm>> -> memref<10000x64xf32, #tpu.memory_space<hbm>>
    tpu.enqueue_indirect_dma source(%dma_start3A_49 : memref<10000x64xf32, #tpu.memory_space<hbm>>) target(%arg11 : memref<128x64xf32, #tpu.memory_space<vmem>>) offsets(%dma_start3A_46 : memref<128xi32, #tpu.memory_space<vmem>>) semaphore(%arg18 : memref<!tpu.dma_semaphore, #tpu.memory_space<semaphore_mem>>)
    %dma_start3A_50 = arith.constant 3 : i32
    %dma_start3A_51 = arith.constant 0 : i32
    %dma_start3A_52 = tpu.memref_slice %arg7[%dma_start3A_50, %dma_start3A_51] : memref<79x128xi32, #tpu.memory_space<vmem>> -> memref<1x128xi32, #tpu.memory_space<vmem>>
    %dma_start3A_53 = tpu.memref_squeeze %dma_start3A_52 : memref<1x128xi32, #tpu.memory_space<vmem>> -> memref<128xi32, #tpu.memory_space<vmem>>
    %dma_start3A_54 = arith.constant 0 : i32
    %dma_start3A_55 = arith.constant 0 : i32
    %dma_start3A_56 = tpu.memref_slice %arg2[%dma_start3A_54, %dma_start3A_55] : memref<10000x64xf32, #tpu.memory_space<hbm>> -> memref<10000x64xf32, #tpu.memory_space<hbm>>
    tpu.enqueue_indirect_dma source(%dma_start3A_56 : memref<10000x64xf32, #tpu.memory_space<hbm>>) target(%arg12 : memref<128x64xf32, #tpu.memory_space<vmem>>) offsets(%dma_start3A_53 : memref<128xi32, #tpu.memory_space<vmem>>) semaphore(%arg19 : memref<!tpu.dma_semaphore, #tpu.memory_space<semaphore_mem>>)
    %dma_start3A_57 = arith.constant 4 : i32
    %dma_start3A_58 = arith.constant 0 : i32
    %dma_start3A_59 = tpu.memref_slice %arg7[%dma_start3A_57, %dma_start3A_58] : memref<79x128xi32, #tpu.memory_space<vmem>> -> memref<1x128xi32, #tpu.memory_space<vmem>>
    %dma_start3A_60 = tpu.memref_squeeze %dma_start3A_59 : memref<1x128xi32, #tpu.memory_space<vmem>> -> memref<128xi32, #tpu.memory_space<vmem>>
    %dma_start3A_61 = arith.constant 0 : i32
    %dma_start3A_62 = arith.constant 0 : i32
    %dma_start3A_63 = tpu.memref_slice %arg2[%dma_start3A_61, %dma_start3A_62] : memref<10000x64xf32, #tpu.memory_space<hbm>> -> memref<10000x64xf32, #tpu.memory_space<hbm>>
    tpu.enqueue_indirect_dma source(%dma_start3A_63 : memref<10000x64xf32, #tpu.memory_space<hbm>>) target(%arg13 : memref<128x64xf32, #tpu.memory_space<vmem>>) offsets(%dma_start3A_60 : memref<128xi32, #tpu.memory_space<vmem>>) semaphore(%arg20 : memref<!tpu.dma_semaphore, #tpu.memory_space<semaphore_mem>>)
    %dma_start3A_64 = arith.constant 5 : i32
    %dma_start3A_65 = arith.constant 0 : i32
    %dma_start3A_66 = tpu.memref_slice %arg7[%dma_start3A_64, %dma_start3A_65] : memref<79x128xi32, #tpu.memory_space<vmem>> -> memref<1x128xi32, #tpu.memory_space<vmem>>
    %dma_start3A_67 = tpu.memref_squeeze %dma_start3A_66 : memref<1x128xi32, #tpu.memory_space<vmem>> -> memref<128xi32, #tpu.memory_space<vmem>>
    %dma_start3A_68 = arith.constant 0 : i32
    %dma_start3A_69 = arith.constant 0 : i32
    %dma_start3A_70 = tpu.memref_slice %arg2[%dma_start3A_68, %dma_start3A_69] : memref<10000x64xf32, #tpu.memory_space<hbm>> -> memref<10000x64xf32, #tpu.memory_space<hbm>>
    tpu.enqueue_indirect_dma source(%dma_start3A_70 : memref<10000x64xf32, #tpu.memory_space<hbm>>) target(%arg14 : memref<128x64xf32, #tpu.memory_space<vmem>>) offsets(%dma_start3A_67 : memref<128xi32, #tpu.memory_space<vmem>>) semaphore(%arg21 : memref<!tpu.dma_semaphore, #tpu.memory_space<semaphore_mem>>)
    %scan3A = arith.constant 0 : i32
    %scan3A_71 = arith.constant 0 : i32
    %scan3A_72 = arith.constant 13 : i32
    %scan3A_73 = arith.addi %scan3A_71, %scan3A_72 : i32
    %scan3A_74 = arith.constant 1 : i32
    scf.for %scan3A_213 = %scan3A_71 to %scan3A_73 step %scan3A_74  : i32 {
      %mul3A_214 = arith.constant 6 : i32
      %mul3A_215 = arith.muli %scan3A_213, %mul3A_214 : i32
      %add3A_216 = arith.constant 0 : i32
      %add3A_217 = arith.addi %mul3A_215, %add3A_216 : i32
      %dma_wait3A_218 = arith.constant 0 : i32
      %dma_wait3A_219 = tpu.memref_slice %arg7[%add3A_217, %dma_wait3A_218] : memref<79x128xi32, #tpu.memory_space<vmem>> -> memref<1x128xi32, #tpu.memory_space<vmem>>
      %dma_wait3A_220 = tpu.memref_squeeze %dma_wait3A_219 : memref<1x128xi32, #tpu.memory_space<vmem>> -> memref<128xi32, #tpu.memory_space<vmem>>
      %dma_wait3A_221 = arith.constant 0 : i32
      %dma_wait3A_222 = arith.constant 0 : i32
      %dma_wait3A_223 = tpu.memref_slice %arg2[%dma_wait3A_221, %dma_wait3A_222] : memref<10000x64xf32, #tpu.memory_space<hbm>> -> memref<10000x64xf32, #tpu.memory_space<hbm>>
      tpu.wait_indirect_dma semaphore(%arg16 : memref<!tpu.dma_semaphore, #tpu.memory_space<semaphore_mem>>) src(%dma_wait3A_223 : memref<10000x64xf32, #tpu.memory_space<hbm>>) dst(%arg9 : memref<128x64xf32, #tpu.memory_space<vmem>>)
      %add3A_224 = arith.constant 0 : i32
      %add3A_225 = arith.addi %mul3A_215, %add3A_224 : i32
      %dma_start3A_226 = arith.constant 0 : i32
      %dma_start3A_227 = tpu.memref_slice %arg8[%add3A_225, %dma_start3A_226] : memref<79x128xi32, #tpu.memory_space<vmem>> -> memref<1x128xi32, #tpu.memory_space<vmem>>
      %dma_start3A_228 = tpu.memref_squeeze %dma_start3A_227 : memref<1x128xi32, #tpu.memory_space<vmem>> -> memref<128xi32, #tpu.memory_space<vmem>>
      %dma_start3A_229 = arith.constant 0 : i32
      %dma_start3A_230 = arith.constant 0 : i32
      %dma_start3A_231 = tpu.memref_slice %arg15[%dma_start3A_229, %dma_start3A_230] : memref<10240x64xf32, #tpu.memory_space<vmem_shared>> -> memref<10240x64xf32, #tpu.memory_space<vmem_shared>>
      tpu.enqueue_indirect_dma source(%arg9 : memref<128x64xf32, #tpu.memory_space<vmem>>) target(%dma_start3A_231 : memref<10240x64xf32, #tpu.memory_space<vmem_shared>>) offsets(%dma_start3A_228 : memref<128xi32, #tpu.memory_space<vmem>>) semaphore(%arg22 : memref<!tpu.dma_semaphore, #tpu.memory_space<semaphore_mem>>) {add = true}
      %add3A_232 = arith.constant 0 : i32
      %add3A_233 = arith.addi %mul3A_215, %add3A_232 : i32
      %add3A_234 = arith.constant 6 : i32
      %add3A_235 = arith.addi %add3A_233, %add3A_234 : i32
      %lt3A_236 = arith.constant 78 : i32
      %lt3A_237 = arith.cmpi slt, %add3A_235, %lt3A_236 : i32
      %convert_element_type3A_238 = arith.extui %lt3A_237 : i1 to i32
      %cond3A_239 = arith.constant 0 : i32
      %cond3A_240 = arith.cmpi ne, %convert_element_type3A_238, %cond3A_239 : i32
      scf.if %cond3A_240 {
        %add3A_366 = arith.constant 0 : i32
        %add3A_367 = arith.addi %mul3A_215, %add3A_366 : i32
        %dma_wait3A_368 = arith.constant 0 : i32
        %dma_wait3A_369 = tpu.memref_slice %arg8[%add3A_367, %dma_wait3A_368] : memref<79x128xi32, #tpu.memory_space<vmem>> -> memref<1x128xi32, #tpu.memory_space<vmem>>
        %dma_wait3A_370 = tpu.memref_squeeze %dma_wait3A_369 : memref<1x128xi32, #tpu.memory_space<vmem>> -> memref<128xi32, #tpu.memory_space<vmem>>
        %dma_wait3A_371 = arith.constant 0 : i32
        %dma_wait3A_372 = arith.constant 0 : i32
        %dma_wait3A_373 = tpu.memref_slice %arg15[%dma_wait3A_371, %dma_wait3A_372] : memref<10240x64xf32, #tpu.memory_space<vmem_shared>> -> memref<10240x64xf32, #tpu.memory_space<vmem_shared>>
        tpu.wait_indirect_dma semaphore(%arg22 : memref<!tpu.dma_semaphore, #tpu.memory_space<semaphore_mem>>) src(%arg9 : memref<128x64xf32, #tpu.memory_space<vmem>>) dst(%dma_wait3A_373 : memref<10240x64xf32, #tpu.memory_space<vmem_shared>>)
        %add3A_374 = arith.constant 0 : i32
        %add3A_375 = arith.addi %mul3A_215, %add3A_374 : i32
        %add3A_376 = arith.constant 6 : i32
        %add3A_377 = arith.addi %add3A_375, %add3A_376 : i32
        %dma_start3A_378 = arith.constant 0 : i32
        %dma_start3A_379 = tpu.memref_slice %arg7[%add3A_377, %dma_start3A_378] : memref<79x128xi32, #tpu.memory_space<vmem>> -> memref<1x128xi32, #tpu.memory_space<vmem>>
        %dma_start3A_380 = tpu.memref_squeeze %dma_start3A_379 : memref<1x128xi32, #tpu.memory_space<vmem>> -> memref<128xi32, #tpu.memory_space<vmem>>
        %dma_start3A_381 = arith.constant 0 : i32
        %dma_start3A_382 = arith.constant 0 : i32
        %dma_start3A_383 = tpu.memref_slice %arg2[%dma_start3A_381, %dma_start3A_382] : memref<10000x64xf32, #tpu.memory_space<hbm>> -> memref<10000x64xf32, #tpu.memory_space<hbm>>
        tpu.enqueue_indirect_dma source(%dma_start3A_383 : memref<10000x64xf32, #tpu.memory_space<hbm>>) target(%arg9 : memref<128x64xf32, #tpu.memory_space<vmem>>) offsets(%dma_start3A_380 : memref<128xi32, #tpu.memory_space<vmem>>) semaphore(%arg16 : memref<!tpu.dma_semaphore, #tpu.memory_space<semaphore_mem>>)
      } else {
      }
      %add3A_241 = arith.constant 1 : i32
      %add3A_242 = arith.addi %mul3A_215, %add3A_241 : i32
      %dma_wait3A_243 = arith.constant 0 : i32
      %dma_wait3A_244 = tpu.memref_slice %arg7[%add3A_242, %dma_wait3A_243] : memref<79x128xi32, #tpu.memory_space<vmem>> -> memref<1x128xi32, #tpu.memory_space<vmem>>
      %dma_wait3A_245 = tpu.memref_squeeze %dma_wait3A_244 : memref<1x128xi32, #tpu.memory_space<vmem>> -> memref<128xi32, #tpu.memory_space<vmem>>
      %dma_wait3A_246 = arith.constant 0 : i32
      %dma_wait3A_247 = arith.constant 0 : i32
      %dma_wait3A_248 = tpu.memref_slice %arg2[%dma_wait3A_246, %dma_wait3A_247] : memref<10000x64xf32, #tpu.memory_space<hbm>> -> memref<10000x64xf32, #tpu.memory_space<hbm>>
      tpu.wait_indirect_dma semaphore(%arg17 : memref<!tpu.dma_semaphore, #tpu.memory_space<semaphore_mem>>) src(%dma_wait3A_248 : memref<10000x64xf32, #tpu.memory_space<hbm>>) dst(%arg10 : memref<128x64xf32, #tpu.memory_space<vmem>>)
      %add3A_249 = arith.constant 1 : i32
      %add3A_250 = arith.addi %mul3A_215, %add3A_249 : i32
      %dma_start3A_251 = arith.constant 0 : i32
      %dma_start3A_252 = tpu.memref_slice %arg8[%add3A_250, %dma_start3A_251] : memref<79x128xi32, #tpu.memory_space<vmem>> -> memref<1x128xi32, #tpu.memory_space<vmem>>
      %dma_start3A_253 = tpu.memref_squeeze %dma_start3A_252 : memref<1x128xi32, #tpu.memory_space<vmem>> -> memref<128xi32, #tpu.memory_space<vmem>>
      %dma_start3A_254 = arith.constant 0 : i32
      %dma_start3A_255 = arith.constant 0 : i32
      %dma_start3A_256 = tpu.memref_slice %arg15[%dma_start3A_254, %dma_start3A_255] : memref<10240x64xf32, #tpu.memory_space<vmem_shared>> -> memref<10240x64xf32, #tpu.memory_space<vmem_shared>>
      tpu.enqueue_indirect_dma source(%arg10 : memref<128x64xf32, #tpu.memory_space<vmem>>) target(%dma_start3A_256 : memref<10240x64xf32, #tpu.memory_space<vmem_shared>>) offsets(%dma_start3A_253 : memref<128xi32, #tpu.memory_space<vmem>>) semaphore(%arg23 : memref<!tpu.dma_semaphore, #tpu.memory_space<semaphore_mem>>) {add = true}
      %add3A_257 = arith.constant 1 : i32
      %add3A_258 = arith.addi %mul3A_215, %add3A_257 : i32
      %add3A_259 = arith.constant 6 : i32
      %add3A_260 = arith.addi %add3A_258, %add3A_259 : i32
      %lt3A_261 = arith.constant 78 : i32
      %lt3A_262 = arith.cmpi slt, %add3A_260, %lt3A_261 : i32
      %convert_element_type3A_263 = arith.extui %lt3A_262 : i1 to i32
      %cond3A_264 = arith.constant 0 : i32
      %cond3A_265 = arith.cmpi ne, %convert_element_type3A_263, %cond3A_264 : i32
      scf.if %cond3A_265 {
        %add3A_366 = arith.constant 1 : i32
        %add3A_367 = arith.addi %mul3A_215, %add3A_366 : i32
        %dma_wait3A_368 = arith.constant 0 : i32
        %dma_wait3A_369 = tpu.memref_slice %arg8[%add3A_367, %dma_wait3A_368] : memref<79x128xi32, #tpu.memory_space<vmem>> -> memref<1x128xi32, #tpu.memory_space<vmem>>
        %dma_wait3A_370 = tpu.memref_squeeze %dma_wait3A_369 : memref<1x128xi32, #tpu.memory_space<vmem>> -> memref<128xi32, #tpu.memory_space<vmem>>
        %dma_wait3A_371 = arith.constant 0 : i32
        %dma_wait3A_372 = arith.constant 0 : i32
        %dma_wait3A_373 = tpu.memref_slice %arg15[%dma_wait3A_371, %dma_wait3A_372] : memref<10240x64xf32, #tpu.memory_space<vmem_shared>> -> memref<10240x64xf32, #tpu.memory_space<vmem_shared>>
        tpu.wait_indirect_dma semaphore(%arg23 : memref<!tpu.dma_semaphore, #tpu.memory_space<semaphore_mem>>) src(%arg10 : memref<128x64xf32, #tpu.memory_space<vmem>>) dst(%dma_wait3A_373 : memref<10240x64xf32, #tpu.memory_space<vmem_shared>>)
        %add3A_374 = arith.constant 1 : i32
        %add3A_375 = arith.addi %mul3A_215, %add3A_374 : i32
        %add3A_376 = arith.constant 6 : i32
        %add3A_377 = arith.addi %add3A_375, %add3A_376 : i32
        %dma_start3A_378 = arith.constant 0 : i32
        %dma_start3A_379 = tpu.memref_slice %arg7[%add3A_377, %dma_start3A_378] : memref<79x128xi32, #tpu.memory_space<vmem>> -> memref<1x128xi32, #tpu.memory_space<vmem>>
        %dma_start3A_380 = tpu.memref_squeeze %dma_start3A_379 : memref<1x128xi32, #tpu.memory_space<vmem>> -> memref<128xi32, #tpu.memory_space<vmem>>
        %dma_start3A_381 = arith.constant 0 : i32
        %dma_start3A_382 = arith.constant 0 : i32
        %dma_start3A_383 = tpu.memref_slice %arg2[%dma_start3A_381, %dma_start3A_382] : memref<10000x64xf32, #tpu.memory_space<hbm>> -> memref<10000x64xf32, #tpu.memory_space<hbm>>
        tpu.enqueue_indirect_dma source(%dma_start3A_383 : memref<10000x64xf32, #tpu.memory_space<hbm>>) target(%arg10 : memref<128x64xf32, #tpu.memory_space<vmem>>) offsets(%dma_start3A_380 : memref<128xi32, #tpu.memory_space<vmem>>) semaphore(%arg17 : memref<!tpu.dma_semaphore, #tpu.memory_space<semaphore_mem>>)
      } else {
      }
      %add3A_266 = arith.constant 2 : i32
      %add3A_267 = arith.addi %mul3A_215, %add3A_266 : i32
      %dma_wait3A_268 = arith.constant 0 : i32
      %dma_wait3A_269 = tpu.memref_slice %arg7[%add3A_267, %dma_wait3A_268] : memref<79x128xi32, #tpu.memory_space<vmem>> -> memref<1x128xi32, #tpu.memory_space<vmem>>
      %dma_wait3A_270 = tpu.memref_squeeze %dma_wait3A_269 : memref<1x128xi32, #tpu.memory_space<vmem>> -> memref<128xi32, #tpu.memory_space<vmem>>
      %dma_wait3A_271 = arith.constant 0 : i32
      %dma_wait3A_272 = arith.constant 0 : i32
      %dma_wait3A_273 = tpu.memref_slice %arg2[%dma_wait3A_271, %dma_wait3A_272] : memref<10000x64xf32, #tpu.memory_space<hbm>> -> memref<10000x64xf32, #tpu.memory_space<hbm>>
      tpu.wait_indirect_dma semaphore(%arg18 : memref<!tpu.dma_semaphore, #tpu.memory_space<semaphore_mem>>) src(%dma_wait3A_273 : memref<10000x64xf32, #tpu.memory_space<hbm>>) dst(%arg11 : memref<128x64xf32, #tpu.memory_space<vmem>>)
      %add3A_274 = arith.constant 2 : i32
      %add3A_275 = arith.addi %mul3A_215, %add3A_274 : i32
      %dma_start3A_276 = arith.constant 0 : i32
      %dma_start3A_277 = tpu.memref_slice %arg8[%add3A_275, %dma_start3A_276] : memref<79x128xi32, #tpu.memory_space<vmem>> -> memref<1x128xi32, #tpu.memory_space<vmem>>
      %dma_start3A_278 = tpu.memref_squeeze %dma_start3A_277 : memref<1x128xi32, #tpu.memory_space<vmem>> -> memref<128xi32, #tpu.memory_space<vmem>>
      %dma_start3A_279 = arith.constant 0 : i32
      %dma_start3A_280 = arith.constant 0 : i32
      %dma_start3A_281 = tpu.memref_slice %arg15[%dma_start3A_279, %dma_start3A_280] : memref<10240x64xf32, #tpu.memory_space<vmem_shared>> -> memref<10240x64xf32, #tpu.memory_space<vmem_shared>>
      tpu.enqueue_indirect_dma source(%arg11 : memref<128x64xf32, #tpu.memory_space<vmem>>) target(%dma_start3A_281 : memref<10240x64xf32, #tpu.memory_space<vmem_shared>>) offsets(%dma_start3A_278 : memref<128xi32, #tpu.memory_space<vmem>>) semaphore(%arg24 : memref<!tpu.dma_semaphore, #tpu.memory_space<semaphore_mem>>) {add = true}
      %add3A_282 = arith.constant 2 : i32
      %add3A_283 = arith.addi %mul3A_215, %add3A_282 : i32
      %add3A_284 = arith.constant 6 : i32
      %add3A_285 = arith.addi %add3A_283, %add3A_284 : i32
      %lt3A_286 = arith.constant 78 : i32
      %lt3A_287 = arith.cmpi slt, %add3A_285, %lt3A_286 : i32
      %convert_element_type3A_288 = arith.extui %lt3A_287 : i1 to i32
      %cond3A_289 = arith.constant 0 : i32
      %cond3A_290 = arith.cmpi ne, %convert_element_type3A_288, %cond3A_289 : i32
      scf.if %cond3A_290 {
        %add3A_366 = arith.constant 2 : i32
        %add3A_367 = arith.addi %mul3A_215, %add3A_366 : i32
        %dma_wait3A_368 = arith.constant 0 : i32
        %dma_wait3A_369 = tpu.memref_slice %arg8[%add3A_367, %dma_wait3A_368] : memref<79x128xi32, #tpu.memory_space<vmem>> -> memref<1x128xi32, #tpu.memory_space<vmem>>
        %dma_wait3A_370 = tpu.memref_squeeze %dma_wait3A_369 : memref<1x128xi32, #tpu.memory_space<vmem>> -> memref<128xi32, #tpu.memory_space<vmem>>
        %dma_wait3A_371 = arith.constant 0 : i32
        %dma_wait3A_372 = arith.constant 0 : i32
        %dma_wait3A_373 = tpu.memref_slice %arg15[%dma_wait3A_371, %dma_wait3A_372] : memref<10240x64xf32, #tpu.memory_space<vmem_shared>> -> memref<10240x64xf32, #tpu.memory_space<vmem_shared>>
        tpu.wait_indirect_dma semaphore(%arg24 : memref<!tpu.dma_semaphore, #tpu.memory_space<semaphore_mem>>) src(%arg11 : memref<128x64xf32, #tpu.memory_space<vmem>>) dst(%dma_wait3A_373 : memref<10240x64xf32, #tpu.memory_space<vmem_shared>>)
        %add3A_374 = arith.constant 2 : i32
        %add3A_375 = arith.addi %mul3A_215, %add3A_374 : i32
        %add3A_376 = arith.constant 6 : i32
        %add3A_377 = arith.addi %add3A_375, %add3A_376 : i32
        %dma_start3A_378 = arith.constant 0 : i32
        %dma_start3A_379 = tpu.memref_slice %arg7[%add3A_377, %dma_start3A_378] : memref<79x128xi32, #tpu.memory_space<vmem>> -> memref<1x128xi32, #tpu.memory_space<vmem>>
        %dma_start3A_380 = tpu.memref_squeeze %dma_start3A_379 : memref<1x128xi32, #tpu.memory_space<vmem>> -> memref<128xi32, #tpu.memory_space<vmem>>
        %dma_start3A_381 = arith.constant 0 : i32
        %dma_start3A_382 = arith.constant 0 : i32
        %dma_start3A_383 = tpu.memref_slice %arg2[%dma_start3A_381, %dma_start3A_382] : memref<10000x64xf32, #tpu.memory_space<hbm>> -> memref<10000x64xf32, #tpu.memory_space<hbm>>
        tpu.enqueue_indirect_dma source(%dma_start3A_383 : memref<10000x64xf32, #tpu.memory_space<hbm>>) target(%arg11 : memref<128x64xf32, #tpu.memory_space<vmem>>) offsets(%dma_start3A_380 : memref<128xi32, #tpu.memory_space<vmem>>) semaphore(%arg18 : memref<!tpu.dma_semaphore, #tpu.memory_space<semaphore_mem>>)
      } else {
      }
      %add3A_291 = arith.constant 3 : i32
      %add3A_292 = arith.addi %mul3A_215, %add3A_291 : i32
      %dma_wait3A_293 = arith.constant 0 : i32
      %dma_wait3A_294 = tpu.memref_slice %arg7[%add3A_292, %dma_wait3A_293] : memref<79x128xi32, #tpu.memory_space<vmem>> -> memref<1x128xi32, #tpu.memory_space<vmem>>
      %dma_wait3A_295 = tpu.memref_squeeze %dma_wait3A_294 : memref<1x128xi32, #tpu.memory_space<vmem>> -> memref<128xi32, #tpu.memory_space<vmem>>
      %dma_wait3A_296 = arith.constant 0 : i32
      %dma_wait3A_297 = arith.constant 0 : i32
      %dma_wait3A_298 = tpu.memref_slice %arg2[%dma_wait3A_296, %dma_wait3A_297] : memref<10000x64xf32, #tpu.memory_space<hbm>> -> memref<10000x64xf32, #tpu.memory_space<hbm>>
      tpu.wait_indirect_dma semaphore(%arg19 : memref<!tpu.dma_semaphore, #tpu.memory_space<semaphore_mem>>) src(%dma_wait3A_298 : memref<10000x64xf32, #tpu.memory_space<hbm>>) dst(%arg12 : memref<128x64xf32, #tpu.memory_space<vmem>>)
      %add3A_299 = arith.constant 3 : i32
      %add3A_300 = arith.addi %mul3A_215, %add3A_299 : i32
      %dma_start3A_301 = arith.constant 0 : i32
      %dma_start3A_302 = tpu.memref_slice %arg8[%add3A_300, %dma_start3A_301] : memref<79x128xi32, #tpu.memory_space<vmem>> -> memref<1x128xi32, #tpu.memory_space<vmem>>
      %dma_start3A_303 = tpu.memref_squeeze %dma_start3A_302 : memref<1x128xi32, #tpu.memory_space<vmem>> -> memref<128xi32, #tpu.memory_space<vmem>>
      %dma_start3A_304 = arith.constant 0 : i32
      %dma_start3A_305 = arith.constant 0 : i32
      %dma_start3A_306 = tpu.memref_slice %arg15[%dma_start3A_304, %dma_start3A_305] : memref<10240x64xf32, #tpu.memory_space<vmem_shared>> -> memref<10240x64xf32, #tpu.memory_space<vmem_shared>>
      tpu.enqueue_indirect_dma source(%arg12 : memref<128x64xf32, #tpu.memory_space<vmem>>) target(%dma_start3A_306 : memref<10240x64xf32, #tpu.memory_space<vmem_shared>>) offsets(%dma_start3A_303 : memref<128xi32, #tpu.memory_space<vmem>>) semaphore(%arg25 : memref<!tpu.dma_semaphore, #tpu.memory_space<semaphore_mem>>) {add = true}
      %add3A_307 = arith.constant 3 : i32
      %add3A_308 = arith.addi %mul3A_215, %add3A_307 : i32
      %add3A_309 = arith.constant 6 : i32
      %add3A_310 = arith.addi %add3A_308, %add3A_309 : i32
      %lt3A_311 = arith.constant 78 : i32
      %lt3A_312 = arith.cmpi slt, %add3A_310, %lt3A_311 : i32
      %convert_element_type3A_313 = arith.extui %lt3A_312 : i1 to i32
      %cond3A_314 = arith.constant 0 : i32
      %cond3A_315 = arith.cmpi ne, %convert_element_type3A_313, %cond3A_314 : i32
      scf.if %cond3A_315 {
        %add3A_366 = arith.constant 3 : i32
        %add3A_367 = arith.addi %mul3A_215, %add3A_366 : i32
        %dma_wait3A_368 = arith.constant 0 : i32
        %dma_wait3A_369 = tpu.memref_slice %arg8[%add3A_367, %dma_wait3A_368] : memref<79x128xi32, #tpu.memory_space<vmem>> -> memref<1x128xi32, #tpu.memory_space<vmem>>
        %dma_wait3A_370 = tpu.memref_squeeze %dma_wait3A_369 : memref<1x128xi32, #tpu.memory_space<vmem>> -> memref<128xi32, #tpu.memory_space<vmem>>
        %dma_wait3A_371 = arith.constant 0 : i32
        %dma_wait3A_372 = arith.constant 0 : i32
        %dma_wait3A_373 = tpu.memref_slice %arg15[%dma_wait3A_371, %dma_wait3A_372] : memref<10240x64xf32, #tpu.memory_space<vmem_shared>> -> memref<10240x64xf32, #tpu.memory_space<vmem_shared>>
        tpu.wait_indirect_dma semaphore(%arg25 : memref<!tpu.dma_semaphore, #tpu.memory_space<semaphore_mem>>) src(%arg12 : memref<128x64xf32, #tpu.memory_space<vmem>>) dst(%dma_wait3A_373 : memref<10240x64xf32, #tpu.memory_space<vmem_shared>>)
        %add3A_374 = arith.constant 3 : i32
        %add3A_375 = arith.addi %mul3A_215, %add3A_374 : i32
        %add3A_376 = arith.constant 6 : i32
        %add3A_377 = arith.addi %add3A_375, %add3A_376 : i32
        %dma_start3A_378 = arith.constant 0 : i32
        %dma_start3A_379 = tpu.memref_slice %arg7[%add3A_377, %dma_start3A_378] : memref<79x128xi32, #tpu.memory_space<vmem>> -> memref<1x128xi32, #tpu.memory_space<vmem>>
        %dma_start3A_380 = tpu.memref_squeeze %dma_start3A_379 : memref<1x128xi32, #tpu.memory_space<vmem>> -> memref<128xi32, #tpu.memory_space<vmem>>
        %dma_start3A_381 = arith.constant 0 : i32
        %dma_start3A_382 = arith.constant 0 : i32
        %dma_start3A_383 = tpu.memref_slice %arg2[%dma_start3A_381, %dma_start3A_382] : memref<10000x64xf32, #tpu.memory_space<hbm>> -> memref<10000x64xf32, #tpu.memory_space<hbm>>
        tpu.enqueue_indirect_dma source(%dma_start3A_383 : memref<10000x64xf32, #tpu.memory_space<hbm>>) target(%arg12 : memref<128x64xf32, #tpu.memory_space<vmem>>) offsets(%dma_start3A_380 : memref<128xi32, #tpu.memory_space<vmem>>) semaphore(%arg19 : memref<!tpu.dma_semaphore, #tpu.memory_space<semaphore_mem>>)
      } else {
      }
      %add3A_316 = arith.constant 4 : i32
      %add3A_317 = arith.addi %mul3A_215, %add3A_316 : i32
      %dma_wait3A_318 = arith.constant 0 : i32
      %dma_wait3A_319 = tpu.memref_slice %arg7[%add3A_317, %dma_wait3A_318] : memref<79x128xi32, #tpu.memory_space<vmem>> -> memref<1x128xi32, #tpu.memory_space<vmem>>
      %dma_wait3A_320 = tpu.memref_squeeze %dma_wait3A_319 : memref<1x128xi32, #tpu.memory_space<vmem>> -> memref<128xi32, #tpu.memory_space<vmem>>
      %dma_wait3A_321 = arith.constant 0 : i32
      %dma_wait3A_322 = arith.constant 0 : i32
      %dma_wait3A_323 = tpu.memref_slice %arg2[%dma_wait3A_321, %dma_wait3A_322] : memref<10000x64xf32, #tpu.memory_space<hbm>> -> memref<10000x64xf32, #tpu.memory_space<hbm>>
      tpu.wait_indirect_dma semaphore(%arg20 : memref<!tpu.dma_semaphore, #tpu.memory_space<semaphore_mem>>) src(%dma_wait3A_323 : memref<10000x64xf32, #tpu.memory_space<hbm>>) dst(%arg13 : memref<128x64xf32, #tpu.memory_space<vmem>>)
      %add3A_324 = arith.constant 4 : i32
      %add3A_325 = arith.addi %mul3A_215, %add3A_324 : i32
      %dma_start3A_326 = arith.constant 0 : i32
      %dma_start3A_327 = tpu.memref_slice %arg8[%add3A_325, %dma_start3A_326] : memref<79x128xi32, #tpu.memory_space<vmem>> -> memref<1x128xi32, #tpu.memory_space<vmem>>
      %dma_start3A_328 = tpu.memref_squeeze %dma_start3A_327 : memref<1x128xi32, #tpu.memory_space<vmem>> -> memref<128xi32, #tpu.memory_space<vmem>>
      %dma_start3A_329 = arith.constant 0 : i32
      %dma_start3A_330 = arith.constant 0 : i32
      %dma_start3A_331 = tpu.memref_slice %arg15[%dma_start3A_329, %dma_start3A_330] : memref<10240x64xf32, #tpu.memory_space<vmem_shared>> -> memref<10240x64xf32, #tpu.memory_space<vmem_shared>>
      tpu.enqueue_indirect_dma source(%arg13 : memref<128x64xf32, #tpu.memory_space<vmem>>) target(%dma_start3A_331 : memref<10240x64xf32, #tpu.memory_space<vmem_shared>>) offsets(%dma_start3A_328 : memref<128xi32, #tpu.memory_space<vmem>>) semaphore(%arg26 : memref<!tpu.dma_semaphore, #tpu.memory_space<semaphore_mem>>) {add = true}
      %add3A_332 = arith.constant 4 : i32
      %add3A_333 = arith.addi %mul3A_215, %add3A_332 : i32
      %add3A_334 = arith.constant 6 : i32
      %add3A_335 = arith.addi %add3A_333, %add3A_334 : i32
      %lt3A_336 = arith.constant 78 : i32
      %lt3A_337 = arith.cmpi slt, %add3A_335, %lt3A_336 : i32
      %convert_element_type3A_338 = arith.extui %lt3A_337 : i1 to i32
      %cond3A_339 = arith.constant 0 : i32
      %cond3A_340 = arith.cmpi ne, %convert_element_type3A_338, %cond3A_339 : i32
      scf.if %cond3A_340 {
        %add3A_366 = arith.constant 4 : i32
        %add3A_367 = arith.addi %mul3A_215, %add3A_366 : i32
        %dma_wait3A_368 = arith.constant 0 : i32
        %dma_wait3A_369 = tpu.memref_slice %arg8[%add3A_367, %dma_wait3A_368] : memref<79x128xi32, #tpu.memory_space<vmem>> -> memref<1x128xi32, #tpu.memory_space<vmem>>
        %dma_wait3A_370 = tpu.memref_squeeze %dma_wait3A_369 : memref<1x128xi32, #tpu.memory_space<vmem>> -> memref<128xi32, #tpu.memory_space<vmem>>
        %dma_wait3A_371 = arith.constant 0 : i32
        %dma_wait3A_372 = arith.constant 0 : i32
        %dma_wait3A_373 = tpu.memref_slice %arg15[%dma_wait3A_371, %dma_wait3A_372] : memref<10240x64xf32, #tpu.memory_space<vmem_shared>> -> memref<10240x64xf32, #tpu.memory_space<vmem_shared>>
        tpu.wait_indirect_dma semaphore(%arg26 : memref<!tpu.dma_semaphore, #tpu.memory_space<semaphore_mem>>) src(%arg13 : memref<128x64xf32, #tpu.memory_space<vmem>>) dst(%dma_wait3A_373 : memref<10240x64xf32, #tpu.memory_space<vmem_shared>>)
        %add3A_374 = arith.constant 4 : i32
        %add3A_375 = arith.addi %mul3A_215, %add3A_374 : i32
        %add3A_376 = arith.constant 6 : i32
        %add3A_377 = arith.addi %add3A_375, %add3A_376 : i32
        %dma_start3A_378 = arith.constant 0 : i32
        %dma_start3A_379 = tpu.memref_slice %arg7[%add3A_377, %dma_start3A_378] : memref<79x128xi32, #tpu.memory_space<vmem>> -> memref<1x128xi32, #tpu.memory_space<vmem>>
        %dma_start3A_380 = tpu.memref_squeeze %dma_start3A_379 : memref<1x128xi32, #tpu.memory_space<vmem>> -> memref<128xi32, #tpu.memory_space<vmem>>
        %dma_start3A_381 = arith.constant 0 : i32
        %dma_start3A_382 = arith.constant 0 : i32
        %dma_start3A_383 = tpu.memref_slice %arg2[%dma_start3A_381, %dma_start3A_382] : memref<10000x64xf32, #tpu.memory_space<hbm>> -> memref<10000x64xf32, #tpu.memory_space<hbm>>
        tpu.enqueue_indirect_dma source(%dma_start3A_383 : memref<10000x64xf32, #tpu.memory_space<hbm>>) target(%arg13 : memref<128x64xf32, #tpu.memory_space<vmem>>) offsets(%dma_start3A_380 : memref<128xi32, #tpu.memory_space<vmem>>) semaphore(%arg20 : memref<!tpu.dma_semaphore, #tpu.memory_space<semaphore_mem>>)
      } else {
      }
      %add3A_341 = arith.constant 5 : i32
      %add3A_342 = arith.addi %mul3A_215, %add3A_341 : i32
      %dma_wait3A_343 = arith.constant 0 : i32
      %dma_wait3A_344 = tpu.memref_slice %arg7[%add3A_342, %dma_wait3A_343] : memref<79x128xi32, #tpu.memory_space<vmem>> -> memref<1x128xi32, #tpu.memory_space<vmem>>
      %dma_wait3A_345 = tpu.memref_squeeze %dma_wait3A_344 : memref<1x128xi32, #tpu.memory_space<vmem>> -> memref<128xi32, #tpu.memory_space<vmem>>
      %dma_wait3A_346 = arith.constant 0 : i32
      %dma_wait3A_347 = arith.constant 0 : i32
      %dma_wait3A_348 = tpu.memref_slice %arg2[%dma_wait3A_346, %dma_wait3A_347] : memref<10000x64xf32, #tpu.memory_space<hbm>> -> memref<10000x64xf32, #tpu.memory_space<hbm>>
      tpu.wait_indirect_dma semaphore(%arg21 : memref<!tpu.dma_semaphore, #tpu.memory_space<semaphore_mem>>) src(%dma_wait3A_348 : memref<10000x64xf32, #tpu.memory_space<hbm>>) dst(%arg14 : memref<128x64xf32, #tpu.memory_space<vmem>>)
      %add3A_349 = arith.constant 5 : i32
      %add3A_350 = arith.addi %mul3A_215, %add3A_349 : i32
      %dma_start3A_351 = arith.constant 0 : i32
      %dma_start3A_352 = tpu.memref_slice %arg8[%add3A_350, %dma_start3A_351] : memref<79x128xi32, #tpu.memory_space<vmem>> -> memref<1x128xi32, #tpu.memory_space<vmem>>
      %dma_start3A_353 = tpu.memref_squeeze %dma_start3A_352 : memref<1x128xi32, #tpu.memory_space<vmem>> -> memref<128xi32, #tpu.memory_space<vmem>>
      %dma_start3A_354 = arith.constant 0 : i32
      %dma_start3A_355 = arith.constant 0 : i32
      %dma_start3A_356 = tpu.memref_slice %arg15[%dma_start3A_354, %dma_start3A_355] : memref<10240x64xf32, #tpu.memory_space<vmem_shared>> -> memref<10240x64xf32, #tpu.memory_space<vmem_shared>>
      tpu.enqueue_indirect_dma source(%arg14 : memref<128x64xf32, #tpu.memory_space<vmem>>) target(%dma_start3A_356 : memref<10240x64xf32, #tpu.memory_space<vmem_shared>>) offsets(%dma_start3A_353 : memref<128xi32, #tpu.memory_space<vmem>>) semaphore(%arg27 : memref<!tpu.dma_semaphore, #tpu.memory_space<semaphore_mem>>) {add = true}
      %add3A_357 = arith.constant 5 : i32
      %add3A_358 = arith.addi %mul3A_215, %add3A_357 : i32
      %add3A_359 = arith.constant 6 : i32
      %add3A_360 = arith.addi %add3A_358, %add3A_359 : i32
      %lt3A_361 = arith.constant 78 : i32
      %lt3A_362 = arith.cmpi slt, %add3A_360, %lt3A_361 : i32
      %convert_element_type3A_363 = arith.extui %lt3A_362 : i1 to i32
      %cond3A_364 = arith.constant 0 : i32
      %cond3A_365 = arith.cmpi ne, %convert_element_type3A_363, %cond3A_364 : i32
      scf.if %cond3A_365 {
        %add3A_366 = arith.constant 5 : i32
        %add3A_367 = arith.addi %mul3A_215, %add3A_366 : i32
        %dma_wait3A_368 = arith.constant 0 : i32
        %dma_wait3A_369 = tpu.memref_slice %arg8[%add3A_367, %dma_wait3A_368] : memref<79x128xi32, #tpu.memory_space<vmem>> -> memref<1x128xi32, #tpu.memory_space<vmem>>
        %dma_wait3A_370 = tpu.memref_squeeze %dma_wait3A_369 : memref<1x128xi32, #tpu.memory_space<vmem>> -> memref<128xi32, #tpu.memory_space<vmem>>
        %dma_wait3A_371 = arith.constant 0 : i32
        %dma_wait3A_372 = arith.constant 0 : i32
        %dma_wait3A_373 = tpu.memref_slice %arg15[%dma_wait3A_371, %dma_wait3A_372] : memref<10240x64xf32, #tpu.memory_space<vmem_shared>> -> memref<10240x64xf32, #tpu.memory_space<vmem_shared>>
        tpu.wait_indirect_dma semaphore(%arg27 : memref<!tpu.dma_semaphore, #tpu.memory_space<semaphore_mem>>) src(%arg14 : memref<128x64xf32, #tpu.memory_space<vmem>>) dst(%dma_wait3A_373 : memref<10240x64xf32, #tpu.memory_space<vmem_shared>>)
        %add3A_374 = arith.constant 5 : i32
        %add3A_375 = arith.addi %mul3A_215, %add3A_374 : i32
        %add3A_376 = arith.constant 6 : i32
        %add3A_377 = arith.addi %add3A_375, %add3A_376 : i32
        %dma_start3A_378 = arith.constant 0 : i32
        %dma_start3A_379 = tpu.memref_slice %arg7[%add3A_377, %dma_start3A_378] : memref<79x128xi32, #tpu.memory_space<vmem>> -> memref<1x128xi32, #tpu.memory_space<vmem>>
        %dma_start3A_380 = tpu.memref_squeeze %dma_start3A_379 : memref<1x128xi32, #tpu.memory_space<vmem>> -> memref<128xi32, #tpu.memory_space<vmem>>
        %dma_start3A_381 = arith.constant 0 : i32
        %dma_start3A_382 = arith.constant 0 : i32
        %dma_start3A_383 = tpu.memref_slice %arg2[%dma_start3A_381, %dma_start3A_382] : memref<10000x64xf32, #tpu.memory_space<hbm>> -> memref<10000x64xf32, #tpu.memory_space<hbm>>
        tpu.enqueue_indirect_dma source(%dma_start3A_383 : memref<10000x64xf32, #tpu.memory_space<hbm>>) target(%arg14 : memref<128x64xf32, #tpu.memory_space<vmem>>) offsets(%dma_start3A_380 : memref<128xi32, #tpu.memory_space<vmem>>) semaphore(%arg21 : memref<!tpu.dma_semaphore, #tpu.memory_space<semaphore_mem>>)
      } else {
      }
    }
    %scan3A_75 = arith.constant 13 : i32
    %dma_wait3A = arith.constant 72 : i32
    %dma_wait3A_76 = arith.constant 0 : i32
    %dma_wait3A_77 = tpu.memref_slice %arg8[%dma_wait3A, %dma_wait3A_76] : memref<79x128xi32, #tpu.memory_space<vmem>> -> memref<1x128xi32, #tpu.memory_space<vmem>>
    %dma_wait3A_78 = tpu.memref_squeeze %dma_wait3A_77 : memref<1x128xi32, #tpu.memory_space<vmem>> -> memref<128xi32, #tpu.memory_space<vmem>>
    %dma_wait3A_79 = arith.constant 0 : i32
    %dma_wait3A_80 = arith.constant 0 : i32
    %dma_wait3A_81 = tpu.memref_slice %arg15[%dma_wait3A_79, %dma_wait3A_80] : memref<10240x64xf32, #tpu.memory_space<vmem_shared>> -> memref<10240x64xf32, #tpu.memory_space<vmem_shared>>
    tpu.wait_indirect_dma semaphore(%arg22 : memref<!tpu.dma_semaphore, #tpu.memory_space<semaphore_mem>>) src(%arg9 : memref<128x64xf32, #tpu.memory_space<vmem>>) dst(%dma_wait3A_81 : memref<10240x64xf32, #tpu.memory_space<vmem_shared>>)
    %dma_wait3A_82 = arith.constant 73 : i32
    %dma_wait3A_83 = arith.constant 0 : i32
    %dma_wait3A_84 = tpu.memref_slice %arg8[%dma_wait3A_82, %dma_wait3A_83] : memref<79x128xi32, #tpu.memory_space<vmem>> -> memref<1x128xi32, #tpu.memory_space<vmem>>
    %dma_wait3A_85 = tpu.memref_squeeze %dma_wait3A_84 : memref<1x128xi32, #tpu.memory_space<vmem>> -> memref<128xi32, #tpu.memory_space<vmem>>
    %dma_wait3A_86 = arith.constant 0 : i32
    %dma_wait3A_87 = arith.constant 0 : i32
    %dma_wait3A_88 = tpu.memref_slice %arg15[%dma_wait3A_86, %dma_wait3A_87] : memref<10240x64xf32, #tpu.memory_space<vmem_shared>> -> memref<10240x64xf32, #tpu.memory_space<vmem_shared>>
    tpu.wait_indirect_dma semaphore(%arg23 : memref<!tpu.dma_semaphore, #tpu.memory_space<semaphore_mem>>) src(%arg10 : memref<128x64xf32, #tpu.memory_space<vmem>>) dst(%dma_wait3A_88 : memref<10240x64xf32, #tpu.memory_space<vmem_shared>>)
    %dma_wait3A_89 = arith.constant 74 : i32
    %dma_wait3A_90 = arith.constant 0 : i32
    %dma_wait3A_91 = tpu.memref_slice %arg8[%dma_wait3A_89, %dma_wait3A_90] : memref<79x128xi32, #tpu.memory_space<vmem>> -> memref<1x128xi32, #tpu.memory_space<vmem>>
    %dma_wait3A_92 = tpu.memref_squeeze %dma_wait3A_91 : memref<1x128xi32, #tpu.memory_space<vmem>> -> memref<128xi32, #tpu.memory_space<vmem>>
    %dma_wait3A_93 = arith.constant 0 : i32
    %dma_wait3A_94 = arith.constant 0 : i32
    %dma_wait3A_95 = tpu.memref_slice %arg15[%dma_wait3A_93, %dma_wait3A_94] : memref<10240x64xf32, #tpu.memory_space<vmem_shared>> -> memref<10240x64xf32, #tpu.memory_space<vmem_shared>>
    tpu.wait_indirect_dma semaphore(%arg24 : memref<!tpu.dma_semaphore, #tpu.memory_space<semaphore_mem>>) src(%arg11 : memref<128x64xf32, #tpu.memory_space<vmem>>) dst(%dma_wait3A_95 : memref<10240x64xf32, #tpu.memory_space<vmem_shared>>)
    %dma_wait3A_96 = arith.constant 75 : i32
    %dma_wait3A_97 = arith.constant 0 : i32
    %dma_wait3A_98 = tpu.memref_slice %arg8[%dma_wait3A_96, %dma_wait3A_97] : memref<79x128xi32, #tpu.memory_space<vmem>> -> memref<1x128xi32, #tpu.memory_space<vmem>>
    %dma_wait3A_99 = tpu.memref_squeeze %dma_wait3A_98 : memref<1x128xi32, #tpu.memory_space<vmem>> -> memref<128xi32, #tpu.memory_space<vmem>>
    %dma_wait3A_100 = arith.constant 0 : i32
    %dma_wait3A_101 = arith.constant 0 : i32
    %dma_wait3A_102 = tpu.memref_slice %arg15[%dma_wait3A_100, %dma_wait3A_101] : memref<10240x64xf32, #tpu.memory_space<vmem_shared>> -> memref<10240x64xf32, #tpu.memory_space<vmem_shared>>
    tpu.wait_indirect_dma semaphore(%arg25 : memref<!tpu.dma_semaphore, #tpu.memory_space<semaphore_mem>>) src(%arg12 : memref<128x64xf32, #tpu.memory_space<vmem>>) dst(%dma_wait3A_102 : memref<10240x64xf32, #tpu.memory_space<vmem_shared>>)
    %dma_wait3A_103 = arith.constant 76 : i32
    %dma_wait3A_104 = arith.constant 0 : i32
    %dma_wait3A_105 = tpu.memref_slice %arg8[%dma_wait3A_103, %dma_wait3A_104] : memref<79x128xi32, #tpu.memory_space<vmem>> -> memref<1x128xi32, #tpu.memory_space<vmem>>
    %dma_wait3A_106 = tpu.memref_squeeze %dma_wait3A_105 : memref<1x128xi32, #tpu.memory_space<vmem>> -> memref<128xi32, #tpu.memory_space<vmem>>
    %dma_wait3A_107 = arith.constant 0 : i32
    %dma_wait3A_108 = arith.constant 0 : i32
    %dma_wait3A_109 = tpu.memref_slice %arg15[%dma_wait3A_107, %dma_wait3A_108] : memref<10240x64xf32, #tpu.memory_space<vmem_shared>> -> memref<10240x64xf32, #tpu.memory_space<vmem_shared>>
    tpu.wait_indirect_dma semaphore(%arg26 : memref<!tpu.dma_semaphore, #tpu.memory_space<semaphore_mem>>) src(%arg13 : memref<128x64xf32, #tpu.memory_space<vmem>>) dst(%dma_wait3A_109 : memref<10240x64xf32, #tpu.memory_space<vmem_shared>>)
    %dma_wait3A_110 = arith.constant 77 : i32
    %dma_wait3A_111 = arith.constant 0 : i32
    %dma_wait3A_112 = tpu.memref_slice %arg8[%dma_wait3A_110, %dma_wait3A_111] : memref<79x128xi32, #tpu.memory_space<vmem>> -> memref<1x128xi32, #tpu.memory_space<vmem>>
    %dma_wait3A_113 = tpu.memref_squeeze %dma_wait3A_112 : memref<1x128xi32, #tpu.memory_space<vmem>> -> memref<128xi32, #tpu.memory_space<vmem>>
    %dma_wait3A_114 = arith.constant 0 : i32
    %dma_wait3A_115 = arith.constant 0 : i32
    %dma_wait3A_116 = tpu.memref_slice %arg15[%dma_wait3A_114, %dma_wait3A_115] : memref<10240x64xf32, #tpu.memory_space<vmem_shared>> -> memref<10240x64xf32, #tpu.memory_space<vmem_shared>>
    tpu.wait_indirect_dma semaphore(%arg27 : memref<!tpu.dma_semaphore, #tpu.memory_space<semaphore_mem>>) src(%arg14 : memref<128x64xf32, #tpu.memory_space<vmem>>) dst(%dma_wait3A_116 : memref<10240x64xf32, #tpu.memory_space<vmem_shared>>)
    %barrier3A_117 = arith.constant 0 : index
    tpu.barrier barrier_id(%barrier3A_117)
    "tpu.region"() ({
      %run_scoped3A_213 = tpu.sem_alloc : memref<!tpu.dma_semaphore, #tpu.memory_space<semaphore_mem>>
      %dma_start3A_214 = arith.constant 0 : i32
      %dma_start3A_215 = tpu.memref_slice %arg6[%arg0, %mul3A_26, %dma_start3A_214] : memref<2x10240x128xf32, #tpu.memory_space<hbm>> -> memref<1x640x64xf32, #tpu.memory_space<hbm>>
      %dma_start3A_216 = tpu.memref_squeeze %dma_start3A_215 : memref<1x640x64xf32, #tpu.memory_space<hbm>> -> memref<640x64xf32, #tpu.memory_space<hbm>>
      %dma_start3A_217 = arith.constant 0 : i32
      %dma_start3A_218 = tpu.memref_slice %arg15[%mul3A_26, %dma_start3A_217] : memref<10240x64xf32, #tpu.memory_space<vmem_shared>> -> memref<640x64xf32, #tpu.memory_space<vmem_shared>>
      tpu.enqueue_dma source(%dma_start3A_218 : memref<640x64xf32, #tpu.memory_space<vmem_shared>>) target(%dma_start3A_216 : memref<640x64xf32, #tpu.memory_space<hbm>>) target_semaphore(%run_scoped3A_213 : memref<!tpu.dma_semaphore, #tpu.memory_space<semaphore_mem>>)
      %dma_wait3A_219 = arith.constant 0 : i32
      %dma_wait3A_220 = tpu.memref_slice %arg6[%arg0, %mul3A_26, %dma_wait3A_219] : memref<2x10240x128xf32, #tpu.memory_space<hbm>> -> memref<1x640x64xf32, #tpu.memory_space<hbm>>
      %dma_wait3A_221 = tpu.memref_squeeze %dma_wait3A_220 : memref<1x640x64xf32, #tpu.memory_space<hbm>> -> memref<640x64xf32, #tpu.memory_space<hbm>>
      %dma_wait3A_222 = arith.constant 0 : i32
      %dma_wait3A_223 = tpu.memref_slice %arg15[%mul3A_26, %dma_wait3A_222] : memref<10240x64xf32, #tpu.memory_space<vmem_shared>> -> memref<640x64xf32, #tpu.memory_space<vmem_shared>>
      tpu.wait_dma2 semaphore(%run_scoped3A_213 : memref<!tpu.dma_semaphore, #tpu.memory_space<semaphore_mem>>) src(%dma_wait3A_223 : memref<640x64xf32, #tpu.memory_space<vmem_shared>>) dst(%dma_wait3A_221 : memref<640x64xf32, #tpu.memory_space<hbm>>)
      tpu.yield
    }) : () -> ()
    "tpu.region"() ({
      %run_scoped3A_213 = tpu.sem_alloc : memref<!tpu.dma_semaphore, #tpu.memory_space<semaphore_mem>>
      %dma_start3A_214 = arith.constant 0 : i32
      %dma_start3A_215 = tpu.memref_slice %arg15[%mul3A_26, %dma_start3A_214] : memref<10240x64xf32, #tpu.memory_space<vmem_shared>> -> memref<640x64xf32, #tpu.memory_space<vmem_shared>>
      tpu.enqueue_dma source(%arg5 : memref<640x64xf32, #tpu.memory_space<hbm>>) target(%dma_start3A_215 : memref<640x64xf32, #tpu.memory_space<vmem_shared>>) target_semaphore(%run_scoped3A_213 : memref<!tpu.dma_semaphore, #tpu.memory_space<semaphore_mem>>)
      %dma_wait3A_216 = arith.constant 0 : i32
      %dma_wait3A_217 = tpu.memref_slice %arg15[%mul3A_26, %dma_wait3A_216] : memref<10240x64xf32, #tpu.memory_space<vmem_shared>> -> memref<640x64xf32, #tpu.memory_space<vmem_shared>>
      tpu.wait_dma2 semaphore(%run_scoped3A_213 : memref<!tpu.dma_semaphore, #tpu.memory_space<semaphore_mem>>) src(%arg5 : memref<640x64xf32, #tpu.memory_space<hbm>>) dst(%dma_wait3A_217 : memref<640x64xf32, #tpu.memory_space<vmem_shared>>)
      tpu.yield
    }) : () -> ()
    %barrier3A_118 = arith.constant 0 : index
    tpu.barrier barrier_id(%barrier3A_118)
    %convert_element_type3A_119 = arith.extui %lt3A_24 : i1 to i32
    %cond3A_120 = arith.constant 0 : i32
    %cond3A_121 = arith.cmpi ne, %convert_element_type3A_119, %cond3A_120 : i32
    scf.if %cond3A_121 {
      %dma_start3A_213 = arith.constant 78 : i32
      %dma_start3A_214 = arith.constant 0 : i32
      %dma_start3A_215 = tpu.memref_slice %arg7[%dma_start3A_213, %dma_start3A_214] : memref<79x128xi32, #tpu.memory_space<vmem>> -> memref<1x128xi32, #tpu.memory_space<vmem>>
      %dma_start3A_216 = tpu.memref_squeeze %dma_start3A_215 : memref<1x128xi32, #tpu.memory_space<vmem>> -> memref<128xi32, #tpu.memory_space<vmem>>
      %dma_start3A_217 = arith.constant 0 : i32
      %dma_start3A_218 = arith.constant 0 : i32
      %dma_start3A_219 = tpu.memref_slice %arg3[%dma_start3A_217, %dma_start3A_218] : memref<10000x64xf32, #tpu.memory_space<hbm>> -> memref<10000x64xf32, #tpu.memory_space<hbm>>
      tpu.enqueue_indirect_dma source(%dma_start3A_219 : memref<10000x64xf32, #tpu.memory_space<hbm>>) target(%arg9 : memref<128x64xf32, #tpu.memory_space<vmem>>) offsets(%dma_start3A_216 : memref<128xi32, #tpu.memory_space<vmem>>) semaphore(%arg16 : memref<!tpu.dma_semaphore, #tpu.memory_space<semaphore_mem>>)
      %dma_wait3A_220 = arith.constant 78 : i32
      %dma_wait3A_221 = arith.constant 0 : i32
      %dma_wait3A_222 = tpu.memref_slice %arg7[%dma_wait3A_220, %dma_wait3A_221] : memref<79x128xi32, #tpu.memory_space<vmem>> -> memref<1x128xi32, #tpu.memory_space<vmem>>
      %dma_wait3A_223 = tpu.memref_squeeze %dma_wait3A_222 : memref<1x128xi32, #tpu.memory_space<vmem>> -> memref<128xi32, #tpu.memory_space<vmem>>
      %dma_wait3A_224 = arith.constant 0 : i32
      %dma_wait3A_225 = arith.constant 0 : i32
      %dma_wait3A_226 = tpu.memref_slice %arg3[%dma_wait3A_224, %dma_wait3A_225] : memref<10000x64xf32, #tpu.memory_space<hbm>> -> memref<10000x64xf32, #tpu.memory_space<hbm>>
      tpu.wait_indirect_dma semaphore(%arg16 : memref<!tpu.dma_semaphore, #tpu.memory_space<semaphore_mem>>) src(%dma_wait3A_226 : memref<10000x64xf32, #tpu.memory_space<hbm>>) dst(%arg9 : memref<128x64xf32, #tpu.memory_space<vmem>>)
      %run_scoped3A_227 = arith.constant 78 : i32
      "tpu.region"() ({
        %run_scoped3A_228 = tpu.sem_alloc : memref<!tpu.dma_semaphore, #tpu.memory_space<semaphore_mem>>
        %dma_start3A_229 = arith.constant 0 : i32
        %dma_start3A_230 = tpu.memref_slice %arg8[%run_scoped3A_227, %dma_start3A_229] : memref<79x128xi32, #tpu.memory_space<vmem>> -> memref<1x128xi32, #tpu.memory_space<vmem>>
        %dma_start3A_231 = tpu.memref_squeeze %dma_start3A_230 : memref<1x128xi32, #tpu.memory_space<vmem>> -> memref<128xi32, #tpu.memory_space<vmem>>
        %dma_start3A_232 = arith.constant 0 : i32
        %dma_start3A_233 = arith.constant 0 : i32
        %dma_start3A_234 = tpu.memref_slice %arg15[%dma_start3A_232, %dma_start3A_233] : memref<10240x64xf32, #tpu.memory_space<vmem_shared>> -> memref<10240x64xf32, #tpu.memory_space<vmem_shared>>
        tpu.enqueue_indirect_dma source(%arg9 : memref<128x64xf32, #tpu.memory_space<vmem>>) target(%dma_start3A_234 : memref<10240x64xf32, #tpu.memory_space<vmem_shared>>) offsets(%dma_start3A_231 : memref<128xi32, #tpu.memory_space<vmem>>) semaphore(%run_scoped3A_228 : memref<!tpu.dma_semaphore, #tpu.memory_space<semaphore_mem>>) {add = true}
        %dma_wait3A_235 = arith.constant 0 : i32
        %dma_wait3A_236 = tpu.memref_slice %arg8[%run_scoped3A_227, %dma_wait3A_235] : memref<79x128xi32, #tpu.memory_space<vmem>> -> memref<1x128xi32, #tpu.memory_space<vmem>>
        %dma_wait3A_237 = tpu.memref_squeeze %dma_wait3A_236 : memref<1x128xi32, #tpu.memory_space<vmem>> -> memref<128xi32, #tpu.memory_space<vmem>>
        %dma_wait3A_238 = arith.constant 0 : i32
        %dma_wait3A_239 = arith.constant 0 : i32
        %dma_wait3A_240 = tpu.memref_slice %arg15[%dma_wait3A_238, %dma_wait3A_239] : memref<10240x64xf32, #tpu.memory_space<vmem_shared>> -> memref<10240x64xf32, #tpu.memory_space<vmem_shared>>
        tpu.wait_indirect_dma semaphore(%run_scoped3A_228 : memref<!tpu.dma_semaphore, #tpu.memory_space<semaphore_mem>>) src(%arg9 : memref<128x64xf32, #tpu.memory_space<vmem>>) dst(%dma_wait3A_240 : memref<10240x64xf32, #tpu.memory_space<vmem_shared>>)
        tpu.yield
      }) : () -> ()
    } else {
    }
    %dma_start3A_122 = arith.constant 0 : i32
    %dma_start3A_123 = arith.constant 0 : i32
    %dma_start3A_124 = tpu.memref_slice %arg7[%dma_start3A_122, %dma_start3A_123] : memref<79x128xi32, #tpu.memory_space<vmem>> -> memref<1x128xi32, #tpu.memory_space<vmem>>
    %dma_start3A_125 = tpu.memref_squeeze %dma_start3A_124 : memref<1x128xi32, #tpu.memory_space<vmem>> -> memref<128xi32, #tpu.memory_space<vmem>>
    %dma_start3A_126 = arith.constant 0 : i32
    %dma_start3A_127 = arith.constant 0 : i32
    %dma_start3A_128 = tpu.memref_slice %arg3[%dma_start3A_126, %dma_start3A_127] : memref<10000x64xf32, #tpu.memory_space<hbm>> -> memref<10000x64xf32, #tpu.memory_space<hbm>>
    tpu.enqueue_indirect_dma source(%dma_start3A_128 : memref<10000x64xf32, #tpu.memory_space<hbm>>) target(%arg9 : memref<128x64xf32, #tpu.memory_space<vmem>>) offsets(%dma_start3A_125 : memref<128xi32, #tpu.memory_space<vmem>>) semaphore(%arg16 : memref<!tpu.dma_semaphore, #tpu.memory_space<semaphore_mem>>)
    %dma_start3A_129 = arith.constant 1 : i32
    %dma_start3A_130 = arith.constant 0 : i32
    %dma_start3A_131 = tpu.memref_slice %arg7[%dma_start3A_129, %dma_start3A_130] : memref<79x128xi32, #tpu.memory_space<vmem>> -> memref<1x128xi32, #tpu.memory_space<vmem>>
    %dma_start3A_132 = tpu.memref_squeeze %dma_start3A_131 : memref<1x128xi32, #tpu.memory_space<vmem>> -> memref<128xi32, #tpu.memory_space<vmem>>
    %dma_start3A_133 = arith.constant 0 : i32
    %dma_start3A_134 = arith.constant 0 : i32
    %dma_start3A_135 = tpu.memref_slice %arg3[%dma_start3A_133, %dma_start3A_134] : memref<10000x64xf32, #tpu.memory_space<hbm>> -> memref<10000x64xf32, #tpu.memory_space<hbm>>
    tpu.enqueue_indirect_dma source(%dma_start3A_135 : memref<10000x64xf32, #tpu.memory_space<hbm>>) target(%arg10 : memref<128x64xf32, #tpu.memory_space<vmem>>) offsets(%dma_start3A_132 : memref<128xi32, #tpu.memory_space<vmem>>) semaphore(%arg17 : memref<!tpu.dma_semaphore, #tpu.memory_space<semaphore_mem>>)
    %dma_start3A_136 = arith.constant 2 : i32
    %dma_start3A_137 = arith.constant 0 : i32
    %dma_start3A_138 = tpu.memref_slice %arg7[%dma_start3A_136, %dma_start3A_137] : memref<79x128xi32, #tpu.memory_space<vmem>> -> memref<1x128xi32, #tpu.memory_space<vmem>>
    %dma_start3A_139 = tpu.memref_squeeze %dma_start3A_138 : memref<1x128xi32, #tpu.memory_space<vmem>> -> memref<128xi32, #tpu.memory_space<vmem>>
    %dma_start3A_140 = arith.constant 0 : i32
    %dma_start3A_141 = arith.constant 0 : i32
    %dma_start3A_142 = tpu.memref_slice %arg3[%dma_start3A_140, %dma_start3A_141] : memref<10000x64xf32, #tpu.memory_space<hbm>> -> memref<10000x64xf32, #tpu.memory_space<hbm>>
    tpu.enqueue_indirect_dma source(%dma_start3A_142 : memref<10000x64xf32, #tpu.memory_space<hbm>>) target(%arg11 : memref<128x64xf32, #tpu.memory_space<vmem>>) offsets(%dma_start3A_139 : memref<128xi32, #tpu.memory_space<vmem>>) semaphore(%arg18 : memref<!tpu.dma_semaphore, #tpu.memory_space<semaphore_mem>>)
    %dma_start3A_143 = arith.constant 3 : i32
    %dma_start3A_144 = arith.constant 0 : i32
    %dma_start3A_145 = tpu.memref_slice %arg7[%dma_start3A_143, %dma_start3A_144] : memref<79x128xi32, #tpu.memory_space<vmem>> -> memref<1x128xi32, #tpu.memory_space<vmem>>
    %dma_start3A_146 = tpu.memref_squeeze %dma_start3A_145 : memref<1x128xi32, #tpu.memory_space<vmem>> -> memref<128xi32, #tpu.memory_space<vmem>>
    %dma_start3A_147 = arith.constant 0 : i32
    %dma_start3A_148 = arith.constant 0 : i32
    %dma_start3A_149 = tpu.memref_slice %arg3[%dma_start3A_147, %dma_start3A_148] : memref<10000x64xf32, #tpu.memory_space<hbm>> -> memref<10000x64xf32, #tpu.memory_space<hbm>>
    tpu.enqueue_indirect_dma source(%dma_start3A_149 : memref<10000x64xf32, #tpu.memory_space<hbm>>) target(%arg12 : memref<128x64xf32, #tpu.memory_space<vmem>>) offsets(%dma_start3A_146 : memref<128xi32, #tpu.memory_space<vmem>>) semaphore(%arg19 : memref<!tpu.dma_semaphore, #tpu.memory_space<semaphore_mem>>)
    %dma_start3A_150 = arith.constant 4 : i32
    %dma_start3A_151 = arith.constant 0 : i32
    %dma_start3A_152 = tpu.memref_slice %arg7[%dma_start3A_150, %dma_start3A_151] : memref<79x128xi32, #tpu.memory_space<vmem>> -> memref<1x128xi32, #tpu.memory_space<vmem>>
    %dma_start3A_153 = tpu.memref_squeeze %dma_start3A_152 : memref<1x128xi32, #tpu.memory_space<vmem>> -> memref<128xi32, #tpu.memory_space<vmem>>
    %dma_start3A_154 = arith.constant 0 : i32
    %dma_start3A_155 = arith.constant 0 : i32
    %dma_start3A_156 = tpu.memref_slice %arg3[%dma_start3A_154, %dma_start3A_155] : memref<10000x64xf32, #tpu.memory_space<hbm>> -> memref<10000x64xf32, #tpu.memory_space<hbm>>
    tpu.enqueue_indirect_dma source(%dma_start3A_156 : memref<10000x64xf32, #tpu.memory_space<hbm>>) target(%arg13 : memref<128x64xf32, #tpu.memory_space<vmem>>) offsets(%dma_start3A_153 : memref<128xi32, #tpu.memory_space<vmem>>) semaphore(%arg20 : memref<!tpu.dma_semaphore, #tpu.memory_space<semaphore_mem>>)
    %dma_start3A_157 = arith.constant 5 : i32
    %dma_start3A_158 = arith.constant 0 : i32
    %dma_start3A_159 = tpu.memref_slice %arg7[%dma_start3A_157, %dma_start3A_158] : memref<79x128xi32, #tpu.memory_space<vmem>> -> memref<1x128xi32, #tpu.memory_space<vmem>>
    %dma_start3A_160 = tpu.memref_squeeze %dma_start3A_159 : memref<1x128xi32, #tpu.memory_space<vmem>> -> memref<128xi32, #tpu.memory_space<vmem>>
    %dma_start3A_161 = arith.constant 0 : i32
    %dma_start3A_162 = arith.constant 0 : i32
    %dma_start3A_163 = tpu.memref_slice %arg3[%dma_start3A_161, %dma_start3A_162] : memref<10000x64xf32, #tpu.memory_space<hbm>> -> memref<10000x64xf32, #tpu.memory_space<hbm>>
    tpu.enqueue_indirect_dma source(%dma_start3A_163 : memref<10000x64xf32, #tpu.memory_space<hbm>>) target(%arg14 : memref<128x64xf32, #tpu.memory_space<vmem>>) offsets(%dma_start3A_160 : memref<128xi32, #tpu.memory_space<vmem>>) semaphore(%arg21 : memref<!tpu.dma_semaphore, #tpu.memory_space<semaphore_mem>>)
    %scan3A_164 = arith.constant 0 : i32
    %scan3A_165 = arith.constant 0 : i32
    %scan3A_166 = arith.constant 13 : i32
    %scan3A_167 = arith.addi %scan3A_165, %scan3A_166 : i32
    %scan3A_168 = arith.constant 1 : i32
    scf.for %scan3A_213 = %scan3A_165 to %scan3A_167 step %scan3A_168  : i32 {
      %mul3A_214 = arith.constant 6 : i32
      %mul3A_215 = arith.muli %scan3A_213, %mul3A_214 : i32
      %add3A_216 = arith.constant 0 : i32
      %add3A_217 = arith.addi %mul3A_215, %add3A_216 : i32
      %dma_wait3A_218 = arith.constant 0 : i32
      %dma_wait3A_219 = tpu.memref_slice %arg7[%add3A_217, %dma_wait3A_218] : memref<79x128xi32, #tpu.memory_space<vmem>> -> memref<1x128xi32, #tpu.memory_space<vmem>>
      %dma_wait3A_220 = tpu.memref_squeeze %dma_wait3A_219 : memref<1x128xi32, #tpu.memory_space<vmem>> -> memref<128xi32, #tpu.memory_space<vmem>>
      %dma_wait3A_221 = arith.constant 0 : i32
      %dma_wait3A_222 = arith.constant 0 : i32
      %dma_wait3A_223 = tpu.memref_slice %arg3[%dma_wait3A_221, %dma_wait3A_222] : memref<10000x64xf32, #tpu.memory_space<hbm>> -> memref<10000x64xf32, #tpu.memory_space<hbm>>
      tpu.wait_indirect_dma semaphore(%arg16 : memref<!tpu.dma_semaphore, #tpu.memory_space<semaphore_mem>>) src(%dma_wait3A_223 : memref<10000x64xf32, #tpu.memory_space<hbm>>) dst(%arg9 : memref<128x64xf32, #tpu.memory_space<vmem>>)
      %add3A_224 = arith.constant 0 : i32
      %add3A_225 = arith.addi %mul3A_215, %add3A_224 : i32
      %dma_start3A_226 = arith.constant 0 : i32
      %dma_start3A_227 = tpu.memref_slice %arg8[%add3A_225, %dma_start3A_226] : memref<79x128xi32, #tpu.memory_space<vmem>> -> memref<1x128xi32, #tpu.memory_space<vmem>>
      %dma_start3A_228 = tpu.memref_squeeze %dma_start3A_227 : memref<1x128xi32, #tpu.memory_space<vmem>> -> memref<128xi32, #tpu.memory_space<vmem>>
      %dma_start3A_229 = arith.constant 0 : i32
      %dma_start3A_230 = arith.constant 0 : i32
      %dma_start3A_231 = tpu.memref_slice %arg15[%dma_start3A_229, %dma_start3A_230] : memref<10240x64xf32, #tpu.memory_space<vmem_shared>> -> memref<10240x64xf32, #tpu.memory_space<vmem_shared>>
      tpu.enqueue_indirect_dma source(%arg9 : memref<128x64xf32, #tpu.memory_space<vmem>>) target(%dma_start3A_231 : memref<10240x64xf32, #tpu.memory_space<vmem_shared>>) offsets(%dma_start3A_228 : memref<128xi32, #tpu.memory_space<vmem>>) semaphore(%arg22 : memref<!tpu.dma_semaphore, #tpu.memory_space<semaphore_mem>>) {add = true}
      %add3A_232 = arith.constant 0 : i32
      %add3A_233 = arith.addi %mul3A_215, %add3A_232 : i32
      %add3A_234 = arith.constant 6 : i32
      %add3A_235 = arith.addi %add3A_233, %add3A_234 : i32
      %lt3A_236 = arith.constant 78 : i32
      %lt3A_237 = arith.cmpi slt, %add3A_235, %lt3A_236 : i32
      %convert_element_type3A_238 = arith.extui %lt3A_237 : i1 to i32
      %cond3A_239 = arith.constant 0 : i32
      %cond3A_240 = arith.cmpi ne, %convert_element_type3A_238, %cond3A_239 : i32
      scf.if %cond3A_240 {
        %add3A_366 = arith.constant 0 : i32
        %add3A_367 = arith.addi %mul3A_215, %add3A_366 : i32
        %dma_wait3A_368 = arith.constant 0 : i32
        %dma_wait3A_369 = tpu.memref_slice %arg8[%add3A_367, %dma_wait3A_368] : memref<79x128xi32, #tpu.memory_space<vmem>> -> memref<1x128xi32, #tpu.memory_space<vmem>>
        %dma_wait3A_370 = tpu.memref_squeeze %dma_wait3A_369 : memref<1x128xi32, #tpu.memory_space<vmem>> -> memref<128xi32, #tpu.memory_space<vmem>>
        %dma_wait3A_371 = arith.constant 0 : i32
        %dma_wait3A_372 = arith.constant 0 : i32
        %dma_wait3A_373 = tpu.memref_slice %arg15[%dma_wait3A_371, %dma_wait3A_372] : memref<10240x64xf32, #tpu.memory_space<vmem_shared>> -> memref<10240x64xf32, #tpu.memory_space<vmem_shared>>
        tpu.wait_indirect_dma semaphore(%arg22 : memref<!tpu.dma_semaphore, #tpu.memory_space<semaphore_mem>>) src(%arg9 : memref<128x64xf32, #tpu.memory_space<vmem>>) dst(%dma_wait3A_373 : memref<10240x64xf32, #tpu.memory_space<vmem_shared>>)
        %add3A_374 = arith.constant 0 : i32
        %add3A_375 = arith.addi %mul3A_215, %add3A_374 : i32
        %add3A_376 = arith.constant 6 : i32
        %add3A_377 = arith.addi %add3A_375, %add3A_376 : i32
        %dma_start3A_378 = arith.constant 0 : i32
        %dma_start3A_379 = tpu.memref_slice %arg7[%add3A_377, %dma_start3A_378] : memref<79x128xi32, #tpu.memory_space<vmem>> -> memref<1x128xi32, #tpu.memory_space<vmem>>
        %dma_start3A_380 = tpu.memref_squeeze %dma_start3A_379 : memref<1x128xi32, #tpu.memory_space<vmem>> -> memref<128xi32, #tpu.memory_space<vmem>>
        %dma_start3A_381 = arith.constant 0 : i32
        %dma_start3A_382 = arith.constant 0 : i32
        %dma_start3A_383 = tpu.memref_slice %arg3[%dma_start3A_381, %dma_start3A_382] : memref<10000x64xf32, #tpu.memory_space<hbm>> -> memref<10000x64xf32, #tpu.memory_space<hbm>>
        tpu.enqueue_indirect_dma source(%dma_start3A_383 : memref<10000x64xf32, #tpu.memory_space<hbm>>) target(%arg9 : memref<128x64xf32, #tpu.memory_space<vmem>>) offsets(%dma_start3A_380 : memref<128xi32, #tpu.memory_space<vmem>>) semaphore(%arg16 : memref<!tpu.dma_semaphore, #tpu.memory_space<semaphore_mem>>)
      } else {
      }
      %add3A_241 = arith.constant 1 : i32
      %add3A_242 = arith.addi %mul3A_215, %add3A_241 : i32
      %dma_wait3A_243 = arith.constant 0 : i32
      %dma_wait3A_244 = tpu.memref_slice %arg7[%add3A_242, %dma_wait3A_243] : memref<79x128xi32, #tpu.memory_space<vmem>> -> memref<1x128xi32, #tpu.memory_space<vmem>>
      %dma_wait3A_245 = tpu.memref_squeeze %dma_wait3A_244 : memref<1x128xi32, #tpu.memory_space<vmem>> -> memref<128xi32, #tpu.memory_space<vmem>>
      %dma_wait3A_246 = arith.constant 0 : i32
      %dma_wait3A_247 = arith.constant 0 : i32
      %dma_wait3A_248 = tpu.memref_slice %arg3[%dma_wait3A_246, %dma_wait3A_247] : memref<10000x64xf32, #tpu.memory_space<hbm>> -> memref<10000x64xf32, #tpu.memory_space<hbm>>
      tpu.wait_indirect_dma semaphore(%arg17 : memref<!tpu.dma_semaphore, #tpu.memory_space<semaphore_mem>>) src(%dma_wait3A_248 : memref<10000x64xf32, #tpu.memory_space<hbm>>) dst(%arg10 : memref<128x64xf32, #tpu.memory_space<vmem>>)
      %add3A_249 = arith.constant 1 : i32
      %add3A_250 = arith.addi %mul3A_215, %add3A_249 : i32
      %dma_start3A_251 = arith.constant 0 : i32
      %dma_start3A_252 = tpu.memref_slice %arg8[%add3A_250, %dma_start3A_251] : memref<79x128xi32, #tpu.memory_space<vmem>> -> memref<1x128xi32, #tpu.memory_space<vmem>>
      %dma_start3A_253 = tpu.memref_squeeze %dma_start3A_252 : memref<1x128xi32, #tpu.memory_space<vmem>> -> memref<128xi32, #tpu.memory_space<vmem>>
      %dma_start3A_254 = arith.constant 0 : i32
      %dma_start3A_255 = arith.constant 0 : i32
      %dma_start3A_256 = tpu.memref_slice %arg15[%dma_start3A_254, %dma_start3A_255] : memref<10240x64xf32, #tpu.memory_space<vmem_shared>> -> memref<10240x64xf32, #tpu.memory_space<vmem_shared>>
      tpu.enqueue_indirect_dma source(%arg10 : memref<128x64xf32, #tpu.memory_space<vmem>>) target(%dma_start3A_256 : memref<10240x64xf32, #tpu.memory_space<vmem_shared>>) offsets(%dma_start3A_253 : memref<128xi32, #tpu.memory_space<vmem>>) semaphore(%arg23 : memref<!tpu.dma_semaphore, #tpu.memory_space<semaphore_mem>>) {add = true}
      %add3A_257 = arith.constant 1 : i32
      %add3A_258 = arith.addi %mul3A_215, %add3A_257 : i32
      %add3A_259 = arith.constant 6 : i32
      %add3A_260 = arith.addi %add3A_258, %add3A_259 : i32
      %lt3A_261 = arith.constant 78 : i32
      %lt3A_262 = arith.cmpi slt, %add3A_260, %lt3A_261 : i32
      %convert_element_type3A_263 = arith.extui %lt3A_262 : i1 to i32
      %cond3A_264 = arith.constant 0 : i32
      %cond3A_265 = arith.cmpi ne, %convert_element_type3A_263, %cond3A_264 : i32
      scf.if %cond3A_265 {
        %add3A_366 = arith.constant 1 : i32
        %add3A_367 = arith.addi %mul3A_215, %add3A_366 : i32
        %dma_wait3A_368 = arith.constant 0 : i32
        %dma_wait3A_369 = tpu.memref_slice %arg8[%add3A_367, %dma_wait3A_368] : memref<79x128xi32, #tpu.memory_space<vmem>> -> memref<1x128xi32, #tpu.memory_space<vmem>>
        %dma_wait3A_370 = tpu.memref_squeeze %dma_wait3A_369 : memref<1x128xi32, #tpu.memory_space<vmem>> -> memref<128xi32, #tpu.memory_space<vmem>>
        %dma_wait3A_371 = arith.constant 0 : i32
        %dma_wait3A_372 = arith.constant 0 : i32
        %dma_wait3A_373 = tpu.memref_slice %arg15[%dma_wait3A_371, %dma_wait3A_372] : memref<10240x64xf32, #tpu.memory_space<vmem_shared>> -> memref<10240x64xf32, #tpu.memory_space<vmem_shared>>
        tpu.wait_indirect_dma semaphore(%arg23 : memref<!tpu.dma_semaphore, #tpu.memory_space<semaphore_mem>>) src(%arg10 : memref<128x64xf32, #tpu.memory_space<vmem>>) dst(%dma_wait3A_373 : memref<10240x64xf32, #tpu.memory_space<vmem_shared>>)
        %add3A_374 = arith.constant 1 : i32
        %add3A_375 = arith.addi %mul3A_215, %add3A_374 : i32
        %add3A_376 = arith.constant 6 : i32
        %add3A_377 = arith.addi %add3A_375, %add3A_376 : i32
        %dma_start3A_378 = arith.constant 0 : i32
        %dma_start3A_379 = tpu.memref_slice %arg7[%add3A_377, %dma_start3A_378] : memref<79x128xi32, #tpu.memory_space<vmem>> -> memref<1x128xi32, #tpu.memory_space<vmem>>
        %dma_start3A_380 = tpu.memref_squeeze %dma_start3A_379 : memref<1x128xi32, #tpu.memory_space<vmem>> -> memref<128xi32, #tpu.memory_space<vmem>>
        %dma_start3A_381 = arith.constant 0 : i32
        %dma_start3A_382 = arith.constant 0 : i32
        %dma_start3A_383 = tpu.memref_slice %arg3[%dma_start3A_381, %dma_start3A_382] : memref<10000x64xf32, #tpu.memory_space<hbm>> -> memref<10000x64xf32, #tpu.memory_space<hbm>>
        tpu.enqueue_indirect_dma source(%dma_start3A_383 : memref<10000x64xf32, #tpu.memory_space<hbm>>) target(%arg10 : memref<128x64xf32, #tpu.memory_space<vmem>>) offsets(%dma_start3A_380 : memref<128xi32, #tpu.memory_space<vmem>>) semaphore(%arg17 : memref<!tpu.dma_semaphore, #tpu.memory_space<semaphore_mem>>)
      } else {
      }
      %add3A_266 = arith.constant 2 : i32
      %add3A_267 = arith.addi %mul3A_215, %add3A_266 : i32
      %dma_wait3A_268 = arith.constant 0 : i32
      %dma_wait3A_269 = tpu.memref_slice %arg7[%add3A_267, %dma_wait3A_268] : memref<79x128xi32, #tpu.memory_space<vmem>> -> memref<1x128xi32, #tpu.memory_space<vmem>>
      %dma_wait3A_270 = tpu.memref_squeeze %dma_wait3A_269 : memref<1x128xi32, #tpu.memory_space<vmem>> -> memref<128xi32, #tpu.memory_space<vmem>>
      %dma_wait3A_271 = arith.constant 0 : i32
      %dma_wait3A_272 = arith.constant 0 : i32
      %dma_wait3A_273 = tpu.memref_slice %arg3[%dma_wait3A_271, %dma_wait3A_272] : memref<10000x64xf32, #tpu.memory_space<hbm>> -> memref<10000x64xf32, #tpu.memory_space<hbm>>
      tpu.wait_indirect_dma semaphore(%arg18 : memref<!tpu.dma_semaphore, #tpu.memory_space<semaphore_mem>>) src(%dma_wait3A_273 : memref<10000x64xf32, #tpu.memory_space<hbm>>) dst(%arg11 : memref<128x64xf32, #tpu.memory_space<vmem>>)
      %add3A_274 = arith.constant 2 : i32
      %add3A_275 = arith.addi %mul3A_215, %add3A_274 : i32
      %dma_start3A_276 = arith.constant 0 : i32
      %dma_start3A_277 = tpu.memref_slice %arg8[%add3A_275, %dma_start3A_276] : memref<79x128xi32, #tpu.memory_space<vmem>> -> memref<1x128xi32, #tpu.memory_space<vmem>>
      %dma_start3A_278 = tpu.memref_squeeze %dma_start3A_277 : memref<1x128xi32, #tpu.memory_space<vmem>> -> memref<128xi32, #tpu.memory_space<vmem>>
      %dma_start3A_279 = arith.constant 0 : i32
      %dma_start3A_280 = arith.constant 0 : i32
      %dma_start3A_281 = tpu.memref_slice %arg15[%dma_start3A_279, %dma_start3A_280] : memref<10240x64xf32, #tpu.memory_space<vmem_shared>> -> memref<10240x64xf32, #tpu.memory_space<vmem_shared>>
      tpu.enqueue_indirect_dma source(%arg11 : memref<128x64xf32, #tpu.memory_space<vmem>>) target(%dma_start3A_281 : memref<10240x64xf32, #tpu.memory_space<vmem_shared>>) offsets(%dma_start3A_278 : memref<128xi32, #tpu.memory_space<vmem>>) semaphore(%arg24 : memref<!tpu.dma_semaphore, #tpu.memory_space<semaphore_mem>>) {add = true}
      %add3A_282 = arith.constant 2 : i32
      %add3A_283 = arith.addi %mul3A_215, %add3A_282 : i32
      %add3A_284 = arith.constant 6 : i32
      %add3A_285 = arith.addi %add3A_283, %add3A_284 : i32
      %lt3A_286 = arith.constant 78 : i32
      %lt3A_287 = arith.cmpi slt, %add3A_285, %lt3A_286 : i32
      %convert_element_type3A_288 = arith.extui %lt3A_287 : i1 to i32
      %cond3A_289 = arith.constant 0 : i32
      %cond3A_290 = arith.cmpi ne, %convert_element_type3A_288, %cond3A_289 : i32
      scf.if %cond3A_290 {
        %add3A_366 = arith.constant 2 : i32
        %add3A_367 = arith.addi %mul3A_215, %add3A_366 : i32
        %dma_wait3A_368 = arith.constant 0 : i32
        %dma_wait3A_369 = tpu.memref_slice %arg8[%add3A_367, %dma_wait3A_368] : memref<79x128xi32, #tpu.memory_space<vmem>> -> memref<1x128xi32, #tpu.memory_space<vmem>>
        %dma_wait3A_370 = tpu.memref_squeeze %dma_wait3A_369 : memref<1x128xi32, #tpu.memory_space<vmem>> -> memref<128xi32, #tpu.memory_space<vmem>>
        %dma_wait3A_371 = arith.constant 0 : i32
        %dma_wait3A_372 = arith.constant 0 : i32
        %dma_wait3A_373 = tpu.memref_slice %arg15[%dma_wait3A_371, %dma_wait3A_372] : memref<10240x64xf32, #tpu.memory_space<vmem_shared>> -> memref<10240x64xf32, #tpu.memory_space<vmem_shared>>
        tpu.wait_indirect_dma semaphore(%arg24 : memref<!tpu.dma_semaphore, #tpu.memory_space<semaphore_mem>>) src(%arg11 : memref<128x64xf32, #tpu.memory_space<vmem>>) dst(%dma_wait3A_373 : memref<10240x64xf32, #tpu.memory_space<vmem_shared>>)
        %add3A_374 = arith.constant 2 : i32
        %add3A_375 = arith.addi %mul3A_215, %add3A_374 : i32
        %add3A_376 = arith.constant 6 : i32
        %add3A_377 = arith.addi %add3A_375, %add3A_376 : i32
        %dma_start3A_378 = arith.constant 0 : i32
        %dma_start3A_379 = tpu.memref_slice %arg7[%add3A_377, %dma_start3A_378] : memref<79x128xi32, #tpu.memory_space<vmem>> -> memref<1x128xi32, #tpu.memory_space<vmem>>
        %dma_start3A_380 = tpu.memref_squeeze %dma_start3A_379 : memref<1x128xi32, #tpu.memory_space<vmem>> -> memref<128xi32, #tpu.memory_space<vmem>>
        %dma_start3A_381 = arith.constant 0 : i32
        %dma_start3A_382 = arith.constant 0 : i32
        %dma_start3A_383 = tpu.memref_slice %arg3[%dma_start3A_381, %dma_start3A_382] : memref<10000x64xf32, #tpu.memory_space<hbm>> -> memref<10000x64xf32, #tpu.memory_space<hbm>>
        tpu.enqueue_indirect_dma source(%dma_start3A_383 : memref<10000x64xf32, #tpu.memory_space<hbm>>) target(%arg11 : memref<128x64xf32, #tpu.memory_space<vmem>>) offsets(%dma_start3A_380 : memref<128xi32, #tpu.memory_space<vmem>>) semaphore(%arg18 : memref<!tpu.dma_semaphore, #tpu.memory_space<semaphore_mem>>)
      } else {
      }
      %add3A_291 = arith.constant 3 : i32
      %add3A_292 = arith.addi %mul3A_215, %add3A_291 : i32
      %dma_wait3A_293 = arith.constant 0 : i32
      %dma_wait3A_294 = tpu.memref_slice %arg7[%add3A_292, %dma_wait3A_293] : memref<79x128xi32, #tpu.memory_space<vmem>> -> memref<1x128xi32, #tpu.memory_space<vmem>>
      %dma_wait3A_295 = tpu.memref_squeeze %dma_wait3A_294 : memref<1x128xi32, #tpu.memory_space<vmem>> -> memref<128xi32, #tpu.memory_space<vmem>>
      %dma_wait3A_296 = arith.constant 0 : i32
      %dma_wait3A_297 = arith.constant 0 : i32
      %dma_wait3A_298 = tpu.memref_slice %arg3[%dma_wait3A_296, %dma_wait3A_297] : memref<10000x64xf32, #tpu.memory_space<hbm>> -> memref<10000x64xf32, #tpu.memory_space<hbm>>
      tpu.wait_indirect_dma semaphore(%arg19 : memref<!tpu.dma_semaphore, #tpu.memory_space<semaphore_mem>>) src(%dma_wait3A_298 : memref<10000x64xf32, #tpu.memory_space<hbm>>) dst(%arg12 : memref<128x64xf32, #tpu.memory_space<vmem>>)
      %add3A_299 = arith.constant 3 : i32
      %add3A_300 = arith.addi %mul3A_215, %add3A_299 : i32
      %dma_start3A_301 = arith.constant 0 : i32
      %dma_start3A_302 = tpu.memref_slice %arg8[%add3A_300, %dma_start3A_301] : memref<79x128xi32, #tpu.memory_space<vmem>> -> memref<1x128xi32, #tpu.memory_space<vmem>>
      %dma_start3A_303 = tpu.memref_squeeze %dma_start3A_302 : memref<1x128xi32, #tpu.memory_space<vmem>> -> memref<128xi32, #tpu.memory_space<vmem>>
      %dma_start3A_304 = arith.constant 0 : i32
      %dma_start3A_305 = arith.constant 0 : i32
      %dma_start3A_306 = tpu.memref_slice %arg15[%dma_start3A_304, %dma_start3A_305] : memref<10240x64xf32, #tpu.memory_space<vmem_shared>> -> memref<10240x64xf32, #tpu.memory_space<vmem_shared>>
      tpu.enqueue_indirect_dma source(%arg12 : memref<128x64xf32, #tpu.memory_space<vmem>>) target(%dma_start3A_306 : memref<10240x64xf32, #tpu.memory_space<vmem_shared>>) offsets(%dma_start3A_303 : memref<128xi32, #tpu.memory_space<vmem>>) semaphore(%arg25 : memref<!tpu.dma_semaphore, #tpu.memory_space<semaphore_mem>>) {add = true}
      %add3A_307 = arith.constant 3 : i32
      %add3A_308 = arith.addi %mul3A_215, %add3A_307 : i32
      %add3A_309 = arith.constant 6 : i32
      %add3A_310 = arith.addi %add3A_308, %add3A_309 : i32
      %lt3A_311 = arith.constant 78 : i32
      %lt3A_312 = arith.cmpi slt, %add3A_310, %lt3A_311 : i32
      %convert_element_type3A_313 = arith.extui %lt3A_312 : i1 to i32
      %cond3A_314 = arith.constant 0 : i32
      %cond3A_315 = arith.cmpi ne, %convert_element_type3A_313, %cond3A_314 : i32
      scf.if %cond3A_315 {
        %add3A_366 = arith.constant 3 : i32
        %add3A_367 = arith.addi %mul3A_215, %add3A_366 : i32
        %dma_wait3A_368 = arith.constant 0 : i32
        %dma_wait3A_369 = tpu.memref_slice %arg8[%add3A_367, %dma_wait3A_368] : memref<79x128xi32, #tpu.memory_space<vmem>> -> memref<1x128xi32, #tpu.memory_space<vmem>>
        %dma_wait3A_370 = tpu.memref_squeeze %dma_wait3A_369 : memref<1x128xi32, #tpu.memory_space<vmem>> -> memref<128xi32, #tpu.memory_space<vmem>>
        %dma_wait3A_371 = arith.constant 0 : i32
        %dma_wait3A_372 = arith.constant 0 : i32
        %dma_wait3A_373 = tpu.memref_slice %arg15[%dma_wait3A_371, %dma_wait3A_372] : memref<10240x64xf32, #tpu.memory_space<vmem_shared>> -> memref<10240x64xf32, #tpu.memory_space<vmem_shared>>
        tpu.wait_indirect_dma semaphore(%arg25 : memref<!tpu.dma_semaphore, #tpu.memory_space<semaphore_mem>>) src(%arg12 : memref<128x64xf32, #tpu.memory_space<vmem>>) dst(%dma_wait3A_373 : memref<10240x64xf32, #tpu.memory_space<vmem_shared>>)
        %add3A_374 = arith.constant 3 : i32
        %add3A_375 = arith.addi %mul3A_215, %add3A_374 : i32
        %add3A_376 = arith.constant 6 : i32
        %add3A_377 = arith.addi %add3A_375, %add3A_376 : i32
        %dma_start3A_378 = arith.constant 0 : i32
        %dma_start3A_379 = tpu.memref_slice %arg7[%add3A_377, %dma_start3A_378] : memref<79x128xi32, #tpu.memory_space<vmem>> -> memref<1x128xi32, #tpu.memory_space<vmem>>
        %dma_start3A_380 = tpu.memref_squeeze %dma_start3A_379 : memref<1x128xi32, #tpu.memory_space<vmem>> -> memref<128xi32, #tpu.memory_space<vmem>>
        %dma_start3A_381 = arith.constant 0 : i32
        %dma_start3A_382 = arith.constant 0 : i32
        %dma_start3A_383 = tpu.memref_slice %arg3[%dma_start3A_381, %dma_start3A_382] : memref<10000x64xf32, #tpu.memory_space<hbm>> -> memref<10000x64xf32, #tpu.memory_space<hbm>>
        tpu.enqueue_indirect_dma source(%dma_start3A_383 : memref<10000x64xf32, #tpu.memory_space<hbm>>) target(%arg12 : memref<128x64xf32, #tpu.memory_space<vmem>>) offsets(%dma_start3A_380 : memref<128xi32, #tpu.memory_space<vmem>>) semaphore(%arg19 : memref<!tpu.dma_semaphore, #tpu.memory_space<semaphore_mem>>)
      } else {
      }
      %add3A_316 = arith.constant 4 : i32
      %add3A_317 = arith.addi %mul3A_215, %add3A_316 : i32
      %dma_wait3A_318 = arith.constant 0 : i32
      %dma_wait3A_319 = tpu.memref_slice %arg7[%add3A_317, %dma_wait3A_318] : memref<79x128xi32, #tpu.memory_space<vmem>> -> memref<1x128xi32, #tpu.memory_space<vmem>>
      %dma_wait3A_320 = tpu.memref_squeeze %dma_wait3A_319 : memref<1x128xi32, #tpu.memory_space<vmem>> -> memref<128xi32, #tpu.memory_space<vmem>>
      %dma_wait3A_321 = arith.constant 0 : i32
      %dma_wait3A_322 = arith.constant 0 : i32
      %dma_wait3A_323 = tpu.memref_slice %arg3[%dma_wait3A_321, %dma_wait3A_322] : memref<10000x64xf32, #tpu.memory_space<hbm>> -> memref<10000x64xf32, #tpu.memory_space<hbm>>
      tpu.wait_indirect_dma semaphore(%arg20 : memref<!tpu.dma_semaphore, #tpu.memory_space<semaphore_mem>>) src(%dma_wait3A_323 : memref<10000x64xf32, #tpu.memory_space<hbm>>) dst(%arg13 : memref<128x64xf32, #tpu.memory_space<vmem>>)
      %add3A_324 = arith.constant 4 : i32
      %add3A_325 = arith.addi %mul3A_215, %add3A_324 : i32
      %dma_start3A_326 = arith.constant 0 : i32
      %dma_start3A_327 = tpu.memref_slice %arg8[%add3A_325, %dma_start3A_326] : memref<79x128xi32, #tpu.memory_space<vmem>> -> memref<1x128xi32, #tpu.memory_space<vmem>>
      %dma_start3A_328 = tpu.memref_squeeze %dma_start3A_327 : memref<1x128xi32, #tpu.memory_space<vmem>> -> memref<128xi32, #tpu.memory_space<vmem>>
      %dma_start3A_329 = arith.constant 0 : i32
      %dma_start3A_330 = arith.constant 0 : i32
      %dma_start3A_331 = tpu.memref_slice %arg15[%dma_start3A_329, %dma_start3A_330] : memref<10240x64xf32, #tpu.memory_space<vmem_shared>> -> memref<10240x64xf32, #tpu.memory_space<vmem_shared>>
      tpu.enqueue_indirect_dma source(%arg13 : memref<128x64xf32, #tpu.memory_space<vmem>>) target(%dma_start3A_331 : memref<10240x64xf32, #tpu.memory_space<vmem_shared>>) offsets(%dma_start3A_328 : memref<128xi32, #tpu.memory_space<vmem>>) semaphore(%arg26 : memref<!tpu.dma_semaphore, #tpu.memory_space<semaphore_mem>>) {add = true}
      %add3A_332 = arith.constant 4 : i32
      %add3A_333 = arith.addi %mul3A_215, %add3A_332 : i32
      %add3A_334 = arith.constant 6 : i32
      %add3A_335 = arith.addi %add3A_333, %add3A_334 : i32
      %lt3A_336 = arith.constant 78 : i32
      %lt3A_337 = arith.cmpi slt, %add3A_335, %lt3A_336 : i32
      %convert_element_type3A_338 = arith.extui %lt3A_337 : i1 to i32
      %cond3A_339 = arith.constant 0 : i32
      %cond3A_340 = arith.cmpi ne, %convert_element_type3A_338, %cond3A_339 : i32
      scf.if %cond3A_340 {
        %add3A_366 = arith.constant 4 : i32
        %add3A_367 = arith.addi %mul3A_215, %add3A_366 : i32
        %dma_wait3A_368 = arith.constant 0 : i32
        %dma_wait3A_369 = tpu.memref_slice %arg8[%add3A_367, %dma_wait3A_368] : memref<79x128xi32, #tpu.memory_space<vmem>> -> memref<1x128xi32, #tpu.memory_space<vmem>>
        %dma_wait3A_370 = tpu.memref_squeeze %dma_wait3A_369 : memref<1x128xi32, #tpu.memory_space<vmem>> -> memref<128xi32, #tpu.memory_space<vmem>>
        %dma_wait3A_371 = arith.constant 0 : i32
        %dma_wait3A_372 = arith.constant 0 : i32
        %dma_wait3A_373 = tpu.memref_slice %arg15[%dma_wait3A_371, %dma_wait3A_372] : memref<10240x64xf32, #tpu.memory_space<vmem_shared>> -> memref<10240x64xf32, #tpu.memory_space<vmem_shared>>
        tpu.wait_indirect_dma semaphore(%arg26 : memref<!tpu.dma_semaphore, #tpu.memory_space<semaphore_mem>>) src(%arg13 : memref<128x64xf32, #tpu.memory_space<vmem>>) dst(%dma_wait3A_373 : memref<10240x64xf32, #tpu.memory_space<vmem_shared>>)
        %add3A_374 = arith.constant 4 : i32
        %add3A_375 = arith.addi %mul3A_215, %add3A_374 : i32
        %add3A_376 = arith.constant 6 : i32
        %add3A_377 = arith.addi %add3A_375, %add3A_376 : i32
        %dma_start3A_378 = arith.constant 0 : i32
        %dma_start3A_379 = tpu.memref_slice %arg7[%add3A_377, %dma_start3A_378] : memref<79x128xi32, #tpu.memory_space<vmem>> -> memref<1x128xi32, #tpu.memory_space<vmem>>
        %dma_start3A_380 = tpu.memref_squeeze %dma_start3A_379 : memref<1x128xi32, #tpu.memory_space<vmem>> -> memref<128xi32, #tpu.memory_space<vmem>>
        %dma_start3A_381 = arith.constant 0 : i32
        %dma_start3A_382 = arith.constant 0 : i32
        %dma_start3A_383 = tpu.memref_slice %arg3[%dma_start3A_381, %dma_start3A_382] : memref<10000x64xf32, #tpu.memory_space<hbm>> -> memref<10000x64xf32, #tpu.memory_space<hbm>>
        tpu.enqueue_indirect_dma source(%dma_start3A_383 : memref<10000x64xf32, #tpu.memory_space<hbm>>) target(%arg13 : memref<128x64xf32, #tpu.memory_space<vmem>>) offsets(%dma_start3A_380 : memref<128xi32, #tpu.memory_space<vmem>>) semaphore(%arg20 : memref<!tpu.dma_semaphore, #tpu.memory_space<semaphore_mem>>)
      } else {
      }
      %add3A_341 = arith.constant 5 : i32
      %add3A_342 = arith.addi %mul3A_215, %add3A_341 : i32
      %dma_wait3A_343 = arith.constant 0 : i32
      %dma_wait3A_344 = tpu.memref_slice %arg7[%add3A_342, %dma_wait3A_343] : memref<79x128xi32, #tpu.memory_space<vmem>> -> memref<1x128xi32, #tpu.memory_space<vmem>>
      %dma_wait3A_345 = tpu.memref_squeeze %dma_wait3A_344 : memref<1x128xi32, #tpu.memory_space<vmem>> -> memref<128xi32, #tpu.memory_space<vmem>>
      %dma_wait3A_346 = arith.constant 0 : i32
      %dma_wait3A_347 = arith.constant 0 : i32
      %dma_wait3A_348 = tpu.memref_slice %arg3[%dma_wait3A_346, %dma_wait3A_347] : memref<10000x64xf32, #tpu.memory_space<hbm>> -> memref<10000x64xf32, #tpu.memory_space<hbm>>
      tpu.wait_indirect_dma semaphore(%arg21 : memref<!tpu.dma_semaphore, #tpu.memory_space<semaphore_mem>>) src(%dma_wait3A_348 : memref<10000x64xf32, #tpu.memory_space<hbm>>) dst(%arg14 : memref<128x64xf32, #tpu.memory_space<vmem>>)
      %add3A_349 = arith.constant 5 : i32
      %add3A_350 = arith.addi %mul3A_215, %add3A_349 : i32
      %dma_start3A_351 = arith.constant 0 : i32
      %dma_start3A_352 = tpu.memref_slice %arg8[%add3A_350, %dma_start3A_351] : memref<79x128xi32, #tpu.memory_space<vmem>> -> memref<1x128xi32, #tpu.memory_space<vmem>>
      %dma_start3A_353 = tpu.memref_squeeze %dma_start3A_352 : memref<1x128xi32, #tpu.memory_space<vmem>> -> memref<128xi32, #tpu.memory_space<vmem>>
      %dma_start3A_354 = arith.constant 0 : i32
      %dma_start3A_355 = arith.constant 0 : i32
      %dma_start3A_356 = tpu.memref_slice %arg15[%dma_start3A_354, %dma_start3A_355] : memref<10240x64xf32, #tpu.memory_space<vmem_shared>> -> memref<10240x64xf32, #tpu.memory_space<vmem_shared>>
      tpu.enqueue_indirect_dma source(%arg14 : memref<128x64xf32, #tpu.memory_space<vmem>>) target(%dma_start3A_356 : memref<10240x64xf32, #tpu.memory_space<vmem_shared>>) offsets(%dma_start3A_353 : memref<128xi32, #tpu.memory_space<vmem>>) semaphore(%arg27 : memref<!tpu.dma_semaphore, #tpu.memory_space<semaphore_mem>>) {add = true}
      %add3A_357 = arith.constant 5 : i32
      %add3A_358 = arith.addi %mul3A_215, %add3A_357 : i32
      %add3A_359 = arith.constant 6 : i32
      %add3A_360 = arith.addi %add3A_358, %add3A_359 : i32
      %lt3A_361 = arith.constant 78 : i32
      %lt3A_362 = arith.cmpi slt, %add3A_360, %lt3A_361 : i32
      %convert_element_type3A_363 = arith.extui %lt3A_362 : i1 to i32
      %cond3A_364 = arith.constant 0 : i32
      %cond3A_365 = arith.cmpi ne, %convert_element_type3A_363, %cond3A_364 : i32
      scf.if %cond3A_365 {
        %add3A_366 = arith.constant 5 : i32
        %add3A_367 = arith.addi %mul3A_215, %add3A_366 : i32
        %dma_wait3A_368 = arith.constant 0 : i32
        %dma_wait3A_369 = tpu.memref_slice %arg8[%add3A_367, %dma_wait3A_368] : memref<79x128xi32, #tpu.memory_space<vmem>> -> memref<1x128xi32, #tpu.memory_space<vmem>>
        %dma_wait3A_370 = tpu.memref_squeeze %dma_wait3A_369 : memref<1x128xi32, #tpu.memory_space<vmem>> -> memref<128xi32, #tpu.memory_space<vmem>>
        %dma_wait3A_371 = arith.constant 0 : i32
        %dma_wait3A_372 = arith.constant 0 : i32
        %dma_wait3A_373 = tpu.memref_slice %arg15[%dma_wait3A_371, %dma_wait3A_372] : memref<10240x64xf32, #tpu.memory_space<vmem_shared>> -> memref<10240x64xf32, #tpu.memory_space<vmem_shared>>
        tpu.wait_indirect_dma semaphore(%arg27 : memref<!tpu.dma_semaphore, #tpu.memory_space<semaphore_mem>>) src(%arg14 : memref<128x64xf32, #tpu.memory_space<vmem>>) dst(%dma_wait3A_373 : memref<10240x64xf32, #tpu.memory_space<vmem_shared>>)
        %add3A_374 = arith.constant 5 : i32
        %add3A_375 = arith.addi %mul3A_215, %add3A_374 : i32
        %add3A_376 = arith.constant 6 : i32
        %add3A_377 = arith.addi %add3A_375, %add3A_376 : i32
        %dma_start3A_378 = arith.constant 0 : i32
        %dma_start3A_379 = tpu.memref_slice %arg7[%add3A_377, %dma_start3A_378] : memref<79x128xi32, #tpu.memory_space<vmem>> -> memref<1x128xi32, #tpu.memory_space<vmem>>
        %dma_start3A_380 = tpu.memref_squeeze %dma_start3A_379 : memref<1x128xi32, #tpu.memory_space<vmem>> -> memref<128xi32, #tpu.memory_space<vmem>>
        %dma_start3A_381 = arith.constant 0 : i32
        %dma_start3A_382 = arith.constant 0 : i32
        %dma_start3A_383 = tpu.memref_slice %arg3[%dma_start3A_381, %dma_start3A_382] : memref<10000x64xf32, #tpu.memory_space<hbm>> -> memref<10000x64xf32, #tpu.memory_space<hbm>>
        tpu.enqueue_indirect_dma source(%dma_start3A_383 : memref<10000x64xf32, #tpu.memory_space<hbm>>) target(%arg14 : memref<128x64xf32, #tpu.memory_space<vmem>>) offsets(%dma_start3A_380 : memref<128xi32, #tpu.memory_space<vmem>>) semaphore(%arg21 : memref<!tpu.dma_semaphore, #tpu.memory_space<semaphore_mem>>)
      } else {
      }
    }
    %scan3A_169 = arith.constant 13 : i32
    %dma_wait3A_170 = arith.constant 72 : i32
    %dma_wait3A_171 = arith.constant 0 : i32
    %dma_wait3A_172 = tpu.memref_slice %arg8[%dma_wait3A_170, %dma_wait3A_171] : memref<79x128xi32, #tpu.memory_space<vmem>> -> memref<1x128xi32, #tpu.memory_space<vmem>>
    %dma_wait3A_173 = tpu.memref_squeeze %dma_wait3A_172 : memref<1x128xi32, #tpu.memory_space<vmem>> -> memref<128xi32, #tpu.memory_space<vmem>>
    %dma_wait3A_174 = arith.constant 0 : i32
    %dma_wait3A_175 = arith.constant 0 : i32
    %dma_wait3A_176 = tpu.memref_slice %arg15[%dma_wait3A_174, %dma_wait3A_175] : memref<10240x64xf32, #tpu.memory_space<vmem_shared>> -> memref<10240x64xf32, #tpu.memory_space<vmem_shared>>
    tpu.wait_indirect_dma semaphore(%arg22 : memref<!tpu.dma_semaphore, #tpu.memory_space<semaphore_mem>>) src(%arg9 : memref<128x64xf32, #tpu.memory_space<vmem>>) dst(%dma_wait3A_176 : memref<10240x64xf32, #tpu.memory_space<vmem_shared>>)
    %dma_wait3A_177 = arith.constant 73 : i32
    %dma_wait3A_178 = arith.constant 0 : i32
    %dma_wait3A_179 = tpu.memref_slice %arg8[%dma_wait3A_177, %dma_wait3A_178] : memref<79x128xi32, #tpu.memory_space<vmem>> -> memref<1x128xi32, #tpu.memory_space<vmem>>
    %dma_wait3A_180 = tpu.memref_squeeze %dma_wait3A_179 : memref<1x128xi32, #tpu.memory_space<vmem>> -> memref<128xi32, #tpu.memory_space<vmem>>
    %dma_wait3A_181 = arith.constant 0 : i32
    %dma_wait3A_182 = arith.constant 0 : i32
    %dma_wait3A_183 = tpu.memref_slice %arg15[%dma_wait3A_181, %dma_wait3A_182] : memref<10240x64xf32, #tpu.memory_space<vmem_shared>> -> memref<10240x64xf32, #tpu.memory_space<vmem_shared>>
    tpu.wait_indirect_dma semaphore(%arg23 : memref<!tpu.dma_semaphore, #tpu.memory_space<semaphore_mem>>) src(%arg10 : memref<128x64xf32, #tpu.memory_space<vmem>>) dst(%dma_wait3A_183 : memref<10240x64xf32, #tpu.memory_space<vmem_shared>>)
    %dma_wait3A_184 = arith.constant 74 : i32
    %dma_wait3A_185 = arith.constant 0 : i32
    %dma_wait3A_186 = tpu.memref_slice %arg8[%dma_wait3A_184, %dma_wait3A_185] : memref<79x128xi32, #tpu.memory_space<vmem>> -> memref<1x128xi32, #tpu.memory_space<vmem>>
    %dma_wait3A_187 = tpu.memref_squeeze %dma_wait3A_186 : memref<1x128xi32, #tpu.memory_space<vmem>> -> memref<128xi32, #tpu.memory_space<vmem>>
    %dma_wait3A_188 = arith.constant 0 : i32
    %dma_wait3A_189 = arith.constant 0 : i32
    %dma_wait3A_190 = tpu.memref_slice %arg15[%dma_wait3A_188, %dma_wait3A_189] : memref<10240x64xf32, #tpu.memory_space<vmem_shared>> -> memref<10240x64xf32, #tpu.memory_space<vmem_shared>>
    tpu.wait_indirect_dma semaphore(%arg24 : memref<!tpu.dma_semaphore, #tpu.memory_space<semaphore_mem>>) src(%arg11 : memref<128x64xf32, #tpu.memory_space<vmem>>) dst(%dma_wait3A_190 : memref<10240x64xf32, #tpu.memory_space<vmem_shared>>)
    %dma_wait3A_191 = arith.constant 75 : i32
    %dma_wait3A_192 = arith.constant 0 : i32
    %dma_wait3A_193 = tpu.memref_slice %arg8[%dma_wait3A_191, %dma_wait3A_192] : memref<79x128xi32, #tpu.memory_space<vmem>> -> memref<1x128xi32, #tpu.memory_space<vmem>>
    %dma_wait3A_194 = tpu.memref_squeeze %dma_wait3A_193 : memref<1x128xi32, #tpu.memory_space<vmem>> -> memref<128xi32, #tpu.memory_space<vmem>>
    %dma_wait3A_195 = arith.constant 0 : i32
    %dma_wait3A_196 = arith.constant 0 : i32
    %dma_wait3A_197 = tpu.memref_slice %arg15[%dma_wait3A_195, %dma_wait3A_196] : memref<10240x64xf32, #tpu.memory_space<vmem_shared>> -> memref<10240x64xf32, #tpu.memory_space<vmem_shared>>
    tpu.wait_indirect_dma semaphore(%arg25 : memref<!tpu.dma_semaphore, #tpu.memory_space<semaphore_mem>>) src(%arg12 : memref<128x64xf32, #tpu.memory_space<vmem>>) dst(%dma_wait3A_197 : memref<10240x64xf32, #tpu.memory_space<vmem_shared>>)
    %dma_wait3A_198 = arith.constant 76 : i32
    %dma_wait3A_199 = arith.constant 0 : i32
    %dma_wait3A_200 = tpu.memref_slice %arg8[%dma_wait3A_198, %dma_wait3A_199] : memref<79x128xi32, #tpu.memory_space<vmem>> -> memref<1x128xi32, #tpu.memory_space<vmem>>
    %dma_wait3A_201 = tpu.memref_squeeze %dma_wait3A_200 : memref<1x128xi32, #tpu.memory_space<vmem>> -> memref<128xi32, #tpu.memory_space<vmem>>
    %dma_wait3A_202 = arith.constant 0 : i32
    %dma_wait3A_203 = arith.constant 0 : i32
    %dma_wait3A_204 = tpu.memref_slice %arg15[%dma_wait3A_202, %dma_wait3A_203] : memref<10240x64xf32, #tpu.memory_space<vmem_shared>> -> memref<10240x64xf32, #tpu.memory_space<vmem_shared>>
    tpu.wait_indirect_dma semaphore(%arg26 : memref<!tpu.dma_semaphore, #tpu.memory_space<semaphore_mem>>) src(%arg13 : memref<128x64xf32, #tpu.memory_space<vmem>>) dst(%dma_wait3A_204 : memref<10240x64xf32, #tpu.memory_space<vmem_shared>>)
    %dma_wait3A_205 = arith.constant 77 : i32
    %dma_wait3A_206 = arith.constant 0 : i32
    %dma_wait3A_207 = tpu.memref_slice %arg8[%dma_wait3A_205, %dma_wait3A_206] : memref<79x128xi32, #tpu.memory_space<vmem>> -> memref<1x128xi32, #tpu.memory_space<vmem>>
    %dma_wait3A_208 = tpu.memref_squeeze %dma_wait3A_207 : memref<1x128xi32, #tpu.memory_space<vmem>> -> memref<128xi32, #tpu.memory_space<vmem>>
    %dma_wait3A_209 = arith.constant 0 : i32
    %dma_wait3A_210 = arith.constant 0 : i32
    %dma_wait3A_211 = tpu.memref_slice %arg15[%dma_wait3A_209, %dma_wait3A_210] : memref<10240x64xf32, #tpu.memory_space<vmem_shared>> -> memref<10240x64xf32, #tpu.memory_space<vmem_shared>>
    tpu.wait_indirect_dma semaphore(%arg27 : memref<!tpu.dma_semaphore, #tpu.memory_space<semaphore_mem>>) src(%arg14 : memref<128x64xf32, #tpu.memory_space<vmem>>) dst(%dma_wait3A_211 : memref<10240x64xf32, #tpu.memory_space<vmem_shared>>)
    %barrier3A_212 = arith.constant 0 : index
    tpu.barrier barrier_id(%barrier3A_212)
    "tpu.region"() ({
      %run_scoped3A_213 = tpu.sem_alloc : memref<!tpu.dma_semaphore, #tpu.memory_space<semaphore_mem>>
      %dma_start3A_214 = arith.constant 64 : i32
      %dma_start3A_215 = tpu.memref_slice %arg6[%arg0, %mul3A_26, %dma_start3A_214] : memref<2x10240x128xf32, #tpu.memory_space<hbm>> -> memref<1x640x64xf32, #tpu.memory_space<hbm>>
      %dma_start3A_216 = tpu.memref_squeeze %dma_start3A_215 : memref<1x640x64xf32, #tpu.memory_space<hbm>> -> memref<640x64xf32, #tpu.memory_space<hbm>>
      %dma_start3A_217 = arith.constant 0 : i32
      %dma_start3A_218 = tpu.memref_slice %arg15[%mul3A_26, %dma_start3A_217] : memref<10240x64xf32, #tpu.memory_space<vmem_shared>> -> memref<640x64xf32, #tpu.memory_space<vmem_shared>>
      tpu.enqueue_dma source(%dma_start3A_218 : memref<640x64xf32, #tpu.memory_space<vmem_shared>>) target(%dma_start3A_216 : memref<640x64xf32, #tpu.memory_space<hbm>>) target_semaphore(%run_scoped3A_213 : memref<!tpu.dma_semaphore, #tpu.memory_space<semaphore_mem>>)
      %dma_wait3A_219 = arith.constant 64 : i32
      %dma_wait3A_220 = tpu.memref_slice %arg6[%arg0, %mul3A_26, %dma_wait3A_219] : memref<2x10240x128xf32, #tpu.memory_space<hbm>> -> memref<1x640x64xf32, #tpu.memory_space<hbm>>
      %dma_wait3A_221 = tpu.memref_squeeze %dma_wait3A_220 : memref<1x640x64xf32, #tpu.memory_space<hbm>> -> memref<640x64xf32, #tpu.memory_space<hbm>>
      %dma_wait3A_222 = arith.constant 0 : i32
      %dma_wait3A_223 = tpu.memref_slice %arg15[%mul3A_26, %dma_wait3A_222] : memref<10240x64xf32, #tpu.memory_space<vmem_shared>> -> memref<640x64xf32, #tpu.memory_space<vmem_shared>>
      tpu.wait_dma2 semaphore(%run_scoped3A_213 : memref<!tpu.dma_semaphore, #tpu.memory_space<semaphore_mem>>) src(%dma_wait3A_223 : memref<640x64xf32, #tpu.memory_space<vmem_shared>>) dst(%dma_wait3A_221 : memref<640x64xf32, #tpu.memory_space<hbm>>)
      tpu.yield
    }) : () -> ()
    return
  }
}

module attributes {stable_mosaic.version = 14 : i64} {
  func.func @_tc_a_body(%arg0: memref<10000x128xf32, #tpu.memory_space<vmem>>, %arg1: memref<128x128xf32, #tpu.memory_space<vmem>>, %arg2: memref<2x10240xf32, #tpu.memory_space<vmem>>, %arg3: memref<2x10240xf32, #tpu.memory_space<vmem>>, %arg4: memref<10000x64xf32, #tpu.memory_space<vmem>>, %arg5: memref<10000x64xf32, #tpu.memory_space<vmem>>, %arg6: memref<1x10240xf32, #tpu.memory_space<vmem>>, %arg7: memref<1x10240xf32, #tpu.memory_space<vmem>>) attributes {dimension_semantics = [], scalar_prefetch = 0 : i64, scratch_operands = 0 : i64, tpu.core_type = #tpu.core_type<tc>} {
    %get3A = arith.constant 0 : index
    %get3A_0 = arith.constant 0 : index
    %get3A_1 = vector.load %arg2[%get3A, %get3A_0] : memref<2x10240xf32, #tpu.memory_space<vmem>>, vector<1x10240xf32>
    %get3A_2 = vector.shape_cast %get3A_1 : vector<1x10240xf32> to vector<10240xf32>
    %get3A_3 = arith.constant 1 : index
    %get3A_4 = arith.constant 0 : index
    %get3A_5 = vector.load %arg2[%get3A_3, %get3A_4] : memref<2x10240xf32, #tpu.memory_space<vmem>>, vector<1x10240xf32>
    %get3A_6 = vector.shape_cast %get3A_5 : vector<1x10240xf32> to vector<10240xf32>
    %add3A = arith.addf %get3A_2, %get3A_6 : vector<10240xf32>
    %get3A_7 = arith.constant 0 : index
    %get3A_8 = arith.constant 0 : index
    %get3A_9 = vector.load %arg3[%get3A_7, %get3A_8] : memref<2x10240xf32, #tpu.memory_space<vmem>>, vector<1x10240xf32>
    %get3A_10 = vector.shape_cast %get3A_9 : vector<1x10240xf32> to vector<10240xf32>
    %get3A_11 = arith.constant 1 : index
    %get3A_12 = arith.constant 0 : index
    %get3A_13 = vector.load %arg3[%get3A_11, %get3A_12] : memref<2x10240xf32, #tpu.memory_space<vmem>>, vector<1x10240xf32>
    %get3A_14 = vector.shape_cast %get3A_13 : vector<1x10240xf32> to vector<10240xf32>
    %add3A_15 = arith.addf %get3A_10, %get3A_14 : vector<10240xf32>
    %gt3A = arith.constant 0.000000e+00 : f32
    %gt3A_16 = vector.broadcast %gt3A : f32 to vector<10240xf32>
    %gt3A_17 = arith.cmpf ogt, %add3A, %gt3A_16 : vector<10240xf32>
    %rsqrt3A = math.rsqrt %add3A : vector<10240xf32>
    %jit3A = arith.constant 0.000000e+00 : f32
    %broadcast_in_dim3A = vector.broadcast %jit3A : f32 to vector<10240xf32>
    %select_n3A = arith.select %gt3A_17, %rsqrt3A, %broadcast_in_dim3A : vector<10240xi1>, vector<10240xf32>
    %gt3A_18 = arith.constant 0.000000e+00 : f32
    %gt3A_19 = vector.broadcast %gt3A_18 : f32 to vector<10240xf32>
    %gt3A_20 = arith.cmpf ogt, %add3A_15, %gt3A_19 : vector<10240xf32>
    %rsqrt3A_21 = math.rsqrt %add3A_15 : vector<10240xf32>
    %jit3A_22 = arith.constant 0.000000e+00 : f32
    %broadcast_in_dim3A_23 = vector.broadcast %jit3A_22 : f32 to vector<10240xf32>
    %select_n3A_24 = arith.select %gt3A_20, %rsqrt3A_21, %broadcast_in_dim3A_23 : vector<10240xi1>, vector<10240xf32>
    %swap3A = arith.constant 0 : index
    %swap3A_25 = arith.constant 0 : index
    %swap3A_26 = vector.load %arg6[%swap3A, %swap3A_25] : memref<1x10240xf32, #tpu.memory_space<vmem>>, vector<1x10240xf32>
    %swap3A_27 = vector.shape_cast %swap3A_26 : vector<1x10240xf32> to vector<10240xf32>
    %swap3A_28 = vector.shape_cast %select_n3A : vector<10240xf32> to vector<1x10240xf32>
    tpu.vector_store %arg6[%swap3A, %swap3A_25], %swap3A_28 {strides = array<i32>} : memref<1x10240xf32, #tpu.memory_space<vmem>>, vector<1x10240xf32>,
    %swap3A_29 = arith.constant 0 : index
    %swap3A_30 = arith.constant 0 : index
    %swap3A_31 = vector.load %arg7[%swap3A_29, %swap3A_30] : memref<1x10240xf32, #tpu.memory_space<vmem>>, vector<1x10240xf32>
    %swap3A_32 = vector.shape_cast %swap3A_31 : vector<1x10240xf32> to vector<10240xf32>
    %swap3A_33 = vector.shape_cast %select_n3A_24 : vector<10240xf32> to vector<1x10240xf32>
    tpu.vector_store %arg7[%swap3A_29, %swap3A_30], %swap3A_33 {strides = array<i32>} : memref<1x10240xf32, #tpu.memory_space<vmem>>, vector<1x10240xf32>,
    %get3A_34 = arith.constant 0 : index
    %get3A_35 = arith.constant 0 : index
    %get3A_36 = vector.load %arg0[%get3A_34, %get3A_35] : memref<10000x128xf32, #tpu.memory_space<vmem>>, vector<10000x128xf32>
    %get3A_37 = arith.constant 0 : index
    %get3A_38 = arith.constant 0 : index
    %get3A_39 = vector.load %arg1[%get3A_37, %get3A_38] : memref<128x128xf32, #tpu.memory_space<vmem>>, vector<128x128xf32>
    %dot_general3A = arith.constant dense<0.000000e+00> : vector<10000x128xf32>
    %dot_general3A_40 = tpu.matmul %get3A_36, %get3A_39, %dot_general3A {dimension_numbers = #tpu.dot_dimension_numbers<[1], [0], [0], [1], [0, 0, 1, 1], [], []>, transpose_lhs_hint = false} : vector<10000x128xf32>, vector<128x128xf32>, vector<10000x128xf32> -> vector<10000x128xf32>
    %slice3A = vector.extract_strided_slice %select_n3A {offsets = [0], sizes = [10000], strides = [1]} : vector<10240xf32> to vector<10000xf32>
    %broadcast_in_dim3A_41 = vector.shape_cast %slice3A : vector<10000xf32> to vector<10000x1xf32>
    %mul3A = vector.broadcast %broadcast_in_dim3A_41 : vector<10000x1xf32> to vector<10000x128xf32>
    %mul3A_42 = arith.mulf %dot_general3A_40, %mul3A : vector<10000x128xf32>
    %slice3A_43 = vector.extract_strided_slice %mul3A_42 {offsets = [0, 0], sizes = [10000, 64], strides = [1, 1]} : vector<10000x128xf32> to vector<10000x64xf32>
    %swap3A_44 = arith.constant 0 : index
    %swap3A_45 = arith.constant 0 : index
    %swap3A_46 = vector.load %arg4[%swap3A_44, %swap3A_45] : memref<10000x64xf32, #tpu.memory_space<vmem>>, vector<10000x64xf32>
    tpu.vector_store %arg4[%swap3A_44, %swap3A_45], %slice3A_43 {strides = array<i32>} : memref<10000x64xf32, #tpu.memory_space<vmem>>, vector<10000x64xf32>,
    %slice3A_47 = vector.extract_strided_slice %mul3A_42 {offsets = [0, 64], sizes = [10000, 64], strides = [1, 1]} : vector<10000x128xf32> to vector<10000x64xf32>
    %swap3A_48 = arith.constant 0 : index
    %swap3A_49 = arith.constant 0 : index
    %swap3A_50 = vector.load %arg5[%swap3A_48, %swap3A_49] : memref<10000x64xf32, #tpu.memory_space<vmem>>, vector<10000x64xf32>
    tpu.vector_store %arg5[%swap3A_48, %swap3A_49], %slice3A_47 {strides = array<i32>} : memref<10000x64xf32, #tpu.memory_space<vmem>>, vector<10000x64xf32>,
    return
  }
}

module attributes {stable_mosaic.version = 14 : i64} {
  func.func @_tc_b_body(%arg0: memref<2x10240x128xf32, #tpu.memory_space<vmem>>, %arg1: memref<1x10240xf32, #tpu.memory_space<vmem>>, %arg2: memref<1x10240xf32, #tpu.memory_space<vmem>>, %arg3: memref<1x128xf32, #tpu.memory_space<vmem>>, %arg4: memref<128x48xf32, #tpu.memory_space<vmem>>, %arg5: memref<10000x48xf32, #tpu.memory_space<vmem>>) attributes {dimension_semantics = [], scalar_prefetch = 0 : i64, scratch_operands = 0 : i64, tpu.core_type = #tpu.core_type<tc>} {
    %get3A = arith.constant 0 : index
    %get3A_0 = arith.constant 0 : index
    %get3A_1 = vector.load %arg1[%get3A, %get3A_0] : memref<1x10240xf32, #tpu.memory_space<vmem>>, vector<1x10000xf32>
    %get3A_2 = vector.shape_cast %get3A_1 : vector<1x10000xf32> to vector<10000xf32>
    %get3A_3 = arith.constant 0 : index
    %get3A_4 = arith.constant 0 : index
    %get3A_5 = vector.load %arg2[%get3A_3, %get3A_4] : memref<1x10240xf32, #tpu.memory_space<vmem>>, vector<1x10000xf32>
    %get3A_6 = vector.shape_cast %get3A_5 : vector<1x10000xf32> to vector<10000xf32>
    %get3A_7 = arith.constant 0 : index
    %get3A_8 = arith.constant 0 : index
    %get3A_9 = arith.constant 0 : index
    %get3A_10 = vector.load %arg0[%get3A_7, %get3A_8, %get3A_9] : memref<2x10240x128xf32, #tpu.memory_space<vmem>>, vector<1x10000x128xf32>
    %get3A_11 = vector.shape_cast %get3A_10 : vector<1x10000x128xf32> to vector<10000x128xf32>
    %get3A_12 = arith.constant 1 : index
    %get3A_13 = arith.constant 0 : index
    %get3A_14 = arith.constant 0 : index
    %get3A_15 = vector.load %arg0[%get3A_12, %get3A_13, %get3A_14] : memref<2x10240x128xf32, #tpu.memory_space<vmem>>, vector<1x10000x128xf32>
    %get3A_16 = vector.shape_cast %get3A_15 : vector<1x10000x128xf32> to vector<10000x128xf32>
    %add3A = arith.addf %get3A_11, %get3A_16 : vector<10000x128xf32>
    %broadcast_in_dim3A = vector.shape_cast %get3A_2 : vector<10000xf32> to vector<10000x1xf32>
    %mul3A = vector.broadcast %broadcast_in_dim3A : vector<10000x1xf32> to vector<10000x128xf32>
    %mul3A_17 = arith.mulf %add3A, %mul3A : vector<10000x128xf32>
    %get3A_18 = arith.constant 0 : index
    %get3A_19 = arith.constant 0 : index
    %get3A_20 = vector.load %arg3[%get3A_18, %get3A_19] : memref<1x128xf32, #tpu.memory_space<vmem>>, vector<1x128xf32>
    %get3A_21 = vector.shape_cast %get3A_20 : vector<1x128xf32> to vector<128xf32>
    %broadcast_in_dim3A_22 = vector.shape_cast %get3A_21 : vector<128xf32> to vector<1x128xf32>
    %add3A_23 = vector.broadcast %broadcast_in_dim3A_22 : vector<1x128xf32> to vector<10000x128xf32>
    %add3A_24 = arith.addf %mul3A_17, %add3A_23 : vector<10000x128xf32>
    %max3A = arith.constant 0.000000e+00 : f32
    %max3A_25 = vector.broadcast %max3A : f32 to vector<10000x128xf32>
    %max3A_26 = arith.maximumf %add3A_24, %max3A_25 : vector<10000x128xf32>
    %get3A_27 = arith.constant 0 : index
    %get3A_28 = arith.constant 0 : index
    %get3A_29 = vector.load %arg4[%get3A_27, %get3A_28] : memref<128x48xf32, #tpu.memory_space<vmem>>, vector<128x48xf32>
    %dot_general3A = arith.constant dense<0.000000e+00> : vector<10000x48xf32>
    %dot_general3A_30 = tpu.matmul %max3A_26, %get3A_29, %dot_general3A {dimension_numbers = #tpu.dot_dimension_numbers<[1], [0], [0], [1], [0, 0, 1, 1], [], []>, transpose_lhs_hint = false} : vector<10000x128xf32>, vector<128x48xf32>, vector<10000x48xf32> -> vector<10000x48xf32>
    %broadcast_in_dim3A_31 = vector.shape_cast %get3A_6 : vector<10000xf32> to vector<10000x1xf32>
    %mul3A_32 = vector.broadcast %broadcast_in_dim3A_31 : vector<10000x1xf32> to vector<10000x48xf32>
    %mul3A_33 = arith.mulf %dot_general3A_30, %mul3A_32 : vector<10000x48xf32>
    %swap3A = arith.constant 0 : index
    %swap3A_34 = arith.constant 0 : index
    %swap3A_35 = vector.load %arg5[%swap3A, %swap3A_34] : memref<10000x48xf32, #tpu.memory_space<vmem>>, vector<10000x48xf32>
    tpu.vector_store %arg5[%swap3A, %swap3A_34], %mul3A_33 {strides = array<i32>} : memref<10000x48xf32, #tpu.memory_space<vmem>>, vector<10000x48xf32>,
    return
  }
}

module attributes {stable_mosaic.version = 14 : i64} {
  func.func @_tc_c_body(%arg0: memref<2x10240x128xf32, #tpu.memory_space<vmem>>, %arg1: memref<1x10240xf32, #tpu.memory_space<vmem>>, %arg2: memref<1x48xf32, #tpu.memory_space<vmem>>, %arg3: memref<10000x40xf32, #tpu.memory_space<vmem>>) attributes {dimension_semantics = [], scalar_prefetch = 0 : i64, scratch_operands = 0 : i64, tpu.core_type = #tpu.core_type<tc>} {
    %get3A = arith.constant 0 : index
    %get3A_0 = arith.constant 0 : index
    %get3A_1 = vector.load %arg1[%get3A, %get3A_0] : memref<1x10240xf32, #tpu.memory_space<vmem>>, vector<1x10000xf32>
    %get3A_2 = vector.shape_cast %get3A_1 : vector<1x10000xf32> to vector<10000xf32>
    %get3A_3 = arith.constant 0 : index
    %get3A_4 = arith.constant 0 : index
    %get3A_5 = arith.constant 0 : index
    %get3A_6 = vector.load %arg0[%get3A_3, %get3A_4, %get3A_5] : memref<2x10240x128xf32, #tpu.memory_space<vmem>>, vector<1x10000x48xf32>
    %get3A_7 = vector.shape_cast %get3A_6 : vector<1x10000x48xf32> to vector<10000x48xf32>
    %get3A_8 = arith.constant 1 : index
    %get3A_9 = arith.constant 0 : index
    %get3A_10 = arith.constant 0 : index
    %get3A_11 = vector.load %arg0[%get3A_8, %get3A_9, %get3A_10] : memref<2x10240x128xf32, #tpu.memory_space<vmem>>, vector<1x10000x48xf32>
    %get3A_12 = vector.shape_cast %get3A_11 : vector<1x10000x48xf32> to vector<10000x48xf32>
    %add3A = arith.addf %get3A_7, %get3A_12 : vector<10000x48xf32>
    %broadcast_in_dim3A = vector.shape_cast %get3A_2 : vector<10000xf32> to vector<10000x1xf32>
    %mul3A = vector.broadcast %broadcast_in_dim3A : vector<10000x1xf32> to vector<10000x48xf32>
    %mul3A_13 = arith.mulf %add3A, %mul3A : vector<10000x48xf32>
    %get3A_14 = arith.constant 0 : index
    %get3A_15 = arith.constant 0 : index
    %get3A_16 = vector.load %arg2[%get3A_14, %get3A_15] : memref<1x48xf32, #tpu.memory_space<vmem>>, vector<1x48xf32>
    %get3A_17 = vector.shape_cast %get3A_16 : vector<1x48xf32> to vector<48xf32>
    %broadcast_in_dim3A_18 = vector.shape_cast %get3A_17 : vector<48xf32> to vector<1x48xf32>
    %add3A_19 = vector.broadcast %broadcast_in_dim3A_18 : vector<1x48xf32> to vector<10000x48xf32>
    %add3A_20 = arith.addf %mul3A_13, %add3A_19 : vector<10000x48xf32>
    %iota3A = tpu.iota {dimensions = array<i32: 1>} : vector<10000x48xi32>
    %lt3A = arith.constant 40 : i32
    %lt3A_21 = vector.broadcast %lt3A : i32 to vector<10000x48xi32>
    %lt3A_22 = arith.cmpi slt, %iota3A, %lt3A_21 : vector<10000x48xi32>
    %jit3A = arith.constant 0xFF800000 : f32
    %broadcast_in_dim3A_23 = vector.broadcast %jit3A : f32 to vector<10000x48xf32>
    %select_n3A = arith.select %lt3A_22, %add3A_20, %broadcast_in_dim3A_23 : vector<10000x48xi1>, vector<10000x48xf32>
    %reduce_max3A = arith.constant dense<0xFF800000> : vector<10000xf32>
    %reduce_max3A_24 = vector.multi_reduction <maximumf>, %select_n3A, %reduce_max3A [1] : vector<10000x48xf32> to vector<10000xf32>
    %broadcast_in_dim3A_25 = vector.shape_cast %reduce_max3A_24 : vector<10000xf32> to vector<10000x1xf32>
    %sub3A = vector.broadcast %broadcast_in_dim3A_25 : vector<10000x1xf32> to vector<10000x48xf32>
    %sub3A_26 = arith.subf %add3A_20, %sub3A : vector<10000x48xf32>
    %exp3A = math.exp %sub3A_26 : vector<10000x48xf32>
    %jit3A_27 = arith.constant 0.000000e+00 : f32
    %broadcast_in_dim3A_28 = vector.broadcast %jit3A_27 : f32 to vector<10000x48xf32>
    %select_n3A_29 = arith.select %lt3A_22, %exp3A, %broadcast_in_dim3A_28 : vector<10000x48xi1>, vector<10000x48xf32>
    %reduce_sum3A = arith.constant dense<0.000000e+00> : vector<10000xf32>
    %reduce_sum3A_30 = vector.multi_reduction <add>, %select_n3A_29, %reduce_sum3A [1] : vector<10000x48xf32> to vector<10000xf32>
    %broadcast_in_dim3A_31 = vector.shape_cast %reduce_sum3A_30 : vector<10000xf32> to vector<10000x1xf32>
    %sub3A_32 = vector.broadcast %broadcast_in_dim3A_25 : vector<10000x1xf32> to vector<10000x48xf32>
    %sub3A_33 = arith.subf %add3A_20, %sub3A_32 : vector<10000x48xf32>
    %log3A = math.log %broadcast_in_dim3A_31 : vector<10000x1xf32>
    %sub3A_34 = vector.broadcast %log3A : vector<10000x1xf32> to vector<10000x48xf32>
    %sub3A_35 = arith.subf %sub3A_33, %sub3A_34 : vector<10000x48xf32>
    %slice3A = vector.extract_strided_slice %sub3A_35 {offsets = [0, 0], sizes = [10000, 40], strides = [1, 1]} : vector<10000x48xf32> to vector<10000x40xf32>
    %swap3A = arith.constant 0 : index
    %swap3A_36 = arith.constant 0 : index
    %swap3A_37 = vector.load %arg3[%swap3A, %swap3A_36] : memref<10000x40xf32, #tpu.memory_space<vmem>>, vector<10000x40xf32>
    tpu.vector_store %arg3[%swap3A, %swap3A_36], %slice3A {strides = array<i32>} : memref<10000x40xf32, #tpu.memory_space<vmem>>, vector<10000x40xf32>,
    return
  }
}

</mosaic_0001>

<sc_bundles>
// kernel: kernel.11.cloned.1.call-start
scs
__scs_entry_jumppad:
0x0: {  	(pc) =	sbr.rel $0x88, $3  }
0x1: {  	(tag) =	ssettag $0x0;
	lr =	simm.s32 $0x1  }
0x2: {  	[smem:$0x3F9B] =	sst lr;
	_ =	strace $0xD0000000  }
0x3: {  	_ = 	snop  }
0x4: {  	_ = 	snop  }
0x5: {  	_ = 	snop  }
0x6: {  	_ = 	snop  }
0x7: {  	_ = 	snop  }
__scs_overlays_trampoline_lowered:
0x8: {  	[smem:$0x3FAA] =	sst s0  }
0x9: {  	[smem:$0x3FAB] =	sst s1  }
0xa: {  	[smem:$0x3FAC] =	sst s2  }
0xb: {  	[smem:$0x3FAD] =	sst s3  }
0xc: {  	[smem:$0x3FAE] =	sst s4  }
0xd: {  	[smem:$0x3FAF] =	sst s5  }
0xe: {  	[smem:$0x3FB0] =	sst s6  }
0xf: {  	[smem:$0x3FB1] =	sst s7  }
0x10: {  	[smem:$0x3FB2] =	sst s8  }
0x11: {  	[smem:$0x3FB3] =	sst s9;
	s0 =	simm.s32 @!p0 $0x0  }
0x12: {  	s1 =	sld [smem:$0x3F99];
	s0 =	simm.s32 @p0 $0x1  }
0x13: {  	[smem:$0x3FB4] =	sst s0;
	s0 =	simm.s32 @!p1 $0x0  }
0x14: {  	s2 =	sld [smem:$0x3F98];
	s0 =	simm.s32 @p1 $0x1  }
0x15: {  	[smem:$0x3FB5] =	sst s0;
	s0 =	simm.s32 @!p2 $0x0  }
0x16: {  	s3 =	sld [smem:$0x3FDB];
	s0 =	simm.s32 @p2 $0x1  }
0x17: {  	s4 =	simm.s32 $0x1BF5;
	[smem:$0x3FB7] =	sst s0  }
0x18: {  	s0 =	sld [smem:$0x3F9A];
	_ =	swait.ge [sflag:s4], $0x0  }
0x19: {  	s7 =	sld [smem:$0x3F9B]  }
0x1a: {  	s8 =	sadd.s32 $0xFFFFE003, lr  }
0x1b: {  	s9 =	sadd.s32 $0xFFFFFEF7, lr;
	s5 =	simm.s32 $0xFFFFFFFF;
	p2 =	slt.u32 s8, $0xFFFFF086  }
0x1c: {  	p1 =	slt.u32 s9, $0xF7A;
	s5 =	simm.s32 @!p2 $0x0  }
0x1d: {  	s5 =	simm.s32 @p1 $0x1;
	p0 =	seq.s32 s7, s2  }
0x1e: {  	s7 =	smul.u32 @!p0 $0xF7A, s2;
	p2 =	seq.s32 @!p0 s5, $0x0  }
0x1f: {  	s9 =	smul.u32 $0xF7A, s1;
	s8 =	simm.s32 @!p0 $0x1BF5;
	p2 =	por !p2, p0  }
0x20: {  	[sflag:s8] =	ssyncset.s32 @!p0 $0xFFFFF086;
	s6 =	sadd.s32 @!p0 s3, s7;
	s7 =	simm.s32 @!p0 $0x108  }
0x21: {  	s3 =	sadd.s32 s3, s9;
	s6 =	sadd.s32 @!p0 $0x88, s6;
	s7 =	simm.s32 @p2 $0x1082  }
0x22: {  	[simem:s7], [sflag:s8] =	dma.local @!p0 [hbm:s6], $0xF7A  }
0x23: {  	s9 =	sor.u32 $0xD0000000, s2;
	s6 =	simm.s32 $0x108;
	_ =	swait.ge @!p0 [sflag:s8], $0x0  }
0x24: {  	s3 =	sadd.s32 $0x88, s3;
	s6 =	simm.s32 @!p1 $0x1082;
	[sflag:s4] =	ssyncset.s32 $0xFFFFF086  }
0x25: {  	[simem:s6], [sflag:s4] =	dma.local [hbm:s3], $0xF7A  }
0x26: {  	[smem:$0x3F9B] =	sst s1;
	(tag) =	ssettag s2;
	_ =	strace s9  }
0x27: {  	s1 =	sld [smem:$0x3FAB]  }
0x28: {  	s2 =	sld [smem:$0x3FAC]  }
0x29: {  	s4 =	sld [smem:$0x3FAE]  }
0x2a: {  	p0 =	seq.s32 s5, $0x0;
	s5 =	sld [smem:$0x3FAF]  }
0x2b: {  	s6 =	sld [smem:$0x3FB0]  }
0x2c: {  	s7 =	sld [smem:$0x3FB1]  }
0x2d: {  	s3 =	simm.s32 $0x108;
	s8 =	sld [smem:$0x3FB2]  }
0x2e: {  	s3 =	simm.s32 @!p0 $0x1082;
	s9 =	sld [smem:$0x3FB3]  }
0x2f: {  	lr =	sadd.s32 s0, s3;
	s0 =	sld [smem:$0x3FAA]  }
0x30: {  	s3 =	sld [smem:$0x3FAD]  }
0x31: {  	[smem:$0x3FB6] =	sst s10  }
0x32: {  	s10 =	sld [smem:$0x3FB4];
	_ =	sdelay $0x3  }
0x33: {  	p0 =	seq.s32 s10, $0x1;
	s10 =	sld [smem:$0x3FB6];
	_ =	sdelay $0x3  }
0x34: {  	[smem:$0x3FB6] =	sst s10  }
0x35: {  	s10 =	sld [smem:$0x3FB5];
	_ =	sdelay $0x3  }
0x36: {  	p1 =	seq.s32 s10, $0x1;
	s10 =	sld [smem:$0x3FB6];
	_ =	sdelay $0x3  }
0x37: {  	[smem:$0x3FB6] =	sst s10  }
0x38: {  	s10 =	sld [smem:$0x3FB7]  }
0x39: {  	_ = 	snop;
	(pc) =	sbr.ind lr, $3  }
0x3a: {  	_ = 	snop  }
0x3b: {  	_ = 	snop  }
0x3c: {  	p2 =	seq.s32 s10, $0x1;
	s10 =	sld [smem:$0x3FB6]  }
0x3d: {  	_ =	shalt  }
0x3e: {  	_ =	shalt  }
0x3f: {  	_ =	shalt  }
0x40: {  	_ =	shalt  }
0x41: {  	_ =	shalt  }
0x42: {  	_ =	shalt  }
0x43: {  	_ =	shalt  }
0x44: {  	_ =	shalt  }
0x45: {  	_ =	shalt  }
0x46: {  	_ =	shalt  }
0x47: {  	_ =	shalt  }
0x48: {  	_ =	shalt  }
0x49: {  	_ =	shalt  }
0x4a: {  	_ =	shalt  }
0x4b: {  	_ =	shalt  }
0x4c: {  	_ =	shalt  }
0x4d: {  	_ =	shalt  }
0x4e: {  	_ =	shalt  }
0x4f: {  	_ =	shalt  }
0x50: {  	_ =	shalt  }
0x51: {  	_ =	shalt  }
0x52: {  	_ =	shalt  }
0x53: {  	_ =	shalt  }
0x54: {  	_ =	shalt  }
0x55: {  	_ =	shalt  }
0x56: {  	_ =	shalt  }
0x57: {  	_ =	shalt  }
0x58: {  	_ =	shalt  }
0x59: {  	_ =	shalt  }
0x5a: {  	_ =	shalt  }
0x5b: {  	_ =	shalt  }
0x5c: {  	_ =	shalt  }
0x5d: {  	_ =	shalt  }
0x5e: {  	_ =	shalt  }
0x5f: {  	_ =	shalt  }
0x60: {  	_ =	shalt  }
0x61: {  	_ =	shalt  }
0x62: {  	_ =	shalt  }
0x63: {  	_ =	shalt  }
0x64: {  	_ =	shalt  }
0x65: {  	_ =	shalt  }
0x66: {  	_ =	shalt  }
0x67: {  	_ =	shalt  }
0x68: {  	_ =	shalt  }
0x69: {  	_ =	shalt  }
0x6a: {  	_ =	shalt  }
0x6b: {  	_ =	shalt  }
0x6c: {  	_ =	shalt  }
0x6d: {  	_ =	shalt  }
0x6e: {  	_ =	shalt  }
0x6f: {  	_ =	shalt  }
0x70: {  	_ =	shalt  }
0x71: {  	_ =	shalt  }
0x72: {  	_ =	shalt  }
0x73: {  	_ =	shalt  }
0x74: {  	_ =	shalt  }
0x75: {  	_ =	shalt  }
0x76: {  	_ =	shalt  }
0x77: {  	_ =	shalt  }
0x78: {  	_ =	shalt  }
0x79: {  	_ =	shalt  }
0x7a: {  	_ =	shalt  }
0x7b: {  	_ =	shalt  }
0x7c: {  	_ =	shalt  }
0x7d: {  	_ =	shalt  }
0x7e: {  	_ =	shalt  }
0x7f: {  	_ =	shalt  }
0x80: {  	_ =	shalt  }
0x81: {  	_ =	shalt  }
0x82: {  	_ =	shalt  }
0x83: {  	_ =	shalt  }
0x84: {  	_ =	shalt  }
0x85: {  	_ =	shalt  }
0x86: {  	_ =	shalt  }
0x87: {  	_ =	shalt  }
.Lfunc_end0:
.L_simem_size_0:
called_computation.1_lowered:
.L_overlay_start_0:
0x88: {  	s2 =	sld [smem:$0x3FD9]  }
0x89: {  	s3 =	sld [smem:$0x3FFE];
	_ =	sdelay $0x1  }
0x8a: {  	s1 =	srdreg.scid  }
0x8b: {  	s0 =	sand.u32 $0x1, s1  }
0x8c: {  	s17 =	sshll.u32 s0, $0xA;
	s2 =	sadd.s32 s3, s2  }
0x8d: {  	s2 =	sadd.s32 s2, s17  }
0x8e: {  	[smem:$0x3FC2] =	sst s2  }
0x8f: {  	_ = 	snop  }
0x90: {  	s2 =	sld [smem:$0x3FD0];
	(tm) =	ssettm $0x1  }
0x91: {  	s18 =	sld [smem:$0x3FFB];
	_ =	sdelay $0x3  }
0x92: {  	_ =	strace s18  }
0x93: {  	s3 =	sld [smem:$0x3FFC];
	_ =	sdelay $0x3  }
0x94: {  	_ =	strace s3  }
0x95: {  	s3 =	sld [smem:$0x3FFD];
	_ =	sdelay $0x3  }
0x96: {  	_ =	strace s3  }
0x97: {  	_ =	strace $0x8FFFFFFF  }
0x98: {  	s19 =	sld [smem:$0x3FDB];
	_ =	sdelay $0x1  }
0x99: {  	s4 =	simm.s32 $_scs_section_size  }
0x9a: {  	s5 =	simm.s32 $_size__tile_overlayer_lowered;
	s6 =	simm.s32 $_tile_overlayer_lowered  }
0x9b: {  	s22 =	simm.s32 $0x1BFF;
	s21 =	sshll.u32 s6, $0x1;
	s3 =	sadd.s32 s4, s19  }
0x9c: {  	s7 =	simm.s32 $0x0;
	s20 =	sshll.u32 s5, $0x1;
	s5 =	sadd.s32 s21, s3  }
0x9d: {  	[timem:s7], [sflag:s22] =	dma.local [hbm:s5], s20  }
0x9e: {  	_ =	swait.ge [sflag:s22], s20  }
0x9f: {  	s4 =	ssub.s32 $0x0, s20;
	[sflag:s22] =	ssyncset.done $0x0  }
0xa0: {  	[sflag:s22] =	ssyncadd.s32 s4;
	_ =	sdelay $0x1  }
0xa1: {  	s23 =	simm.s32 $0x1B8B  }
0xa2: {  	_ =	swait.ge [sflag:s23], $0x1  }
0xa3: {  	[sflag:s23] =	ssyncset.done $0x0  }
0xa4: {  	s25 =	simm.s32 $0x1B8E;
	s24 =	sld [smem:$0x3FFE];
	[sflag:s23] =	ssyncadd.s32 $0xFFFFFFFF  }
0xa5: {  	s26 =	simm.s32 $execute0_lowered;
	[smem:$0x3FD2] =	sst s25  }
0xa6: {  	s5 =	sshll.u32 s26, $0x1;
	_ =	strace $0x80000049;
	[dreg:$0x1] =	wrdreg $0xFFFFFFFF  }
0xa7: {  	s28 =	simm.s32 $_size_execute0_lowered;
	s3 =	sadd.s32 s3, s5;
	[dreg:$0x0] =	wrdreg $0x0  }
0xa8: {  	s5 =	sshll.u32 s28, $0x1;
	[dreg:$0x2] =	wrdreg s3  }
0xa9: {  	[dreg:$0x3] =	wrdreg s5  }
0xaa: {  	[dreg:$0x4] =	wrdreg $0xC0  }
0xab: {  	_ =	task [dreg:s7], $0x5FFFF  }
0xac: {  	[dreg:$0x1] =	wrdreg $0xFFFFFFFF  }
0xad: {  	[dreg:$0x0] =	wrdreg $0x60  }
0xae: {  	[dreg:$0x2] =	wrdreg s24  }
0xaf: {  	[dreg:$0x3] =	wrdreg s2  }
0xb0: {  	[dreg:$0x4] =	wrdreg $0x10F000  }
0xb1: {  	[dreg:$0x5] =	wrdreg $0x9  }
0xb2: {  	_ =	task.clear_ibuf [dreg:s7], $0x6FFFF;
	_ =	strace $0x90000049  }
0xb3: {  	s29 =	simm.s32 $0x9;
	_ =	strace $0x8000004B  }
0xb4: {  	_ =	swait.ge [sflag:s29], $0x1  }
0xb5: {  	[sflag:s29] =	ssyncadd.s32 $0xFFFFFFFF  }
0xb6: {  	_ =	strace $0x9000004B  }
0xb7: {  	_ =	sfence  }
0xb8: {  	s30 =	sld [smem:$0x0];
	_ =	sdelay $0x2  }
0xb9: {  	s31 =	sshll.u32 s1, $0xD;
	s1 =	sshrl.u32 s1, $0x2  }
0xba: {  	s3 =	sand.u32 $0x4000, s31;
	s1 =	sadd.s32 s1, s30  }
0xbb: {  	s0 =	sor.u32 s3, s0;
	s1 =	sshll.u32 s1, $0x11  }
0xbc: {  	s0 =	sor.u32 s1, s0  }
0xbd: {  	s0 =	sadd.s32 $0x8F2B, s0  }
0xbe: {  	[sflag:s0] =	ssyncadd.remote.s32 $0x1  }
0xbf: {  	_ =	sfence.sel $0xFFFF  }
0xc0: {  	[dreg:$0x0] =	wrdreg $0xFFFFFFFF;
	(pc) =	sbr.abs _section_cstart, $3  }
0xc1: {  	[dreg:$0x1] =	wrdreg $0xFFFFFFFF  }
0xc2: {  	_ =	task.clear_ibuf [dreg:s7], $0x2FFFF;
	_ =	strace $0x9FFFFFFF  }
0xc3: {  	(tm) =	ssettm $0x7FFFFFFF  }
tec
execute0_lowered:
.L_overlay_start_1:
0x0: {  	(tag) =	ssettag $0x1  }
0x1: {  	s0 =	srdreg.scid;
	s1 =	rddreg [dreg:$0x0]  }
0x2: {  	s10 =	stileid.u32;
	s3 =	rddreg [dreg:$0x2];
	s5 =	simm.s32 $0x0  }
0x3: {  	s14 =	simm.s32 $0xD;
	s17 =	simm.s32 $0x80;
	s28 =	simm.s32 $0xEF00  }
0x4: {  	s29 =	simm.s32 $0x1;
	s30 =	simm.s32 $0x7;
	s31 =	simm.s32 $0x2  }
0x5: {  	s11 =	simm.s32 $0x6;
	s12 =	simm.s32 $0xC;
	s13 =	simm.s32 $0x0  }
0x6: {  	s0 =	sand.u32 $0x1, s0;
	[smem:$0x7FF] =	sst s5;
	s9 =	smul.u32 $0x14000, s10  }
0x7: {  	s5 =	sadd.s32 $0x29A00, s1;
	s6 =	sadd.s32 $0x16000, s1;
	s19 =	smul.u32 $0x28000, s10  }
0x8: {  	s26 =	sshll.u32 s10, $0x6;
	s2 =	sshll.u32 s0, $0x4;
	s7 =	smul.u32 $0x140000, s0  }
0x9: {  	_ =	strace $0x8000004A;
	s0 =	ssub.s32 $0x2, s0;
	s15 =	sor.u32 $0x1C0D, s26  }
0xa: {  	s2 =	sor.u32 s10, s2;
	s18 =	sshrl.u32 s0, $0x1;
	s22 =	sshrl.u32 s19, $0x2  }
0xb: {  	s19 =	simm.s32 $0x6F00;
	s10 =	simm.s32 $0xB;
	s4 =	smul.u32 $0x4E, s2  }
0xc: {  	[dreg:$0xb] =	wrdreg s15;
	s8 =	smin.u32 s2, $0x4;
	s7 =	sadd.s32 s9, s7  }
0xd: {  	s0 =	ssub.s32 s0, s18;
	s24 =	sadd.s32 s22, s3;
	s4 =	sadd.s32 s8, s4  }
0xe: {  	p0 =	sgt.u32 s2, $0x3;
	s18 =	simm.s32 $0x4F00;
	s4 =	sshll.u32 s4, $0x4  }
0xf: {  	s2 =	simm.s32 $0x9;
	s0 =	smax.u32 s0, $0x1;
	s4 =	sadd.s32 s4, s1  }
0x10: {  	s9 =	simm.s32 $0x5;
	[dreg:$0xa] =	wrdreg s0;
	s20 =	sadd.s32 $0x2600, s4  }
0x11: {  	s7 =	sshrl.u32 s7, $0x3;
	s21 =	sadd.s32 $0xC240, s4;
	[dreg:$0x4] =	wrdreg s20  }
0x12: {  	s16 =	sshrl.u32 s24, $0x3;
	s23 =	sadd.s32 $0x2AE0, s4;
	[dreg:$0x5] =	wrdreg s21  }
0x13: {  	s1 =	sadd.s32 s7, s1;
	s4 =	sadd.s32 $0xC720, s4;
	[dreg:$0x6] =	wrdreg s23  }
0x14: {  	s0 =	simm.s32 $0x3;
	s25 =	sadd.s32 $0x3D400, s1;
	[dreg:$0x7] =	wrdreg s4  }
0x15: {  	s7 =	simm.s32 $0xA;
	s1 =	sadd.s32 $0x3D408, s1;
	[dreg:$0x8] =	wrdreg s25  }
0x16: {  	[dreg:$0x9] =	wrdreg s1;
	s21 =	simm.s32 $0x8F00;
	s23 =	simm.s32 $0xAF00  }
0x17: {  	s25 =	simm.s32 $0xCF00;
	s1 =	simm.s32 $0x8;
	s4 =	simm.s32 $0x4  }
.LBB2_1:
0x18: {  	[dreg:$0xc] =	wrdreg s13;
	s22 =	smov.u32 s16  }
0x19: {  	s16 =	smov.u32 s15;
	s15 =	simm.s32 $0x0;
	s8 =	rddreg [dreg:$0x4]  }
0x1a: {  	[tilespmem:s15], [sflag:$0xD] =	stream.linear.gather [hbm4b:s8+s15], $0x2700, $0x38;
	[tilespmem:$0x1AF00] =	vst v63  }
0x1b: {  	_ =	swait.ge [sflag:s14], $0x2700  }
0x1c: {  	s24 =	simm.s32 @p0 $0x0;
	[sflag:s14] =	ssyncset.done $0x0  }
0x1d: {  	s26 =	simm.s32 @p0 $0x2780;
	s8 =	rddreg [dreg:$0x5];
	[sflag:s14] =	ssyncadd.s32 $0xFFFFD900  }
0x1e: {  	[tilespmem:s26], [sflag:$0xD] =	stream.linear.gather @p0 [hbm4b:s8+s24], $0x2700, $0x38;
	[tilespmem:$0x1AF00] =	vst v63  }
0x1f: {  	s24 =	simm.s32 @p0 $0xD  }
0x20: {  	_ =	swait.ge @p0 [sflag:s24], $0x2700  }
0x21: {  	s26 =	simm.s32 @!p0 $0x2700;
	[sflag:s24] =	ssyncset.done @p0 $0x0  }
0x22: {  	s13 =	rddreg [dreg:$0x6];
	[sflag:s24] =	ssyncadd.s32 @p0 $0xFFFFD900;
	s24 =	simm.s32 @!p0 $0x0  }
0x23: {  	[tilespmem:s26], [sflag:$0xD] =	stream.linear.gather @!p0 [hbm4b:s13+s24], $0x80, $0x38;
	[tilespmem:$0x1AF00] =	vst v63  }
0x24: {  	s13 =	simm.s32 @!p0 $0xD  }
0x25: {  	_ =	swait.ge @!p0 [sflag:s13], $0x80  }
0x26: {  	[sflag:s13] =	ssyncset.done @!p0 $0x0  }
0x27: {  	s20 =	simm.s32 @!p0 $0x2780;
	[sflag:s13] =	ssyncadd.s32 @!p0 $0xFFFFFF80  }
0x28: {  	[tilespmem:s20], [sflag:$0xD] =	stream.linear.gather @!p0 [hbm4b:s8+s24], $0x2700, $0x38;
	[tilespmem:$0x1AF00] =	vst v63  }
0x29: {  	_ =	swait.ge @!p0 [sflag:s13], $0x2700  }
0x2a: {  	[sflag:s13] =	ssyncset.done @!p0 $0x0  }
0x2b: {  	s20 =	simm.s32 @!p0 $0x4E80;
	s8 =	rddreg [dreg:$0x7];
	[sflag:s13] =	ssyncadd.s32 @!p0 $0xFFFFD900  }
0x2c: {  	[tilespmem:s20], [sflag:$0xD] =	stream.linear.gather @!p0 [hbm4b:s8+s24], $0x80, $0x38;
	[tilespmem:$0x1AF00] =	vst v63  }
0x2d: {  	_ =	swait.ge @!p0 [sflag:s13], $0x80  }
0x2e: {  	[sflag:s13] =	ssyncset.done @!p0 $0x0  }
0x2f: {  	[sflag:s13] =	ssyncadd.s32 @!p0 $0xFFFFFF80  }
0x30: {  	s24 =	rddreg [dreg:$0x1]  }
0x31: {  	[spmem:s22], [sflag:s16] =	dma.local [hbm:s24], $0x1400  }
0x32: {  	_ =	swait.ge [sflag:s14], $0x1400  }
0x33: {  	[sflag:s14] =	ssyncset.done $0x0  }
0x34: {  	[sflag:s14] =	ssyncadd.s32 $0xFFFFEC00  }
0x35: {  	s8 =	simm.s32 @!p0 $0x4F00;
	s24 =	simm.s32 @!p0 $0x80;
	[bflag:$0x0] =	sbarrier.arrive $0xFFFF  }
0x36: {  	[tilespmem:s8], [sflag:$0x1] =	stream.indirect.gather @!p0 [hbm4b:s5+s24], $0x40, s26, s24, $0xb8;
	[tilespmem:$0x1AF00] =	vst v63  }
0x37: {  	s26 =	simm.s32 @!p0 $0x1  }
0x38: {  	_ =	swait.ge @!p0 [sflag:s26], $0x2000  }
0x39: {  	[sflag:s26] =	ssyncset.done @!p0 $0x0  }
0x3a: {  	[sflag:s26] =	ssyncadd.s32 @!p0 $0xFFFFE000  }
0x3b: {  	[spmem:s3] =	stream.indirect.scatter.add.f32 @!p0 [tilespmem:s8], [sflag:$0xD], $0x40, s20, s24, $0xb8;
	[tilespmem:$0x1AF00] =	vst v63  }
0x3c: {  	_ =	swait.ge @!p0 [sflag:s13], $0x2000  }
0x3d: {  	[sflag:s13] =	ssyncset.done @!p0 $0x0  }
0x3e: {  	[sflag:s13] =	ssyncadd.s32 @!p0 $0xFFFFE000  }
0x3f: {  	[tilespmem:s18], [sflag:$0x1] =	stream.indirect.gather [hbm4b:s5+s17], $0x40, s15, s17, $0xb8;
	[tilespmem:$0x1AF00] =	vst v63  }
0x40: {  	_ = 	snop  }
0x41: {  	[tilespmem:s19], [sflag:$0x2] =	stream.indirect.gather [hbm4b:s5+s17], $0x40, s17, s17, $0xb8;
	[tilespmem:$0x1AF00] =	vst v63  }
0x42: {  	s16 =	smov.u32 s22;
	s22 =	simm.s32 $0x100  }
0x43: {  	[tilespmem:s21], [sflag:$0x3] =	stream.indirect.gather [hbm4b:s5+s17], $0x40, s22, s17, $0xb8;
	[tilespmem:$0x1AF00] =	vst v63  }
0x44: {  	s24 =	simm.s32 $0x180  }
0x45: {  	[tilespmem:s23], [sflag:$0x4] =	stream.indirect.gather [hbm4b:s5+s17], $0x40, s24, s17, $0xb8;
	[tilespmem:$0x1AF00] =	vst v63  }
0x46: {  	s26 =	simm.s32 $0x200  }
0x47: {  	[tilespmem:s25], [sflag:$0x5] =	stream.indirect.gather [hbm4b:s5+s17], $0x40, s26, s17, $0xb8;
	[tilespmem:$0x1AF00] =	vst v63  }
0x48: {  	s13 =	simm.s32 $0x280  }
0x49: {  	[tilespmem:s28], [sflag:$0x6] =	stream.indirect.gather [hbm4b:s5+s17], $0x40, s13, s17, $0xb8;
	[tilespmem:$0x1AF00] =	vst v63  }
0x4a: {  	_ =	swait.ge [sflag:s29], $0x2000  }
0x4b: {  	[sflag:s29] =	ssyncset.done $0x0  }
0x4c: {  	s15 =	simm.s32 $0x2780;
	[sflag:s29] =	ssyncadd.s32 $0xFFFFE000  }
0x4d: {  	[spmem:s3] =	stream.indirect.scatter.add.f32 [tilespmem:s18], [sflag:$0x7], $0x40, s15, s17, $0xb8;
	[tilespmem:$0x1AF00] =	vst v63  }
0x4e: {  	_ =	swait.ge [sflag:s30], $0x2000  }
0x4f: {  	[sflag:s30] =	ssyncset.done $0x0  }
0x50: {  	s20 =	simm.s32 $0x300;
	[sflag:s30] =	ssyncadd.s32 $0xFFFFE000  }
0x51: {  	[tilespmem:s18], [sflag:$0x1] =	stream.indirect.gather [hbm4b:s5+s17], $0x40, s20, s17, $0xb8;
	[tilespmem:$0x1AF00] =	vst v63  }
0x52: {  	_ =	swait.ge [sflag:s31], $0x2000  }
0x53: {  	[sflag:s31] =	ssyncset.done $0x0  }
0x54: {  	s22 =	simm.s32 $0x2800;
	[sflag:s31] =	ssyncadd.s32 $0xFFFFE000  }
0x55: {  	[spmem:s3] =	stream.indirect.scatter.add.f32 [tilespmem:s19], [sflag:$0x8], $0x40, s22, s17, $0xb8;
	[tilespmem:$0x1AF00] =	vst v63  }
0x56: {  	_ =	swait.ge [sflag:s1], $0x2000  }
0x57: {  	[sflag:s1] =	ssyncset.done $0x0  }
0x58: {  	s24 =	simm.s32 $0x380;
	[sflag:s1] =	ssyncadd.s32 $0xFFFFE000  }
0x59: {  	[tilespmem:s19], [sflag:$0x2] =	stream.indirect.gather [hbm4b:s5+s17], $0x40, s24, s17, $0xb8;
	[tilespmem:$0x1AF00] =	vst v63  }
0x5a: {  	_ =	swait.ge [sflag:s0], $0x2000  }
0x5b: {  	[sflag:s0] =	ssyncset.done $0x0  }
0x5c: {  	s26 =	simm.s32 $0x2880;
	[sflag:s0] =	ssyncadd.s32 $0xFFFFE000  }
0x5d: {  	[spmem:s3] =	stream.indirect.scatter.add.f32 [tilespmem:s21], [sflag:$0x9], $0x40, s26, s17, $0xb8;
	[tilespmem:$0x1AF00] =	vst v63  }
0x5e: {  	_ =	swait.ge [sflag:s2], $0x2000  }
0x5f: {  	[sflag:s2] =	ssyncset.done $0x0  }
0x60: {  	s13 =	simm.s32 $0x400;
	[sflag:s2] =	ssyncadd.s32 $0xFFFFE000  }
0x61: {  	[tilespmem:s21], [sflag:$0x3] =	stream.indirect.gather [hbm4b:s5+s17], $0x40, s13, s17, $0xb8;
	[tilespmem:$0x1AF00] =	vst v63  }
0x62: {  	_ =	swait.ge [sflag:s4], $0x2000  }
0x63: {  	[sflag:s4] =	ssyncset.done $0x0  }
0x64: {  	s15 =	simm.s32 $0x2900;
	[sflag:s4] =	ssyncadd.s32 $0xFFFFE000  }
0x65: {  	[spmem:s3] =	stream.indirect.scatter.add.f32 [tilespmem:s23], [sflag:$0xA], $0x40, s15, s17, $0xb8;
	[tilespmem:$0x1AF00] =	vst v63  }
0x66: {  	_ =	swait.ge [sflag:s7], $0x2000  }
0x67: {  	[sflag:s7] =	ssyncset.done $0x0  }
0x68: {  	s20 =	simm.s32 $0x480;
	[sflag:s7] =	ssyncadd.s32 $0xFFFFE000  }
0x69: {  	[tilespmem:s23], [sflag:$0x4] =	stream.indirect.gather [hbm4b:s5+s17], $0x40, s20, s17, $0xb8;
	[tilespmem:$0x1AF00] =	vst v63  }
0x6a: {  	_ =	swait.ge [sflag:s9], $0x2000  }
0x6b: {  	[sflag:s9] =	ssyncset.done $0x0  }
0x6c: {  	s22 =	simm.s32 $0x2980;
	[sflag:s9] =	ssyncadd.s32 $0xFFFFE000  }
0x6d: {  	[spmem:s3] =	stream.indirect.scatter.add.f32 [tilespmem:s25], [sflag:$0xB], $0x40, s22, s17, $0xb8;
	[tilespmem:$0x1AF00] =	vst v63  }
0x6e: {  	_ =	swait.ge [sflag:s10], $0x2000  }
0x6f: {  	[sflag:s10] =	ssyncset.done $0x0  }
0x70: {  	s24 =	simm.s32 $0x500;
	[sflag:s10] =	ssyncadd.s32 $0xFFFFE000  }
0x71: {  	[tilespmem:s25], [sflag:$0x5] =	stream.indirect.gather [hbm4b:s5+s17], $0x40, s24, s17, $0xb8;
	[tilespmem:$0x1AF00] =	vst v63  }
0x72: {  	_ =	swait.ge [sflag:s11], $0x2000  }
0x73: {  	[sflag:s11] =	ssyncset.done $0x0  }
0x74: {  	s26 =	simm.s32 $0x2A00;
	[sflag:s11] =	ssyncadd.s32 $0xFFFFE000  }
0x75: {  	[spmem:s3] =	stream.indirect.scatter.add.f32 [tilespmem:s28], [sflag:$0xC], $0x40, s26, s17, $0xb8;
	[tilespmem:$0x1AF00] =	vst v63  }
0x76: {  	_ =	swait.ge [sflag:s12], $0x2000  }
0x77: {  	[sflag:s12] =	ssyncset.done $0x0  }
0x78: {  	s24 =	simm.s32 $0xC00;
	s26 =	simm.s32 $0x580;
	[sflag:s12] =	ssyncadd.s32 $0xFFFFE000  }
.LBB2_2:
0x79: {  	[tilespmem:s28], [sflag:$0x6] =	stream.indirect.gather [hbm4b:s5+s17], $0x40, s26, s17, $0xb8;
	[tilespmem:$0x1AF00] =	vst v63  }
0x7a: {  	s8 =	smov.u32 s24  }
0x7b: {  	p1 =	sne.s32 s24, $0x8400;
	s24 =	sadd.s32 $0xC00, s24;
	_ =	swait.ge [sflag:s29], $0x2000  }
0x7c: {  	s26 =	sshra.s32 s8, $0x2;
	[sflag:s29] =	ssyncset.done $0x0  }
0x7d: {  	s8 =	sadd.s32 $0x2780, s26;
	[sflag:s29] =	ssyncadd.s32 $0xFFFFE000  }
0x7e: {  	[spmem:s3] =	stream.indirect.scatter.add.f32 [tilespmem:s18], [sflag:$0x7], $0x40, s8, s17, $0xb8;
	[tilespmem:$0x1AF00] =	vst v63  }
0x7f: {  	_ =	swait.ge [sflag:s30], $0x2000  }
0x80: {  	[sflag:s30] =	ssyncset.done $0x0  }
0x81: {  	s8 =	sadd.s32 $0x300, s26;
	[sflag:s30] =	ssyncadd.s32 $0xFFFFE000  }
0x82: {  	[tilespmem:s18], [sflag:$0x1] =	stream.indirect.gather [hbm4b:s5+s17], $0x40, s8, s17, $0xb8;
	[tilespmem:$0x1AF00] =	vst v63  }
0x83: {  	_ =	swait.ge [sflag:s31], $0x2000  }
0x84: {  	[sflag:s31] =	ssyncset.done $0x0  }
0x85: {  	s8 =	sadd.s32 $0x2800, s26;
	[sflag:s31] =	ssyncadd.s32 $0xFFFFE000  }
0x86: {  	[spmem:s3] =	stream.indirect.scatter.add.f32 [tilespmem:s19], [sflag:$0x8], $0x40, s8, s17, $0xb8;
	[tilespmem:$0x1AF00] =	vst v63  }
0x87: {  	_ =	swait.ge [sflag:s1], $0x2000  }
0x88: {  	[sflag:s1] =	ssyncset.done $0x0  }
0x89: {  	s8 =	sadd.s32 $0x380, s26;
	[sflag:s1] =	ssyncadd.s32 $0xFFFFE000  }
0x8a: {  	[tilespmem:s19], [sflag:$0x2] =	stream.indirect.gather [hbm4b:s5+s17], $0x40, s8, s17, $0xb8;
	[tilespmem:$0x1AF00] =	vst v63  }
0x8b: {  	_ =	swait.ge [sflag:s0], $0x2000  }
0x8c: {  	[sflag:s0] =	ssyncset.done $0x0  }
0x8d: {  	s8 =	sadd.s32 $0x2880, s26;
	[sflag:s0] =	ssyncadd.s32 $0xFFFFE000  }
0x8e: {  	[spmem:s3] =	stream.indirect.scatter.add.f32 [tilespmem:s21], [sflag:$0x9], $0x40, s8, s17, $0xb8;
	[tilespmem:$0x1AF00] =	vst v63  }
0x8f: {  	_ =	swait.ge [sflag:s2], $0x2000  }
0x90: {  	[sflag:s2] =	ssyncset.done $0x0  }
0x91: {  	s8 =	sadd.s32 $0x400, s26;
	[sflag:s2] =	ssyncadd.s32 $0xFFFFE000  }
0x92: {  	[tilespmem:s21], [sflag:$0x3] =	stream.indirect.gather [hbm4b:s5+s17], $0x40, s8, s17, $0xb8;
	[tilespmem:$0x1AF00] =	vst v63  }
0x93: {  	_ =	swait.ge [sflag:s4], $0x2000  }
0x94: {  	[sflag:s4] =	ssyncset.done $0x0  }
0x95: {  	s8 =	sadd.s32 $0x2900, s26;
	[sflag:s4] =	ssyncadd.s32 $0xFFFFE000  }
0x96: {  	[spmem:s3] =	stream.indirect.scatter.add.f32 [tilespmem:s23], [sflag:$0xA], $0x40, s8, s17, $0xb8;
	[tilespmem:$0x1AF00] =	vst v63  }
0x97: {  	_ =	swait.ge [sflag:s7], $0x2000  }
0x98: {  	[sflag:s7] =	ssyncset.done $0x0  }
0x99: {  	s8 =	sadd.s32 $0x480, s26;
	[sflag:s7] =	ssyncadd.s32 $0xFFFFE000  }
0x9a: {  	[tilespmem:s23], [sflag:$0x4] =	stream.indirect.gather [hbm4b:s5+s17], $0x40, s8, s17, $0xb8;
	[tilespmem:$0x1AF00] =	vst v63  }
0x9b: {  	_ =	swait.ge [sflag:s9], $0x2000  }
0x9c: {  	[sflag:s9] =	ssyncset.done $0x0  }
0x9d: {  	s8 =	sadd.s32 $0x2980, s26;
	[sflag:s9] =	ssyncadd.s32 $0xFFFFE000  }
0x9e: {  	[spmem:s3] =	stream.indirect.scatter.add.f32 [tilespmem:s25], [sflag:$0xB], $0x40, s8, s17, $0xb8;
	[tilespmem:$0x1AF00] =	vst v63  }
0x9f: {  	_ =	swait.ge [sflag:s10], $0x2000  }
0xa0: {  	[sflag:s10] =	ssyncset.done $0x0  }
0xa1: {  	s8 =	sadd.s32 $0x500, s26;
	[sflag:s10] =	ssyncadd.s32 $0xFFFFE000  }
0xa2: {  	[tilespmem:s25], [sflag:$0x5] =	stream.indirect.gather [hbm4b:s5+s17], $0x40, s8, s17, $0xb8;
	[tilespmem:$0x1AF00] =	vst v63  }
0xa3: {  	_ =	swait.ge [sflag:s11], $0x2000  }
0xa4: {  	[sflag:s11] =	ssyncset.done $0x0  }
.Ltmp0:
0xa5: {  	s8 =	sadd.s32 $0x2A00, s26;
	[sflag:s11] =	ssyncadd.s32 $0xFFFFE000;
	(pc) =	sbr.rel @p1 .LBB2_2-.Ltmp0, $4  }
0xa6: {  	[spmem:s3] =	stream.indirect.scatter.add.f32 [tilespmem:s28], [sflag:$0xC], $0x40, s8, s17, $0xb8;
	[tilespmem:$0x1AF00] =	vst v63  }
0xa7: {  	_ =	swait.ge [sflag:s12], $0x2000  }
0xa8: {  	[sflag:s12] =	ssyncset.done $0x0  }
0xa9: {  	s26 =	sadd.s32 $0x580, s26;
	[sflag:s12] =	ssyncadd.s32 $0xFFFFE000  }
0xaa: {  	[tilespmem:s28], [sflag:$0x6] =	stream.indirect.gather [hbm4b:s5+s17], $0x40, s26, s17, $0xb8;
	[tilespmem:$0x1AF00] =	vst v63  }
0xab: {  	_ =	swait.ge [sflag:s29], $0x2000  }
0xac: {  	[sflag:s29] =	ssyncset.done $0x0  }
0xad: {  	s22 =	simm.s32 $0x4B80;
	[sflag:s29] =	ssyncadd.s32 $0xFFFFE000  }
0xae: {  	[spmem:s3] =	stream.indirect.scatter.add.f32 [tilespmem:s18], [sflag:$0x7], $0x40, s22, s17, $0xb8;
	[tilespmem:$0x1AF00] =	vst v63  }
0xaf: {  	_ =	swait.ge [sflag:s31], $0x2000  }
0xb0: {  	[sflag:s31] =	ssyncset.done $0x0  }
0xb1: {  	s8 =	simm.s32 $0x4C00;
	[sflag:s31] =	ssyncadd.s32 $0xFFFFE000  }
0xb2: {  	[spmem:s3] =	stream.indirect.scatter.add.f32 [tilespmem:s19], [sflag:$0x8], $0x40, s8, s17, $0xb8;
	[tilespmem:$0x1AF00] =	vst v63  }
0xb3: {  	_ =	swait.ge [sflag:s0], $0x2000  }
0xb4: {  	[sflag:s0] =	ssyncset.done $0x0  }
0xb5: {  	s26 =	simm.s32 $0x4C80;
	[sflag:s0] =	ssyncadd.s32 $0xFFFFE000  }
0xb6: {  	[spmem:s3] =	stream.indirect.scatter.add.f32 [tilespmem:s21], [sflag:$0x9], $0x40, s26, s17, $0xb8;
	[tilespmem:$0x1AF00] =	vst v63  }
0xb7: {  	_ =	swait.ge [sflag:s4], $0x2000  }
0xb8: {  	[sflag:s4] =	ssyncset.done $0x0  }
0xb9: {  	s13 =	simm.s32 $0x4D00;
	[sflag:s4] =	ssyncadd.s32 $0xFFFFE000  }
0xba: {  	[spmem:s3] =	stream.indirect.scatter.add.f32 [tilespmem:s23], [sflag:$0xA], $0x40, s13, s17, $0xb8;
	[tilespmem:$0x1AF00] =	vst v63  }
0xbb: {  	_ =	swait.ge [sflag:s9], $0x2000  }
0xbc: {  	[sflag:s9] =	ssyncset.done $0x0  }
0xbd: {  	s15 =	simm.s32 $0x4D80;
	[sflag:s9] =	ssyncadd.s32 $0xFFFFE000  }
0xbe: {  	[spmem:s3] =	stream.indirect.scatter.add.f32 [tilespmem:s25], [sflag:$0xB], $0x40, s15, s17, $0xb8;
	[tilespmem:$0x1AF00] =	vst v63  }
0xbf: {  	_ =	swait.ge [sflag:s11], $0x2000  }
0xc0: {  	[sflag:s11] =	ssyncset.done $0x0  }
0xc1: {  	s20 =	simm.s32 $0x4E00;
	[sflag:s11] =	ssyncadd.s32 $0xFFFFE000  }
0xc2: {  	[spmem:s3] =	stream.indirect.scatter.add.f32 [tilespmem:s28], [sflag:$0xC], $0x40, s20, s17, $0xb8;
	[tilespmem:$0x1AF00] =	vst v63  }
0xc3: {  	_ =	swait.ge [sflag:s30], $0x2000  }
0xc4: {  	[sflag:s30] =	ssyncset.done $0x0  }
0xc5: {  	[sflag:s30] =	ssyncadd.s32 $0xFFFFE000  }
0xc6: {  	_ =	swait.ge [sflag:s1], $0x2000  }
0xc7: {  	[sflag:s1] =	ssyncset.done $0x0  }
0xc8: {  	[sflag:s1] =	ssyncadd.s32 $0xFFFFE000  }
0xc9: {  	_ =	swait.ge [sflag:s2], $0x2000  }
0xca: {  	[sflag:s2] =	ssyncset.done $0x0  }
0xcb: {  	[sflag:s2] =	ssyncadd.s32 $0xFFFFE000  }
0xcc: {  	_ =	swait.ge [sflag:s7], $0x2000  }
0xcd: {  	[sflag:s7] =	ssyncset.done $0x0  }
0xce: {  	[sflag:s7] =	ssyncadd.s32 $0xFFFFE000  }
0xcf: {  	_ =	swait.ge [sflag:s10], $0x2000  }
0xd0: {  	[sflag:s10] =	ssyncset.done $0x0  }
0xd1: {  	[sflag:s10] =	ssyncadd.s32 $0xFFFFE000  }
0xd2: {  	_ =	swait.ge [sflag:s12], $0x2000  }
0xd3: {  	[sflag:s12] =	ssyncset.done $0x0  }
0xd4: {  	[sflag:s12] =	ssyncadd.s32 $0xFFFFE000  }
0xd5: {  	[bflag:$0x0] =	sbarrier.arrive $0xFFFF  }
0xd6: {  	s24 =	rddreg [dreg:$0x8]  }
0xd7: {  	s13 =	simm.s32 $0x10;
	s15 =	rddreg [dreg:$0xb]  }
0xd8: {  	[hbm:s24@s13], [sflag:s15] =	dma.strided [spmem:s16@s1], $0x1400, s29, $0x8   }
0xd9: {  	_ =	swait.ge [sflag:s14], $0x1400  }
0xda: {  	[sflag:s14] =	ssyncset.done $0x0  }
0xdb: {  	[sflag:s14] =	ssyncadd.s32 $0xFFFFEC00  }
0xdc: {  	s26 =	rddreg [dreg:$0x1]  }
0xdd: {  	[spmem:s16], [sflag:s15] =	dma.local [hbm:s26], $0x1400  }
0xde: {  	_ =	swait.ge [sflag:s14], $0x1400  }
0xdf: {  	[sflag:s14] =	ssyncset.done $0x0  }
0xe0: {  	s8 =	simm.s32 @!p0 $0x80;
	[sflag:s14] =	ssyncadd.s32 $0xFFFFEC00  }
0xe1: {  	s20 =	simm.s32 @!p0 $0x4F00;
	s13 =	simm.s32 @!p0 $0x2700;
	[bflag:$0x0] =	sbarrier.arrive $0xFFFF  }
0xe2: {  	[tilespmem:s20], [sflag:$0x1] =	stream.indirect.gather @!p0 [hbm4b:s6+s8], $0x40, s13, s8, $0xb8;
	[tilespmem:$0x1AF00] =	vst v63  }
0xe3: {  	s13 =	simm.s32 @!p0 $0x1  }
0xe4: {  	_ =	swait.ge @!p0 [sflag:s13], $0x2000  }
0xe5: {  	[sflag:s13] =	ssyncset.done @!p0 $0x0  }
0xe6: {  	[sflag:s13] =	ssyncadd.s32 @!p0 $0xFFFFE000;
	s13 =	simm.s32 @!p0 $0x4E80  }
0xe7: {  	[spmem:s3] =	stream.indirect.scatter.add.f32 @!p0 [tilespmem:s20], [sflag:$0xD], $0x40, s13, s8, $0xb8;
	[tilespmem:$0x1AF00] =	vst v63  }
0xe8: {  	s8 =	simm.s32 @!p0 $0xD  }
0xe9: {  	_ =	swait.ge @!p0 [sflag:s8], $0x2000  }
0xea: {  	[sflag:s8] =	ssyncset.done @!p0 $0x0  }
0xeb: {  	s13 =	simm.s32 $0x0;
	[sflag:s8] =	ssyncadd.s32 @!p0 $0xFFFFE000  }
0xec: {  	[tilespmem:s18], [sflag:$0x1] =	stream.indirect.gather [hbm4b:s6+s17], $0x40, s13, s17, $0xb8;
	[tilespmem:$0x1AF00] =	vst v63  }
0xed: {  	_ = 	snop  }
0xee: {  	[tilespmem:s19], [sflag:$0x2] =	stream.indirect.gather [hbm4b:s6+s17], $0x40, s17, s17, $0xb8;
	[tilespmem:$0x1AF00] =	vst v63  }
0xef: {  	s20 =	simm.s32 $0x100  }
0xf0: {  	[tilespmem:s21], [sflag:$0x3] =	stream.indirect.gather [hbm4b:s6+s17], $0x40, s20, s17, $0xb8;
	[tilespmem:$0x1AF00] =	vst v63  }
0xf1: {  	s24 =	simm.s32 $0x180  }
0xf2: {  	[tilespmem:s23], [sflag:$0x4] =	stream.indirect.gather [hbm4b:s6+s17], $0x40, s24, s17, $0xb8;
	[tilespmem:$0x1AF00] =	vst v63  }
0xf3: {  	s26 =	simm.s32 $0x200  }
0xf4: {  	[tilespmem:s25], [sflag:$0x5] =	stream.indirect.gather [hbm4b:s6+s17], $0x40, s26, s17, $0xb8;
	[tilespmem:$0x1AF00] =	vst v63  }
0xf5: {  	s13 =	simm.s32 $0x280  }
0xf6: {  	[tilespmem:s28], [sflag:$0x6] =	stream.indirect.gather [hbm4b:s6+s17], $0x40, s13, s17, $0xb8;
	[tilespmem:$0x1AF00] =	vst v63  }
0xf7: {  	_ =	swait.ge [sflag:s29], $0x2000  }
0xf8: {  	[sflag:s29] =	ssyncset.done $0x0  }
0xf9: {  	s20 =	simm.s32 $0x2780;
	[sflag:s29] =	ssyncadd.s32 $0xFFFFE000  }
0xfa: {  	[spmem:s3] =	stream.indirect.scatter.add.f32 [tilespmem:s18], [sflag:$0x7], $0x40, s20, s17, $0xb8;
	[tilespmem:$0x1AF00] =	vst v63  }
0xfb: {  	_ =	swait.ge [sflag:s30], $0x2000  }
0xfc: {  	[sflag:s30] =	ssyncset.done $0x0  }
0xfd: {  	s24 =	simm.s32 $0x300;
	[sflag:s30] =	ssyncadd.s32 $0xFFFFE000  }
0xfe: {  	[tilespmem:s18], [sflag:$0x1] =	stream.indirect.gather [hbm4b:s6+s17], $0x40, s24, s17, $0xb8;
	[tilespmem:$0x1AF00] =	vst v63  }
0xff: {  	_ =	swait.ge [sflag:s31], $0x2000  }
0x100: {  	[sflag:s31] =	ssyncset.done $0x0  }
0x101: {  	s26 =	simm.s32 $0x2800;
	[sflag:s31] =	ssyncadd.s32 $0xFFFFE000  }
0x102: {  	[spmem:s3] =	stream.indirect.scatter.add.f32 [tilespmem:s19], [sflag:$0x8], $0x40, s26, s17, $0xb8;
	[tilespmem:$0x1AF00] =	vst v63  }
0x103: {  	_ =	swait.ge [sflag:s1], $0x2000  }
0x104: {  	[sflag:s1] =	ssyncset.done $0x0  }
0x105: {  	s13 =	simm.s32 $0x380;
	[sflag:s1] =	ssyncadd.s32 $0xFFFFE000  }
0x106: {  	[tilespmem:s19], [sflag:$0x2] =	stream.indirect.gather [hbm4b:s6+s17], $0x40, s13, s17, $0xb8;
	[tilespmem:$0x1AF00] =	vst v63  }
0x107: {  	_ =	swait.ge [sflag:s0], $0x2000  }
0x108: {  	[sflag:s0] =	ssyncset.done $0x0  }
0x109: {  	s20 =	simm.s32 $0x2880;
	[sflag:s0] =	ssyncadd.s32 $0xFFFFE000  }
0x10a: {  	[spmem:s3] =	stream.indirect.scatter.add.f32 [tilespmem:s21], [sflag:$0x9], $0x40, s20, s17, $0xb8;
	[tilespmem:$0x1AF00] =	vst v63  }
0x10b: {  	_ =	swait.ge [sflag:s2], $0x2000  }
0x10c: {  	[sflag:s2] =	ssyncset.done $0x0  }
0x10d: {  	s24 =	simm.s32 $0x400;
	[sflag:s2] =	ssyncadd.s32 $0xFFFFE000  }
0x10e: {  	[tilespmem:s21], [sflag:$0x3] =	stream.indirect.gather [hbm4b:s6+s17], $0x40, s24, s17, $0xb8;
	[tilespmem:$0x1AF00] =	vst v63  }
0x10f: {  	_ =	swait.ge [sflag:s4], $0x2000  }
0x110: {  	[sflag:s4] =	ssyncset.done $0x0  }
0x111: {  	s26 =	simm.s32 $0x2900;
	[sflag:s4] =	ssyncadd.s32 $0xFFFFE000  }
0x112: {  	[spmem:s3] =	stream.indirect.scatter.add.f32 [tilespmem:s23], [sflag:$0xA], $0x40, s26, s17, $0xb8;
	[tilespmem:$0x1AF00] =	vst v63  }
0x113: {  	_ =	swait.ge [sflag:s7], $0x2000  }
0x114: {  	[sflag:s7] =	ssyncset.done $0x0  }
0x115: {  	s13 =	simm.s32 $0x480;
	[sflag:s7] =	ssyncadd.s32 $0xFFFFE000  }
0x116: {  	[tilespmem:s23], [sflag:$0x4] =	stream.indirect.gather [hbm4b:s6+s17], $0x40, s13, s17, $0xb8;
	[tilespmem:$0x1AF00] =	vst v63  }
0x117: {  	_ =	swait.ge [sflag:s9], $0x2000  }
0x118: {  	[sflag:s9] =	ssyncset.done $0x0  }
0x119: {  	s20 =	simm.s32 $0x2980;
	[sflag:s9] =	ssyncadd.s32 $0xFFFFE000  }
0x11a: {  	[spmem:s3] =	stream.indirect.scatter.add.f32 [tilespmem:s25], [sflag:$0xB], $0x40, s20, s17, $0xb8;
	[tilespmem:$0x1AF00] =	vst v63  }
0x11b: {  	_ =	swait.ge [sflag:s10], $0x2000  }
0x11c: {  	[sflag:s10] =	ssyncset.done $0x0  }
0x11d: {  	s24 =	simm.s32 $0x500;
	[sflag:s10] =	ssyncadd.s32 $0xFFFFE000  }
0x11e: {  	[tilespmem:s25], [sflag:$0x5] =	stream.indirect.gather [hbm4b:s6+s17], $0x40, s24, s17, $0xb8;
	[tilespmem:$0x1AF00] =	vst v63  }
0x11f: {  	_ =	swait.ge [sflag:s11], $0x2000  }
0x120: {  	[sflag:s11] =	ssyncset.done $0x0  }
0x121: {  	s26 =	simm.s32 $0x2A00;
	[sflag:s11] =	ssyncadd.s32 $0xFFFFE000  }
0x122: {  	[spmem:s3] =	stream.indirect.scatter.add.f32 [tilespmem:s28], [sflag:$0xC], $0x40, s26, s17, $0xb8;
	[tilespmem:$0x1AF00] =	vst v63  }
0x123: {  	_ =	swait.ge [sflag:s12], $0x2000  }
0x124: {  	[sflag:s12] =	ssyncset.done $0x0  }
0x125: {  	s24 =	simm.s32 $0xC00;
	s26 =	simm.s32 $0x580;
	[sflag:s12] =	ssyncadd.s32 $0xFFFFE000  }
.LBB2_4:
0x126: {  	[tilespmem:s28], [sflag:$0x6] =	stream.indirect.gather [hbm4b:s6+s17], $0x40, s26, s17, $0xb8;
	[tilespmem:$0x1AF00] =	vst v63  }
0x127: {  	s8 =	smov.u32 s24  }
0x128: {  	p1 =	sne.s32 s24, $0x8400;
	s24 =	sadd.s32 $0xC00, s24;
	_ =	swait.ge [sflag:s29], $0x2000  }
0x129: {  	s26 =	sshra.s32 s8, $0x2;
	[sflag:s29] =	ssyncset.done $0x0  }
0x12a: {  	s8 =	sadd.s32 $0x2780, s26;
	[sflag:s29] =	ssyncadd.s32 $0xFFFFE000  }
0x12b: {  	[spmem:s3] =	stream.indirect.scatter.add.f32 [tilespmem:s18], [sflag:$0x7], $0x40, s8, s17, $0xb8;
	[tilespmem:$0x1AF00] =	vst v63  }
0x12c: {  	_ =	swait.ge [sflag:s30], $0x2000  }
0x12d: {  	[sflag:s30] =	ssyncset.done $0x0  }
0x12e: {  	s8 =	sadd.s32 $0x300, s26;
	[sflag:s30] =	ssyncadd.s32 $0xFFFFE000  }
0x12f: {  	[tilespmem:s18], [sflag:$0x1] =	stream.indirect.gather [hbm4b:s6+s17], $0x40, s8, s17, $0xb8;
	[tilespmem:$0x1AF00] =	vst v63  }
0x130: {  	_ =	swait.ge [sflag:s31], $0x2000  }
0x131: {  	[sflag:s31] =	ssyncset.done $0x0  }
0x132: {  	s8 =	sadd.s32 $0x2800, s26;
	[sflag:s31] =	ssyncadd.s32 $0xFFFFE000  }
0x133: {  	[spmem:s3] =	stream.indirect.scatter.add.f32 [tilespmem:s19], [sflag:$0x8], $0x40, s8, s17, $0xb8;
	[tilespmem:$0x1AF00] =	vst v63  }
0x134: {  	_ =	swait.ge [sflag:s1], $0x2000  }
0x135: {  	[sflag:s1] =	ssyncset.done $0x0  }
0x136: {  	s8 =	sadd.s32 $0x380, s26;
	[sflag:s1] =	ssyncadd.s32 $0xFFFFE000  }
0x137: {  	[tilespmem:s19], [sflag:$0x2] =	stream.indirect.gather [hbm4b:s6+s17], $0x40, s8, s17, $0xb8;
	[tilespmem:$0x1AF00] =	vst v63  }
0x138: {  	_ =	swait.ge [sflag:s0], $0x2000  }
0x139: {  	[sflag:s0] =	ssyncset.done $0x0  }
0x13a: {  	s8 =	sadd.s32 $0x2880, s26;
	[sflag:s0] =	ssyncadd.s32 $0xFFFFE000  }
0x13b: {  	[spmem:s3] =	stream.indirect.scatter.add.f32 [tilespmem:s21], [sflag:$0x9], $0x40, s8, s17, $0xb8;
	[tilespmem:$0x1AF00] =	vst v63  }
0x13c: {  	_ =	swait.ge [sflag:s2], $0x2000  }
0x13d: {  	[sflag:s2] =	ssyncset.done $0x0  }
0x13e: {  	s8 =	sadd.s32 $0x400, s26;
	[sflag:s2] =	ssyncadd.s32 $0xFFFFE000  }
0x13f: {  	[tilespmem:s21], [sflag:$0x3] =	stream.indirect.gather [hbm4b:s6+s17], $0x40, s8, s17, $0xb8;
	[tilespmem:$0x1AF00] =	vst v63  }
0x140: {  	_ =	swait.ge [sflag:s4], $0x2000  }
0x141: {  	[sflag:s4] =	ssyncset.done $0x0  }
0x142: {  	s8 =	sadd.s32 $0x2900, s26;
	[sflag:s4] =	ssyncadd.s32 $0xFFFFE000  }
0x143: {  	[spmem:s3] =	stream.indirect.scatter.add.f32 [tilespmem:s23], [sflag:$0xA], $0x40, s8, s17, $0xb8;
	[tilespmem:$0x1AF00] =	vst v63  }
0x144: {  	_ =	swait.ge [sflag:s7], $0x2000  }
0x145: {  	[sflag:s7] =	ssyncset.done $0x0  }
0x146: {  	s8 =	sadd.s32 $0x480, s26;
	[sflag:s7] =	ssyncadd.s32 $0xFFFFE000  }
0x147: {  	[tilespmem:s23], [sflag:$0x4] =	stream.indirect.gather [hbm4b:s6+s17], $0x40, s8, s17, $0xb8;
	[tilespmem:$0x1AF00] =	vst v63  }
0x148: {  	_ =	swait.ge [sflag:s9], $0x2000  }
0x149: {  	[sflag:s9] =	ssyncset.done $0x0  }
0x14a: {  	s8 =	sadd.s32 $0x2980, s26;
	[sflag:s9] =	ssyncadd.s32 $0xFFFFE000  }
0x14b: {  	[spmem:s3] =	stream.indirect.scatter.add.f32 [tilespmem:s25], [sflag:$0xB], $0x40, s8, s17, $0xb8;
	[tilespmem:$0x1AF00] =	vst v63  }
0x14c: {  	_ =	swait.ge [sflag:s10], $0x2000  }
0x14d: {  	[sflag:s10] =	ssyncset.done $0x0  }
0x14e: {  	s8 =	sadd.s32 $0x500, s26;
	[sflag:s10] =	ssyncadd.s32 $0xFFFFE000  }
0x14f: {  	[tilespmem:s25], [sflag:$0x5] =	stream.indirect.gather [hbm4b:s6+s17], $0x40, s8, s17, $0xb8;
	[tilespmem:$0x1AF00] =	vst v63  }
0x150: {  	_ =	swait.ge [sflag:s11], $0x2000  }
0x151: {  	[sflag:s11] =	ssyncset.done $0x0  }
.Ltmp1:
0x152: {  	s8 =	sadd.s32 $0x2A00, s26;
	[sflag:s11] =	ssyncadd.s32 $0xFFFFE000;
	(pc) =	sbr.rel @p1 .LBB2_4-.Ltmp1, $4  }
0x153: {  	[spmem:s3] =	stream.indirect.scatter.add.f32 [tilespmem:s28], [sflag:$0xC], $0x40, s8, s17, $0xb8;
	[tilespmem:$0x1AF00] =	vst v63  }
0x154: {  	_ =	swait.ge [sflag:s12], $0x2000  }
0x155: {  	[sflag:s12] =	ssyncset.done $0x0  }
0x156: {  	s26 =	sadd.s32 $0x580, s26;
	[sflag:s12] =	ssyncadd.s32 $0xFFFFE000  }
0x157: {  	[tilespmem:s28], [sflag:$0x6] =	stream.indirect.gather [hbm4b:s6+s17], $0x40, s26, s17, $0xb8;
	[tilespmem:$0x1AF00] =	vst v63  }
0x158: {  	_ =	swait.ge [sflag:s29], $0x2000  }
0x159: {  	[sflag:s29] =	ssyncset.done $0x0  }
0x15a: {  	[sflag:s29] =	ssyncadd.s32 $0xFFFFE000  }
0x15b: {  	[spmem:s3] =	stream.indirect.scatter.add.f32 [tilespmem:s18], [sflag:$0x7], $0x40, s22, s17, $0xb8;
	[tilespmem:$0x1AF00] =	vst v63  }
0x15c: {  	_ =	swait.ge [sflag:s31], $0x2000  }
0x15d: {  	[sflag:s31] =	ssyncset.done $0x0  }
0x15e: {  	s8 =	simm.s32 $0x4C00;
	[sflag:s31] =	ssyncadd.s32 $0xFFFFE000  }
0x15f: {  	[spmem:s3] =	stream.indirect.scatter.add.f32 [tilespmem:s19], [sflag:$0x8], $0x40, s8, s17, $0xb8;
	[tilespmem:$0x1AF00] =	vst v63  }
0x160: {  	_ =	swait.ge [sflag:s0], $0x2000  }
0x161: {  	[sflag:s0] =	ssyncset.done $0x0  }
0x162: {  	s24 =	simm.s32 $0x4C80;
	[sflag:s0] =	ssyncadd.s32 $0xFFFFE000  }
0x163: {  	[spmem:s3] =	stream.indirect.scatter.add.f32 [tilespmem:s21], [sflag:$0x9], $0x40, s24, s17, $0xb8;
	[tilespmem:$0x1AF00] =	vst v63  }
0x164: {  	_ =	swait.ge [sflag:s4], $0x2000  }
0x165: {  	[sflag:s4] =	ssyncset.done $0x0  }
0x166: {  	s26 =	simm.s32 $0x4D00;
	[sflag:s4] =	ssyncadd.s32 $0xFFFFE000  }
0x167: {  	[spmem:s3] =	stream.indirect.scatter.add.f32 [tilespmem:s23], [sflag:$0xA], $0x40, s26, s17, $0xb8;
	[tilespmem:$0x1AF00] =	vst v63  }
0x168: {  	_ =	swait.ge [sflag:s9], $0x2000  }
0x169: {  	[sflag:s9] =	ssyncset.done $0x0  }
0x16a: {  	s13 =	simm.s32 $0x4D80;
	[sflag:s9] =	ssyncadd.s32 $0xFFFFE000  }
0x16b: {  	[spmem:s3] =	stream.indirect.scatter.add.f32 [tilespmem:s25], [sflag:$0xB], $0x40, s13, s17, $0xb8;
	[tilespmem:$0x1AF00] =	vst v63  }
0x16c: {  	_ =	swait.ge [sflag:s11], $0x2000  }
0x16d: {  	[sflag:s11] =	ssyncset.done $0x0  }
0x16e: {  	s20 =	simm.s32 $0x4E00;
	[sflag:s11] =	ssyncadd.s32 $0xFFFFE000  }
0x16f: {  	[spmem:s3] =	stream.indirect.scatter.add.f32 [tilespmem:s28], [sflag:$0xC], $0x40, s20, s17, $0xb8;
	[tilespmem:$0x1AF00] =	vst v63  }
0x170: {  	_ =	swait.ge [sflag:s30], $0x2000  }
0x171: {  	[sflag:s30] =	ssyncset.done $0x0  }
0x172: {  	[sflag:s30] =	ssyncadd.s32 $0xFFFFE000  }
0x173: {  	_ =	swait.ge [sflag:s1], $0x2000  }
0x174: {  	[sflag:s1] =	ssyncset.done $0x0  }
0x175: {  	[sflag:s1] =	ssyncadd.s32 $0xFFFFE000  }
0x176: {  	_ =	swait.ge [sflag:s2], $0x2000  }
0x177: {  	[sflag:s2] =	ssyncset.done $0x0  }
0x178: {  	[sflag:s2] =	ssyncadd.s32 $0xFFFFE000  }
0x179: {  	_ =	swait.ge [sflag:s7], $0x2000  }
0x17a: {  	[sflag:s7] =	ssyncset.done $0x0  }
0x17b: {  	[sflag:s7] =	ssyncadd.s32 $0xFFFFE000  }
0x17c: {  	_ =	swait.ge [sflag:s10], $0x2000  }
0x17d: {  	[sflag:s10] =	ssyncset.done $0x0  }
0x17e: {  	[sflag:s10] =	ssyncadd.s32 $0xFFFFE000  }
0x17f: {  	_ =	swait.ge [sflag:s12], $0x2000  }
0x180: {  	[sflag:s12] =	ssyncset.done $0x0  }
0x181: {  	[sflag:s12] =	ssyncadd.s32 $0xFFFFE000  }
0x182: {  	[bflag:$0x0] =	sbarrier.arrive $0xFFFF  }
0x183: {  	s13 =	simm.s32 $0x10;
	s22 =	rddreg [dreg:$0x9]  }
0x184: {  	[hbm:s22@s13], [sflag:s15] =	dma.strided [spmem:s16@s1], $0x1400, s29, $0x8   }
0x185: {  	_ =	swait.ge [sflag:s14], $0x1400  }
0x186: {  	s24 =	rddreg [dreg:$0xc]  }
0x187: {  	s26 =	rddreg [dreg:$0xa];
	s13 =	sadd.s32 $0x1, s24  }
0x188: {  	p1 =	sne.s32 s13, s26  }
.Ltmp2:
0x189: {  	_ = 	snop;
	(pc) =	sbr.rel @p1 .LBB2_1-.Ltmp2, $3  }
0x18a: {  	_ =	sdelay $0x1  }
0x18b: {  	[sflag:s14] =	ssyncset.done $0x0  }
0x18c: {  	[sflag:s14] =	ssyncadd.s32 $0xFFFFEC00  }
0x18d: {  	_ =	sfence.sel $0x180000  }
0x18e: {  	[bflag:$0x0] =	sbarrier.arrive $0xFFFF  }
0x18f: {  	_ =	strace $0x9000004A  }
0x190: {  	s0 =	stileid.u32;
	[bflag:$0x2] =	sbarrier.arrive $0xFFFF  }
0x191: {  	p0 =	sne.s32 s0, $0x0;
	s0 =	rddreg [dreg:$0x3]  }
0x192: {  	s0 =	sadd.s32 @!p0 $0x100000, s0  }
0x193: {  	[sflag:s0] =	ssyncadd.tile.s32 @!p0 $0x1;
	_ =	shalt  }
.Lfunc_end2:
_tile_overlayer_lowered:
.L_overlay_start_2:
0x194: {  	(tag) =	ssettag $0x2  }
0x195: {  	s0 =	rddreg [dreg:$0x0];
	s2 =	stileid.u32  }
0x196: {  	s1 =	rddreg [dreg:$0x1];
	p0 =	sne.s32 s2, $0x0  }
0x197: {  	s3 =	rddreg [dreg:$0x2];
	[bflag:$0x3] =	sbarrier.arrive $0xFFFF;
	s2 =	simm.s32 @!p0 $0x1C0D  }
0x198: {  	[timem:s3], [sflag:s2] =	dma.local @!p0 [hbm:s0], s1  }
0x199: {  	s0 =	simm.s32 @!p0 $0xD  }
0x19a: {  	_ =	swait.ge @!p0 [sflag:s0], s1  }
0x19b: {  	s1 =	ssub.s32 @!p0 $0x0, s1;
	[sflag:s0] =	ssyncset.done @!p0 $0x0  }
0x19c: {  	[sflag:s0] =	ssyncadd.s32 @!p0 s1  }
0x19d: {  	[bflag:$0x3] =	sbarrier.arrive $0xFFFF  }
0x19e: {  	_ =	shalt  }

// kernel: kernel.14.cloned.1.call-start
scs
__scs_entry_jumppad:
0x0: {  	(pc) =	sbr.rel $0x88, $3  }
0x1: {  	(tag) =	ssettag $0x0;
	lr =	simm.s32 $0x1  }
0x2: {  	[smem:$0x3F9B] =	sst lr;
	_ =	strace $0xD0000000  }
0x3: {  	_ = 	snop  }
0x4: {  	_ = 	snop  }
0x5: {  	_ = 	snop  }
0x6: {  	_ = 	snop  }
0x7: {  	_ = 	snop  }
__scs_overlays_trampoline_lowered:
0x8: {  	[smem:$0x3FAA] =	sst s0  }
0x9: {  	[smem:$0x3FAB] =	sst s1  }
0xa: {  	[smem:$0x3FAC] =	sst s2  }
0xb: {  	[smem:$0x3FAD] =	sst s3  }
0xc: {  	[smem:$0x3FAE] =	sst s4  }
0xd: {  	[smem:$0x3FAF] =	sst s5  }
0xe: {  	[smem:$0x3FB0] =	sst s6  }
0xf: {  	[smem:$0x3FB1] =	sst s7  }
0x10: {  	[smem:$0x3FB2] =	sst s8  }
0x11: {  	[smem:$0x3FB3] =	sst s9;
	s0 =	simm.s32 @!p0 $0x0  }
0x12: {  	s1 =	sld [smem:$0x3F99];
	s0 =	simm.s32 @p0 $0x1  }
0x13: {  	[smem:$0x3FB4] =	sst s0;
	s0 =	simm.s32 @!p1 $0x0  }
0x14: {  	s2 =	sld [smem:$0x3F98];
	s0 =	simm.s32 @p1 $0x1  }
0x15: {  	[smem:$0x3FB5] =	sst s0;
	s0 =	simm.s32 @!p2 $0x0  }
0x16: {  	s3 =	sld [smem:$0x3FDB];
	s0 =	simm.s32 @p2 $0x1  }
0x17: {  	s4 =	simm.s32 $0x1BF5;
	[smem:$0x3FB7] =	sst s0  }
0x18: {  	s0 =	sld [smem:$0x3F9A];
	_ =	swait.ge [sflag:s4], $0x0  }
0x19: {  	s7 =	sld [smem:$0x3F9B]  }
0x1a: {  	s8 =	sadd.s32 $0xFFFFE003, lr  }
0x1b: {  	s9 =	sadd.s32 $0xFFFFFEF7, lr;
	s5 =	simm.s32 $0xFFFFFFFF;
	p2 =	slt.u32 s8, $0xFFFFF086  }
0x1c: {  	p1 =	slt.u32 s9, $0xF7A;
	s5 =	simm.s32 @!p2 $0x0  }
0x1d: {  	s5 =	simm.s32 @p1 $0x1;
	p0 =	seq.s32 s7, s2  }
0x1e: {  	s7 =	smul.u32 @!p0 $0xF7A, s2;
	p2 =	seq.s32 @!p0 s5, $0x0  }
0x1f: {  	s9 =	smul.u32 $0xF7A, s1;
	s8 =	simm.s32 @!p0 $0x1BF5;
	p2 =	por !p2, p0  }
0x20: {  	[sflag:s8] =	ssyncset.s32 @!p0 $0xFFFFF086;
	s6 =	sadd.s32 @!p0 s3, s7;
	s7 =	simm.s32 @!p0 $0x108  }
0x21: {  	s3 =	sadd.s32 s3, s9;
	s6 =	sadd.s32 @!p0 $0x88, s6;
	s7 =	simm.s32 @p2 $0x1082  }
0x22: {  	[simem:s7], [sflag:s8] =	dma.local @!p0 [hbm:s6], $0xF7A  }
0x23: {  	s9 =	sor.u32 $0xD0000000, s2;
	s6 =	simm.s32 $0x108;
	_ =	swait.ge @!p0 [sflag:s8], $0x0  }
0x24: {  	s3 =	sadd.s32 $0x88, s3;
	s6 =	simm.s32 @!p1 $0x1082;
	[sflag:s4] =	ssyncset.s32 $0xFFFFF086  }
0x25: {  	[simem:s6], [sflag:s4] =	dma.local [hbm:s3], $0xF7A  }
0x26: {  	[smem:$0x3F9B] =	sst s1;
	(tag) =	ssettag s2;
	_ =	strace s9  }
0x27: {  	s1 =	sld [smem:$0x3FAB]  }
0x28: {  	s2 =	sld [smem:$0x3FAC]  }
0x29: {  	s4 =	sld [smem:$0x3FAE]  }
0x2a: {  	p0 =	seq.s32 s5, $0x0;
	s5 =	sld [smem:$0x3FAF]  }
0x2b: {  	s6 =	sld [smem:$0x3FB0]  }
0x2c: {  	s7 =	sld [smem:$0x3FB1]  }
0x2d: {  	s3 =	simm.s32 $0x108;
	s8 =	sld [smem:$0x3FB2]  }
0x2e: {  	s3 =	simm.s32 @!p0 $0x1082;
	s9 =	sld [smem:$0x3FB3]  }
0x2f: {  	lr =	sadd.s32 s0, s3;
	s0 =	sld [smem:$0x3FAA]  }
0x30: {  	s3 =	sld [smem:$0x3FAD]  }
0x31: {  	[smem:$0x3FB6] =	sst s10  }
0x32: {  	s10 =	sld [smem:$0x3FB4];
	_ =	sdelay $0x3  }
0x33: {  	p0 =	seq.s32 s10, $0x1;
	s10 =	sld [smem:$0x3FB6];
	_ =	sdelay $0x3  }
0x34: {  	[smem:$0x3FB6] =	sst s10  }
0x35: {  	s10 =	sld [smem:$0x3FB5];
	_ =	sdelay $0x3  }
0x36: {  	p1 =	seq.s32 s10, $0x1;
	s10 =	sld [smem:$0x3FB6];
	_ =	sdelay $0x3  }
0x37: {  	[smem:$0x3FB6] =	sst s10  }
0x38: {  	s10 =	sld [smem:$0x3FB7]  }
0x39: {  	_ = 	snop;
	(pc) =	sbr.ind lr, $3  }
0x3a: {  	_ = 	snop  }
0x3b: {  	_ = 	snop  }
0x3c: {  	p2 =	seq.s32 s10, $0x1;
	s10 =	sld [smem:$0x3FB6]  }
0x3d: {  	_ =	shalt  }
0x3e: {  	_ =	shalt  }
0x3f: {  	_ =	shalt  }
0x40: {  	_ =	shalt  }
0x41: {  	_ =	shalt  }
0x42: {  	_ =	shalt  }
0x43: {  	_ =	shalt  }
0x44: {  	_ =	shalt  }
0x45: {  	_ =	shalt  }
0x46: {  	_ =	shalt  }
0x47: {  	_ =	shalt  }
0x48: {  	_ =	shalt  }
0x49: {  	_ =	shalt  }
0x4a: {  	_ =	shalt  }
0x4b: {  	_ =	shalt  }
0x4c: {  	_ =	shalt  }
0x4d: {  	_ =	shalt  }
0x4e: {  	_ =	shalt  }
0x4f: {  	_ =	shalt  }
0x50: {  	_ =	shalt  }
0x51: {  	_ =	shalt  }
0x52: {  	_ =	shalt  }
0x53: {  	_ =	shalt  }
0x54: {  	_ =	shalt  }
0x55: {  	_ =	shalt  }
0x56: {  	_ =	shalt  }
0x57: {  	_ =	shalt  }
0x58: {  	_ =	shalt  }
0x59: {  	_ =	shalt  }
0x5a: {  	_ =	shalt  }
0x5b: {  	_ =	shalt  }
0x5c: {  	_ =	shalt  }
0x5d: {  	_ =	shalt  }
0x5e: {  	_ =	shalt  }
0x5f: {  	_ =	shalt  }
0x60: {  	_ =	shalt  }
0x61: {  	_ =	shalt  }
0x62: {  	_ =	shalt  }
0x63: {  	_ =	shalt  }
0x64: {  	_ =	shalt  }
0x65: {  	_ =	shalt  }
0x66: {  	_ =	shalt  }
0x67: {  	_ =	shalt  }
0x68: {  	_ =	shalt  }
0x69: {  	_ =	shalt  }
0x6a: {  	_ =	shalt  }
0x6b: {  	_ =	shalt  }
0x6c: {  	_ =	shalt  }
0x6d: {  	_ =	shalt  }
0x6e: {  	_ =	shalt  }
0x6f: {  	_ =	shalt  }
0x70: {  	_ =	shalt  }
0x71: {  	_ =	shalt  }
0x72: {  	_ =	shalt  }
0x73: {  	_ =	shalt  }
0x74: {  	_ =	shalt  }
0x75: {  	_ =	shalt  }
0x76: {  	_ =	shalt  }
0x77: {  	_ =	shalt  }
0x78: {  	_ =	shalt  }
0x79: {  	_ =	shalt  }
0x7a: {  	_ =	shalt  }
0x7b: {  	_ =	shalt  }
0x7c: {  	_ =	shalt  }
0x7d: {  	_ =	shalt  }
0x7e: {  	_ =	shalt  }
0x7f: {  	_ =	shalt  }
0x80: {  	_ =	shalt  }
0x81: {  	_ =	shalt  }
0x82: {  	_ =	shalt  }
0x83: {  	_ =	shalt  }
0x84: {  	_ =	shalt  }
0x85: {  	_ =	shalt  }
0x86: {  	_ =	shalt  }
0x87: {  	_ =	shalt  }
.Lfunc_end0:
.L_simem_size_0:
called_computation.2_lowered:
.L_overlay_start_0:
0x88: {  	s2 =	sld [smem:$0x3FD9]  }
0x89: {  	s3 =	sld [smem:$0x3FFE];
	_ =	sdelay $0x1  }
0x8a: {  	s1 =	srdreg.scid  }
0x8b: {  	s0 =	sand.u32 $0x1, s1  }
0x8c: {  	s17 =	sshll.u32 s0, $0xA;
	s2 =	sadd.s32 s3, s2  }
0x8d: {  	s2 =	sadd.s32 s2, s17  }
0x8e: {  	[smem:$0x3FC2] =	sst s2  }
0x8f: {  	_ = 	snop  }
0x90: {  	s2 =	sld [smem:$0x3FD0];
	(tm) =	ssettm $0x1  }
0x91: {  	s18 =	sld [smem:$0x3FFB];
	_ =	sdelay $0x3  }
0x92: {  	_ =	strace s18  }
0x93: {  	s3 =	sld [smem:$0x3FFC];
	_ =	sdelay $0x3  }
0x94: {  	_ =	strace s3  }
0x95: {  	s3 =	sld [smem:$0x3FFD];
	_ =	sdelay $0x3  }
0x96: {  	_ =	strace s3  }
0x97: {  	_ =	strace $0x8FFFFFFF  }
0x98: {  	s19 =	sld [smem:$0x3FDB];
	_ =	sdelay $0x1  }
0x99: {  	s4 =	simm.s32 $_scs_section_size  }
0x9a: {  	s5 =	simm.s32 $_size__tile_overlayer_lowered;
	s6 =	simm.s32 $_tile_overlayer_lowered  }
0x9b: {  	s22 =	simm.s32 $0x1BFF;
	s21 =	sshll.u32 s6, $0x1;
	s3 =	sadd.s32 s4, s19  }
0x9c: {  	s7 =	simm.s32 $0x0;
	s20 =	sshll.u32 s5, $0x1;
	s5 =	sadd.s32 s21, s3  }
0x9d: {  	[timem:s7], [sflag:s22] =	dma.local [hbm:s5], s20  }
0x9e: {  	_ =	swait.ge [sflag:s22], s20  }
0x9f: {  	s4 =	ssub.s32 $0x0, s20;
	[sflag:s22] =	ssyncset.done $0x0  }
0xa0: {  	[sflag:s22] =	ssyncadd.s32 s4;
	_ =	sdelay $0x1  }
0xa1: {  	s23 =	simm.s32 $0x1B8B  }
0xa2: {  	_ =	swait.ge [sflag:s23], $0x1  }
0xa3: {  	[sflag:s23] =	ssyncset.done $0x0  }
0xa4: {  	s25 =	simm.s32 $0x1B8E;
	s24 =	sld [smem:$0x3FFE];
	[sflag:s23] =	ssyncadd.s32 $0xFFFFFFFF  }
0xa5: {  	s26 =	simm.s32 $execute0_lowered;
	[smem:$0x3FD2] =	sst s25  }
0xa6: {  	s5 =	sshll.u32 s26, $0x1;
	_ =	strace $0x8000004C;
	[dreg:$0x1] =	wrdreg $0xFFFFFFFF  }
0xa7: {  	s28 =	simm.s32 $_size_execute0_lowered;
	s3 =	sadd.s32 s3, s5;
	[dreg:$0x0] =	wrdreg $0x0  }
0xa8: {  	s5 =	sshll.u32 s28, $0x1;
	[dreg:$0x2] =	wrdreg s3  }
0xa9: {  	[dreg:$0x3] =	wrdreg s5  }
0xaa: {  	[dreg:$0x4] =	wrdreg $0xC0  }
0xab: {  	_ =	task [dreg:s7], $0x5FFFF  }
0xac: {  	[dreg:$0x1] =	wrdreg $0xFFFFFFFF  }
0xad: {  	[dreg:$0x0] =	wrdreg $0x60  }
0xae: {  	[dreg:$0x2] =	wrdreg s24  }
0xaf: {  	[dreg:$0x3] =	wrdreg s2  }
0xb0: {  	[dreg:$0x4] =	wrdreg $0xDF000  }
0xb1: {  	[dreg:$0x5] =	wrdreg $0x9  }
0xb2: {  	_ =	task.clear_ibuf [dreg:s7], $0x6FFFF;
	_ =	strace $0x9000004C  }
0xb3: {  	s29 =	simm.s32 $0x9;
	_ =	strace $0x8000004E  }
0xb4: {  	_ =	swait.ge [sflag:s29], $0x1  }
0xb5: {  	[sflag:s29] =	ssyncadd.s32 $0xFFFFFFFF  }
0xb6: {  	_ =	strace $0x9000004E  }
0xb7: {  	_ =	sfence  }
0xb8: {  	s30 =	sld [smem:$0x0];
	_ =	sdelay $0x2  }
0xb9: {  	s31 =	sshll.u32 s1, $0xD;
	s1 =	sshrl.u32 s1, $0x2  }
0xba: {  	s3 =	sand.u32 $0x4000, s31;
	s1 =	sadd.s32 s1, s30  }
0xbb: {  	s0 =	sor.u32 s3, s0;
	s1 =	sshll.u32 s1, $0x11  }
0xbc: {  	s0 =	sor.u32 s1, s0  }
0xbd: {  	s0 =	sadd.s32 $0x8F2B, s0  }
0xbe: {  	[sflag:s0] =	ssyncadd.remote.s32 $0x1  }
0xbf: {  	_ =	sfence.sel $0xFFFF  }
0xc0: {  	[dreg:$0x0] =	wrdreg $0xFFFFFFFF;
	(pc) =	sbr.abs _section_cstart, $3  }
0xc1: {  	[dreg:$0x1] =	wrdreg $0xFFFFFFFF  }
0xc2: {  	_ =	task.clear_ibuf [dreg:s7], $0x2FFFF;
	_ =	strace $0x9FFFFFFF  }
0xc3: {  	(tm) =	ssettm $0x7FFFFFFF  }
tec
execute0_lowered:
.L_overlay_start_1:
0x0: {  	(tag) =	ssettag $0x1  }
0x1: {  	s0 =	srdreg.scid;
	s1 =	rddreg [dreg:$0x0]  }
0x2: {  	s9 =	stileid.u32;
	s3 =	rddreg [dreg:$0x2]  }
0x3: {  	s5 =	simm.s32 $0x0;
	s12 =	simm.s32 $0xD;
	s15 =	simm.s32 $0x80  }
0x4: {  	s16 =	simm.s32 $0x4F00;
	s17 =	simm.s32 $0x6700;
	s19 =	simm.s32 $0x7F00  }
0x5: {  	s28 =	simm.s32 $0x7;
	s29 =	simm.s32 $0x2;
	s30 =	simm.s32 $0x8  }
0x6: {  	s31 =	simm.s32 $0x3;
	s18 =	simm.s32 $0x5;
	s0 =	sand.u32 $0x1, s0  }
0x7: {  	[smem:$0x7FF] =	sst s5;
	s7 =	smul.u32 $0x14000, s9;
	s5 =	sadd.s32 $0x16000, s1  }
0x8: {  	s8 =	smul.u32 $0x1E000, s9;
	s26 =	sshll.u32 s9, $0x6;
	s2 =	sshll.u32 s0, $0x4  }
0x9: {  	s6 =	smul.u32 $0x140000, s0;
	_ =	strace $0x8000004D;
	s2 =	sor.u32 s9, s2  }
0xa: {  	s0 =	ssub.s32 $0x2, s0;
	s13 =	sor.u32 $0x1C0D, s26;
	s4 =	smul.u32 $0x4E, s2  }
0xb: {  	s26 =	simm.s32 $0x1;
	s21 =	sshrl.u32 s0, $0x1;
	s20 =	smin.u32 s2, $0x4  }
0xc: {  	s25 =	sshrl.u32 s8, $0x2;
	s6 =	sadd.s32 s7, s6;
	s4 =	sadd.s32 s20, s4  }
0xd: {  	s0 =	ssub.s32 s0, s21;
	p0 =	sgt.u32 s2, $0x3;
	s4 =	sshll.u32 s4, $0x4  }
0xe: {  	s21 =	simm.s32 $0x9700;
	s0 =	smax.u32 s0, $0x1;
	s4 =	sadd.s32 s4, s1  }
0xf: {  	s2 =	simm.s32 $0xA;
	[dreg:$0x9] =	wrdreg s0;
	s22 =	sadd.s32 $0x2600, s4  }
0x10: {  	s6 =	sshrl.u32 s6, $0x3;
	s23 =	sadd.s32 $0xC240, s4;
	[dreg:$0x4] =	wrdreg s22  }
0x11: {  	s0 =	simm.s32 $0x4;
	s24 =	sadd.s32 $0x2AE0, s4;
	[dreg:$0x5] =	wrdreg s23  }
0x12: {  	s1 =	sadd.s32 s6, s1;
	s4 =	sadd.s32 $0xC720, s4;
	[dreg:$0x6] =	wrdreg s24  }
0x13: {  	s20 =	simm.s32 $0xB;
	s1 =	sadd.s32 $0x24C00, s1;
	[dreg:$0x7] =	wrdreg s4  }
0x14: {  	s4 =	sadd.s32 s25, s3;
	[dreg:$0x8] =	wrdreg s1;
	s23 =	simm.s32 $0xAF00  }
0x15: {  	s25 =	simm.s32 $0xC700;
	s1 =	simm.s32 $0x9;
	s22 =	simm.s32 $0x6  }
0x16: {  	s24 =	simm.s32 $0xC;
	s14 =	sshrl.u32 s4, $0x3;
	s4 =	simm.s32 $0x0  }
.LBB2_1:
0x17: {  	s7 =	simm.s32 $0x0;
	s6 =	rddreg [dreg:$0x4]  }
0x18: {  	[tilespmem:s7], [sflag:$0xD] =	stream.linear.gather [hbm4b:s6+s7], $0x2700, $0x38;
	[tilespmem:$0x15700] =	vst v63  }
0x19: {  	_ =	swait.ge [sflag:s12], $0x2700  }
0x1a: {  	s8 =	simm.s32 @p0 $0x2780;
	[sflag:s12] =	ssyncset.done $0x0  }
0x1b: {  	s6 =	simm.s32 @p0 $0x0;
	s11 =	rddreg [dreg:$0x5];
	[sflag:s12] =	ssyncadd.s32 $0xFFFFD900  }
0x1c: {  	[tilespmem:s8], [sflag:$0xD] =	stream.linear.gather @p0 [hbm4b:s11+s6], $0x2700, $0x38;
	[tilespmem:$0x15700] =	vst v63  }
0x1d: {  	s6 =	simm.s32 @p0 $0xD  }
0x1e: {  	_ =	swait.ge @p0 [sflag:s6], $0x2700  }
0x1f: {  	s8 =	simm.s32 @!p0 $0x2700;
	[sflag:s6] =	ssyncset.done @p0 $0x0  }
0x20: {  	s9 =	rddreg [dreg:$0x6];
	[sflag:s6] =	ssyncadd.s32 @p0 $0xFFFFD900;
	s6 =	simm.s32 @!p0 $0x0  }
0x21: {  	[tilespmem:s8], [sflag:$0xD] =	stream.linear.gather @!p0 [hbm4b:s9+s6], $0x80, $0x38;
	[tilespmem:$0x15700] =	vst v63  }
0x22: {  	s9 =	simm.s32 @!p0 $0xD  }
0x23: {  	_ =	swait.ge @!p0 [sflag:s9], $0x80  }
0x24: {  	[sflag:s9] =	ssyncset.done @!p0 $0x0  }
0x25: {  	s10 =	simm.s32 @!p0 $0x2780;
	[sflag:s9] =	ssyncadd.s32 @!p0 $0xFFFFFF80  }
0x26: {  	[tilespmem:s10], [sflag:$0xD] =	stream.linear.gather @!p0 [hbm4b:s11+s6], $0x2700, $0x38;
	[tilespmem:$0x15700] =	vst v63  }
0x27: {  	_ =	swait.ge @!p0 [sflag:s9], $0x2700  }
0x28: {  	[sflag:s9] =	ssyncset.done @!p0 $0x0  }
0x29: {  	s10 =	simm.s32 @!p0 $0x4E80;
	s11 =	rddreg [dreg:$0x7];
	[sflag:s9] =	ssyncadd.s32 @!p0 $0xFFFFD900  }
0x2a: {  	[tilespmem:s10], [sflag:$0xD] =	stream.linear.gather @!p0 [hbm4b:s11+s6], $0x80, $0x38;
	[tilespmem:$0x15700] =	vst v63  }
0x2b: {  	_ =	swait.ge @!p0 [sflag:s9], $0x80  }
0x2c: {  	[sflag:s9] =	ssyncset.done @!p0 $0x0  }
0x2d: {  	[sflag:s9] =	ssyncadd.s32 @!p0 $0xFFFFFF80  }
0x2e: {  	s11 =	rddreg [dreg:$0x1]  }
0x2f: {  	[spmem:s14], [sflag:s13] =	dma.local [hbm:s11], $0xF00  }
0x30: {  	_ =	swait.ge [sflag:s12], $0xF00  }
0x31: {  	[sflag:s12] =	ssyncset.done $0x0  }
0x32: {  	[sflag:s12] =	ssyncadd.s32 $0xFFFFF100  }
0x33: {  	s6 =	simm.s32 @!p0 $0x80;
	s11 =	simm.s32 @!p0 $0x4F00;
	[bflag:$0x0] =	sbarrier.arrive $0xFFFF  }
0x34: {  	[tilespmem:s11], [sflag:$0x1] =	stream.indirect.gather @!p0 [hbm4b:s5+s6], $0x30, s8, s6, $0xb8;
	[tilespmem:$0x15700] =	vst v63  }
0x35: {  	s8 =	simm.s32 @!p0 $0x1  }
0x36: {  	_ =	swait.ge @!p0 [sflag:s8], $0x1800  }
0x37: {  	[sflag:s8] =	ssyncset.done @!p0 $0x0  }
0x38: {  	[sflag:s8] =	ssyncadd.s32 @!p0 $0xFFFFE800  }
0x39: {  	[spmem:s3] =	stream.indirect.scatter.add.f32 @!p0 [tilespmem:s11], [sflag:$0xD], $0x30, s10, s6, $0xb8;
	[tilespmem:$0x15700] =	vst v63  }
0x3a: {  	_ =	swait.ge @!p0 [sflag:s9], $0x1800  }
0x3b: {  	[sflag:s9] =	ssyncset.done @!p0 $0x0  }
0x3c: {  	[sflag:s9] =	ssyncadd.s32 @!p0 $0xFFFFE800  }
0x3d: {  	[tilespmem:s16], [sflag:$0x1] =	stream.indirect.gather [hbm4b:s5+s15], $0x30, s7, s15, $0xb8;
	[tilespmem:$0x15700] =	vst v63  }
0x3e: {  	_ = 	snop  }
0x3f: {  	[tilespmem:s17], [sflag:$0x2] =	stream.indirect.gather [hbm4b:s5+s15], $0x30, s15, s15, $0xb8;
	[tilespmem:$0x15700] =	vst v63  }
0x40: {  	s7 =	simm.s32 $0x100  }
0x41: {  	[tilespmem:s19], [sflag:$0x3] =	stream.indirect.gather [hbm4b:s5+s15], $0x30, s7, s15, $0xb8;
	[tilespmem:$0x15700] =	vst v63  }
0x42: {  	s8 =	simm.s32 $0x180  }
0x43: {  	[tilespmem:s21], [sflag:$0x4] =	stream.indirect.gather [hbm4b:s5+s15], $0x30, s8, s15, $0xb8;
	[tilespmem:$0x15700] =	vst v63  }
0x44: {  	s9 =	simm.s32 $0x200  }
0x45: {  	[tilespmem:s23], [sflag:$0x5] =	stream.indirect.gather [hbm4b:s5+s15], $0x30, s9, s15, $0xb8;
	[tilespmem:$0x15700] =	vst v63  }
0x46: {  	s10 =	simm.s32 $0x280  }
0x47: {  	[tilespmem:s25], [sflag:$0x6] =	stream.indirect.gather [hbm4b:s5+s15], $0x30, s10, s15, $0xb8;
	[tilespmem:$0x15700] =	vst v63  }
0x48: {  	_ =	swait.ge [sflag:s26], $0x1800  }
0x49: {  	[sflag:s26] =	ssyncset.done $0x0  }
0x4a: {  	s11 =	simm.s32 $0x2780;
	[sflag:s26] =	ssyncadd.s32 $0xFFFFE800  }
0x4b: {  	[spmem:s3] =	stream.indirect.scatter.add.f32 [tilespmem:s16], [sflag:$0x7], $0x30, s11, s15, $0xb8;
	[tilespmem:$0x15700] =	vst v63  }
0x4c: {  	_ =	swait.ge [sflag:s28], $0x1800  }
0x4d: {  	[sflag:s28] =	ssyncset.done $0x0  }
0x4e: {  	s7 =	simm.s32 $0x300;
	[sflag:s28] =	ssyncadd.s32 $0xFFFFE800  }
0x4f: {  	[tilespmem:s16], [sflag:$0x1] =	stream.indirect.gather [hbm4b:s5+s15], $0x30, s7, s15, $0xb8;
	[tilespmem:$0x15700] =	vst v63  }
0x50: {  	_ =	swait.ge [sflag:s29], $0x1800  }
0x51: {  	[sflag:s29] =	ssyncset.done $0x0  }
0x52: {  	s8 =	simm.s32 $0x2800;
	[sflag:s29] =	ssyncadd.s32 $0xFFFFE800  }
0x53: {  	[spmem:s3] =	stream.indirect.scatter.add.f32 [tilespmem:s17], [sflag:$0x8], $0x30, s8, s15, $0xb8;
	[tilespmem:$0x15700] =	vst v63  }
0x54: {  	_ =	swait.ge [sflag:s30], $0x1800  }
0x55: {  	[sflag:s30] =	ssyncset.done $0x0  }
0x56: {  	s9 =	simm.s32 $0x380;
	[sflag:s30] =	ssyncadd.s32 $0xFFFFE800  }
0x57: {  	[tilespmem:s17], [sflag:$0x2] =	stream.indirect.gather [hbm4b:s5+s15], $0x30, s9, s15, $0xb8;
	[tilespmem:$0x15700] =	vst v63  }
0x58: {  	_ =	swait.ge [sflag:s31], $0x1800  }
0x59: {  	[sflag:s31] =	ssyncset.done $0x0  }
0x5a: {  	s10 =	simm.s32 $0x2880;
	[sflag:s31] =	ssyncadd.s32 $0xFFFFE800  }
0x5b: {  	[spmem:s3] =	stream.indirect.scatter.add.f32 [tilespmem:s19], [sflag:$0x9], $0x30, s10, s15, $0xb8;
	[tilespmem:$0x15700] =	vst v63  }
0x5c: {  	_ =	swait.ge [sflag:s1], $0x1800  }
0x5d: {  	[sflag:s1] =	ssyncset.done $0x0  }
0x5e: {  	s11 =	simm.s32 $0x400;
	[sflag:s1] =	ssyncadd.s32 $0xFFFFE800  }
0x5f: {  	[tilespmem:s19], [sflag:$0x3] =	stream.indirect.gather [hbm4b:s5+s15], $0x30, s11, s15, $0xb8;
	[tilespmem:$0x15700] =	vst v63  }
0x60: {  	_ =	swait.ge [sflag:s0], $0x1800  }
0x61: {  	[sflag:s0] =	ssyncset.done $0x0  }
0x62: {  	s7 =	simm.s32 $0x2900;
	[sflag:s0] =	ssyncadd.s32 $0xFFFFE800  }
0x63: {  	[spmem:s3] =	stream.indirect.scatter.add.f32 [tilespmem:s21], [sflag:$0xA], $0x30, s7, s15, $0xb8;
	[tilespmem:$0x15700] =	vst v63  }
0x64: {  	_ =	swait.ge [sflag:s2], $0x1800  }
0x65: {  	[sflag:s2] =	ssyncset.done $0x0  }
0x66: {  	s8 =	simm.s32 $0x480;
	[sflag:s2] =	ssyncadd.s32 $0xFFFFE800  }
0x67: {  	[tilespmem:s21], [sflag:$0x4] =	stream.indirect.gather [hbm4b:s5+s15], $0x30, s8, s15, $0xb8;
	[tilespmem:$0x15700] =	vst v63  }
0x68: {  	_ =	swait.ge [sflag:s18], $0x1800  }
0x69: {  	[sflag:s18] =	ssyncset.done $0x0  }
0x6a: {  	s9 =	simm.s32 $0x2980;
	[sflag:s18] =	ssyncadd.s32 $0xFFFFE800  }
0x6b: {  	[spmem:s3] =	stream.indirect.scatter.add.f32 [tilespmem:s23], [sflag:$0xB], $0x30, s9, s15, $0xb8;
	[tilespmem:$0x15700] =	vst v63  }
0x6c: {  	_ =	swait.ge [sflag:s20], $0x1800  }
0x6d: {  	[sflag:s20] =	ssyncset.done $0x0  }
0x6e: {  	s10 =	simm.s32 $0x500;
	[sflag:s20] =	ssyncadd.s32 $0xFFFFE800  }
0x6f: {  	[tilespmem:s23], [sflag:$0x5] =	stream.indirect.gather [hbm4b:s5+s15], $0x30, s10, s15, $0xb8;
	[tilespmem:$0x15700] =	vst v63  }
0x70: {  	_ =	swait.ge [sflag:s22], $0x1800  }
0x71: {  	[sflag:s22] =	ssyncset.done $0x0  }
0x72: {  	s11 =	simm.s32 $0x2A00;
	[sflag:s22] =	ssyncadd.s32 $0xFFFFE800  }
0x73: {  	[spmem:s3] =	stream.indirect.scatter.add.f32 [tilespmem:s25], [sflag:$0xC], $0x30, s11, s15, $0xb8;
	[tilespmem:$0x15700] =	vst v63  }
0x74: {  	_ =	swait.ge [sflag:s24], $0x1800  }
0x75: {  	[sflag:s24] =	ssyncset.done $0x0  }
0x76: {  	s6 =	simm.s32 $0xC00;
	s8 =	simm.s32 $0x580;
	[sflag:s24] =	ssyncadd.s32 $0xFFFFE800  }
.LBB2_2:
0x77: {  	[tilespmem:s25], [sflag:$0x6] =	stream.indirect.gather [hbm4b:s5+s15], $0x30, s8, s15, $0xb8;
	[tilespmem:$0x15700] =	vst v63  }
0x78: {  	s8 =	smov.u32 s6  }
0x79: {  	p1 =	sne.s32 s6, $0x8400;
	s6 =	sadd.s32 $0xC00, s6;
	_ =	swait.ge [sflag:s26], $0x1800  }
0x7a: {  	s8 =	sshra.s32 s8, $0x2;
	[sflag:s26] =	ssyncset.done $0x0  }
0x7b: {  	s9 =	sadd.s32 $0x2780, s8;
	[sflag:s26] =	ssyncadd.s32 $0xFFFFE800  }
0x7c: {  	[spmem:s3] =	stream.indirect.scatter.add.f32 [tilespmem:s16], [sflag:$0x7], $0x30, s9, s15, $0xb8;
	[tilespmem:$0x15700] =	vst v63  }
0x7d: {  	_ =	swait.ge [sflag:s28], $0x1800  }
0x7e: {  	[sflag:s28] =	ssyncset.done $0x0  }
0x7f: {  	s9 =	sadd.s32 $0x300, s8;
	[sflag:s28] =	ssyncadd.s32 $0xFFFFE800  }
0x80: {  	[tilespmem:s16], [sflag:$0x1] =	stream.indirect.gather [hbm4b:s5+s15], $0x30, s9, s15, $0xb8;
	[tilespmem:$0x15700] =	vst v63  }
0x81: {  	_ =	swait.ge [sflag:s29], $0x1800  }
0x82: {  	[sflag:s29] =	ssyncset.done $0x0  }
0x83: {  	s9 =	sadd.s32 $0x2800, s8;
	[sflag:s29] =	ssyncadd.s32 $0xFFFFE800  }
0x84: {  	[spmem:s3] =	stream.indirect.scatter.add.f32 [tilespmem:s17], [sflag:$0x8], $0x30, s9, s15, $0xb8;
	[tilespmem:$0x15700] =	vst v63  }
0x85: {  	_ =	swait.ge [sflag:s30], $0x1800  }
0x86: {  	[sflag:s30] =	ssyncset.done $0x0  }
0x87: {  	s9 =	sadd.s32 $0x380, s8;
	[sflag:s30] =	ssyncadd.s32 $0xFFFFE800  }
0x88: {  	[tilespmem:s17], [sflag:$0x2] =	stream.indirect.gather [hbm4b:s5+s15], $0x30, s9, s15, $0xb8;
	[tilespmem:$0x15700] =	vst v63  }
0x89: {  	_ =	swait.ge [sflag:s31], $0x1800  }
0x8a: {  	[sflag:s31] =	ssyncset.done $0x0  }
0x8b: {  	s9 =	sadd.s32 $0x2880, s8;
	[sflag:s31] =	ssyncadd.s32 $0xFFFFE800  }
0x8c: {  	[spmem:s3] =	stream.indirect.scatter.add.f32 [tilespmem:s19], [sflag:$0x9], $0x30, s9, s15, $0xb8;
	[tilespmem:$0x15700] =	vst v63  }
0x8d: {  	_ =	swait.ge [sflag:s1], $0x1800  }
0x8e: {  	[sflag:s1] =	ssyncset.done $0x0  }
0x8f: {  	s9 =	sadd.s32 $0x400, s8;
	[sflag:s1] =	ssyncadd.s32 $0xFFFFE800  }
0x90: {  	[tilespmem:s19], [sflag:$0x3] =	stream.indirect.gather [hbm4b:s5+s15], $0x30, s9, s15, $0xb8;
	[tilespmem:$0x15700] =	vst v63  }
0x91: {  	_ =	swait.ge [sflag:s0], $0x1800  }
0x92: {  	[sflag:s0] =	ssyncset.done $0x0  }
0x93: {  	s9 =	sadd.s32 $0x2900, s8;
	[sflag:s0] =	ssyncadd.s32 $0xFFFFE800  }
0x94: {  	[spmem:s3] =	stream.indirect.scatter.add.f32 [tilespmem:s21], [sflag:$0xA], $0x30, s9, s15, $0xb8;
	[tilespmem:$0x15700] =	vst v63  }
0x95: {  	_ =	swait.ge [sflag:s2], $0x1800  }
0x96: {  	[sflag:s2] =	ssyncset.done $0x0  }
0x97: {  	s9 =	sadd.s32 $0x480, s8;
	[sflag:s2] =	ssyncadd.s32 $0xFFFFE800  }
0x98: {  	[tilespmem:s21], [sflag:$0x4] =	stream.indirect.gather [hbm4b:s5+s15], $0x30, s9, s15, $0xb8;
	[tilespmem:$0x15700] =	vst v63  }
0x99: {  	_ =	swait.ge [sflag:s18], $0x1800  }
0x9a: {  	[sflag:s18] =	ssyncset.done $0x0  }
0x9b: {  	s9 =	sadd.s32 $0x2980, s8;
	[sflag:s18] =	ssyncadd.s32 $0xFFFFE800  }
0x9c: {  	[spmem:s3] =	stream.indirect.scatter.add.f32 [tilespmem:s23], [sflag:$0xB], $0x30, s9, s15, $0xb8;
	[tilespmem:$0x15700] =	vst v63  }
0x9d: {  	_ =	swait.ge [sflag:s20], $0x1800  }
0x9e: {  	[sflag:s20] =	ssyncset.done $0x0  }
0x9f: {  	s9 =	sadd.s32 $0x500, s8;
	[sflag:s20] =	ssyncadd.s32 $0xFFFFE800  }
0xa0: {  	[tilespmem:s23], [sflag:$0x5] =	stream.indirect.gather [hbm4b:s5+s15], $0x30, s9, s15, $0xb8;
	[tilespmem:$0x15700] =	vst v63  }
0xa1: {  	_ =	swait.ge [sflag:s22], $0x1800  }
0xa2: {  	[sflag:s22] =	ssyncset.done $0x0  }
.Ltmp0:
0xa3: {  	s9 =	sadd.s32 $0x2A00, s8;
	[sflag:s22] =	ssyncadd.s32 $0xFFFFE800;
	(pc) =	sbr.rel @p1 .LBB2_2-.Ltmp0, $4  }
0xa4: {  	[spmem:s3] =	stream.indirect.scatter.add.f32 [tilespmem:s25], [sflag:$0xC], $0x30, s9, s15, $0xb8;
	[tilespmem:$0x15700] =	vst v63  }
0xa5: {  	_ =	swait.ge [sflag:s24], $0x1800  }
0xa6: {  	[sflag:s24] =	ssyncset.done $0x0  }
0xa7: {  	s8 =	sadd.s32 $0x580, s8;
	[sflag:s24] =	ssyncadd.s32 $0xFFFFE800  }
0xa8: {  	[tilespmem:s25], [sflag:$0x6] =	stream.indirect.gather [hbm4b:s5+s15], $0x30, s8, s15, $0xb8;
	[tilespmem:$0x15700] =	vst v63  }
0xa9: {  	_ =	swait.ge [sflag:s26], $0x1800  }
0xaa: {  	[sflag:s26] =	ssyncset.done $0x0  }
0xab: {  	s6 =	simm.s32 $0x4B80;
	[sflag:s26] =	ssyncadd.s32 $0xFFFFE800  }
0xac: {  	[spmem:s3] =	stream.indirect.scatter.add.f32 [tilespmem:s16], [sflag:$0x7], $0x30, s6, s15, $0xb8;
	[tilespmem:$0x15700] =	vst v63  }
0xad: {  	_ =	swait.ge [sflag:s29], $0x1800  }
0xae: {  	[sflag:s29] =	ssyncset.done $0x0  }
0xaf: {  	s10 =	simm.s32 $0x4C00;
	[sflag:s29] =	ssyncadd.s32 $0xFFFFE800  }
0xb0: {  	[spmem:s3] =	stream.indirect.scatter.add.f32 [tilespmem:s17], [sflag:$0x8], $0x30, s10, s15, $0xb8;
	[tilespmem:$0x15700] =	vst v63  }
0xb1: {  	_ =	swait.ge [sflag:s31], $0x1800  }
0xb2: {  	[sflag:s31] =	ssyncset.done $0x0  }
0xb3: {  	s11 =	simm.s32 $0x4C80;
	[sflag:s31] =	ssyncadd.s32 $0xFFFFE800  }
0xb4: {  	[spmem:s3] =	stream.indirect.scatter.add.f32 [tilespmem:s19], [sflag:$0x9], $0x30, s11, s15, $0xb8;
	[tilespmem:$0x15700] =	vst v63  }
0xb5: {  	_ =	swait.ge [sflag:s0], $0x1800  }
0xb6: {  	[sflag:s0] =	ssyncset.done $0x0  }
0xb7: {  	s7 =	simm.s32 $0x4D00;
	[sflag:s0] =	ssyncadd.s32 $0xFFFFE800  }
0xb8: {  	[spmem:s3] =	stream.indirect.scatter.add.f32 [tilespmem:s21], [sflag:$0xA], $0x30, s7, s15, $0xb8;
	[tilespmem:$0x15700] =	vst v63  }
0xb9: {  	_ =	swait.ge [sflag:s18], $0x1800  }
0xba: {  	[sflag:s18] =	ssyncset.done $0x0  }
0xbb: {  	s8 =	simm.s32 $0x4D80;
	[sflag:s18] =	ssyncadd.s32 $0xFFFFE800  }
0xbc: {  	[spmem:s3] =	stream.indirect.scatter.add.f32 [tilespmem:s23], [sflag:$0xB], $0x30, s8, s15, $0xb8;
	[tilespmem:$0x15700] =	vst v63  }
0xbd: {  	_ =	swait.ge [sflag:s22], $0x1800  }
0xbe: {  	[sflag:s22] =	ssyncset.done $0x0  }
0xbf: {  	s9 =	simm.s32 $0x4E00;
	[sflag:s22] =	ssyncadd.s32 $0xFFFFE800  }
0xc0: {  	[spmem:s3] =	stream.indirect.scatter.add.f32 [tilespmem:s25], [sflag:$0xC], $0x30, s9, s15, $0xb8;
	[tilespmem:$0x15700] =	vst v63  }
0xc1: {  	_ =	swait.ge [sflag:s28], $0x1800  }
0xc2: {  	[sflag:s28] =	ssyncset.done $0x0  }
0xc3: {  	[sflag:s28] =	ssyncadd.s32 $0xFFFFE800  }
0xc4: {  	_ =	swait.ge [sflag:s30], $0x1800  }
0xc5: {  	[sflag:s30] =	ssyncset.done $0x0  }
0xc6: {  	[sflag:s30] =	ssyncadd.s32 $0xFFFFE800  }
0xc7: {  	_ =	swait.ge [sflag:s1], $0x1800  }
0xc8: {  	[sflag:s1] =	ssyncset.done $0x0  }
0xc9: {  	[sflag:s1] =	ssyncadd.s32 $0xFFFFE800  }
0xca: {  	_ =	swait.ge [sflag:s2], $0x1800  }
0xcb: {  	[sflag:s2] =	ssyncset.done $0x0  }
0xcc: {  	[sflag:s2] =	ssyncadd.s32 $0xFFFFE800  }
0xcd: {  	_ =	swait.ge [sflag:s20], $0x1800  }
0xce: {  	[sflag:s20] =	ssyncset.done $0x0  }
0xcf: {  	[sflag:s20] =	ssyncadd.s32 $0xFFFFE800  }
0xd0: {  	_ =	swait.ge [sflag:s24], $0x1800  }
0xd1: {  	[sflag:s24] =	ssyncset.done $0x0  }
0xd2: {  	[sflag:s24] =	ssyncadd.s32 $0xFFFFE800  }
0xd3: {  	[bflag:$0x0] =	sbarrier.arrive $0xFFFF  }
0xd4: {  	s7 =	simm.s32 $0x10;
	s10 =	rddreg [dreg:$0x8]  }
0xd5: {  	[hbm:s10@s7], [sflag:s13] =	dma.strided [spmem:s14@s22], $0xF00, s26, $0x6   }
0xd6: {  	_ =	swait.ge [sflag:s12], $0xF00  }
0xd7: {  	s4 =	sadd.s32 $0x1, s4;
	s11 =	rddreg [dreg:$0x9]  }
0xd8: {  	p1 =	sne.s32 s4, s11  }
.Ltmp1:
0xd9: {  	_ = 	snop;
	(pc) =	sbr.rel @p1 .LBB2_1-.Ltmp1, $3  }
0xda: {  	_ =	sdelay $0x1  }
0xdb: {  	[sflag:s12] =	ssyncset.done $0x0  }
0xdc: {  	[sflag:s12] =	ssyncadd.s32 $0xFFFFF100  }
0xdd: {  	_ =	sfence.sel $0x180000  }
0xde: {  	[bflag:$0x0] =	sbarrier.arrive $0xFFFF  }
0xdf: {  	_ =	strace $0x9000004D  }
0xe0: {  	s0 =	stileid.u32;
	[bflag:$0x2] =	sbarrier.arrive $0xFFFF  }
0xe1: {  	p0 =	sne.s32 s0, $0x0;
	s0 =	rddreg [dreg:$0x3]  }
0xe2: {  	s0 =	sadd.s32 @!p0 $0x100000, s0  }
0xe3: {  	[sflag:s0] =	ssyncadd.tile.s32 @!p0 $0x1;
	_ =	shalt  }
.Lfunc_end2:
_tile_overlayer_lowered:
.L_overlay_start_2:
0xe4: {  	(tag) =	ssettag $0x2  }
0xe5: {  	s0 =	rddreg [dreg:$0x0];
	s2 =	stileid.u32  }
0xe6: {  	s1 =	rddreg [dreg:$0x1];
	p0 =	sne.s32 s2, $0x0  }
0xe7: {  	s3 =	rddreg [dreg:$0x2];
	[bflag:$0x3] =	sbarrier.arrive $0xFFFF;
	s2 =	simm.s32 @!p0 $0x1C0D  }
0xe8: {  	[timem:s3], [sflag:s2] =	dma.local @!p0 [hbm:s0], s1  }
0xe9: {  	s0 =	simm.s32 @!p0 $0xD  }
0xea: {  	_ =	swait.ge @!p0 [sflag:s0], s1  }
0xeb: {  	s1 =	ssub.s32 @!p0 $0x0, s1;
	[sflag:s0] =	ssyncset.done @!p0 $0x0  }
0xec: {  	[sflag:s0] =	ssyncadd.s32 @!p0 s1  }
0xed: {  	[bflag:$0x3] =	sbarrier.arrive $0xFFFF  }
0xee: {  	_ =	shalt  }

// kernel: kernel.8.cloned.1.call-start
scs
__scs_entry_jumppad:
0x0: {  	(pc) =	sbr.rel $0x88, $3  }
0x1: {  	(tag) =	ssettag $0x0;
	lr =	simm.s32 $0x1  }
0x2: {  	[smem:$0x3F9B] =	sst lr;
	_ =	strace $0xD0000000  }
0x3: {  	_ = 	snop  }
0x4: {  	_ = 	snop  }
0x5: {  	_ = 	snop  }
0x6: {  	_ = 	snop  }
0x7: {  	_ = 	snop  }
__scs_overlays_trampoline_lowered:
0x8: {  	[smem:$0x3FAA] =	sst s0  }
0x9: {  	[smem:$0x3FAB] =	sst s1  }
0xa: {  	[smem:$0x3FAC] =	sst s2  }
0xb: {  	[smem:$0x3FAD] =	sst s3  }
0xc: {  	[smem:$0x3FAE] =	sst s4  }
0xd: {  	[smem:$0x3FAF] =	sst s5  }
0xe: {  	[smem:$0x3FB0] =	sst s6  }
0xf: {  	[smem:$0x3FB1] =	sst s7  }
0x10: {  	[smem:$0x3FB2] =	sst s8  }
0x11: {  	[smem:$0x3FB3] =	sst s9;
	s0 =	simm.s32 @!p0 $0x0  }
0x12: {  	s1 =	sld [smem:$0x3F99];
	s0 =	simm.s32 @p0 $0x1  }
0x13: {  	[smem:$0x3FB4] =	sst s0;
	s0 =	simm.s32 @!p1 $0x0  }
0x14: {  	s2 =	sld [smem:$0x3F98];
	s0 =	simm.s32 @p1 $0x1  }
0x15: {  	[smem:$0x3FB5] =	sst s0;
	s0 =	simm.s32 @!p2 $0x0  }
0x16: {  	s3 =	sld [smem:$0x3FDB];
	s0 =	simm.s32 @p2 $0x1  }
0x17: {  	s4 =	simm.s32 $0x1BF5;
	[smem:$0x3FB7] =	sst s0  }
0x18: {  	s0 =	sld [smem:$0x3F9A];
	_ =	swait.ge [sflag:s4], $0x0  }
0x19: {  	s7 =	sld [smem:$0x3F9B]  }
0x1a: {  	s8 =	sadd.s32 $0xFFFFE003, lr  }
0x1b: {  	s9 =	sadd.s32 $0xFFFFFEF7, lr;
	s5 =	simm.s32 $0xFFFFFFFF;
	p2 =	slt.u32 s8, $0xFFFFF086  }
0x1c: {  	p1 =	slt.u32 s9, $0xF7A;
	s5 =	simm.s32 @!p2 $0x0  }
0x1d: {  	s5 =	simm.s32 @p1 $0x1;
	p0 =	seq.s32 s7, s2  }
0x1e: {  	s7 =	smul.u32 @!p0 $0xF7A, s2;
	p2 =	seq.s32 @!p0 s5, $0x0  }
0x1f: {  	s9 =	smul.u32 $0xF7A, s1;
	s8 =	simm.s32 @!p0 $0x1BF5;
	p2 =	por !p2, p0  }
0x20: {  	[sflag:s8] =	ssyncset.s32 @!p0 $0xFFFFF086;
	s6 =	sadd.s32 @!p0 s3, s7;
	s7 =	simm.s32 @!p0 $0x108  }
0x21: {  	s3 =	sadd.s32 s3, s9;
	s6 =	sadd.s32 @!p0 $0x88, s6;
	s7 =	simm.s32 @p2 $0x1082  }
0x22: {  	[simem:s7], [sflag:s8] =	dma.local @!p0 [hbm:s6], $0xF7A  }
0x23: {  	s9 =	sor.u32 $0xD0000000, s2;
	s6 =	simm.s32 $0x108;
	_ =	swait.ge @!p0 [sflag:s8], $0x0  }
0x24: {  	s3 =	sadd.s32 $0x88, s3;
	s6 =	simm.s32 @!p1 $0x1082;
	[sflag:s4] =	ssyncset.s32 $0xFFFFF086  }
0x25: {  	[simem:s6], [sflag:s4] =	dma.local [hbm:s3], $0xF7A  }
0x26: {  	[smem:$0x3F9B] =	sst s1;
	(tag) =	ssettag s2;
	_ =	strace s9  }
0x27: {  	s1 =	sld [smem:$0x3FAB]  }
0x28: {  	s2 =	sld [smem:$0x3FAC]  }
0x29: {  	s4 =	sld [smem:$0x3FAE]  }
0x2a: {  	p0 =	seq.s32 s5, $0x0;
	s5 =	sld [smem:$0x3FAF]  }
0x2b: {  	s6 =	sld [smem:$0x3FB0]  }
0x2c: {  	s7 =	sld [smem:$0x3FB1]  }
0x2d: {  	s3 =	simm.s32 $0x108;
	s8 =	sld [smem:$0x3FB2]  }
0x2e: {  	s3 =	simm.s32 @!p0 $0x1082;
	s9 =	sld [smem:$0x3FB3]  }
0x2f: {  	lr =	sadd.s32 s0, s3;
	s0 =	sld [smem:$0x3FAA]  }
0x30: {  	s3 =	sld [smem:$0x3FAD]  }
0x31: {  	[smem:$0x3FB6] =	sst s10  }
0x32: {  	s10 =	sld [smem:$0x3FB4];
	_ =	sdelay $0x3  }
0x33: {  	p0 =	seq.s32 s10, $0x1;
	s10 =	sld [smem:$0x3FB6];
	_ =	sdelay $0x3  }
0x34: {  	[smem:$0x3FB6] =	sst s10  }
0x35: {  	s10 =	sld [smem:$0x3FB5];
	_ =	sdelay $0x3  }
0x36: {  	p1 =	seq.s32 s10, $0x1;
	s10 =	sld [smem:$0x3FB6];
	_ =	sdelay $0x3  }
0x37: {  	[smem:$0x3FB6] =	sst s10  }
0x38: {  	s10 =	sld [smem:$0x3FB7]  }
0x39: {  	_ = 	snop;
	(pc) =	sbr.ind lr, $3  }
0x3a: {  	_ = 	snop  }
0x3b: {  	_ = 	snop  }
0x3c: {  	p2 =	seq.s32 s10, $0x1;
	s10 =	sld [smem:$0x3FB6]  }
0x3d: {  	_ =	shalt  }
0x3e: {  	_ =	shalt  }
0x3f: {  	_ =	shalt  }
0x40: {  	_ =	shalt  }
0x41: {  	_ =	shalt  }
0x42: {  	_ =	shalt  }
0x43: {  	_ =	shalt  }
0x44: {  	_ =	shalt  }
0x45: {  	_ =	shalt  }
0x46: {  	_ =	shalt  }
0x47: {  	_ =	shalt  }
0x48: {  	_ =	shalt  }
0x49: {  	_ =	shalt  }
0x4a: {  	_ =	shalt  }
0x4b: {  	_ =	shalt  }
0x4c: {  	_ =	shalt  }
0x4d: {  	_ =	shalt  }
0x4e: {  	_ =	shalt  }
0x4f: {  	_ =	shalt  }
0x50: {  	_ =	shalt  }
0x51: {  	_ =	shalt  }
0x52: {  	_ =	shalt  }
0x53: {  	_ =	shalt  }
0x54: {  	_ =	shalt  }
0x55: {  	_ =	shalt  }
0x56: {  	_ =	shalt  }
0x57: {  	_ =	shalt  }
0x58: {  	_ =	shalt  }
0x59: {  	_ =	shalt  }
0x5a: {  	_ =	shalt  }
0x5b: {  	_ =	shalt  }
0x5c: {  	_ =	shalt  }
0x5d: {  	_ =	shalt  }
0x5e: {  	_ =	shalt  }
0x5f: {  	_ =	shalt  }
0x60: {  	_ =	shalt  }
0x61: {  	_ =	shalt  }
0x62: {  	_ =	shalt  }
0x63: {  	_ =	shalt  }
0x64: {  	_ =	shalt  }
0x65: {  	_ =	shalt  }
0x66: {  	_ =	shalt  }
0x67: {  	_ =	shalt  }
0x68: {  	_ =	shalt  }
0x69: {  	_ =	shalt  }
0x6a: {  	_ =	shalt  }
0x6b: {  	_ =	shalt  }
0x6c: {  	_ =	shalt  }
0x6d: {  	_ =	shalt  }
0x6e: {  	_ =	shalt  }
0x6f: {  	_ =	shalt  }
0x70: {  	_ =	shalt  }
0x71: {  	_ =	shalt  }
0x72: {  	_ =	shalt  }
0x73: {  	_ =	shalt  }
0x74: {  	_ =	shalt  }
0x75: {  	_ =	shalt  }
0x76: {  	_ =	shalt  }
0x77: {  	_ =	shalt  }
0x78: {  	_ =	shalt  }
0x79: {  	_ =	shalt  }
0x7a: {  	_ =	shalt  }
0x7b: {  	_ =	shalt  }
0x7c: {  	_ =	shalt  }
0x7d: {  	_ =	shalt  }
0x7e: {  	_ =	shalt  }
0x7f: {  	_ =	shalt  }
0x80: {  	_ =	shalt  }
0x81: {  	_ =	shalt  }
0x82: {  	_ =	shalt  }
0x83: {  	_ =	shalt  }
0x84: {  	_ =	shalt  }
0x85: {  	_ =	shalt  }
0x86: {  	_ =	shalt  }
0x87: {  	_ =	shalt  }
.Lfunc_end0:
.L_simem_size_0:
called_computation_lowered:
.L_overlay_start_0:
0x88: {  	s2 =	sld [smem:$0x3FD9]  }
0x89: {  	s3 =	sld [smem:$0x3FFE];
	_ =	sdelay $0x1  }
0x8a: {  	s1 =	srdreg.scid  }
0x8b: {  	s0 =	sand.u32 $0x1, s1  }
0x8c: {  	s17 =	sshll.u32 s0, $0xA;
	s2 =	sadd.s32 s3, s2  }
0x8d: {  	s2 =	sadd.s32 s2, s17  }
0x8e: {  	[smem:$0x3FC2] =	sst s2  }
0x8f: {  	_ = 	snop  }
0x90: {  	s2 =	sld [smem:$0x3FD0];
	(tm) =	ssettm $0x1  }
0x91: {  	s18 =	sld [smem:$0x3FFB];
	_ =	sdelay $0x3  }
0x92: {  	_ =	strace s18  }
0x93: {  	s3 =	sld [smem:$0x3FFC];
	_ =	sdelay $0x3  }
0x94: {  	_ =	strace s3  }
0x95: {  	s3 =	sld [smem:$0x3FFD];
	_ =	sdelay $0x3  }
0x96: {  	_ =	strace s3  }
0x97: {  	_ =	strace $0x8FFFFFFF  }
0x98: {  	s19 =	sld [smem:$0x3FDB];
	_ =	sdelay $0x1  }
0x99: {  	s4 =	simm.s32 $_scs_section_size  }
0x9a: {  	s5 =	simm.s32 $_size__tile_overlayer_lowered;
	s6 =	simm.s32 $_tile_overlayer_lowered  }
0x9b: {  	s22 =	simm.s32 $0x1BFF;
	s21 =	sshll.u32 s6, $0x1;
	s3 =	sadd.s32 s4, s19  }
0x9c: {  	s7 =	simm.s32 $0x0;
	s20 =	sshll.u32 s5, $0x1;
	s5 =	sadd.s32 s21, s3  }
0x9d: {  	[timem:s7], [sflag:s22] =	dma.local [hbm:s5], s20  }
0x9e: {  	_ =	swait.ge [sflag:s22], s20  }
0x9f: {  	s4 =	ssub.s32 $0x0, s20;
	[sflag:s22] =	ssyncset.done $0x0  }
0xa0: {  	[sflag:s22] =	ssyncadd.s32 s4;
	_ =	sdelay $0x1  }
0xa1: {  	s23 =	simm.s32 $0x1B8B  }
0xa2: {  	_ =	swait.ge [sflag:s23], $0x1  }
0xa3: {  	[sflag:s23] =	ssyncset.done $0x0  }
0xa4: {  	s25 =	simm.s32 $0x1B8E;
	s24 =	sld [smem:$0x3FFE];
	[sflag:s23] =	ssyncadd.s32 $0xFFFFFFFF  }
0xa5: {  	s26 =	simm.s32 $execute0_lowered;
	[smem:$0x3FD2] =	sst s25  }
0xa6: {  	s5 =	sshll.u32 s26, $0x1;
	_ =	strace $0x80000046;
	[dreg:$0x1] =	wrdreg $0xFFFFFFFF  }
0xa7: {  	s28 =	simm.s32 $_size_execute0_lowered;
	s3 =	sadd.s32 s3, s5;
	[dreg:$0x0] =	wrdreg $0x0  }
0xa8: {  	s5 =	sshll.u32 s28, $0x1;
	[dreg:$0x2] =	wrdreg s3  }
0xa9: {  	[dreg:$0x3] =	wrdreg s5  }
0xaa: {  	[dreg:$0x4] =	wrdreg $0xC0  }
0xab: {  	_ =	task [dreg:s7], $0x5FFFF  }
0xac: {  	[dreg:$0x1] =	wrdreg $0xFFFFFFFF  }
0xad: {  	[dreg:$0x0] =	wrdreg $0x60  }
0xae: {  	[dreg:$0x2] =	wrdreg s24  }
0xaf: {  	[dreg:$0x3] =	wrdreg s2  }
0xb0: {  	[dreg:$0x4] =	wrdreg $0x4F800  }
0xb1: {  	[dreg:$0x5] =	wrdreg $0x52000  }
0xb2: {  	[dreg:$0x6] =	wrdreg $0x9  }
0xb3: {  	_ =	task.clear_ibuf [dreg:s7], $0x7FFFF;
	_ =	strace $0x90000046  }
0xb4: {  	s29 =	simm.s32 $0x9;
	_ =	strace $0x80000048  }
0xb5: {  	_ =	swait.ge [sflag:s29], $0x1  }
0xb6: {  	[sflag:s29] =	ssyncadd.s32 $0xFFFFFFFF  }
0xb7: {  	_ =	strace $0x90000048  }
0xb8: {  	_ =	sfence  }
0xb9: {  	s30 =	sld [smem:$0x0];
	_ =	sdelay $0x2  }
0xba: {  	s31 =	sshll.u32 s1, $0xD;
	s1 =	sshrl.u32 s1, $0x2  }
0xbb: {  	s3 =	sand.u32 $0x4000, s31;
	s1 =	sadd.s32 s1, s30  }
0xbc: {  	s0 =	sor.u32 s3, s0;
	s1 =	sshll.u32 s1, $0x11  }
0xbd: {  	s0 =	sor.u32 s1, s0  }
0xbe: {  	s0 =	sadd.s32 $0x8F2B, s0  }
0xbf: {  	[sflag:s0] =	ssyncadd.remote.s32 $0x1  }
0xc0: {  	_ =	sfence.sel $0xFFFF  }
0xc1: {  	[dreg:$0x0] =	wrdreg $0xFFFFFFFF;
	(pc) =	sbr.abs _section_cstart, $3  }
0xc2: {  	[dreg:$0x1] =	wrdreg $0xFFFFFFFF  }
0xc3: {  	_ =	task.clear_ibuf [dreg:s7], $0x2FFFF;
	_ =	strace $0x9FFFFFFF  }
0xc4: {  	(tm) =	ssettm $0x7FFFFFFF  }
0xc5: {  	_ =	shalt  }
tec
execute0_lowered:
.L_overlay_start_1:
0x0: {  	(tag) =	ssettag $0x1  }
0x1: {  	s7 =	rddreg [dreg:$0x0]  }
0x2: {  	s11 =	rddreg [dreg:$0x1]  }
0x3: {  	s2 =	rddreg [dreg:$0x2]  }
0x4: {  	s0 =	srdreg.scid;
	s3 =	rddreg [dreg:$0x3];
	s4 =	simm.s32 $0x0  }
0x5: {  	s19 =	simm.s32 $0x80;
	s20 =	simm.s32 $0x1;
	s21 =	simm.s32 $0x2  }
0x6: {  	s22 =	simm.s32 $0x0;
	s6 =	sand.u32 $0x1, s0;
	s0 =	stileid.u32  }
0x7: {  	[smem:$0x7FF] =	sst s4;
	s1 =	sshll.u32 s6, $0x4;
	s12 =	smul.u32 $0x280, s0  }
0x8: {  	s28 =	smul.u32 $0x2800, s6;
	s29 =	ssub.s32 $0x2, s6;
	s6 =	sadd.s32 $0x16000, s7  }
0x9: {  	s31 =	sshll.u32 s0, $0x6;
	s14 =	sor.u32 s0, s1;
	s1 =	rddreg [dreg:$0x4]  }
0xa: {  	_ =	strace $0x80000047;
	s30 =	sshrl.u32 s29, $0x1;
	s5 =	smul.u32 $0x4E, s14  }
0xb: {  	s8 =	smin.u32 s14, $0x4;
	s16 =	ssub.s32 s29, s30;
	s17 =	sadd.s32 s12, s2  }
0xc: {  	s18 =	sadd.s32 s12, s3;
	p0 =	sgt.u32 s14, $0x3;
	s14 =	simm.s32 $0x3  }
0xd: {  	s17 =	sshrl.u32 s17, $0x3;
	s5 =	sadd.s32 s8, s5;
	s8 =	sadd.s32 s12, s28  }
0xe: {  	s18 =	sshrl.u32 s18, $0x3;
	s5 =	sshll.u32 s5, $0x4;
	s13 =	sshrl.u32 s8, $0x3  }
0xf: {  	s10 =	sadd.s32 s5, s7;
	s5 =	sadd.s32 $0x16200, s7;
	s15 =	sadd.s32 s13, s7  }
0x10: {  	s11 =	sadd.s32 s11, s13;
	s13 =	smax.u32 s16, $0x1;
	s16 =	sor.u32 $0x1C03, s31  }
0x11: {  	s7 =	sadd.s32 $0x2600, s10;
	s8 =	sadd.s32 $0xC240, s10;
	s9 =	sadd.s32 $0x2AE0, s10  }
0x12: {  	s10 =	sadd.s32 $0xC720, s10;
	s12 =	sadd.s32 $0x16400, s15;
	s15 =	simm.s32 $0x4F00  }
.LBB2_1:
0x13: {  	[tilespmem:s4], [sflag:$0x3] =	stream.linear.gather [hbm4b:s7+s4], $0x2700, $0x38;
	[tilespmem:$0x5480] =	vst v63  }
0x14: {  	_ =	swait.ge [sflag:s14], $0x2700  }
0x15: {  	[sflag:s14] =	ssyncset.done $0x0  }
0x16: {  	s23 =	simm.s32 @p0 $0x0;
	s24 =	simm.s32 @p0 $0x2780;
	[sflag:s14] =	ssyncadd.s32 $0xFFFFD900  }
0x17: {  	[tilespmem:s24], [sflag:$0x3] =	stream.linear.gather @p0 [hbm4b:s8+s23], $0x2700, $0x38;
	[tilespmem:$0x5480] =	vst v63  }
0x18: {  	s23 =	simm.s32 @p0 $0x3  }
0x19: {  	_ =	swait.ge @p0 [sflag:s23], $0x2700  }
0x1a: {  	[sflag:s23] =	ssyncset.done @p0 $0x0  }
0x1b: {  	s24 =	simm.s32 @!p0 $0x2700;
	[sflag:s23] =	ssyncadd.s32 @p0 $0xFFFFD900;
	s23 =	simm.s32 @!p0 $0x0  }
0x1c: {  	[tilespmem:s24], [sflag:$0x3] =	stream.linear.gather @!p0 [hbm4b:s9+s23], $0x80, $0x38;
	[tilespmem:$0x5480] =	vst v63  }
0x1d: {  	s24 =	simm.s32 @!p0 $0x3  }
0x1e: {  	_ =	swait.ge @!p0 [sflag:s24], $0x80  }
0x1f: {  	[sflag:s24] =	ssyncset.done @!p0 $0x0  }
0x20: {  	s25 =	simm.s32 @!p0 $0x2780;
	[sflag:s24] =	ssyncadd.s32 @!p0 $0xFFFFFF80  }
0x21: {  	[tilespmem:s25], [sflag:$0x3] =	stream.linear.gather @!p0 [hbm4b:s8+s23], $0x2700, $0x38;
	[tilespmem:$0x5480] =	vst v63  }
0x22: {  	_ =	swait.ge @!p0 [sflag:s24], $0x2700  }
0x23: {  	[sflag:s24] =	ssyncset.done @!p0 $0x0  }
0x24: {  	s25 =	simm.s32 @!p0 $0x4E80;
	[sflag:s24] =	ssyncadd.s32 @!p0 $0xFFFFD900  }
0x25: {  	[tilespmem:s25], [sflag:$0x3] =	stream.linear.gather @!p0 [hbm4b:s10+s23], $0x80, $0x38;
	[tilespmem:$0x5480] =	vst v63  }
0x26: {  	_ =	swait.ge @!p0 [sflag:s24], $0x80  }
0x27: {  	[sflag:s24] =	ssyncset.done @!p0 $0x0  }
0x28: {  	[sflag:s24] =	ssyncadd.s32 @!p0 $0xFFFFFF80  }
0x29: {  	[tilespmem:s15], [sflag:$0x3] =	stream.linear.gather [hbm4b:s5+s4], $0x80, $0x38;
	[tilespmem:$0x5480] =	vst v63  }
0x2a: {  	_ =	swait.ge [sflag:s14], $0x80  }
0x2b: {  	[sflag:s14] =	ssyncset.done $0x0  }
0x2c: {  	[sflag:s14] =	ssyncadd.s32 $0xFFFFFF80  }
0x2d: {  	[spmem:s17], [sflag:s16] =	dma.local [hbm:s6], $0x50  }
0x2e: {  	_ =	swait.ge [sflag:s14], $0x50  }
0x2f: {  	[sflag:s14] =	ssyncset.done $0x0  }
0x30: {  	[sflag:s14] =	ssyncadd.s32 $0xFFFFFFB0  }
0x31: {  	[spmem:s18], [sflag:s16] =	dma.local [hbm:s6], $0x50  }
0x32: {  	_ =	swait.ge [sflag:s14], $0x50  }
0x33: {  	[sflag:s14] =	ssyncset.done $0x0  }
0x34: {  	s31 =	simm.s32 $0x0;
	[sflag:s14] =	ssyncadd.s32 $0xFFFFFFB0  }
0x35: {  	s23 =	simm.s32 $0x200;
	s24 =	simm.s32 $0x2780;
	[bflag:$0x0] =	sbarrier.arrive $0xFFFF  }
0x36: {  	[spmem:s2] =	stream.indirect.scatter.add.f32 [tilespmem:s15], [sflag:$0x1], $0x1, s31, s19, $0xb8;
	[tilespmem:$0x5480] =	vst v63  }
.LBB2_2:
0x37: {  	[spmem:s3] =	stream.indirect.scatter.add.f32 [tilespmem:s15], [sflag:$0x2], $0x1, s24, s19, $0xb8;
	[tilespmem:$0x5480] =	vst v63  }
0x38: {  	s24 =	smov.u32 s23;
	p1 =	sne.s32 s23, $0x9A00  }
.Ltmp0:
0x39: {  	s23 =	sadd.s32 $0x200, s23;
	(pc) =	sbr.rel @p1 .LBB2_2-.Ltmp0, $4  }
0x3a: {  	_ = 	snop  }
0x3b: {  	s24 =	sshra.s32 s24, $0x2  }
0x3c: {  	[spmem:s2] =	stream.indirect.scatter.add.f32 [tilespmem:s15], [sflag:$0x1], $0x1, s24, s19, $0xb8;
	[tilespmem:$0x5480] =	vst v63  }
0x3d: {  	s24 =	sadd.s32 $0x2780, s24  }
0x3e: {  	[spmem:s3] =	stream.indirect.scatter.add.f32 [tilespmem:s15], [sflag:$0x2], $0x1, s24, s19, $0xb8;
	[tilespmem:$0x5480] =	vst v63  }
0x3f: {  	s23 =	simm.s32 @!p0 $0x80;
	s24 =	simm.s32 @!p0 $0x2700;
	s25 =	simm.s32 @!p0 $0x4F00  }
0x40: {  	[spmem:s2] =	stream.indirect.scatter.add.f32 @!p0 [tilespmem:s25], [sflag:$0x1], $0x1, s24, s23, $0xb8;
	[tilespmem:$0x5480] =	vst v63  }
0x41: {  	s24 =	simm.s32 @!p0 $0x4E80  }
0x42: {  	[spmem:s3] =	stream.indirect.scatter.add.f32 @!p0 [tilespmem:s25], [sflag:$0x2], $0x1, s24, s23, $0xb8;
	[tilespmem:$0x5480] =	vst v63  }
0x43: {  	_ =	swait.ge [sflag:s20], $0x80  }
0x44: {  	[sflag:s20] =	ssyncset.done $0x0  }
0x45: {  	[sflag:s20] =	ssyncadd.s32 $0xFFFFFF80  }
0x46: {  	_ =	swait.ge [sflag:s21], $0x80  }
0x47: {  	s23 =	simm.s32 $0x4D;
	[sflag:s21] =	ssyncset.done $0x0  }
.LBB2_4:
0x48: {  	p1 =	sne.s32 s23, $0x1;
	s23 =	sadd.s32 $0xFFFFFFFF, s23;
	[sflag:s21] =	ssyncadd.s32 $0xFFFFFF80  }
.Ltmp1:
0x49: {  	_ =	swait.ge [sflag:s20], $0x80;
	(pc) =	sbr.rel @p1 .LBB2_4-.Ltmp1, $4  }
0x4a: {  	[sflag:s20] =	ssyncset.done $0x0  }
0x4b: {  	[sflag:s20] =	ssyncadd.s32 $0xFFFFFF80  }
0x4c: {  	_ =	swait.ge [sflag:s21], $0x80  }
0x4d: {  	[sflag:s21] =	ssyncset.done $0x0  }
0x4e: {  	[sflag:s21] =	ssyncadd.s32 $0xFFFFFF80;
	s23 =	simm.s32 @!p0 $0x1  }
0x4f: {  	_ =	swait.ge @!p0 [sflag:s23], $0x80  }
0x50: {  	[sflag:s23] =	ssyncset.done @!p0 $0x0  }
0x51: {  	[sflag:s23] =	ssyncadd.s32 @!p0 $0xFFFFFF80;
	s23 =	simm.s32 @!p0 $0x2  }
0x52: {  	_ =	swait.ge @!p0 [sflag:s23], $0x80  }
0x53: {  	[sflag:s23] =	ssyncset.done @!p0 $0x0  }
0x54: {  	[sflag:s23] =	ssyncadd.s32 @!p0 $0xFFFFFF80  }
0x55: {  	[bflag:$0x0] =	sbarrier.arrive $0xFFFF  }
0x56: {  	[hbm:s11], [sflag:s16] =	dma.local [spmem:s17], $0x50  }
0x57: {  	s22 =	sadd.s32 $0x1, s22;
	_ =	swait.ge [sflag:s14], $0x50  }
0x58: {  	p1 =	sne.s32 s22, s13;
	[sflag:s14] =	ssyncset.done $0x0  }
.Ltmp2:
0x59: {  	[sflag:s14] =	ssyncadd.s32 $0xFFFFFFB0;
	(pc) =	sbr.rel @p1 .LBB2_1-.Ltmp2, $4  }
0x5a: {  	[hbm:s12], [sflag:s16] =	dma.local [spmem:s18], $0x50  }
0x5b: {  	_ =	swait.ge [sflag:s14], $0x50  }
0x5c: {  	[sflag:s14] =	ssyncset.done $0x0  }
0x5d: {  	[sflag:s14] =	ssyncadd.s32 $0xFFFFFFB0  }
0x5e: {  	_ =	sfence.sel $0x180000  }
0x5f: {  	[bflag:$0x0] =	sbarrier.arrive $0xFFFF  }
0x60: {  	p0 =	sne.s32 s0, $0x0;
	_ =	strace $0x90000047  }
0x61: {  	s0 =	sadd.s32 @!p0 $0x100000, s1;
	[bflag:$0x2] =	sbarrier.arrive $0xFFFF  }
0x62: {  	[sflag:s0] =	ssyncadd.tile.s32 @!p0 $0x1;
	_ =	shalt  }
.Lfunc_end2:
_tile_overlayer_lowered:
.L_overlay_start_2:
0x63: {  	(tag) =	ssettag $0x2  }
0x64: {  	s0 =	rddreg [dreg:$0x0];
	s2 =	stileid.u32  }
0x65: {  	s1 =	rddreg [dreg:$0x1];
	p0 =	sne.s32 s2, $0x0  }
0x66: {  	s3 =	rddreg [dreg:$0x2];
	[bflag:$0x3] =	sbarrier.arrive $0xFFFF;
	s2 =	simm.s32 @!p0 $0x1C03  }
0x67: {  	[timem:s3], [sflag:s2] =	dma.local @!p0 [hbm:s0], s1  }
0x68: {  	s0 =	simm.s32 @!p0 $0x3  }
0x69: {  	_ =	swait.ge @!p0 [sflag:s0], s1  }
0x6a: {  	s1 =	ssub.s32 @!p0 $0x0, s1;
	[sflag:s0] =	ssyncset.done @!p0 $0x0  }
0x6b: {  	[sflag:s0] =	ssyncadd.s32 @!p0 s1  }
0x6c: {  	[bflag:$0x3] =	sbarrier.arrive $0xFFFF  }
0x6d: {  	_ =	shalt  }

</sc_bundles>
